<compile_context>
chip_gen: v7x
topology: tpu7x:2x2x1
jax: 0.10.2.dev20260603
libtpu: 0.0.44.dev20260713+nightly
codegen_flags: <defaults>
</compile_context>

<pallas_src>
import jax
import jax.numpy as jnp
from jax import lax
from jax.experimental import pallas as pl
from jax.experimental.pallas import tpu as pltpu
from jax.experimental.pallas import tpu_sc as plsc

N = 10000
E = 320000
D = 128

NC = 2
NS = 16
L = 16
NW = NC * NS

CHUNK = 128
CHUNKS_PER_W = 80
SLICE = 16
N_SLICES = CHUNKS_PER_W // SLICE
NBUF = 2
CHUNK_C = 128
CPW_C = 80
SLICE_C = 16
E_PAD = NW * CHUNKS_PER_W * CHUNK
RPS = 632
N_PAD = NS * RPS


def _fill_tile(ref, rows, cols, value):
    v = jnp.full((L,), value, jnp.float32)

    @pl.loop(0, rows)
    def _(r):
        @pl.loop(0, cols, step=L)
        def _(c):
            ref[r, pl.ds(c, L)] = v


def _make_sc_agg(d):
    mesh = plsc.VectorSubcoreMesh(core_axis_name="c", subcore_axis_name="s")
    out_type = jax.ShapeDtypeStruct((NC, N_PAD, d), jnp.float32)
    scratch = [
        pltpu.VMEM((SLICE, CHUNK), jnp.int32),
        pltpu.VMEM((SLICE, CHUNK), jnp.int32),
    ] + [
        pltpu.VMEM((CHUNK, d), jnp.float32)
        for _ in range(NBUF)
    ] + [
        pltpu.VMEM_SHARED((N_PAD, d), jnp.float32),
    ] + [pltpu.SemaphoreType.DMA for _ in range(NBUF)]

    def body(feats, srcs, dsts, agg_out, src_v, dst_v, *rest):
        bufs = rest[:NBUF]
        acc = rest[NBUF]
        sems = rest[NBUF + 1:]
        cid = lax.axis_index("c")
        sid = lax.axis_index("s")
        wid = cid * NS + sid

        nfull, rem = RPS // CHUNK, RPS % CHUNK
        _fill_tile(bufs[0], CHUNK, d, 0.0)
        zbase = sid * RPS

        @pl.loop(0, nfull)
        def _(i):
            pltpu.sync_copy(bufs[0], acc.at[pl.ds(zbase + i * CHUNK, CHUNK)])

        if rem:
            pltpu.sync_copy(bufs[0].at[pl.ds(0, rem)],
                            acc.at[pl.ds(zbase + nfull * CHUNK, rem)])
        plsc.subcore_barrier()

        def gather(j, b):
            return pltpu.make_async_copy(feats.at[src_v.at[j]], bufs[b],
                                         sems[b])

        for h in range(N_SLICES):
            pltpu.sync_copy(srcs.at[wid].at[pl.ds(h * SLICE, SLICE)], src_v)
            pltpu.sync_copy(dsts.at[wid].at[pl.ds(h * SLICE, SLICE)], dst_v)

            for b in range(NBUF):
                gather(b, b).start()

            @pl.loop(0, SLICE, step=NBUF)
            def _(jj):
                for b in range(NBUF):
                    gather(jj + b, b).wait()
                    pltpu.sync_copy(bufs[b], acc.at[dst_v.at[jj + b]],
                                    add=True)

                    @pl.when(jj + b + NBUF < SLICE)
                    def _():
                        gather(jj + b + NBUF, b).start()

        plsc.subcore_barrier()

        obase = sid * RPS
        pltpu.sync_copy(acc.at[pl.ds(obase, RPS)],
                        agg_out.at[cid].at[pl.ds(obase, RPS)])

    return pl.kernel(body, out_type=out_type, mesh=mesh,
                     scratch_types=scratch)


def _make_sc_counts():
    mesh = plsc.VectorSubcoreMesh(core_axis_name="c", subcore_axis_name="s")
    out_type = jax.ShapeDtypeStruct((NC, N_PAD, D), jnp.float32)
    scratch = [
        pltpu.VMEM((SLICE_C, CHUNK_C), jnp.int32),
        pltpu.VMEM((CHUNK_C, D), jnp.float32),
        pltpu.VMEM_SHARED((N_PAD, D), jnp.float32),
    ]

    def body(dsts, cnt_out, dst_v, ones_t, acc):
        cid = lax.axis_index("c")
        sid = lax.axis_index("s")
        wid = cid * NS + sid

        nfull, rem = RPS // CHUNK_C, RPS % CHUNK_C
        _fill_tile(ones_t, CHUNK_C, D, 0.0)
        zbase = sid * RPS

        @pl.loop(0, nfull)
        def _(i):
            pltpu.sync_copy(ones_t, acc.at[pl.ds(zbase + i * CHUNK_C, CHUNK_C)])

        if rem:
            pltpu.sync_copy(ones_t.at[pl.ds(0, rem)],
                            acc.at[pl.ds(zbase + nfull * CHUNK_C, rem)])
        _fill_tile(ones_t, CHUNK_C, D, 1.0)
        plsc.subcore_barrier()

        for h in range(CPW_C // SLICE_C):
            pltpu.sync_copy(dsts.at[wid].at[pl.ds(h * SLICE_C, SLICE_C)],
                            dst_v)

            @pl.loop(0, SLICE_C)
            def _(jj):
                pltpu.sync_copy(ones_t, acc.at[dst_v.at[jj]], add=True)

        plsc.subcore_barrier()
        obase = sid * RPS
        pltpu.sync_copy(acc.at[pl.ds(obase, RPS)],
                        cnt_out.at[cid].at[pl.ds(obase, RPS)])

    return pl.kernel(body, out_type=out_type, mesh=mesh,
                     scratch_types=scratch)


def _copy_body(x_ref, o_ref):
    o_ref[...] = x_ref[...]


_tc_copy = pl.pallas_call(
    _copy_body,
    out_shape=jax.ShapeDtypeStruct((N, D), jnp.float32),
)


def _affine_body(x_ref, w_ref, b_ref, o_ref):
    o_ref[...] = lax.dot_general(
        x_ref[...], w_ref[...], (((1,), (1,)), ((), ())),
        preferred_element_type=jnp.float32) + b_ref[...]


_tc_affine = pl.pallas_call(
    _affine_body,
    out_shape=jax.ShapeDtypeStruct((N, D), jnp.float32),
)


def _inv_from_cnt(cnt_ref):
    cnt = cnt_ref[0][:N, 0:1] + cnt_ref[1][:N, 0:1]
    return 1.0 / jnp.maximum(cnt, 1.0)


def _mid_body(agg_ref, cnt_ref, z1_ref, w1l_ref, w2r_ref, b2_ref,
              h_ref, z2_ref):
    inv = _inv_from_cnt(cnt_ref)
    aggm = (agg_ref[0][:N] + agg_ref[1][:N]) * inv
    h = jnp.maximum(
        lax.dot_general(aggm, w1l_ref[...], (((1,), (1,)), ((), ())),
                        preferred_element_type=jnp.float32) + z1_ref[...],
        0.0)
    h_ref[...] = h
    z2_ref[...] = lax.dot_general(
        h, w2r_ref[...], (((1,), (1,)), ((), ())),
        preferred_element_type=jnp.float32) + b2_ref[...]


_tc_mid = pl.pallas_call(
    _mid_body,
    out_shape=[jax.ShapeDtypeStruct((N, D), jnp.float32),
               jax.ShapeDtypeStruct((N, D), jnp.float32)],
)


def _final_body(agg_ref, cnt_ref, z2_ref, w2l_ref, wlin_ref, blin_ref,
                out_ref):
    inv = _inv_from_cnt(cnt_ref)
    aggm = (agg_ref[0][:N] + agg_ref[1][:N]) * inv
    h2 = jnp.maximum(
        lax.dot_general(aggm, w2l_ref[...], (((1,), (1,)), ((), ())),
                        preferred_element_type=jnp.float32) + z2_ref[...],
        0.0)
    out_ref[...] = lax.dot_general(
        h2, wlin_ref[...], (((1,), (1,)), ((), ())),
        preferred_element_type=jnp.float32) + blin_ref[...]


_tc_final = pl.pallas_call(
    _final_body,
    out_shape=jax.ShapeDtypeStruct((N, 2), jnp.float32),
)


@jax.jit
def kernel(x, edge_index, W1_l, b1_l, W1_r, W2_l, b2_l, W2_r, W_lin, b_lin):
    sc_agg = _make_sc_agg(D)
    sc_counts = _make_sc_counts()

    src = edge_index[0].astype(jnp.int32)
    dst = edge_index[1].astype(jnp.int32)
    pad = E_PAD - E
    srcs = jnp.concatenate([src, jnp.zeros((pad,), jnp.int32)])
    dsts = jnp.concatenate([dst, jnp.full((pad,), N, jnp.int32)])
    srcs = srcs.reshape(NW, CHUNKS_PER_W, CHUNK)
    dsts_c = dsts.reshape(NW, CPW_C, CHUNK_C)
    dsts = dsts.reshape(NW, CHUNKS_PER_W, CHUNK)

    cnt = sc_counts(dsts_c)
    agg1 = sc_agg(_tc_copy(x), srcs, dsts)
    z1 = _tc_affine(x, W1_r, b1_l.reshape(1, D))

    h, z2 = _tc_mid(agg1, cnt, z1, W1_l, W2_r, b2_l.reshape(1, D))

    agg2 = sc_agg(h, srcs, dsts)

    return _tc_final(agg2, cnt, z2, W2_l, W_lin, b_lin.reshape(1, 2))

# --- scband reference (transcript-rebuilt; emitter-appended) ---
"""Pipeline reference for scband-graph-sagefraud-detector-18683107737893 (READ-ONLY COPY).

The authoritative reference and input builder live on the scoring server;
editing this copy changes nothing except your own understanding.
"""

import jax, jax.numpy as jnp
import numpy as np

N = 10000
E = 320000
F_IN = 128
H = 128
C = 2


def setup_inputs(seed: int = 0) -> dict:
    key = jax.random.key(seed)
    ks = jax.random.split(key, 10)
    x = jax.random.normal(ks[0], (N, F_IN), dtype=jnp.float32)
    edge_index = jax.random.randint(ks[1], (2, E), 0, N, dtype=jnp.int64)
    s1 = 1.0 / np.sqrt(F_IN)
    s2 = 1.0 / np.sqrt(H)
    return {
        "x": x,
        "edge_index": edge_index,
        "W1_l": jax.random.uniform(ks[2], (H, F_IN), jnp.float32, -s1, s1),
        "b1_l": jax.random.uniform(ks[3], (H,), jnp.float32, -s1, s1),
        "W1_r": jax.random.uniform(ks[4], (H, F_IN), jnp.float32, -s1, s1),
        "W2_l": jax.random.uniform(ks[5], (H, H), jnp.float32, -s2, s2),
        "b2_l": jax.random.uniform(ks[6], (H,), jnp.float32, -s2, s2),
        "W2_r": jax.random.uniform(ks[7], (H, H), jnp.float32, -s2, s2),
        "W_lin": jax.random.uniform(ks[8], (C, H), jnp.float32, -s2, s2),
        "b_lin": jax.random.uniform(ks[9], (C,), jnp.float32, -s2, s2),
    }


def _sage_conv(x, edge_index, W_l, b_l, W_r):
    # PyG SAGEConv with mean aggregation:
    # out_i = W_l @ mean_{j in N(i)} x_j + b_l + W_r @ x_i
    src = edge_index[0]
    dst = edge_index[1]
    msgs = jnp.take(x, src, axis=0)
    agg = jax.ops.segment_sum(msgs, dst, num_segments=x.shape[0])
    cnt = jax.ops.segment_sum(jnp.ones((edge_index.shape[1],), dtype=x.dtype), dst,
                              num_segments=x.shape[0])
    agg = agg / jnp.clip(cnt, 1.0, None)[:, None]
    return agg @ W_l.T + b_l + x @ W_r.T


def reference(x, edge_index, W1_l, b1_l, W1_r, W2_l, b2_l, W2_r, W_lin, b_lin):
    h = _sage_conv(x, edge_index, W1_l, b1_l, W1_r)
    h = jax.nn.relu(h)
    # dropout(p=0.3) is identity in eval mode
    h = _sage_conv(h, edge_index, W2_l, b2_l, W2_r)
    h = jax.nn.relu(h)
    # batch is None -> no global_mean_pool
    out = h @ W_lin.T + b_lin
    return out

if __name__ == "__main__":
    import jax
    _d = setup_inputs()
    print(jax.jit(kernel)(*tuple(_d.values())))

</pallas_src>

<mosaic_0001>
#map = affine_map<(d0, d1) -> (0, 0, 0)>
module attributes {stable_mosaic.version = 14 : i64} {
  func.func @body(%arg0: i32, %arg1: i32, %arg2: memref<32x80x128xi32, #tpu.memory_space<hbm>>, %arg3: memref<2x10112x128xf32, #tpu.memory_space<hbm>>, %arg4: memref<16x128xi32, #tpu.memory_space<vmem>>, %arg5: memref<128x128xf32, #tpu.memory_space<vmem>>, %arg6: memref<10112x128xf32, #tpu.memory_space<vmem_shared>>) attributes {dimension_semantics = [#tpu.dimension_semantics<core_parallel>, #tpu.dimension_semantics<subcore_parallel>], iteration_bounds = array<i64: 2, 16>, scalar_prefetch = 0 : i64, scratch_operands = 3 : i64, tpu.core_type = #tpu.core_type<sc_vector_subcore>, window_params = [{transform_indices = #map}, {transform_indices = #map}]} {
    %mul3A = arith.constant 16 : i32
    %mul3A_0 = arith.muli %arg0, %mul3A : i32
    %add3A = arith.addi %mul3A_0, %arg1 : i32
    %broadcast_in_dim3A = arith.constant 0.000000e+00 : f32
    %broadcast_in_dim3A_1 = vector.broadcast %broadcast_in_dim3A : f32 to vector<16xf32>
    %scan3A = arith.constant 0 : i32
    %scan3A_2 = arith.constant 128 : i32
    %scan3A_3 = arith.addi %scan3A, %scan3A_2 : i32
    %scan3A_4 = arith.constant 1 : i32
    scf.for %scan3A_50 = %scan3A to %scan3A_3 step %scan3A_4  : i32 {
      %mul3A_51 = arith.constant 1 : i32
      %mul3A_52 = arith.muli %scan3A_50, %mul3A_51 : i32
      %add3A_53 = arith.constant 0 : i32
      %add3A_54 = arith.addi %add3A_53, %mul3A_52 : i32
      %scan3A_55 = arith.constant 0 : i32
      %scan3A_56 = arith.constant 8 : i32
      %scan3A_57 = arith.addi %scan3A_55, %scan3A_56 : i32
      %scan3A_58 = arith.constant 1 : i32
      scf.for %scan3A_60 = %scan3A_55 to %scan3A_57 step %scan3A_58  : i32 {
        %mul3A_61 = arith.constant 16 : i32
        %mul3A_62 = arith.muli %scan3A_60, %mul3A_61 : i32
        %add3A_63 = arith.constant 0 : i32
        %add3A_64 = arith.addi %add3A_63, %mul3A_62 : i32
        %swap3A = arith.index_cast %add3A_54 : i32 to index
        %swap3A_65 = arith.index_cast %add3A_64 : i32 to index
        %swap3A_66 = tpu.vector_load %arg5[%swap3A, %swap3A_65] {strides = array<i32>} : memref<128x128xf32, #tpu.memory_space<vmem>>, vector<1x16xf32>,
        %swap3A_67 = vector.shape_cast %swap3A_66 : vector<1x16xf32> to vector<16xf32>
        %swap3A_68 = vector.shape_cast %broadcast_in_dim3A_1 : vector<16xf32> to vector<1x16xf32>
        tpu.vector_store %arg5[%swap3A, %swap3A_65], %swap3A_68 {strides = array<i32>} : memref<128x128xf32, #tpu.memory_space<vmem>>, vector<1x16xf32>,
      }
      %scan3A_59 = arith.constant 8 : i32
    }
    %scan3A_5 = arith.constant 128 : i32
    %mul3A_6 = arith.constant 632 : i32
    %mul3A_7 = arith.muli %arg1, %mul3A_6 : i32
    %scan3A_8 = arith.constant 0 : i32
    %scan3A_9 = arith.constant 4 : i32
    %scan3A_10 = arith.addi %scan3A_8, %scan3A_9 : i32
    %scan3A_11 = arith.constant 1 : i32
    scf.for %scan3A_50 = %scan3A_8 to %scan3A_10 step %scan3A_11  : i32 {
      %mul3A_51 = arith.constant 1 : i32
      %mul3A_52 = arith.muli %scan3A_50, %mul3A_51 : i32
      %add3A_53 = arith.constant 0 : i32
      %add3A_54 = arith.addi %add3A_53, %mul3A_52 : i32
      %mul3A_55 = arith.constant 128 : i32
      %mul3A_56 = arith.muli %add3A_54, %mul3A_55 : i32
      %add3A_57 = arith.addi %mul3A_7, %mul3A_56 : i32
      "tpu.region"() ({
        %run_scoped3A = tpu.sem_alloc : memref<!tpu.dma_semaphore, #tpu.memory_space<semaphore_mem>>
        %dma_start3A = arith.constant 0 : i32
        %dma_start3A_58 = tpu.memref_slice %arg6[%add3A_57, %dma_start3A] : memref<10112x128xf32, #tpu.memory_space<vmem_shared>> -> memref<128x128xf32, #tpu.memory_space<vmem_shared>>
        %dma_start3A_59 = arith.constant 0 : i32
        %dma_start3A_60 = tpu.memref_slice %arg6[%add3A_57, %dma_start3A_59] : memref<10112x128xf32, #tpu.memory_space<vmem_shared>> -> memref<128x128xf32, #tpu.memory_space<vmem_shared>>
        tpu.enqueue_dma source(%arg5 : memref<128x128xf32, #tpu.memory_space<vmem>>) target(%dma_start3A_60 : memref<128x128xf32, #tpu.memory_space<vmem_shared>>) target_semaphore(%run_scoped3A : memref<!tpu.dma_semaphore, #tpu.memory_space<semaphore_mem>>)
        %dma_wait3A = arith.constant 0 : i32
        %dma_wait3A_61 = tpu.memref_slice %arg6[%add3A_57, %dma_wait3A] : memref<10112x128xf32, #tpu.memory_space<vmem_shared>> -> memref<128x128xf32, #tpu.memory_space<vmem_shared>>
        %dma_wait3A_62 = arith.constant 0 : i32
        %dma_wait3A_63 = tpu.memref_slice %arg6[%add3A_57, %dma_wait3A_62] : memref<10112x128xf32, #tpu.memory_space<vmem_shared>> -> memref<128x128xf32, #tpu.memory_space<vmem_shared>>
        tpu.wait_dma2 semaphore(%run_scoped3A : memref<!tpu.dma_semaphore, #tpu.memory_space<semaphore_mem>>) src(%arg5 : memref<128x128xf32, #tpu.memory_space<vmem>>) dst(%dma_wait3A_63 : memref<128x128xf32, #tpu.memory_space<vmem_shared>>)
        tpu.yield
      }) : () -> ()
    }
    %scan3A_12 = arith.constant 4 : i32
    %add3A_13 = arith.constant 512 : i32
    %add3A_14 = arith.addi %mul3A_7, %add3A_13 : i32
    "tpu.region"() ({
      %run_scoped3A = tpu.sem_alloc : memref<!tpu.dma_semaphore, #tpu.memory_space<semaphore_mem>>
      %dma_start3A = arith.constant 0 : i32
      %dma_start3A_50 = arith.constant 0 : i32
      %dma_start3A_51 = tpu.memref_slice %arg5[%dma_start3A, %dma_start3A_50] : memref<128x128xf32, #tpu.memory_space<vmem>> -> memref<120x128xf32, #tpu.memory_space<vmem>>
      %dma_start3A_52 = arith.constant 0 : i32
      %dma_start3A_53 = tpu.memref_slice %arg6[%add3A_14, %dma_start3A_52] : memref<10112x128xf32, #tpu.memory_space<vmem_shared>> -> memref<120x128xf32, #tpu.memory_space<vmem_shared>>
      %dma_start3A_54 = arith.constant 0 : i32
      %dma_start3A_55 = tpu.memref_slice %arg6[%add3A_14, %dma_start3A_54] : memref<10112x128xf32, #tpu.memory_space<vmem_shared>> -> memref<120x128xf32, #tpu.memory_space<vmem_shared>>
      %dma_start3A_56 = arith.constant 0 : i32
      %dma_start3A_57 = arith.constant 0 : i32
      %dma_start3A_58 = tpu.memref_slice %arg5[%dma_start3A_56, %dma_start3A_57] : memref<128x128xf32, #tpu.memory_space<vmem>> -> memref<120x128xf32, #tpu.memory_space<vmem>>
      tpu.enqueue_dma source(%dma_start3A_58 : memref<120x128xf32, #tpu.memory_space<vmem>>) target(%dma_start3A_55 : memref<120x128xf32, #tpu.memory_space<vmem_shared>>) target_semaphore(%run_scoped3A : memref<!tpu.dma_semaphore, #tpu.memory_space<semaphore_mem>>)
      %dma_wait3A = arith.constant 0 : i32
      %dma_wait3A_59 = arith.constant 0 : i32
      %dma_wait3A_60 = tpu.memref_slice %arg5[%dma_wait3A, %dma_wait3A_59] : memref<128x128xf32, #tpu.memory_space<vmem>> -> memref<120x128xf32, #tpu.memory_space<vmem>>
      %dma_wait3A_61 = arith.constant 0 : i32
      %dma_wait3A_62 = tpu.memref_slice %arg6[%add3A_14, %dma_wait3A_61] : memref<10112x128xf32, #tpu.memory_space<vmem_shared>> -> memref<120x128xf32, #tpu.memory_space<vmem_shared>>
      %dma_wait3A_63 = arith.constant 0 : i32
      %dma_wait3A_64 = tpu.memref_slice %arg6[%add3A_14, %dma_wait3A_63] : memref<10112x128xf32, #tpu.memory_space<vmem_shared>> -> memref<120x128xf32, #tpu.memory_space<vmem_shared>>
      %dma_wait3A_65 = arith.constant 0 : i32
      %dma_wait3A_66 = arith.constant 0 : i32
      %dma_wait3A_67 = tpu.memref_slice %arg5[%dma_wait3A_65, %dma_wait3A_66] : memref<128x128xf32, #tpu.memory_space<vmem>> -> memref<120x128xf32, #tpu.memory_space<vmem>>
      tpu.wait_dma2 semaphore(%run_scoped3A : memref<!tpu.dma_semaphore, #tpu.memory_space<semaphore_mem>>) src(%dma_wait3A_67 : memref<120x128xf32, #tpu.memory_space<vmem>>) dst(%dma_wait3A_64 : memref<120x128xf32, #tpu.memory_space<vmem_shared>>)
      tpu.yield
    }) : () -> ()
    %broadcast_in_dim3A_15 = arith.constant 1.000000e+00 : f32
    %broadcast_in_dim3A_16 = vector.broadcast %broadcast_in_dim3A_15 : f32 to vector<16xf32>
    %scan3A_17 = arith.constant 0 : i32
    %scan3A_18 = arith.constant 128 : i32
    %scan3A_19 = arith.addi %scan3A_17, %scan3A_18 : i32
    %scan3A_20 = arith.constant 1 : i32
    scf.for %scan3A_50 = %scan3A_17 to %scan3A_19 step %scan3A_20  : i32 {
      %mul3A_51 = arith.constant 1 : i32
      %mul3A_52 = arith.muli %scan3A_50, %mul3A_51 : i32
      %add3A_53 = arith.constant 0 : i32
      %add3A_54 = arith.addi %add3A_53, %mul3A_52 : i32
      %scan3A_55 = arith.constant 0 : i32
      %scan3A_56 = arith.constant 8 : i32
      %scan3A_57 = arith.addi %scan3A_55, %scan3A_56 : i32
      %scan3A_58 = arith.constant 1 : i32
      scf.for %scan3A_60 = %scan3A_55 to %scan3A_57 step %scan3A_58  : i32 {
        %mul3A_61 = arith.constant 16 : i32
        %mul3A_62 = arith.muli %scan3A_60, %mul3A_61 : i32
        %add3A_63 = arith.constant 0 : i32
        %add3A_64 = arith.addi %add3A_63, %mul3A_62 : i32
        %swap3A = arith.index_cast %add3A_54 : i32 to index
        %swap3A_65 = arith.index_cast %add3A_64 : i32 to index
        %swap3A_66 = tpu.vector_load %arg5[%swap3A, %swap3A_65] {strides = array<i32>} : memref<128x128xf32, #tpu.memory_space<vmem>>, vector<1x16xf32>,
        %swap3A_67 = vector.shape_cast %swap3A_66 : vector<1x16xf32> to vector<16xf32>
        %swap3A_68 = vector.shape_cast %broadcast_in_dim3A_16 : vector<16xf32> to vector<1x16xf32>
        tpu.vector_store %arg5[%swap3A, %swap3A_65], %swap3A_68 {strides = array<i32>} : memref<128x128xf32, #tpu.memory_space<vmem>>, vector<1x16xf32>,
      }
      %scan3A_59 = arith.constant 8 : i32
    }
    %scan3A_21 = arith.constant 128 : i32
    %barrier3A = arith.constant 0 : index
    tpu.barrier barrier_id(%barrier3A)
    "tpu.region"() ({
      %run_scoped3A = tpu.sem_alloc : memref<!tpu.dma_semaphore, #tpu.memory_space<semaphore_mem>>
      %dma_start3A = arith.constant 0 : i32
      %dma_start3A_50 = arith.constant 0 : i32
      %dma_start3A_51 = tpu.memref_slice %arg2[%add3A, %dma_start3A, %dma_start3A_50] : memref<32x80x128xi32, #tpu.memory_space<hbm>> -> memref<1x80x128xi32, #tpu.memory_space<hbm>>
      %dma_start3A_52 = tpu.memref_squeeze %dma_start3A_51 : memref<1x80x128xi32, #tpu.memory_space<hbm>> -> memref<80x128xi32, #tpu.memory_space<hbm>>
      %dma_start3A_53 = arith.constant 0 : i32
      %dma_start3A_54 = arith.constant 0 : i32
      %dma_start3A_55 = tpu.memref_slice %dma_start3A_52[%dma_start3A_53, %dma_start3A_54] : memref<80x128xi32, #tpu.memory_space<hbm>> -> memref<16x128xi32, #tpu.memory_space<hbm>>
      %dma_start3A_56 = arith.constant 0 : i32
      %dma_start3A_57 = arith.constant 0 : i32
      %dma_start3A_58 = tpu.memref_slice %arg2[%add3A, %dma_start3A_56, %dma_start3A_57] : memref<32x80x128xi32, #tpu.memory_space<hbm>> -> memref<1x80x128xi32, #tpu.memory_space<hbm>>
      %dma_start3A_59 = tpu.memref_squeeze %dma_start3A_58 : memref<1x80x128xi32, #tpu.memory_space<hbm>> -> memref<80x128xi32, #tpu.memory_space<hbm>>
      %dma_start3A_60 = arith.constant 0 : i32
      %dma_start3A_61 = arith.constant 0 : i32
      %dma_start3A_62 = tpu.memref_slice %dma_start3A_59[%dma_start3A_60, %dma_start3A_61] : memref<80x128xi32, #tpu.memory_space<hbm>> -> memref<16x128xi32, #tpu.memory_space<hbm>>
      tpu.enqueue_dma source(%dma_start3A_62 : memref<16x128xi32, #tpu.memory_space<hbm>>) target(%arg4 : memref<16x128xi32, #tpu.memory_space<vmem>>) target_semaphore(%run_scoped3A : memref<!tpu.dma_semaphore, #tpu.memory_space<semaphore_mem>>)
      %dma_wait3A = arith.constant 0 : i32
      %dma_wait3A_63 = arith.constant 0 : i32
      %dma_wait3A_64 = tpu.memref_slice %arg2[%add3A, %dma_wait3A, %dma_wait3A_63] : memref<32x80x128xi32, #tpu.memory_space<hbm>> -> memref<1x80x128xi32, #tpu.memory_space<hbm>>
      %dma_wait3A_65 = tpu.memref_squeeze %dma_wait3A_64 : memref<1x80x128xi32, #tpu.memory_space<hbm>> -> memref<80x128xi32, #tpu.memory_space<hbm>>
      %dma_wait3A_66 = arith.constant 0 : i32
      %dma_wait3A_67 = arith.constant 0 : i32
      %dma_wait3A_68 = tpu.memref_slice %dma_wait3A_65[%dma_wait3A_66, %dma_wait3A_67] : memref<80x128xi32, #tpu.memory_space<hbm>> -> memref<16x128xi32, #tpu.memory_space<hbm>>
      %dma_wait3A_69 = arith.constant 0 : i32
      %dma_wait3A_70 = arith.constant 0 : i32
      %dma_wait3A_71 = tpu.memref_slice %arg2[%add3A, %dma_wait3A_69, %dma_wait3A_70] : memref<32x80x128xi32, #tpu.memory_space<hbm>> -> memref<1x80x128xi32, #tpu.memory_space<hbm>>
      %dma_wait3A_72 = tpu.memref_squeeze %dma_wait3A_71 : memref<1x80x128xi32, #tpu.memory_space<hbm>> -> memref<80x128xi32, #tpu.memory_space<hbm>>
      %dma_wait3A_73 = arith.constant 0 : i32
      %dma_wait3A_74 = arith.constant 0 : i32
      %dma_wait3A_75 = tpu.memref_slice %dma_wait3A_72[%dma_wait3A_73, %dma_wait3A_74] : memref<80x128xi32, #tpu.memory_space<hbm>> -> memref<16x128xi32, #tpu.memory_space<hbm>>
      tpu.wait_dma2 semaphore(%run_scoped3A : memref<!tpu.dma_semaphore, #tpu.memory_space<semaphore_mem>>) src(%dma_wait3A_75 : memref<16x128xi32, #tpu.memory_space<hbm>>) dst(%arg4 : memref<16x128xi32, #tpu.memory_space<vmem>>)
      tpu.yield
    }) : () -> ()
    %scan3A_22 = arith.constant 0 : i32
    %scan3A_23 = arith.constant 16 : i32
    %scan3A_24 = arith.addi %scan3A_22, %scan3A_23 : i32
    %scan3A_25 = arith.constant 1 : i32
    scf.for %scan3A_50 = %scan3A_22 to %scan3A_24 step %scan3A_25  : i32 {
      %mul3A_51 = arith.constant 1 : i32
      %mul3A_52 = arith.muli %scan3A_50, %mul3A_51 : i32
      %add3A_53 = arith.constant 0 : i32
      %add3A_54 = arith.addi %add3A_53, %mul3A_52 : i32
      "tpu.region"() ({
        %run_scoped3A = tpu.sem_alloc : memref<!tpu.dma_semaphore, #tpu.memory_space<semaphore_mem>>
        %dma_start3A = arith.constant 0 : i32
        %dma_start3A_55 = tpu.memref_slice %arg4[%add3A_54, %dma_start3A] : memref<16x128xi32, #tpu.memory_space<vmem>> -> memref<1x128xi32, #tpu.memory_space<vmem>>
        %dma_start3A_56 = tpu.memref_squeeze %dma_start3A_55 : memref<1x128xi32, #tpu.memory_space<vmem>> -> memref<128xi32, #tpu.memory_space<vmem>>
        %dma_start3A_57 = arith.constant 0 : i32
        %dma_start3A_58 = arith.constant 0 : i32
        %dma_start3A_59 = tpu.memref_slice %arg6[%dma_start3A_57, %dma_start3A_58] : memref<10112x128xf32, #tpu.memory_space<vmem_shared>> -> memref<10112x128xf32, #tpu.memory_space<vmem_shared>>
        tpu.enqueue_indirect_dma source(%arg5 : memref<128x128xf32, #tpu.memory_space<vmem>>) target(%dma_start3A_59 : memref<10112x128xf32, #tpu.memory_space<vmem_shared>>) offsets(%dma_start3A_56 : memref<128xi32, #tpu.memory_space<vmem>>) semaphore(%run_scoped3A : memref<!tpu.dma_semaphore, #tpu.memory_space<semaphore_mem>>) {add = true}
        %dma_wait3A = arith.constant 0 : i32
        %dma_wait3A_60 = tpu.memref_slice %arg4[%add3A_54, %dma_wait3A] : memref<16x128xi32, #tpu.memory_space<vmem>> -> memref<1x128xi32, #tpu.memory_space<vmem>>
        %dma_wait3A_61 = tpu.memref_squeeze %dma_wait3A_60 : memref<1x128xi32, #tpu.memory_space<vmem>> -> memref<128xi32, #tpu.memory_space<vmem>>
        %dma_wait3A_62 = arith.constant 0 : i32
        %dma_wait3A_63 = arith.constant 0 : i32
        %dma_wait3A_64 = tpu.memref_slice %arg6[%dma_wait3A_62, %dma_wait3A_63] : memref<10112x128xf32, #tpu.memory_space<vmem_shared>> -> memref<10112x128xf32, #tpu.memory_space<vmem_shared>>
        tpu.wait_indirect_dma semaphore(%run_scoped3A : memref<!tpu.dma_semaphore, #tpu.memory_space<semaphore_mem>>) src(%arg5 : memref<128x128xf32, #tpu.memory_space<vmem>>) dst(%dma_wait3A_64 : memref<10112x128xf32, #tpu.memory_space<vmem_shared>>)
        tpu.yield
      }) : () -> ()
    }
    %scan3A_26 = arith.constant 16 : i32
    "tpu.region"() ({
      %run_scoped3A = tpu.sem_alloc : memref<!tpu.dma_semaphore, #tpu.memory_space<semaphore_mem>>
      %dma_start3A = arith.constant 0 : i32
      %dma_start3A_50 = arith.constant 0 : i32
      %dma_start3A_51 = tpu.memref_slice %arg2[%add3A, %dma_start3A, %dma_start3A_50] : memref<32x80x128xi32, #tpu.memory_space<hbm>> -> memref<1x80x128xi32, #tpu.memory_space<hbm>>
      %dma_start3A_52 = tpu.memref_squeeze %dma_start3A_51 : memref<1x80x128xi32, #tpu.memory_space<hbm>> -> memref<80x128xi32, #tpu.memory_space<hbm>>
      %dma_start3A_53 = arith.constant 16 : i32
      %dma_start3A_54 = arith.constant 0 : i32
      %dma_start3A_55 = tpu.memref_slice %dma_start3A_52[%dma_start3A_53, %dma_start3A_54] : memref<80x128xi32, #tpu.memory_space<hbm>> -> memref<16x128xi32, #tpu.memory_space<hbm>>
      %dma_start3A_56 = arith.constant 0 : i32
      %dma_start3A_57 = arith.constant 0 : i32
      %dma_start3A_58 = tpu.memref_slice %arg2[%add3A, %dma_start3A_56, %dma_start3A_57] : memref<32x80x128xi32, #tpu.memory_space<hbm>> -> memref<1x80x128xi32, #tpu.memory_space<hbm>>
      %dma_start3A_59 = tpu.memref_squeeze %dma_start3A_58 : memref<1x80x128xi32, #tpu.memory_space<hbm>> -> memref<80x128xi32, #tpu.memory_space<hbm>>
      %dma_start3A_60 = arith.constant 16 : i32
      %dma_start3A_61 = arith.constant 0 : i32
      %dma_start3A_62 = tpu.memref_slice %dma_start3A_59[%dma_start3A_60, %dma_start3A_61] : memref<80x128xi32, #tpu.memory_space<hbm>> -> memref<16x128xi32, #tpu.memory_space<hbm>>
      tpu.enqueue_dma source(%dma_start3A_62 : memref<16x128xi32, #tpu.memory_space<hbm>>) target(%arg4 : memref<16x128xi32, #tpu.memory_space<vmem>>) target_semaphore(%run_scoped3A : memref<!tpu.dma_semaphore, #tpu.memory_space<semaphore_mem>>)
      %dma_wait3A = arith.constant 0 : i32
      %dma_wait3A_63 = arith.constant 0 : i32
      %dma_wait3A_64 = tpu.memref_slice %arg2[%add3A, %dma_wait3A, %dma_wait3A_63] : memref<32x80x128xi32, #tpu.memory_space<hbm>> -> memref<1x80x128xi32, #tpu.memory_space<hbm>>
      %dma_wait3A_65 = tpu.memref_squeeze %dma_wait3A_64 : memref<1x80x128xi32, #tpu.memory_space<hbm>> -> memref<80x128xi32, #tpu.memory_space<hbm>>
      %dma_wait3A_66 = arith.constant 16 : i32
      %dma_wait3A_67 = arith.constant 0 : i32
      %dma_wait3A_68 = tpu.memref_slice %dma_wait3A_65[%dma_wait3A_66, %dma_wait3A_67] : memref<80x128xi32, #tpu.memory_space<hbm>> -> memref<16x128xi32, #tpu.memory_space<hbm>>
      %dma_wait3A_69 = arith.constant 0 : i32
      %dma_wait3A_70 = arith.constant 0 : i32
      %dma_wait3A_71 = tpu.memref_slice %arg2[%add3A, %dma_wait3A_69, %dma_wait3A_70] : memref<32x80x128xi32, #tpu.memory_space<hbm>> -> memref<1x80x128xi32, #tpu.memory_space<hbm>>
      %dma_wait3A_72 = tpu.memref_squeeze %dma_wait3A_71 : memref<1x80x128xi32, #tpu.memory_space<hbm>> -> memref<80x128xi32, #tpu.memory_space<hbm>>
      %dma_wait3A_73 = arith.constant 16 : i32
      %dma_wait3A_74 = arith.constant 0 : i32
      %dma_wait3A_75 = tpu.memref_slice %dma_wait3A_72[%dma_wait3A_73, %dma_wait3A_74] : memref<80x128xi32, #tpu.memory_space<hbm>> -> memref<16x128xi32, #tpu.memory_space<hbm>>
      tpu.wait_dma2 semaphore(%run_scoped3A : memref<!tpu.dma_semaphore, #tpu.memory_space<semaphore_mem>>) src(%dma_wait3A_75 : memref<16x128xi32, #tpu.memory_space<hbm>>) dst(%arg4 : memref<16x128xi32, #tpu.memory_space<vmem>>)
      tpu.yield
    }) : () -> ()
    %scan3A_27 = arith.constant 0 : i32
    %scan3A_28 = arith.constant 16 : i32
    %scan3A_29 = arith.addi %scan3A_27, %scan3A_28 : i32
    %scan3A_30 = arith.constant 1 : i32
    scf.for %scan3A_50 = %scan3A_27 to %scan3A_29 step %scan3A_30  : i32 {
      %mul3A_51 = arith.constant 1 : i32
      %mul3A_52 = arith.muli %scan3A_50, %mul3A_51 : i32
      %add3A_53 = arith.constant 0 : i32
      %add3A_54 = arith.addi %add3A_53, %mul3A_52 : i32
      "tpu.region"() ({
        %run_scoped3A = tpu.sem_alloc : memref<!tpu.dma_semaphore, #tpu.memory_space<semaphore_mem>>
        %dma_start3A = arith.constant 0 : i32
        %dma_start3A_55 = tpu.memref_slice %arg4[%add3A_54, %dma_start3A] : memref<16x128xi32, #tpu.memory_space<vmem>> -> memref<1x128xi32, #tpu.memory_space<vmem>>
        %dma_start3A_56 = tpu.memref_squeeze %dma_start3A_55 : memref<1x128xi32, #tpu.memory_space<vmem>> -> memref<128xi32, #tpu.memory_space<vmem>>
        %dma_start3A_57 = arith.constant 0 : i32
        %dma_start3A_58 = arith.constant 0 : i32
        %dma_start3A_59 = tpu.memref_slice %arg6[%dma_start3A_57, %dma_start3A_58] : memref<10112x128xf32, #tpu.memory_space<vmem_shared>> -> memref<10112x128xf32, #tpu.memory_space<vmem_shared>>
        tpu.enqueue_indirect_dma source(%arg5 : memref<128x128xf32, #tpu.memory_space<vmem>>) target(%dma_start3A_59 : memref<10112x128xf32, #tpu.memory_space<vmem_shared>>) offsets(%dma_start3A_56 : memref<128xi32, #tpu.memory_space<vmem>>) semaphore(%run_scoped3A : memref<!tpu.dma_semaphore, #tpu.memory_space<semaphore_mem>>) {add = true}
        %dma_wait3A = arith.constant 0 : i32
        %dma_wait3A_60 = tpu.memref_slice %arg4[%add3A_54, %dma_wait3A] : memref<16x128xi32, #tpu.memory_space<vmem>> -> memref<1x128xi32, #tpu.memory_space<vmem>>
        %dma_wait3A_61 = tpu.memref_squeeze %dma_wait3A_60 : memref<1x128xi32, #tpu.memory_space<vmem>> -> memref<128xi32, #tpu.memory_space<vmem>>
        %dma_wait3A_62 = arith.constant 0 : i32
        %dma_wait3A_63 = arith.constant 0 : i32
        %dma_wait3A_64 = tpu.memref_slice %arg6[%dma_wait3A_62, %dma_wait3A_63] : memref<10112x128xf32, #tpu.memory_space<vmem_shared>> -> memref<10112x128xf32, #tpu.memory_space<vmem_shared>>
        tpu.wait_indirect_dma semaphore(%run_scoped3A : memref<!tpu.dma_semaphore, #tpu.memory_space<semaphore_mem>>) src(%arg5 : memref<128x128xf32, #tpu.memory_space<vmem>>) dst(%dma_wait3A_64 : memref<10112x128xf32, #tpu.memory_space<vmem_shared>>)
        tpu.yield
      }) : () -> ()
    }
    %scan3A_31 = arith.constant 16 : i32
    "tpu.region"() ({
      %run_scoped3A = tpu.sem_alloc : memref<!tpu.dma_semaphore, #tpu.memory_space<semaphore_mem>>
      %dma_start3A = arith.constant 0 : i32
      %dma_start3A_50 = arith.constant 0 : i32
      %dma_start3A_51 = tpu.memref_slice %arg2[%add3A, %dma_start3A, %dma_start3A_50] : memref<32x80x128xi32, #tpu.memory_space<hbm>> -> memref<1x80x128xi32, #tpu.memory_space<hbm>>
      %dma_start3A_52 = tpu.memref_squeeze %dma_start3A_51 : memref<1x80x128xi32, #tpu.memory_space<hbm>> -> memref<80x128xi32, #tpu.memory_space<hbm>>
      %dma_start3A_53 = arith.constant 32 : i32
      %dma_start3A_54 = arith.constant 0 : i32
      %dma_start3A_55 = tpu.memref_slice %dma_start3A_52[%dma_start3A_53, %dma_start3A_54] : memref<80x128xi32, #tpu.memory_space<hbm>> -> memref<16x128xi32, #tpu.memory_space<hbm>>
      %dma_start3A_56 = arith.constant 0 : i32
      %dma_start3A_57 = arith.constant 0 : i32
      %dma_start3A_58 = tpu.memref_slice %arg2[%add3A, %dma_start3A_56, %dma_start3A_57] : memref<32x80x128xi32, #tpu.memory_space<hbm>> -> memref<1x80x128xi32, #tpu.memory_space<hbm>>
      %dma_start3A_59 = tpu.memref_squeeze %dma_start3A_58 : memref<1x80x128xi32, #tpu.memory_space<hbm>> -> memref<80x128xi32, #tpu.memory_space<hbm>>
      %dma_start3A_60 = arith.constant 32 : i32
      %dma_start3A_61 = arith.constant 0 : i32
      %dma_start3A_62 = tpu.memref_slice %dma_start3A_59[%dma_start3A_60, %dma_start3A_61] : memref<80x128xi32, #tpu.memory_space<hbm>> -> memref<16x128xi32, #tpu.memory_space<hbm>>
      tpu.enqueue_dma source(%dma_start3A_62 : memref<16x128xi32, #tpu.memory_space<hbm>>) target(%arg4 : memref<16x128xi32, #tpu.memory_space<vmem>>) target_semaphore(%run_scoped3A : memref<!tpu.dma_semaphore, #tpu.memory_space<semaphore_mem>>)
      %dma_wait3A = arith.constant 0 : i32
      %dma_wait3A_63 = arith.constant 0 : i32
      %dma_wait3A_64 = tpu.memref_slice %arg2[%add3A, %dma_wait3A, %dma_wait3A_63] : memref<32x80x128xi32, #tpu.memory_space<hbm>> -> memref<1x80x128xi32, #tpu.memory_space<hbm>>
      %dma_wait3A_65 = tpu.memref_squeeze %dma_wait3A_64 : memref<1x80x128xi32, #tpu.memory_space<hbm>> -> memref<80x128xi32, #tpu.memory_space<hbm>>
      %dma_wait3A_66 = arith.constant 32 : i32
      %dma_wait3A_67 = arith.constant 0 : i32
      %dma_wait3A_68 = tpu.memref_slice %dma_wait3A_65[%dma_wait3A_66, %dma_wait3A_67] : memref<80x128xi32, #tpu.memory_space<hbm>> -> memref<16x128xi32, #tpu.memory_space<hbm>>
      %dma_wait3A_69 = arith.constant 0 : i32
      %dma_wait3A_70 = arith.constant 0 : i32
      %dma_wait3A_71 = tpu.memref_slice %arg2[%add3A, %dma_wait3A_69, %dma_wait3A_70] : memref<32x80x128xi32, #tpu.memory_space<hbm>> -> memref<1x80x128xi32, #tpu.memory_space<hbm>>
      %dma_wait3A_72 = tpu.memref_squeeze %dma_wait3A_71 : memref<1x80x128xi32, #tpu.memory_space<hbm>> -> memref<80x128xi32, #tpu.memory_space<hbm>>
      %dma_wait3A_73 = arith.constant 32 : i32
      %dma_wait3A_74 = arith.constant 0 : i32
      %dma_wait3A_75 = tpu.memref_slice %dma_wait3A_72[%dma_wait3A_73, %dma_wait3A_74] : memref<80x128xi32, #tpu.memory_space<hbm>> -> memref<16x128xi32, #tpu.memory_space<hbm>>
      tpu.wait_dma2 semaphore(%run_scoped3A : memref<!tpu.dma_semaphore, #tpu.memory_space<semaphore_mem>>) src(%dma_wait3A_75 : memref<16x128xi32, #tpu.memory_space<hbm>>) dst(%arg4 : memref<16x128xi32, #tpu.memory_space<vmem>>)
      tpu.yield
    }) : () -> ()
    %scan3A_32 = arith.constant 0 : i32
    %scan3A_33 = arith.constant 16 : i32
    %scan3A_34 = arith.addi %scan3A_32, %scan3A_33 : i32
    %scan3A_35 = arith.constant 1 : i32
    scf.for %scan3A_50 = %scan3A_32 to %scan3A_34 step %scan3A_35  : i32 {
      %mul3A_51 = arith.constant 1 : i32
      %mul3A_52 = arith.muli %scan3A_50, %mul3A_51 : i32
      %add3A_53 = arith.constant 0 : i32
      %add3A_54 = arith.addi %add3A_53, %mul3A_52 : i32
      "tpu.region"() ({
        %run_scoped3A = tpu.sem_alloc : memref<!tpu.dma_semaphore, #tpu.memory_space<semaphore_mem>>
        %dma_start3A = arith.constant 0 : i32
        %dma_start3A_55 = tpu.memref_slice %arg4[%add3A_54, %dma_start3A] : memref<16x128xi32, #tpu.memory_space<vmem>> -> memref<1x128xi32, #tpu.memory_space<vmem>>
        %dma_start3A_56 = tpu.memref_squeeze %dma_start3A_55 : memref<1x128xi32, #tpu.memory_space<vmem>> -> memref<128xi32, #tpu.memory_space<vmem>>
        %dma_start3A_57 = arith.constant 0 : i32
        %dma_start3A_58 = arith.constant 0 : i32
        %dma_start3A_59 = tpu.memref_slice %arg6[%dma_start3A_57, %dma_start3A_58] : memref<10112x128xf32, #tpu.memory_space<vmem_shared>> -> memref<10112x128xf32, #tpu.memory_space<vmem_shared>>
        tpu.enqueue_indirect_dma source(%arg5 : memref<128x128xf32, #tpu.memory_space<vmem>>) target(%dma_start3A_59 : memref<10112x128xf32, #tpu.memory_space<vmem_shared>>) offsets(%dma_start3A_56 : memref<128xi32, #tpu.memory_space<vmem>>) semaphore(%run_scoped3A : memref<!tpu.dma_semaphore, #tpu.memory_space<semaphore_mem>>) {add = true}
        %dma_wait3A = arith.constant 0 : i32
        %dma_wait3A_60 = tpu.memref_slice %arg4[%add3A_54, %dma_wait3A] : memref<16x128xi32, #tpu.memory_space<vmem>> -> memref<1x128xi32, #tpu.memory_space<vmem>>
        %dma_wait3A_61 = tpu.memref_squeeze %dma_wait3A_60 : memref<1x128xi32, #tpu.memory_space<vmem>> -> memref<128xi32, #tpu.memory_space<vmem>>
        %dma_wait3A_62 = arith.constant 0 : i32
        %dma_wait3A_63 = arith.constant 0 : i32
        %dma_wait3A_64 = tpu.memref_slice %arg6[%dma_wait3A_62, %dma_wait3A_63] : memref<10112x128xf32, #tpu.memory_space<vmem_shared>> -> memref<10112x128xf32, #tpu.memory_space<vmem_shared>>
        tpu.wait_indirect_dma semaphore(%run_scoped3A : memref<!tpu.dma_semaphore, #tpu.memory_space<semaphore_mem>>) src(%arg5 : memref<128x128xf32, #tpu.memory_space<vmem>>) dst(%dma_wait3A_64 : memref<10112x128xf32, #tpu.memory_space<vmem_shared>>)
        tpu.yield
      }) : () -> ()
    }
    %scan3A_36 = arith.constant 16 : i32
    "tpu.region"() ({
      %run_scoped3A = tpu.sem_alloc : memref<!tpu.dma_semaphore, #tpu.memory_space<semaphore_mem>>
      %dma_start3A = arith.constant 0 : i32
      %dma_start3A_50 = arith.constant 0 : i32
      %dma_start3A_51 = tpu.memref_slice %arg2[%add3A, %dma_start3A, %dma_start3A_50] : memref<32x80x128xi32, #tpu.memory_space<hbm>> -> memref<1x80x128xi32, #tpu.memory_space<hbm>>
      %dma_start3A_52 = tpu.memref_squeeze %dma_start3A_51 : memref<1x80x128xi32, #tpu.memory_space<hbm>> -> memref<80x128xi32, #tpu.memory_space<hbm>>
      %dma_start3A_53 = arith.constant 48 : i32
      %dma_start3A_54 = arith.constant 0 : i32
      %dma_start3A_55 = tpu.memref_slice %dma_start3A_52[%dma_start3A_53, %dma_start3A_54] : memref<80x128xi32, #tpu.memory_space<hbm>> -> memref<16x128xi32, #tpu.memory_space<hbm>>
      %dma_start3A_56 = arith.constant 0 : i32
      %dma_start3A_57 = arith.constant 0 : i32
      %dma_start3A_58 = tpu.memref_slice %arg2[%add3A, %dma_start3A_56, %dma_start3A_57] : memref<32x80x128xi32, #tpu.memory_space<hbm>> -> memref<1x80x128xi32, #tpu.memory_space<hbm>>
      %dma_start3A_59 = tpu.memref_squeeze %dma_start3A_58 : memref<1x80x128xi32, #tpu.memory_space<hbm>> -> memref<80x128xi32, #tpu.memory_space<hbm>>
      %dma_start3A_60 = arith.constant 48 : i32
      %dma_start3A_61 = arith.constant 0 : i32
      %dma_start3A_62 = tpu.memref_slice %dma_start3A_59[%dma_start3A_60, %dma_start3A_61] : memref<80x128xi32, #tpu.memory_space<hbm>> -> memref<16x128xi32, #tpu.memory_space<hbm>>
      tpu.enqueue_dma source(%dma_start3A_62 : memref<16x128xi32, #tpu.memory_space<hbm>>) target(%arg4 : memref<16x128xi32, #tpu.memory_space<vmem>>) target_semaphore(%run_scoped3A : memref<!tpu.dma_semaphore, #tpu.memory_space<semaphore_mem>>)
      %dma_wait3A = arith.constant 0 : i32
      %dma_wait3A_63 = arith.constant 0 : i32
      %dma_wait3A_64 = tpu.memref_slice %arg2[%add3A, %dma_wait3A, %dma_wait3A_63] : memref<32x80x128xi32, #tpu.memory_space<hbm>> -> memref<1x80x128xi32, #tpu.memory_space<hbm>>
      %dma_wait3A_65 = tpu.memref_squeeze %dma_wait3A_64 : memref<1x80x128xi32, #tpu.memory_space<hbm>> -> memref<80x128xi32, #tpu.memory_space<hbm>>
      %dma_wait3A_66 = arith.constant 48 : i32
      %dma_wait3A_67 = arith.constant 0 : i32
      %dma_wait3A_68 = tpu.memref_slice %dma_wait3A_65[%dma_wait3A_66, %dma_wait3A_67] : memref<80x128xi32, #tpu.memory_space<hbm>> -> memref<16x128xi32, #tpu.memory_space<hbm>>
      %dma_wait3A_69 = arith.constant 0 : i32
      %dma_wait3A_70 = arith.constant 0 : i32
      %dma_wait3A_71 = tpu.memref_slice %arg2[%add3A, %dma_wait3A_69, %dma_wait3A_70] : memref<32x80x128xi32, #tpu.memory_space<hbm>> -> memref<1x80x128xi32, #tpu.memory_space<hbm>>
      %dma_wait3A_72 = tpu.memref_squeeze %dma_wait3A_71 : memref<1x80x128xi32, #tpu.memory_space<hbm>> -> memref<80x128xi32, #tpu.memory_space<hbm>>
      %dma_wait3A_73 = arith.constant 48 : i32
      %dma_wait3A_74 = arith.constant 0 : i32
      %dma_wait3A_75 = tpu.memref_slice %dma_wait3A_72[%dma_wait3A_73, %dma_wait3A_74] : memref<80x128xi32, #tpu.memory_space<hbm>> -> memref<16x128xi32, #tpu.memory_space<hbm>>
      tpu.wait_dma2 semaphore(%run_scoped3A : memref<!tpu.dma_semaphore, #tpu.memory_space<semaphore_mem>>) src(%dma_wait3A_75 : memref<16x128xi32, #tpu.memory_space<hbm>>) dst(%arg4 : memref<16x128xi32, #tpu.memory_space<vmem>>)
      tpu.yield
    }) : () -> ()
    %scan3A_37 = arith.constant 0 : i32
    %scan3A_38 = arith.constant 16 : i32
    %scan3A_39 = arith.addi %scan3A_37, %scan3A_38 : i32
    %scan3A_40 = arith.constant 1 : i32
    scf.for %scan3A_50 = %scan3A_37 to %scan3A_39 step %scan3A_40  : i32 {
      %mul3A_51 = arith.constant 1 : i32
      %mul3A_52 = arith.muli %scan3A_50, %mul3A_51 : i32
      %add3A_53 = arith.constant 0 : i32
      %add3A_54 = arith.addi %add3A_53, %mul3A_52 : i32
      "tpu.region"() ({
        %run_scoped3A = tpu.sem_alloc : memref<!tpu.dma_semaphore, #tpu.memory_space<semaphore_mem>>
        %dma_start3A = arith.constant 0 : i32
        %dma_start3A_55 = tpu.memref_slice %arg4[%add3A_54, %dma_start3A] : memref<16x128xi32, #tpu.memory_space<vmem>> -> memref<1x128xi32, #tpu.memory_space<vmem>>
        %dma_start3A_56 = tpu.memref_squeeze %dma_start3A_55 : memref<1x128xi32, #tpu.memory_space<vmem>> -> memref<128xi32, #tpu.memory_space<vmem>>
        %dma_start3A_57 = arith.constant 0 : i32
        %dma_start3A_58 = arith.constant 0 : i32
        %dma_start3A_59 = tpu.memref_slice %arg6[%dma_start3A_57, %dma_start3A_58] : memref<10112x128xf32, #tpu.memory_space<vmem_shared>> -> memref<10112x128xf32, #tpu.memory_space<vmem_shared>>
        tpu.enqueue_indirect_dma source(%arg5 : memref<128x128xf32, #tpu.memory_space<vmem>>) target(%dma_start3A_59 : memref<10112x128xf32, #tpu.memory_space<vmem_shared>>) offsets(%dma_start3A_56 : memref<128xi32, #tpu.memory_space<vmem>>) semaphore(%run_scoped3A : memref<!tpu.dma_semaphore, #tpu.memory_space<semaphore_mem>>) {add = true}
        %dma_wait3A = arith.constant 0 : i32
        %dma_wait3A_60 = tpu.memref_slice %arg4[%add3A_54, %dma_wait3A] : memref<16x128xi32, #tpu.memory_space<vmem>> -> memref<1x128xi32, #tpu.memory_space<vmem>>
        %dma_wait3A_61 = tpu.memref_squeeze %dma_wait3A_60 : memref<1x128xi32, #tpu.memory_space<vmem>> -> memref<128xi32, #tpu.memory_space<vmem>>
        %dma_wait3A_62 = arith.constant 0 : i32
        %dma_wait3A_63 = arith.constant 0 : i32
        %dma_wait3A_64 = tpu.memref_slice %arg6[%dma_wait3A_62, %dma_wait3A_63] : memref<10112x128xf32, #tpu.memory_space<vmem_shared>> -> memref<10112x128xf32, #tpu.memory_space<vmem_shared>>
        tpu.wait_indirect_dma semaphore(%run_scoped3A : memref<!tpu.dma_semaphore, #tpu.memory_space<semaphore_mem>>) src(%arg5 : memref<128x128xf32, #tpu.memory_space<vmem>>) dst(%dma_wait3A_64 : memref<10112x128xf32, #tpu.memory_space<vmem_shared>>)
        tpu.yield
      }) : () -> ()
    }
    %scan3A_41 = arith.constant 16 : i32
    "tpu.region"() ({
      %run_scoped3A = tpu.sem_alloc : memref<!tpu.dma_semaphore, #tpu.memory_space<semaphore_mem>>
      %dma_start3A = arith.constant 0 : i32
      %dma_start3A_50 = arith.constant 0 : i32
      %dma_start3A_51 = tpu.memref_slice %arg2[%add3A, %dma_start3A, %dma_start3A_50] : memref<32x80x128xi32, #tpu.memory_space<hbm>> -> memref<1x80x128xi32, #tpu.memory_space<hbm>>
      %dma_start3A_52 = tpu.memref_squeeze %dma_start3A_51 : memref<1x80x128xi32, #tpu.memory_space<hbm>> -> memref<80x128xi32, #tpu.memory_space<hbm>>
      %dma_start3A_53 = arith.constant 64 : i32
      %dma_start3A_54 = arith.constant 0 : i32
      %dma_start3A_55 = tpu.memref_slice %dma_start3A_52[%dma_start3A_53, %dma_start3A_54] : memref<80x128xi32, #tpu.memory_space<hbm>> -> memref<16x128xi32, #tpu.memory_space<hbm>>
      %dma_start3A_56 = arith.constant 0 : i32
      %dma_start3A_57 = arith.constant 0 : i32
      %dma_start3A_58 = tpu.memref_slice %arg2[%add3A, %dma_start3A_56, %dma_start3A_57] : memref<32x80x128xi32, #tpu.memory_space<hbm>> -> memref<1x80x128xi32, #tpu.memory_space<hbm>>
      %dma_start3A_59 = tpu.memref_squeeze %dma_start3A_58 : memref<1x80x128xi32, #tpu.memory_space<hbm>> -> memref<80x128xi32, #tpu.memory_space<hbm>>
      %dma_start3A_60 = arith.constant 64 : i32
      %dma_start3A_61 = arith.constant 0 : i32
      %dma_start3A_62 = tpu.memref_slice %dma_start3A_59[%dma_start3A_60, %dma_start3A_61] : memref<80x128xi32, #tpu.memory_space<hbm>> -> memref<16x128xi32, #tpu.memory_space<hbm>>
      tpu.enqueue_dma source(%dma_start3A_62 : memref<16x128xi32, #tpu.memory_space<hbm>>) target(%arg4 : memref<16x128xi32, #tpu.memory_space<vmem>>) target_semaphore(%run_scoped3A : memref<!tpu.dma_semaphore, #tpu.memory_space<semaphore_mem>>)
      %dma_wait3A = arith.constant 0 : i32
      %dma_wait3A_63 = arith.constant 0 : i32
      %dma_wait3A_64 = tpu.memref_slice %arg2[%add3A, %dma_wait3A, %dma_wait3A_63] : memref<32x80x128xi32, #tpu.memory_space<hbm>> -> memref<1x80x128xi32, #tpu.memory_space<hbm>>
      %dma_wait3A_65 = tpu.memref_squeeze %dma_wait3A_64 : memref<1x80x128xi32, #tpu.memory_space<hbm>> -> memref<80x128xi32, #tpu.memory_space<hbm>>
      %dma_wait3A_66 = arith.constant 64 : i32
      %dma_wait3A_67 = arith.constant 0 : i32
      %dma_wait3A_68 = tpu.memref_slice %dma_wait3A_65[%dma_wait3A_66, %dma_wait3A_67] : memref<80x128xi32, #tpu.memory_space<hbm>> -> memref<16x128xi32, #tpu.memory_space<hbm>>
      %dma_wait3A_69 = arith.constant 0 : i32
      %dma_wait3A_70 = arith.constant 0 : i32
      %dma_wait3A_71 = tpu.memref_slice %arg2[%add3A, %dma_wait3A_69, %dma_wait3A_70] : memref<32x80x128xi32, #tpu.memory_space<hbm>> -> memref<1x80x128xi32, #tpu.memory_space<hbm>>
      %dma_wait3A_72 = tpu.memref_squeeze %dma_wait3A_71 : memref<1x80x128xi32, #tpu.memory_space<hbm>> -> memref<80x128xi32, #tpu.memory_space<hbm>>
      %dma_wait3A_73 = arith.constant 64 : i32
      %dma_wait3A_74 = arith.constant 0 : i32
      %dma_wait3A_75 = tpu.memref_slice %dma_wait3A_72[%dma_wait3A_73, %dma_wait3A_74] : memref<80x128xi32, #tpu.memory_space<hbm>> -> memref<16x128xi32, #tpu.memory_space<hbm>>
      tpu.wait_dma2 semaphore(%run_scoped3A : memref<!tpu.dma_semaphore, #tpu.memory_space<semaphore_mem>>) src(%dma_wait3A_75 : memref<16x128xi32, #tpu.memory_space<hbm>>) dst(%arg4 : memref<16x128xi32, #tpu.memory_space<vmem>>)
      tpu.yield
    }) : () -> ()
    %scan3A_42 = arith.constant 0 : i32
    %scan3A_43 = arith.constant 16 : i32
    %scan3A_44 = arith.addi %scan3A_42, %scan3A_43 : i32
    %scan3A_45 = arith.constant 1 : i32
    scf.for %scan3A_50 = %scan3A_42 to %scan3A_44 step %scan3A_45  : i32 {
      %mul3A_51 = arith.constant 1 : i32
      %mul3A_52 = arith.muli %scan3A_50, %mul3A_51 : i32
      %add3A_53 = arith.constant 0 : i32
      %add3A_54 = arith.addi %add3A_53, %mul3A_52 : i32
      "tpu.region"() ({
        %run_scoped3A = tpu.sem_alloc : memref<!tpu.dma_semaphore, #tpu.memory_space<semaphore_mem>>
        %dma_start3A = arith.constant 0 : i32
        %dma_start3A_55 = tpu.memref_slice %arg4[%add3A_54, %dma_start3A] : memref<16x128xi32, #tpu.memory_space<vmem>> -> memref<1x128xi32, #tpu.memory_space<vmem>>
        %dma_start3A_56 = tpu.memref_squeeze %dma_start3A_55 : memref<1x128xi32, #tpu.memory_space<vmem>> -> memref<128xi32, #tpu.memory_space<vmem>>
        %dma_start3A_57 = arith.constant 0 : i32
        %dma_start3A_58 = arith.constant 0 : i32
        %dma_start3A_59 = tpu.memref_slice %arg6[%dma_start3A_57, %dma_start3A_58] : memref<10112x128xf32, #tpu.memory_space<vmem_shared>> -> memref<10112x128xf32, #tpu.memory_space<vmem_shared>>
        tpu.enqueue_indirect_dma source(%arg5 : memref<128x128xf32, #tpu.memory_space<vmem>>) target(%dma_start3A_59 : memref<10112x128xf32, #tpu.memory_space<vmem_shared>>) offsets(%dma_start3A_56 : memref<128xi32, #tpu.memory_space<vmem>>) semaphore(%run_scoped3A : memref<!tpu.dma_semaphore, #tpu.memory_space<semaphore_mem>>) {add = true}
        %dma_wait3A = arith.constant 0 : i32
        %dma_wait3A_60 = tpu.memref_slice %arg4[%add3A_54, %dma_wait3A] : memref<16x128xi32, #tpu.memory_space<vmem>> -> memref<1x128xi32, #tpu.memory_space<vmem>>
        %dma_wait3A_61 = tpu.memref_squeeze %dma_wait3A_60 : memref<1x128xi32, #tpu.memory_space<vmem>> -> memref<128xi32, #tpu.memory_space<vmem>>
        %dma_wait3A_62 = arith.constant 0 : i32
        %dma_wait3A_63 = arith.constant 0 : i32
        %dma_wait3A_64 = tpu.memref_slice %arg6[%dma_wait3A_62, %dma_wait3A_63] : memref<10112x128xf32, #tpu.memory_space<vmem_shared>> -> memref<10112x128xf32, #tpu.memory_space<vmem_shared>>
        tpu.wait_indirect_dma semaphore(%run_scoped3A : memref<!tpu.dma_semaphore, #tpu.memory_space<semaphore_mem>>) src(%arg5 : memref<128x128xf32, #tpu.memory_space<vmem>>) dst(%dma_wait3A_64 : memref<10112x128xf32, #tpu.memory_space<vmem_shared>>)
        tpu.yield
      }) : () -> ()
    }
    %scan3A_46 = arith.constant 16 : i32
    %barrier3A_47 = arith.constant 0 : index
    tpu.barrier barrier_id(%barrier3A_47)
    %mul3A_48 = arith.constant 632 : i32
    %mul3A_49 = arith.muli %arg1, %mul3A_48 : i32
    "tpu.region"() ({
      %run_scoped3A = tpu.sem_alloc : memref<!tpu.dma_semaphore, #tpu.memory_space<semaphore_mem>>
      %dma_start3A = arith.constant 0 : i32
      %dma_start3A_50 = arith.constant 0 : i32
      %dma_start3A_51 = tpu.memref_slice %arg3[%arg0, %dma_start3A, %dma_start3A_50] : memref<2x10112x128xf32, #tpu.memory_space<hbm>> -> memref<1x10112x128xf32, #tpu.memory_space<hbm>>
      %dma_start3A_52 = tpu.memref_squeeze %dma_start3A_51 : memref<1x10112x128xf32, #tpu.memory_space<hbm>> -> memref<10112x128xf32, #tpu.memory_space<hbm>>
      %dma_start3A_53 = arith.constant 0 : i32
      %dma_start3A_54 = tpu.memref_slice %dma_start3A_52[%mul3A_49, %dma_start3A_53] : memref<10112x128xf32, #tpu.memory_space<hbm>> -> memref<632x128xf32, #tpu.memory_space<hbm>>
      %dma_start3A_55 = arith.constant 0 : i32
      %dma_start3A_56 = tpu.memref_slice %arg6[%mul3A_49, %dma_start3A_55] : memref<10112x128xf32, #tpu.memory_space<vmem_shared>> -> memref<632x128xf32, #tpu.memory_space<vmem_shared>>
      tpu.enqueue_dma source(%dma_start3A_56 : memref<632x128xf32, #tpu.memory_space<vmem_shared>>) target(%dma_start3A_54 : memref<632x128xf32, #tpu.memory_space<hbm>>) target_semaphore(%run_scoped3A : memref<!tpu.dma_semaphore, #tpu.memory_space<semaphore_mem>>)
      %dma_wait3A = arith.constant 0 : i32
      %dma_wait3A_57 = arith.constant 0 : i32
      %dma_wait3A_58 = tpu.memref_slice %arg3[%arg0, %dma_wait3A, %dma_wait3A_57] : memref<2x10112x128xf32, #tpu.memory_space<hbm>> -> memref<1x10112x128xf32, #tpu.memory_space<hbm>>
      %dma_wait3A_59 = tpu.memref_squeeze %dma_wait3A_58 : memref<1x10112x128xf32, #tpu.memory_space<hbm>> -> memref<10112x128xf32, #tpu.memory_space<hbm>>
      %dma_wait3A_60 = arith.constant 0 : i32
      %dma_wait3A_61 = tpu.memref_slice %dma_wait3A_59[%mul3A_49, %dma_wait3A_60] : memref<10112x128xf32, #tpu.memory_space<hbm>> -> memref<632x128xf32, #tpu.memory_space<hbm>>
      %dma_wait3A_62 = arith.constant 0 : i32
      %dma_wait3A_63 = tpu.memref_slice %arg6[%mul3A_49, %dma_wait3A_62] : memref<10112x128xf32, #tpu.memory_space<vmem_shared>> -> memref<632x128xf32, #tpu.memory_space<vmem_shared>>
      tpu.wait_dma2 semaphore(%run_scoped3A : memref<!tpu.dma_semaphore, #tpu.memory_space<semaphore_mem>>) src(%dma_wait3A_63 : memref<632x128xf32, #tpu.memory_space<vmem_shared>>) dst(%dma_wait3A_61 : memref<632x128xf32, #tpu.memory_space<hbm>>)
      tpu.yield
    }) : () -> ()
    return
  }
}

#map = affine_map<(d0, d1) -> (0, 0)>
#map1 = affine_map<(d0, d1) -> (0, 0, 0)>
module attributes {stable_mosaic.version = 14 : i64} {
  func.func @body(%arg0: i32, %arg1: i32, %arg2: memref<10000x128xf32, #tpu.memory_space<hbm>>, %arg3: memref<32x80x128xi32, #tpu.memory_space<hbm>>, %arg4: memref<32x80x128xi32, #tpu.memory_space<hbm>>, %arg5: memref<2x10112x128xf32, #tpu.memory_space<hbm>>, %arg6: memref<16x128xi32, #tpu.memory_space<vmem>>, %arg7: memref<16x128xi32, #tpu.memory_space<vmem>>, %arg8: memref<128x128xf32, #tpu.memory_space<vmem>>, %arg9: memref<128x128xf32, #tpu.memory_space<vmem>>, %arg10: memref<10112x128xf32, #tpu.memory_space<vmem_shared>>, %arg11: memref<!tpu.dma_semaphore, #tpu.memory_space<semaphore_mem>>, %arg12: memref<!tpu.dma_semaphore, #tpu.memory_space<semaphore_mem>>) attributes {dimension_semantics = [#tpu.dimension_semantics<core_parallel>, #tpu.dimension_semantics<subcore_parallel>], iteration_bounds = array<i64: 2, 16>, scalar_prefetch = 0 : i64, scratch_operands = 7 : i64, tpu.core_type = #tpu.core_type<sc_vector_subcore>, window_params = [{transform_indices = #map}, {transform_indices = #map1}, {transform_indices = #map1}, {transform_indices = #map1}]} {
    %mul3A = arith.constant 16 : i32
    %mul3A_0 = arith.muli %arg0, %mul3A : i32
    %add3A = arith.addi %mul3A_0, %arg1 : i32
    %broadcast_in_dim3A = arith.constant 0.000000e+00 : f32
    %broadcast_in_dim3A_1 = vector.broadcast %broadcast_in_dim3A : f32 to vector<16xf32>
    %scan3A = arith.constant 0 : i32
    %scan3A_2 = arith.constant 128 : i32
    %scan3A_3 = arith.addi %scan3A, %scan3A_2 : i32
    %scan3A_4 = arith.constant 1 : i32
    scf.for %scan3A_112 = %scan3A to %scan3A_3 step %scan3A_4  : i32 {
      %mul3A_113 = arith.constant 1 : i32
      %mul3A_114 = arith.muli %scan3A_112, %mul3A_113 : i32
      %add3A_115 = arith.constant 0 : i32
      %add3A_116 = arith.addi %add3A_115, %mul3A_114 : i32
      %scan3A_117 = arith.constant 0 : i32
      %scan3A_118 = arith.constant 8 : i32
      %scan3A_119 = arith.addi %scan3A_117, %scan3A_118 : i32
      %scan3A_120 = arith.constant 1 : i32
      scf.for %scan3A_122 = %scan3A_117 to %scan3A_119 step %scan3A_120  : i32 {
        %mul3A_123 = arith.constant 16 : i32
        %mul3A_124 = arith.muli %scan3A_122, %mul3A_123 : i32
        %add3A_125 = arith.constant 0 : i32
        %add3A_126 = arith.addi %add3A_125, %mul3A_124 : i32
        %swap3A = arith.index_cast %add3A_116 : i32 to index
        %swap3A_127 = arith.index_cast %add3A_126 : i32 to index
        %swap3A_128 = tpu.vector_load %arg8[%swap3A, %swap3A_127] {strides = array<i32>} : memref<128x128xf32, #tpu.memory_space<vmem>>, vector<1x16xf32>,
        %swap3A_129 = vector.shape_cast %swap3A_128 : vector<1x16xf32> to vector<16xf32>
        %swap3A_130 = vector.shape_cast %broadcast_in_dim3A_1 : vector<16xf32> to vector<1x16xf32>
        tpu.vector_store %arg8[%swap3A, %swap3A_127], %swap3A_130 {strides = array<i32>} : memref<128x128xf32, #tpu.memory_space<vmem>>, vector<1x16xf32>,
      }
      %scan3A_121 = arith.constant 8 : i32
    }
    %scan3A_5 = arith.constant 128 : i32
    %mul3A_6 = arith.constant 632 : i32
    %mul3A_7 = arith.muli %arg1, %mul3A_6 : i32
    %scan3A_8 = arith.constant 0 : i32
    %scan3A_9 = arith.constant 4 : i32
    %scan3A_10 = arith.addi %scan3A_8, %scan3A_9 : i32
    %scan3A_11 = arith.constant 1 : i32
    scf.for %scan3A_112 = %scan3A_8 to %scan3A_10 step %scan3A_11  : i32 {
      %mul3A_113 = arith.constant 1 : i32
      %mul3A_114 = arith.muli %scan3A_112, %mul3A_113 : i32
      %add3A_115 = arith.constant 0 : i32
      %add3A_116 = arith.addi %add3A_115, %mul3A_114 : i32
      %mul3A_117 = arith.constant 128 : i32
      %mul3A_118 = arith.muli %add3A_116, %mul3A_117 : i32
      %add3A_119 = arith.addi %mul3A_7, %mul3A_118 : i32
      "tpu.region"() ({
        %run_scoped3A = tpu.sem_alloc : memref<!tpu.dma_semaphore, #tpu.memory_space<semaphore_mem>>
        %dma_start3A_120 = arith.constant 0 : i32
        %dma_start3A_121 = tpu.memref_slice %arg10[%add3A_119, %dma_start3A_120] : memref<10112x128xf32, #tpu.memory_space<vmem_shared>> -> memref<128x128xf32, #tpu.memory_space<vmem_shared>>
        %dma_start3A_122 = arith.constant 0 : i32
        %dma_start3A_123 = tpu.memref_slice %arg10[%add3A_119, %dma_start3A_122] : memref<10112x128xf32, #tpu.memory_space<vmem_shared>> -> memref<128x128xf32, #tpu.memory_space<vmem_shared>>
        tpu.enqueue_dma source(%arg8 : memref<128x128xf32, #tpu.memory_space<vmem>>) target(%dma_start3A_123 : memref<128x128xf32, #tpu.memory_space<vmem_shared>>) target_semaphore(%run_scoped3A : memref<!tpu.dma_semaphore, #tpu.memory_space<semaphore_mem>>)
        %dma_wait3A = arith.constant 0 : i32
        %dma_wait3A_124 = tpu.memref_slice %arg10[%add3A_119, %dma_wait3A] : memref<10112x128xf32, #tpu.memory_space<vmem_shared>> -> memref<128x128xf32, #tpu.memory_space<vmem_shared>>
        %dma_wait3A_125 = arith.constant 0 : i32
        %dma_wait3A_126 = tpu.memref_slice %arg10[%add3A_119, %dma_wait3A_125] : memref<10112x128xf32, #tpu.memory_space<vmem_shared>> -> memref<128x128xf32, #tpu.memory_space<vmem_shared>>
        tpu.wait_dma2 semaphore(%run_scoped3A : memref<!tpu.dma_semaphore, #tpu.memory_space<semaphore_mem>>) src(%arg8 : memref<128x128xf32, #tpu.memory_space<vmem>>) dst(%dma_wait3A_126 : memref<128x128xf32, #tpu.memory_space<vmem_shared>>)
        tpu.yield
      }) : () -> ()
    }
    %scan3A_12 = arith.constant 4 : i32
    %add3A_13 = arith.constant 512 : i32
    %add3A_14 = arith.addi %mul3A_7, %add3A_13 : i32
    "tpu.region"() ({
      %run_scoped3A = tpu.sem_alloc : memref<!tpu.dma_semaphore, #tpu.memory_space<semaphore_mem>>
      %dma_start3A_112 = arith.constant 0 : i32
      %dma_start3A_113 = arith.constant 0 : i32
      %dma_start3A_114 = tpu.memref_slice %arg8[%dma_start3A_112, %dma_start3A_113] : memref<128x128xf32, #tpu.memory_space<vmem>> -> memref<120x128xf32, #tpu.memory_space<vmem>>
      %dma_start3A_115 = arith.constant 0 : i32
      %dma_start3A_116 = tpu.memref_slice %arg10[%add3A_14, %dma_start3A_115] : memref<10112x128xf32, #tpu.memory_space<vmem_shared>> -> memref<120x128xf32, #tpu.memory_space<vmem_shared>>
      %dma_start3A_117 = arith.constant 0 : i32
      %dma_start3A_118 = tpu.memref_slice %arg10[%add3A_14, %dma_start3A_117] : memref<10112x128xf32, #tpu.memory_space<vmem_shared>> -> memref<120x128xf32, #tpu.memory_space<vmem_shared>>
      %dma_start3A_119 = arith.constant 0 : i32
      %dma_start3A_120 = arith.constant 0 : i32
      %dma_start3A_121 = tpu.memref_slice %arg8[%dma_start3A_119, %dma_start3A_120] : memref<128x128xf32, #tpu.memory_space<vmem>> -> memref<120x128xf32, #tpu.memory_space<vmem>>
      tpu.enqueue_dma source(%dma_start3A_121 : memref<120x128xf32, #tpu.memory_space<vmem>>) target(%dma_start3A_118 : memref<120x128xf32, #tpu.memory_space<vmem_shared>>) target_semaphore(%run_scoped3A : memref<!tpu.dma_semaphore, #tpu.memory_space<semaphore_mem>>)
      %dma_wait3A = arith.constant 0 : i32
      %dma_wait3A_122 = arith.constant 0 : i32
      %dma_wait3A_123 = tpu.memref_slice %arg8[%dma_wait3A, %dma_wait3A_122] : memref<128x128xf32, #tpu.memory_space<vmem>> -> memref<120x128xf32, #tpu.memory_space<vmem>>
      %dma_wait3A_124 = arith.constant 0 : i32
      %dma_wait3A_125 = tpu.memref_slice %arg10[%add3A_14, %dma_wait3A_124] : memref<10112x128xf32, #tpu.memory_space<vmem_shared>> -> memref<120x128xf32, #tpu.memory_space<vmem_shared>>
      %dma_wait3A_126 = arith.constant 0 : i32
      %dma_wait3A_127 = tpu.memref_slice %arg10[%add3A_14, %dma_wait3A_126] : memref<10112x128xf32, #tpu.memory_space<vmem_shared>> -> memref<120x128xf32, #tpu.memory_space<vmem_shared>>
      %dma_wait3A_128 = arith.constant 0 : i32
      %dma_wait3A_129 = arith.constant 0 : i32
      %dma_wait3A_130 = tpu.memref_slice %arg8[%dma_wait3A_128, %dma_wait3A_129] : memref<128x128xf32, #tpu.memory_space<vmem>> -> memref<120x128xf32, #tpu.memory_space<vmem>>
      tpu.wait_dma2 semaphore(%run_scoped3A : memref<!tpu.dma_semaphore, #tpu.memory_space<semaphore_mem>>) src(%dma_wait3A_130 : memref<120x128xf32, #tpu.memory_space<vmem>>) dst(%dma_wait3A_127 : memref<120x128xf32, #tpu.memory_space<vmem_shared>>)
      tpu.yield
    }) : () -> ()
    %barrier3A = arith.constant 0 : index
    tpu.barrier barrier_id(%barrier3A)
    "tpu.region"() ({
      %run_scoped3A = tpu.sem_alloc : memref<!tpu.dma_semaphore, #tpu.memory_space<semaphore_mem>>
      %dma_start3A_112 = arith.constant 0 : i32
      %dma_start3A_113 = arith.constant 0 : i32
      %dma_start3A_114 = tpu.memref_slice %arg3[%add3A, %dma_start3A_112, %dma_start3A_113] : memref<32x80x128xi32, #tpu.memory_space<hbm>> -> memref<1x80x128xi32, #tpu.memory_space<hbm>>
      %dma_start3A_115 = tpu.memref_squeeze %dma_start3A_114 : memref<1x80x128xi32, #tpu.memory_space<hbm>> -> memref<80x128xi32, #tpu.memory_space<hbm>>
      %dma_start3A_116 = arith.constant 0 : i32
      %dma_start3A_117 = arith.constant 0 : i32
      %dma_start3A_118 = tpu.memref_slice %dma_start3A_115[%dma_start3A_116, %dma_start3A_117] : memref<80x128xi32, #tpu.memory_space<hbm>> -> memref<16x128xi32, #tpu.memory_space<hbm>>
      %dma_start3A_119 = arith.constant 0 : i32
      %dma_start3A_120 = arith.constant 0 : i32
      %dma_start3A_121 = tpu.memref_slice %arg3[%add3A, %dma_start3A_119, %dma_start3A_120] : memref<32x80x128xi32, #tpu.memory_space<hbm>> -> memref<1x80x128xi32, #tpu.memory_space<hbm>>
      %dma_start3A_122 = tpu.memref_squeeze %dma_start3A_121 : memref<1x80x128xi32, #tpu.memory_space<hbm>> -> memref<80x128xi32, #tpu.memory_space<hbm>>
      %dma_start3A_123 = arith.constant 0 : i32
      %dma_start3A_124 = arith.constant 0 : i32
      %dma_start3A_125 = tpu.memref_slice %dma_start3A_122[%dma_start3A_123, %dma_start3A_124] : memref<80x128xi32, #tpu.memory_space<hbm>> -> memref<16x128xi32, #tpu.memory_space<hbm>>
      tpu.enqueue_dma source(%dma_start3A_125 : memref<16x128xi32, #tpu.memory_space<hbm>>) target(%arg6 : memref<16x128xi32, #tpu.memory_space<vmem>>) target_semaphore(%run_scoped3A : memref<!tpu.dma_semaphore, #tpu.memory_space<semaphore_mem>>)
      %dma_wait3A = arith.constant 0 : i32
      %dma_wait3A_126 = arith.constant 0 : i32
      %dma_wait3A_127 = tpu.memref_slice %arg3[%add3A, %dma_wait3A, %dma_wait3A_126] : memref<32x80x128xi32, #tpu.memory_space<hbm>> -> memref<1x80x128xi32, #tpu.memory_space<hbm>>
      %dma_wait3A_128 = tpu.memref_squeeze %dma_wait3A_127 : memref<1x80x128xi32, #tpu.memory_space<hbm>> -> memref<80x128xi32, #tpu.memory_space<hbm>>
      %dma_wait3A_129 = arith.constant 0 : i32
      %dma_wait3A_130 = arith.constant 0 : i32
      %dma_wait3A_131 = tpu.memref_slice %dma_wait3A_128[%dma_wait3A_129, %dma_wait3A_130] : memref<80x128xi32, #tpu.memory_space<hbm>> -> memref<16x128xi32, #tpu.memory_space<hbm>>
      %dma_wait3A_132 = arith.constant 0 : i32
      %dma_wait3A_133 = arith.constant 0 : i32
      %dma_wait3A_134 = tpu.memref_slice %arg3[%add3A, %dma_wait3A_132, %dma_wait3A_133] : memref<32x80x128xi32, #tpu.memory_space<hbm>> -> memref<1x80x128xi32, #tpu.memory_space<hbm>>
      %dma_wait3A_135 = tpu.memref_squeeze %dma_wait3A_134 : memref<1x80x128xi32, #tpu.memory_space<hbm>> -> memref<80x128xi32, #tpu.memory_space<hbm>>
      %dma_wait3A_136 = arith.constant 0 : i32
      %dma_wait3A_137 = arith.constant 0 : i32
      %dma_wait3A_138 = tpu.memref_slice %dma_wait3A_135[%dma_wait3A_136, %dma_wait3A_137] : memref<80x128xi32, #tpu.memory_space<hbm>> -> memref<16x128xi32, #tpu.memory_space<hbm>>
      tpu.wait_dma2 semaphore(%run_scoped3A : memref<!tpu.dma_semaphore, #tpu.memory_space<semaphore_mem>>) src(%dma_wait3A_138 : memref<16x128xi32, #tpu.memory_space<hbm>>) dst(%arg6 : memref<16x128xi32, #tpu.memory_space<vmem>>)
      tpu.yield
    }) : () -> ()
    "tpu.region"() ({
      %run_scoped3A = tpu.sem_alloc : memref<!tpu.dma_semaphore, #tpu.memory_space<semaphore_mem>>
      %dma_start3A_112 = arith.constant 0 : i32
      %dma_start3A_113 = arith.constant 0 : i32
      %dma_start3A_114 = tpu.memref_slice %arg4[%add3A, %dma_start3A_112, %dma_start3A_113] : memref<32x80x128xi32, #tpu.memory_space<hbm>> -> memref<1x80x128xi32, #tpu.memory_space<hbm>>
      %dma_start3A_115 = tpu.memref_squeeze %dma_start3A_114 : memref<1x80x128xi32, #tpu.memory_space<hbm>> -> memref<80x128xi32, #tpu.memory_space<hbm>>
      %dma_start3A_116 = arith.constant 0 : i32
      %dma_start3A_117 = arith.constant 0 : i32
      %dma_start3A_118 = tpu.memref_slice %dma_start3A_115[%dma_start3A_116, %dma_start3A_117] : memref<80x128xi32, #tpu.memory_space<hbm>> -> memref<16x128xi32, #tpu.memory_space<hbm>>
      %dma_start3A_119 = arith.constant 0 : i32
      %dma_start3A_120 = arith.constant 0 : i32
      %dma_start3A_121 = tpu.memref_slice %arg4[%add3A, %dma_start3A_119, %dma_start3A_120] : memref<32x80x128xi32, #tpu.memory_space<hbm>> -> memref<1x80x128xi32, #tpu.memory_space<hbm>>
      %dma_start3A_122 = tpu.memref_squeeze %dma_start3A_121 : memref<1x80x128xi32, #tpu.memory_space<hbm>> -> memref<80x128xi32, #tpu.memory_space<hbm>>
      %dma_start3A_123 = arith.constant 0 : i32
      %dma_start3A_124 = arith.constant 0 : i32
      %dma_start3A_125 = tpu.memref_slice %dma_start3A_122[%dma_start3A_123, %dma_start3A_124] : memref<80x128xi32, #tpu.memory_space<hbm>> -> memref<16x128xi32, #tpu.memory_space<hbm>>
      tpu.enqueue_dma source(%dma_start3A_125 : memref<16x128xi32, #tpu.memory_space<hbm>>) target(%arg7 : memref<16x128xi32, #tpu.memory_space<vmem>>) target_semaphore(%run_scoped3A : memref<!tpu.dma_semaphore, #tpu.memory_space<semaphore_mem>>)
      %dma_wait3A = arith.constant 0 : i32
      %dma_wait3A_126 = arith.constant 0 : i32
      %dma_wait3A_127 = tpu.memref_slice %arg4[%add3A, %dma_wait3A, %dma_wait3A_126] : memref<32x80x128xi32, #tpu.memory_space<hbm>> -> memref<1x80x128xi32, #tpu.memory_space<hbm>>
      %dma_wait3A_128 = tpu.memref_squeeze %dma_wait3A_127 : memref<1x80x128xi32, #tpu.memory_space<hbm>> -> memref<80x128xi32, #tpu.memory_space<hbm>>
      %dma_wait3A_129 = arith.constant 0 : i32
      %dma_wait3A_130 = arith.constant 0 : i32
      %dma_wait3A_131 = tpu.memref_slice %dma_wait3A_128[%dma_wait3A_129, %dma_wait3A_130] : memref<80x128xi32, #tpu.memory_space<hbm>> -> memref<16x128xi32, #tpu.memory_space<hbm>>
      %dma_wait3A_132 = arith.constant 0 : i32
      %dma_wait3A_133 = arith.constant 0 : i32
      %dma_wait3A_134 = tpu.memref_slice %arg4[%add3A, %dma_wait3A_132, %dma_wait3A_133] : memref<32x80x128xi32, #tpu.memory_space<hbm>> -> memref<1x80x128xi32, #tpu.memory_space<hbm>>
      %dma_wait3A_135 = tpu.memref_squeeze %dma_wait3A_134 : memref<1x80x128xi32, #tpu.memory_space<hbm>> -> memref<80x128xi32, #tpu.memory_space<hbm>>
      %dma_wait3A_136 = arith.constant 0 : i32
      %dma_wait3A_137 = arith.constant 0 : i32
      %dma_wait3A_138 = tpu.memref_slice %dma_wait3A_135[%dma_wait3A_136, %dma_wait3A_137] : memref<80x128xi32, #tpu.memory_space<hbm>> -> memref<16x128xi32, #tpu.memory_space<hbm>>
      tpu.wait_dma2 semaphore(%run_scoped3A : memref<!tpu.dma_semaphore, #tpu.memory_space<semaphore_mem>>) src(%dma_wait3A_138 : memref<16x128xi32, #tpu.memory_space<hbm>>) dst(%arg7 : memref<16x128xi32, #tpu.memory_space<vmem>>)
      tpu.yield
    }) : () -> ()
    %dma_start3A = arith.constant 0 : i32
    %dma_start3A_15 = arith.constant 0 : i32
    %dma_start3A_16 = tpu.memref_slice %arg6[%dma_start3A, %dma_start3A_15] : memref<16x128xi32, #tpu.memory_space<vmem>> -> memref<1x128xi32, #tpu.memory_space<vmem>>
    %dma_start3A_17 = tpu.memref_squeeze %dma_start3A_16 : memref<1x128xi32, #tpu.memory_space<vmem>> -> memref<128xi32, #tpu.memory_space<vmem>>
    %dma_start3A_18 = arith.constant 0 : i32
    %dma_start3A_19 = arith.constant 0 : i32
    %dma_start3A_20 = tpu.memref_slice %arg2[%dma_start3A_18, %dma_start3A_19] : memref<10000x128xf32, #tpu.memory_space<hbm>> -> memref<10000x128xf32, #tpu.memory_space<hbm>>
    tpu.enqueue_indirect_dma source(%dma_start3A_20 : memref<10000x128xf32, #tpu.memory_space<hbm>>) target(%arg8 : memref<128x128xf32, #tpu.memory_space<vmem>>) offsets(%dma_start3A_17 : memref<128xi32, #tpu.memory_space<vmem>>) semaphore(%arg11 : memref<!tpu.dma_semaphore, #tpu.memory_space<semaphore_mem>>)
    %dma_start3A_21 = arith.constant 1 : i32
    %dma_start3A_22 = arith.constant 0 : i32
    %dma_start3A_23 = tpu.memref_slice %arg6[%dma_start3A_21, %dma_start3A_22] : memref<16x128xi32, #tpu.memory_space<vmem>> -> memref<1x128xi32, #tpu.memory_space<vmem>>
    %dma_start3A_24 = tpu.memref_squeeze %dma_start3A_23 : memref<1x128xi32, #tpu.memory_space<vmem>> -> memref<128xi32, #tpu.memory_space<vmem>>
    %dma_start3A_25 = arith.constant 0 : i32
    %dma_start3A_26 = arith.constant 0 : i32
    %dma_start3A_27 = tpu.memref_slice %arg2[%dma_start3A_25, %dma_start3A_26] : memref<10000x128xf32, #tpu.memory_space<hbm>> -> memref<10000x128xf32, #tpu.memory_space<hbm>>
    tpu.enqueue_indirect_dma source(%dma_start3A_27 : memref<10000x128xf32, #tpu.memory_space<hbm>>) target(%arg9 : memref<128x128xf32, #tpu.memory_space<vmem>>) offsets(%dma_start3A_24 : memref<128xi32, #tpu.memory_space<vmem>>) semaphore(%arg12 : memref<!tpu.dma_semaphore, #tpu.memory_space<semaphore_mem>>)
    %scan3A_28 = arith.constant 0 : i32
    %scan3A_29 = arith.constant 8 : i32
    %scan3A_30 = arith.addi %scan3A_28, %scan3A_29 : i32
    %scan3A_31 = arith.constant 1 : i32
    scf.for %scan3A_112 = %scan3A_28 to %scan3A_30 step %scan3A_31  : i32 {
      %mul3A_113 = arith.constant 2 : i32
      %mul3A_114 = arith.muli %scan3A_112, %mul3A_113 : i32
      %add3A_115 = arith.constant 0 : i32
      %add3A_116 = arith.addi %add3A_115, %mul3A_114 : i32
      %add3A_117 = arith.constant 0 : i32
      %add3A_118 = arith.addi %add3A_116, %add3A_117 : i32
      %dma_wait3A = arith.constant 0 : i32
      %dma_wait3A_119 = tpu.memref_slice %arg6[%add3A_118, %dma_wait3A] : memref<16x128xi32, #tpu.memory_space<vmem>> -> memref<1x128xi32, #tpu.memory_space<vmem>>
      %dma_wait3A_120 = tpu.memref_squeeze %dma_wait3A_119 : memref<1x128xi32, #tpu.memory_space<vmem>> -> memref<128xi32, #tpu.memory_space<vmem>>
      %dma_wait3A_121 = arith.constant 0 : i32
      %dma_wait3A_122 = arith.constant 0 : i32
      %dma_wait3A_123 = tpu.memref_slice %arg2[%dma_wait3A_121, %dma_wait3A_122] : memref<10000x128xf32, #tpu.memory_space<hbm>> -> memref<10000x128xf32, #tpu.memory_space<hbm>>
      tpu.wait_indirect_dma semaphore(%arg11 : memref<!tpu.dma_semaphore, #tpu.memory_space<semaphore_mem>>) src(%dma_wait3A_123 : memref<10000x128xf32, #tpu.memory_space<hbm>>) dst(%arg8 : memref<128x128xf32, #tpu.memory_space<vmem>>)
      %add3A_124 = arith.constant 0 : i32
      %add3A_125 = arith.addi %add3A_116, %add3A_124 : i32
      "tpu.region"() ({
        %run_scoped3A = tpu.sem_alloc : memref<!tpu.dma_semaphore, #tpu.memory_space<semaphore_mem>>
        %dma_start3A_151 = arith.constant 0 : i32
        %dma_start3A_152 = tpu.memref_slice %arg7[%add3A_125, %dma_start3A_151] : memref<16x128xi32, #tpu.memory_space<vmem>> -> memref<1x128xi32, #tpu.memory_space<vmem>>
        %dma_start3A_153 = tpu.memref_squeeze %dma_start3A_152 : memref<1x128xi32, #tpu.memory_space<vmem>> -> memref<128xi32, #tpu.memory_space<vmem>>
        %dma_start3A_154 = arith.constant 0 : i32
        %dma_start3A_155 = arith.constant 0 : i32
        %dma_start3A_156 = tpu.memref_slice %arg10[%dma_start3A_154, %dma_start3A_155] : memref<10112x128xf32, #tpu.memory_space<vmem_shared>> -> memref<10112x128xf32, #tpu.memory_space<vmem_shared>>
        tpu.enqueue_indirect_dma source(%arg8 : memref<128x128xf32, #tpu.memory_space<vmem>>) target(%dma_start3A_156 : memref<10112x128xf32, #tpu.memory_space<vmem_shared>>) offsets(%dma_start3A_153 : memref<128xi32, #tpu.memory_space<vmem>>) semaphore(%run_scoped3A : memref<!tpu.dma_semaphore, #tpu.memory_space<semaphore_mem>>) {add = true}
        %dma_wait3A_157 = arith.constant 0 : i32
        %dma_wait3A_158 = tpu.memref_slice %arg7[%add3A_125, %dma_wait3A_157] : memref<16x128xi32, #tpu.memory_space<vmem>> -> memref<1x128xi32, #tpu.memory_space<vmem>>
        %dma_wait3A_159 = tpu.memref_squeeze %dma_wait3A_158 : memref<1x128xi32, #tpu.memory_space<vmem>> -> memref<128xi32, #tpu.memory_space<vmem>>
        %dma_wait3A_160 = arith.constant 0 : i32
        %dma_wait3A_161 = arith.constant 0 : i32
        %dma_wait3A_162 = tpu.memref_slice %arg10[%dma_wait3A_160, %dma_wait3A_161] : memref<10112x128xf32, #tpu.memory_space<vmem_shared>> -> memref<10112x128xf32, #tpu.memory_space<vmem_shared>>
        tpu.wait_indirect_dma semaphore(%run_scoped3A : memref<!tpu.dma_semaphore, #tpu.memory_space<semaphore_mem>>) src(%arg8 : memref<128x128xf32, #tpu.memory_space<vmem>>) dst(%dma_wait3A_162 : memref<10112x128xf32, #tpu.memory_space<vmem_shared>>)
        tpu.yield
      }) : () -> ()
      %add3A_126 = arith.constant 0 : i32
      %add3A_127 = arith.addi %add3A_116, %add3A_126 : i32
      %add3A_128 = arith.constant 2 : i32
      %add3A_129 = arith.addi %add3A_127, %add3A_128 : i32
      %lt3A = arith.constant 16 : i32
      %lt3A_130 = arith.cmpi slt, %add3A_129, %lt3A : i32
      %convert_element_type3A = arith.extui %lt3A_130 : i1 to i32
      %cond3A = arith.constant 0 : i32
      %cond3A_131 = arith.cmpi ne, %convert_element_type3A, %cond3A : i32
      scf.if %cond3A_131 {
        %add3A_151 = arith.constant 0 : i32
        %add3A_152 = arith.addi %add3A_116, %add3A_151 : i32
        %add3A_153 = arith.constant 2 : i32
        %add3A_154 = arith.addi %add3A_152, %add3A_153 : i32
        %dma_start3A_155 = arith.constant 0 : i32
        %dma_start3A_156 = tpu.memref_slice %arg6[%add3A_154, %dma_start3A_155] : memref<16x128xi32, #tpu.memory_space<vmem>> -> memref<1x128xi32, #tpu.memory_space<vmem>>
        %dma_start3A_157 = tpu.memref_squeeze %dma_start3A_156 : memref<1x128xi32, #tpu.memory_space<vmem>> -> memref<128xi32, #tpu.memory_space<vmem>>
        %dma_start3A_158 = arith.constant 0 : i32
        %dma_start3A_159 = arith.constant 0 : i32
        %dma_start3A_160 = tpu.memref_slice %arg2[%dma_start3A_158, %dma_start3A_159] : memref<10000x128xf32, #tpu.memory_space<hbm>> -> memref<10000x128xf32, #tpu.memory_space<hbm>>
        tpu.enqueue_indirect_dma source(%dma_start3A_160 : memref<10000x128xf32, #tpu.memory_space<hbm>>) target(%arg8 : memref<128x128xf32, #tpu.memory_space<vmem>>) offsets(%dma_start3A_157 : memref<128xi32, #tpu.memory_space<vmem>>) semaphore(%arg11 : memref<!tpu.dma_semaphore, #tpu.memory_space<semaphore_mem>>)
      } else {
      }
      %add3A_132 = arith.constant 1 : i32
      %add3A_133 = arith.addi %add3A_116, %add3A_132 : i32
      %dma_wait3A_134 = arith.constant 0 : i32
      %dma_wait3A_135 = tpu.memref_slice %arg6[%add3A_133, %dma_wait3A_134] : memref<16x128xi32, #tpu.memory_space<vmem>> -> memref<1x128xi32, #tpu.memory_space<vmem>>
      %dma_wait3A_136 = tpu.memref_squeeze %dma_wait3A_135 : memref<1x128xi32, #tpu.memory_space<vmem>> -> memref<128xi32, #tpu.memory_space<vmem>>
      %dma_wait3A_137 = arith.constant 0 : i32
      %dma_wait3A_138 = arith.constant 0 : i32
      %dma_wait3A_139 = tpu.memref_slice %arg2[%dma_wait3A_137, %dma_wait3A_138] : memref<10000x128xf32, #tpu.memory_space<hbm>> -> memref<10000x128xf32, #tpu.memory_space<hbm>>
      tpu.wait_indirect_dma semaphore(%arg12 : memref<!tpu.dma_semaphore, #tpu.memory_space<semaphore_mem>>) src(%dma_wait3A_139 : memref<10000x128xf32, #tpu.memory_space<hbm>>) dst(%arg9 : memref<128x128xf32, #tpu.memory_space<vmem>>)
      %add3A_140 = arith.constant 1 : i32
      %add3A_141 = arith.addi %add3A_116, %add3A_140 : i32
      "tpu.region"() ({
        %run_scoped3A = tpu.sem_alloc : memref<!tpu.dma_semaphore, #tpu.memory_space<semaphore_mem>>
        %dma_start3A_151 = arith.constant 0 : i32
        %dma_start3A_152 = tpu.memref_slice %arg7[%add3A_141, %dma_start3A_151] : memref<16x128xi32, #tpu.memory_space<vmem>> -> memref<1x128xi32, #tpu.memory_space<vmem>>
        %dma_start3A_153 = tpu.memref_squeeze %dma_start3A_152 : memref<1x128xi32, #tpu.memory_space<vmem>> -> memref<128xi32, #tpu.memory_space<vmem>>
        %dma_start3A_154 = arith.constant 0 : i32
        %dma_start3A_155 = arith.constant 0 : i32
        %dma_start3A_156 = tpu.memref_slice %arg10[%dma_start3A_154, %dma_start3A_155] : memref<10112x128xf32, #tpu.memory_space<vmem_shared>> -> memref<10112x128xf32, #tpu.memory_space<vmem_shared>>
        tpu.enqueue_indirect_dma source(%arg9 : memref<128x128xf32, #tpu.memory_space<vmem>>) target(%dma_start3A_156 : memref<10112x128xf32, #tpu.memory_space<vmem_shared>>) offsets(%dma_start3A_153 : memref<128xi32, #tpu.memory_space<vmem>>) semaphore(%run_scoped3A : memref<!tpu.dma_semaphore, #tpu.memory_space<semaphore_mem>>) {add = true}
        %dma_wait3A_157 = arith.constant 0 : i32
        %dma_wait3A_158 = tpu.memref_slice %arg7[%add3A_141, %dma_wait3A_157] : memref<16x128xi32, #tpu.memory_space<vmem>> -> memref<1x128xi32, #tpu.memory_space<vmem>>
        %dma_wait3A_159 = tpu.memref_squeeze %dma_wait3A_158 : memref<1x128xi32, #tpu.memory_space<vmem>> -> memref<128xi32, #tpu.memory_space<vmem>>
        %dma_wait3A_160 = arith.constant 0 : i32
        %dma_wait3A_161 = arith.constant 0 : i32
        %dma_wait3A_162 = tpu.memref_slice %arg10[%dma_wait3A_160, %dma_wait3A_161] : memref<10112x128xf32, #tpu.memory_space<vmem_shared>> -> memref<10112x128xf32, #tpu.memory_space<vmem_shared>>
        tpu.wait_indirect_dma semaphore(%run_scoped3A : memref<!tpu.dma_semaphore, #tpu.memory_space<semaphore_mem>>) src(%arg9 : memref<128x128xf32, #tpu.memory_space<vmem>>) dst(%dma_wait3A_162 : memref<10112x128xf32, #tpu.memory_space<vmem_shared>>)
        tpu.yield
      }) : () -> ()
      %add3A_142 = arith.constant 1 : i32
      %add3A_143 = arith.addi %add3A_116, %add3A_142 : i32
      %add3A_144 = arith.constant 2 : i32
      %add3A_145 = arith.addi %add3A_143, %add3A_144 : i32
      %lt3A_146 = arith.constant 16 : i32
      %lt3A_147 = arith.cmpi slt, %add3A_145, %lt3A_146 : i32
      %convert_element_type3A_148 = arith.extui %lt3A_147 : i1 to i32
      %cond3A_149 = arith.constant 0 : i32
      %cond3A_150 = arith.cmpi ne, %convert_element_type3A_148, %cond3A_149 : i32
      scf.if %cond3A_150 {
        %add3A_151 = arith.constant 1 : i32
        %add3A_152 = arith.addi %add3A_116, %add3A_151 : i32
        %add3A_153 = arith.constant 2 : i32
        %add3A_154 = arith.addi %add3A_152, %add3A_153 : i32
        %dma_start3A_155 = arith.constant 0 : i32
        %dma_start3A_156 = tpu.memref_slice %arg6[%add3A_154, %dma_start3A_155] : memref<16x128xi32, #tpu.memory_space<vmem>> -> memref<1x128xi32, #tpu.memory_space<vmem>>
        %dma_start3A_157 = tpu.memref_squeeze %dma_start3A_156 : memref<1x128xi32, #tpu.memory_space<vmem>> -> memref<128xi32, #tpu.memory_space<vmem>>
        %dma_start3A_158 = arith.constant 0 : i32
        %dma_start3A_159 = arith.constant 0 : i32
        %dma_start3A_160 = tpu.memref_slice %arg2[%dma_start3A_158, %dma_start3A_159] : memref<10000x128xf32, #tpu.memory_space<hbm>> -> memref<10000x128xf32, #tpu.memory_space<hbm>>
        tpu.enqueue_indirect_dma source(%dma_start3A_160 : memref<10000x128xf32, #tpu.memory_space<hbm>>) target(%arg9 : memref<128x128xf32, #tpu.memory_space<vmem>>) offsets(%dma_start3A_157 : memref<128xi32, #tpu.memory_space<vmem>>) semaphore(%arg12 : memref<!tpu.dma_semaphore, #tpu.memory_space<semaphore_mem>>)
      } else {
      }
    }
    %scan3A_32 = arith.constant 8 : i32
    "tpu.region"() ({
      %run_scoped3A = tpu.sem_alloc : memref<!tpu.dma_semaphore, #tpu.memory_space<semaphore_mem>>
      %dma_start3A_112 = arith.constant 0 : i32
      %dma_start3A_113 = arith.constant 0 : i32
      %dma_start3A_114 = tpu.memref_slice %arg3[%add3A, %dma_start3A_112, %dma_start3A_113] : memref<32x80x128xi32, #tpu.memory_space<hbm>> -> memref<1x80x128xi32, #tpu.memory_space<hbm>>
      %dma_start3A_115 = tpu.memref_squeeze %dma_start3A_114 : memref<1x80x128xi32, #tpu.memory_space<hbm>> -> memref<80x128xi32, #tpu.memory_space<hbm>>
      %dma_start3A_116 = arith.constant 16 : i32
      %dma_start3A_117 = arith.constant 0 : i32
      %dma_start3A_118 = tpu.memref_slice %dma_start3A_115[%dma_start3A_116, %dma_start3A_117] : memref<80x128xi32, #tpu.memory_space<hbm>> -> memref<16x128xi32, #tpu.memory_space<hbm>>
      %dma_start3A_119 = arith.constant 0 : i32
      %dma_start3A_120 = arith.constant 0 : i32
      %dma_start3A_121 = tpu.memref_slice %arg3[%add3A, %dma_start3A_119, %dma_start3A_120] : memref<32x80x128xi32, #tpu.memory_space<hbm>> -> memref<1x80x128xi32, #tpu.memory_space<hbm>>
      %dma_start3A_122 = tpu.memref_squeeze %dma_start3A_121 : memref<1x80x128xi32, #tpu.memory_space<hbm>> -> memref<80x128xi32, #tpu.memory_space<hbm>>
      %dma_start3A_123 = arith.constant 16 : i32
      %dma_start3A_124 = arith.constant 0 : i32
      %dma_start3A_125 = tpu.memref_slice %dma_start3A_122[%dma_start3A_123, %dma_start3A_124] : memref<80x128xi32, #tpu.memory_space<hbm>> -> memref<16x128xi32, #tpu.memory_space<hbm>>
      tpu.enqueue_dma source(%dma_start3A_125 : memref<16x128xi32, #tpu.memory_space<hbm>>) target(%arg6 : memref<16x128xi32, #tpu.memory_space<vmem>>) target_semaphore(%run_scoped3A : memref<!tpu.dma_semaphore, #tpu.memory_space<semaphore_mem>>)
      %dma_wait3A = arith.constant 0 : i32
      %dma_wait3A_126 = arith.constant 0 : i32
      %dma_wait3A_127 = tpu.memref_slice %arg3[%add3A, %dma_wait3A, %dma_wait3A_126] : memref<32x80x128xi32, #tpu.memory_space<hbm>> -> memref<1x80x128xi32, #tpu.memory_space<hbm>>
      %dma_wait3A_128 = tpu.memref_squeeze %dma_wait3A_127 : memref<1x80x128xi32, #tpu.memory_space<hbm>> -> memref<80x128xi32, #tpu.memory_space<hbm>>
      %dma_wait3A_129 = arith.constant 16 : i32
      %dma_wait3A_130 = arith.constant 0 : i32
      %dma_wait3A_131 = tpu.memref_slice %dma_wait3A_128[%dma_wait3A_129, %dma_wait3A_130] : memref<80x128xi32, #tpu.memory_space<hbm>> -> memref<16x128xi32, #tpu.memory_space<hbm>>
      %dma_wait3A_132 = arith.constant 0 : i32
      %dma_wait3A_133 = arith.constant 0 : i32
      %dma_wait3A_134 = tpu.memref_slice %arg3[%add3A, %dma_wait3A_132, %dma_wait3A_133] : memref<32x80x128xi32, #tpu.memory_space<hbm>> -> memref<1x80x128xi32, #tpu.memory_space<hbm>>
      %dma_wait3A_135 = tpu.memref_squeeze %dma_wait3A_134 : memref<1x80x128xi32, #tpu.memory_space<hbm>> -> memref<80x128xi32, #tpu.memory_space<hbm>>
      %dma_wait3A_136 = arith.constant 16 : i32
      %dma_wait3A_137 = arith.constant 0 : i32
      %dma_wait3A_138 = tpu.memref_slice %dma_wait3A_135[%dma_wait3A_136, %dma_wait3A_137] : memref<80x128xi32, #tpu.memory_space<hbm>> -> memref<16x128xi32, #tpu.memory_space<hbm>>
      tpu.wait_dma2 semaphore(%run_scoped3A : memref<!tpu.dma_semaphore, #tpu.memory_space<semaphore_mem>>) src(%dma_wait3A_138 : memref<16x128xi32, #tpu.memory_space<hbm>>) dst(%arg6 : memref<16x128xi32, #tpu.memory_space<vmem>>)
      tpu.yield
    }) : () -> ()
    "tpu.region"() ({
      %run_scoped3A = tpu.sem_alloc : memref<!tpu.dma_semaphore, #tpu.memory_space<semaphore_mem>>
      %dma_start3A_112 = arith.constant 0 : i32
      %dma_start3A_113 = arith.constant 0 : i32
      %dma_start3A_114 = tpu.memref_slice %arg4[%add3A, %dma_start3A_112, %dma_start3A_113] : memref<32x80x128xi32, #tpu.memory_space<hbm>> -> memref<1x80x128xi32, #tpu.memory_space<hbm>>
      %dma_start3A_115 = tpu.memref_squeeze %dma_start3A_114 : memref<1x80x128xi32, #tpu.memory_space<hbm>> -> memref<80x128xi32, #tpu.memory_space<hbm>>
      %dma_start3A_116 = arith.constant 16 : i32
      %dma_start3A_117 = arith.constant 0 : i32
      %dma_start3A_118 = tpu.memref_slice %dma_start3A_115[%dma_start3A_116, %dma_start3A_117] : memref<80x128xi32, #tpu.memory_space<hbm>> -> memref<16x128xi32, #tpu.memory_space<hbm>>
      %dma_start3A_119 = arith.constant 0 : i32
      %dma_start3A_120 = arith.constant 0 : i32
      %dma_start3A_121 = tpu.memref_slice %arg4[%add3A, %dma_start3A_119, %dma_start3A_120] : memref<32x80x128xi32, #tpu.memory_space<hbm>> -> memref<1x80x128xi32, #tpu.memory_space<hbm>>
      %dma_start3A_122 = tpu.memref_squeeze %dma_start3A_121 : memref<1x80x128xi32, #tpu.memory_space<hbm>> -> memref<80x128xi32, #tpu.memory_space<hbm>>
      %dma_start3A_123 = arith.constant 16 : i32
      %dma_start3A_124 = arith.constant 0 : i32
      %dma_start3A_125 = tpu.memref_slice %dma_start3A_122[%dma_start3A_123, %dma_start3A_124] : memref<80x128xi32, #tpu.memory_space<hbm>> -> memref<16x128xi32, #tpu.memory_space<hbm>>
      tpu.enqueue_dma source(%dma_start3A_125 : memref<16x128xi32, #tpu.memory_space<hbm>>) target(%arg7 : memref<16x128xi32, #tpu.memory_space<vmem>>) target_semaphore(%run_scoped3A : memref<!tpu.dma_semaphore, #tpu.memory_space<semaphore_mem>>)
      %dma_wait3A = arith.constant 0 : i32
      %dma_wait3A_126 = arith.constant 0 : i32
      %dma_wait3A_127 = tpu.memref_slice %arg4[%add3A, %dma_wait3A, %dma_wait3A_126] : memref<32x80x128xi32, #tpu.memory_space<hbm>> -> memref<1x80x128xi32, #tpu.memory_space<hbm>>
      %dma_wait3A_128 = tpu.memref_squeeze %dma_wait3A_127 : memref<1x80x128xi32, #tpu.memory_space<hbm>> -> memref<80x128xi32, #tpu.memory_space<hbm>>
      %dma_wait3A_129 = arith.constant 16 : i32
      %dma_wait3A_130 = arith.constant 0 : i32
      %dma_wait3A_131 = tpu.memref_slice %dma_wait3A_128[%dma_wait3A_129, %dma_wait3A_130] : memref<80x128xi32, #tpu.memory_space<hbm>> -> memref<16x128xi32, #tpu.memory_space<hbm>>
      %dma_wait3A_132 = arith.constant 0 : i32
      %dma_wait3A_133 = arith.constant 0 : i32
      %dma_wait3A_134 = tpu.memref_slice %arg4[%add3A, %dma_wait3A_132, %dma_wait3A_133] : memref<32x80x128xi32, #tpu.memory_space<hbm>> -> memref<1x80x128xi32, #tpu.memory_space<hbm>>
      %dma_wait3A_135 = tpu.memref_squeeze %dma_wait3A_134 : memref<1x80x128xi32, #tpu.memory_space<hbm>> -> memref<80x128xi32, #tpu.memory_space<hbm>>
      %dma_wait3A_136 = arith.constant 16 : i32
      %dma_wait3A_137 = arith.constant 0 : i32
      %dma_wait3A_138 = tpu.memref_slice %dma_wait3A_135[%dma_wait3A_136, %dma_wait3A_137] : memref<80x128xi32, #tpu.memory_space<hbm>> -> memref<16x128xi32, #tpu.memory_space<hbm>>
      tpu.wait_dma2 semaphore(%run_scoped3A : memref<!tpu.dma_semaphore, #tpu.memory_space<semaphore_mem>>) src(%dma_wait3A_138 : memref<16x128xi32, #tpu.memory_space<hbm>>) dst(%arg7 : memref<16x128xi32, #tpu.memory_space<vmem>>)
      tpu.yield
    }) : () -> ()
    %dma_start3A_33 = arith.constant 0 : i32
    %dma_start3A_34 = arith.constant 0 : i32
    %dma_start3A_35 = tpu.memref_slice %arg6[%dma_start3A_33, %dma_start3A_34] : memref<16x128xi32, #tpu.memory_space<vmem>> -> memref<1x128xi32, #tpu.memory_space<vmem>>
    %dma_start3A_36 = tpu.memref_squeeze %dma_start3A_35 : memref<1x128xi32, #tpu.memory_space<vmem>> -> memref<128xi32, #tpu.memory_space<vmem>>
    %dma_start3A_37 = arith.constant 0 : i32
    %dma_start3A_38 = arith.constant 0 : i32
    %dma_start3A_39 = tpu.memref_slice %arg2[%dma_start3A_37, %dma_start3A_38] : memref<10000x128xf32, #tpu.memory_space<hbm>> -> memref<10000x128xf32, #tpu.memory_space<hbm>>
    tpu.enqueue_indirect_dma source(%dma_start3A_39 : memref<10000x128xf32, #tpu.memory_space<hbm>>) target(%arg8 : memref<128x128xf32, #tpu.memory_space<vmem>>) offsets(%dma_start3A_36 : memref<128xi32, #tpu.memory_space<vmem>>) semaphore(%arg11 : memref<!tpu.dma_semaphore, #tpu.memory_space<semaphore_mem>>)
    %dma_start3A_40 = arith.constant 1 : i32
    %dma_start3A_41 = arith.constant 0 : i32
    %dma_start3A_42 = tpu.memref_slice %arg6[%dma_start3A_40, %dma_start3A_41] : memref<16x128xi32, #tpu.memory_space<vmem>> -> memref<1x128xi32, #tpu.memory_space<vmem>>
    %dma_start3A_43 = tpu.memref_squeeze %dma_start3A_42 : memref<1x128xi32, #tpu.memory_space<vmem>> -> memref<128xi32, #tpu.memory_space<vmem>>
    %dma_start3A_44 = arith.constant 0 : i32
    %dma_start3A_45 = arith.constant 0 : i32
    %dma_start3A_46 = tpu.memref_slice %arg2[%dma_start3A_44, %dma_start3A_45] : memref<10000x128xf32, #tpu.memory_space<hbm>> -> memref<10000x128xf32, #tpu.memory_space<hbm>>
    tpu.enqueue_indirect_dma source(%dma_start3A_46 : memref<10000x128xf32, #tpu.memory_space<hbm>>) target(%arg9 : memref<128x128xf32, #tpu.memory_space<vmem>>) offsets(%dma_start3A_43 : memref<128xi32, #tpu.memory_space<vmem>>) semaphore(%arg12 : memref<!tpu.dma_semaphore, #tpu.memory_space<semaphore_mem>>)
    %scan3A_47 = arith.constant 0 : i32
    %scan3A_48 = arith.constant 8 : i32
    %scan3A_49 = arith.addi %scan3A_47, %scan3A_48 : i32
    %scan3A_50 = arith.constant 1 : i32
    scf.for %scan3A_112 = %scan3A_47 to %scan3A_49 step %scan3A_50  : i32 {
      %mul3A_113 = arith.constant 2 : i32
      %mul3A_114 = arith.muli %scan3A_112, %mul3A_113 : i32
      %add3A_115 = arith.constant 0 : i32
      %add3A_116 = arith.addi %add3A_115, %mul3A_114 : i32
      %add3A_117 = arith.constant 0 : i32
      %add3A_118 = arith.addi %add3A_116, %add3A_117 : i32
      %dma_wait3A = arith.constant 0 : i32
      %dma_wait3A_119 = tpu.memref_slice %arg6[%add3A_118, %dma_wait3A] : memref<16x128xi32, #tpu.memory_space<vmem>> -> memref<1x128xi32, #tpu.memory_space<vmem>>
      %dma_wait3A_120 = tpu.memref_squeeze %dma_wait3A_119 : memref<1x128xi32, #tpu.memory_space<vmem>> -> memref<128xi32, #tpu.memory_space<vmem>>
      %dma_wait3A_121 = arith.constant 0 : i32
      %dma_wait3A_122 = arith.constant 0 : i32
      %dma_wait3A_123 = tpu.memref_slice %arg2[%dma_wait3A_121, %dma_wait3A_122] : memref<10000x128xf32, #tpu.memory_space<hbm>> -> memref<10000x128xf32, #tpu.memory_space<hbm>>
      tpu.wait_indirect_dma semaphore(%arg11 : memref<!tpu.dma_semaphore, #tpu.memory_space<semaphore_mem>>) src(%dma_wait3A_123 : memref<10000x128xf32, #tpu.memory_space<hbm>>) dst(%arg8 : memref<128x128xf32, #tpu.memory_space<vmem>>)
      %add3A_124 = arith.constant 0 : i32
      %add3A_125 = arith.addi %add3A_116, %add3A_124 : i32
      "tpu.region"() ({
        %run_scoped3A = tpu.sem_alloc : memref<!tpu.dma_semaphore, #tpu.memory_space<semaphore_mem>>
        %dma_start3A_151 = arith.constant 0 : i32
        %dma_start3A_152 = tpu.memref_slice %arg7[%add3A_125, %dma_start3A_151] : memref<16x128xi32, #tpu.memory_space<vmem>> -> memref<1x128xi32, #tpu.memory_space<vmem>>
        %dma_start3A_153 = tpu.memref_squeeze %dma_start3A_152 : memref<1x128xi32, #tpu.memory_space<vmem>> -> memref<128xi32, #tpu.memory_space<vmem>>
        %dma_start3A_154 = arith.constant 0 : i32
        %dma_start3A_155 = arith.constant 0 : i32
        %dma_start3A_156 = tpu.memref_slice %arg10[%dma_start3A_154, %dma_start3A_155] : memref<10112x128xf32, #tpu.memory_space<vmem_shared>> -> memref<10112x128xf32, #tpu.memory_space<vmem_shared>>
        tpu.enqueue_indirect_dma source(%arg8 : memref<128x128xf32, #tpu.memory_space<vmem>>) target(%dma_start3A_156 : memref<10112x128xf32, #tpu.memory_space<vmem_shared>>) offsets(%dma_start3A_153 : memref<128xi32, #tpu.memory_space<vmem>>) semaphore(%run_scoped3A : memref<!tpu.dma_semaphore, #tpu.memory_space<semaphore_mem>>) {add = true}
        %dma_wait3A_157 = arith.constant 0 : i32
        %dma_wait3A_158 = tpu.memref_slice %arg7[%add3A_125, %dma_wait3A_157] : memref<16x128xi32, #tpu.memory_space<vmem>> -> memref<1x128xi32, #tpu.memory_space<vmem>>
        %dma_wait3A_159 = tpu.memref_squeeze %dma_wait3A_158 : memref<1x128xi32, #tpu.memory_space<vmem>> -> memref<128xi32, #tpu.memory_space<vmem>>
        %dma_wait3A_160 = arith.constant 0 : i32
        %dma_wait3A_161 = arith.constant 0 : i32
        %dma_wait3A_162 = tpu.memref_slice %arg10[%dma_wait3A_160, %dma_wait3A_161] : memref<10112x128xf32, #tpu.memory_space<vmem_shared>> -> memref<10112x128xf32, #tpu.memory_space<vmem_shared>>
        tpu.wait_indirect_dma semaphore(%run_scoped3A : memref<!tpu.dma_semaphore, #tpu.memory_space<semaphore_mem>>) src(%arg8 : memref<128x128xf32, #tpu.memory_space<vmem>>) dst(%dma_wait3A_162 : memref<10112x128xf32, #tpu.memory_space<vmem_shared>>)
        tpu.yield
      }) : () -> ()
      %add3A_126 = arith.constant 0 : i32
      %add3A_127 = arith.addi %add3A_116, %add3A_126 : i32
      %add3A_128 = arith.constant 2 : i32
      %add3A_129 = arith.addi %add3A_127, %add3A_128 : i32
      %lt3A = arith.constant 16 : i32
      %lt3A_130 = arith.cmpi slt, %add3A_129, %lt3A : i32
      %convert_element_type3A = arith.extui %lt3A_130 : i1 to i32
      %cond3A = arith.constant 0 : i32
      %cond3A_131 = arith.cmpi ne, %convert_element_type3A, %cond3A : i32
      scf.if %cond3A_131 {
        %add3A_151 = arith.constant 0 : i32
        %add3A_152 = arith.addi %add3A_116, %add3A_151 : i32
        %add3A_153 = arith.constant 2 : i32
        %add3A_154 = arith.addi %add3A_152, %add3A_153 : i32
        %dma_start3A_155 = arith.constant 0 : i32
        %dma_start3A_156 = tpu.memref_slice %arg6[%add3A_154, %dma_start3A_155] : memref<16x128xi32, #tpu.memory_space<vmem>> -> memref<1x128xi32, #tpu.memory_space<vmem>>
        %dma_start3A_157 = tpu.memref_squeeze %dma_start3A_156 : memref<1x128xi32, #tpu.memory_space<vmem>> -> memref<128xi32, #tpu.memory_space<vmem>>
        %dma_start3A_158 = arith.constant 0 : i32
        %dma_start3A_159 = arith.constant 0 : i32
        %dma_start3A_160 = tpu.memref_slice %arg2[%dma_start3A_158, %dma_start3A_159] : memref<10000x128xf32, #tpu.memory_space<hbm>> -> memref<10000x128xf32, #tpu.memory_space<hbm>>
        tpu.enqueue_indirect_dma source(%dma_start3A_160 : memref<10000x128xf32, #tpu.memory_space<hbm>>) target(%arg8 : memref<128x128xf32, #tpu.memory_space<vmem>>) offsets(%dma_start3A_157 : memref<128xi32, #tpu.memory_space<vmem>>) semaphore(%arg11 : memref<!tpu.dma_semaphore, #tpu.memory_space<semaphore_mem>>)
      } else {
      }
      %add3A_132 = arith.constant 1 : i32
      %add3A_133 = arith.addi %add3A_116, %add3A_132 : i32
      %dma_wait3A_134 = arith.constant 0 : i32
      %dma_wait3A_135 = tpu.memref_slice %arg6[%add3A_133, %dma_wait3A_134] : memref<16x128xi32, #tpu.memory_space<vmem>> -> memref<1x128xi32, #tpu.memory_space<vmem>>
      %dma_wait3A_136 = tpu.memref_squeeze %dma_wait3A_135 : memref<1x128xi32, #tpu.memory_space<vmem>> -> memref<128xi32, #tpu.memory_space<vmem>>
      %dma_wait3A_137 = arith.constant 0 : i32
      %dma_wait3A_138 = arith.constant 0 : i32
      %dma_wait3A_139 = tpu.memref_slice %arg2[%dma_wait3A_137, %dma_wait3A_138] : memref<10000x128xf32, #tpu.memory_space<hbm>> -> memref<10000x128xf32, #tpu.memory_space<hbm>>
      tpu.wait_indirect_dma semaphore(%arg12 : memref<!tpu.dma_semaphore, #tpu.memory_space<semaphore_mem>>) src(%dma_wait3A_139 : memref<10000x128xf32, #tpu.memory_space<hbm>>) dst(%arg9 : memref<128x128xf32, #tpu.memory_space<vmem>>)
      %add3A_140 = arith.constant 1 : i32
      %add3A_141 = arith.addi %add3A_116, %add3A_140 : i32
      "tpu.region"() ({
        %run_scoped3A = tpu.sem_alloc : memref<!tpu.dma_semaphore, #tpu.memory_space<semaphore_mem>>
        %dma_start3A_151 = arith.constant 0 : i32
        %dma_start3A_152 = tpu.memref_slice %arg7[%add3A_141, %dma_start3A_151] : memref<16x128xi32, #tpu.memory_space<vmem>> -> memref<1x128xi32, #tpu.memory_space<vmem>>
        %dma_start3A_153 = tpu.memref_squeeze %dma_start3A_152 : memref<1x128xi32, #tpu.memory_space<vmem>> -> memref<128xi32, #tpu.memory_space<vmem>>
        %dma_start3A_154 = arith.constant 0 : i32
        %dma_start3A_155 = arith.constant 0 : i32
        %dma_start3A_156 = tpu.memref_slice %arg10[%dma_start3A_154, %dma_start3A_155] : memref<10112x128xf32, #tpu.memory_space<vmem_shared>> -> memref<10112x128xf32, #tpu.memory_space<vmem_shared>>
        tpu.enqueue_indirect_dma source(%arg9 : memref<128x128xf32, #tpu.memory_space<vmem>>) target(%dma_start3A_156 : memref<10112x128xf32, #tpu.memory_space<vmem_shared>>) offsets(%dma_start3A_153 : memref<128xi32, #tpu.memory_space<vmem>>) semaphore(%run_scoped3A : memref<!tpu.dma_semaphore, #tpu.memory_space<semaphore_mem>>) {add = true}
        %dma_wait3A_157 = arith.constant 0 : i32
        %dma_wait3A_158 = tpu.memref_slice %arg7[%add3A_141, %dma_wait3A_157] : memref<16x128xi32, #tpu.memory_space<vmem>> -> memref<1x128xi32, #tpu.memory_space<vmem>>
        %dma_wait3A_159 = tpu.memref_squeeze %dma_wait3A_158 : memref<1x128xi32, #tpu.memory_space<vmem>> -> memref<128xi32, #tpu.memory_space<vmem>>
        %dma_wait3A_160 = arith.constant 0 : i32
        %dma_wait3A_161 = arith.constant 0 : i32
        %dma_wait3A_162 = tpu.memref_slice %arg10[%dma_wait3A_160, %dma_wait3A_161] : memref<10112x128xf32, #tpu.memory_space<vmem_shared>> -> memref<10112x128xf32, #tpu.memory_space<vmem_shared>>
        tpu.wait_indirect_dma semaphore(%run_scoped3A : memref<!tpu.dma_semaphore, #tpu.memory_space<semaphore_mem>>) src(%arg9 : memref<128x128xf32, #tpu.memory_space<vmem>>) dst(%dma_wait3A_162 : memref<10112x128xf32, #tpu.memory_space<vmem_shared>>)
        tpu.yield
      }) : () -> ()
      %add3A_142 = arith.constant 1 : i32
      %add3A_143 = arith.addi %add3A_116, %add3A_142 : i32
      %add3A_144 = arith.constant 2 : i32
      %add3A_145 = arith.addi %add3A_143, %add3A_144 : i32
      %lt3A_146 = arith.constant 16 : i32
      %lt3A_147 = arith.cmpi slt, %add3A_145, %lt3A_146 : i32
      %convert_element_type3A_148 = arith.extui %lt3A_147 : i1 to i32
      %cond3A_149 = arith.constant 0 : i32
      %cond3A_150 = arith.cmpi ne, %convert_element_type3A_148, %cond3A_149 : i32
      scf.if %cond3A_150 {
        %add3A_151 = arith.constant 1 : i32
        %add3A_152 = arith.addi %add3A_116, %add3A_151 : i32
        %add3A_153 = arith.constant 2 : i32
        %add3A_154 = arith.addi %add3A_152, %add3A_153 : i32
        %dma_start3A_155 = arith.constant 0 : i32
        %dma_start3A_156 = tpu.memref_slice %arg6[%add3A_154, %dma_start3A_155] : memref<16x128xi32, #tpu.memory_space<vmem>> -> memref<1x128xi32, #tpu.memory_space<vmem>>
        %dma_start3A_157 = tpu.memref_squeeze %dma_start3A_156 : memref<1x128xi32, #tpu.memory_space<vmem>> -> memref<128xi32, #tpu.memory_space<vmem>>
        %dma_start3A_158 = arith.constant 0 : i32
        %dma_start3A_159 = arith.constant 0 : i32
        %dma_start3A_160 = tpu.memref_slice %arg2[%dma_start3A_158, %dma_start3A_159] : memref<10000x128xf32, #tpu.memory_space<hbm>> -> memref<10000x128xf32, #tpu.memory_space<hbm>>
        tpu.enqueue_indirect_dma source(%dma_start3A_160 : memref<10000x128xf32, #tpu.memory_space<hbm>>) target(%arg9 : memref<128x128xf32, #tpu.memory_space<vmem>>) offsets(%dma_start3A_157 : memref<128xi32, #tpu.memory_space<vmem>>) semaphore(%arg12 : memref<!tpu.dma_semaphore, #tpu.memory_space<semaphore_mem>>)
      } else {
      }
    }
    %scan3A_51 = arith.constant 8 : i32
    "tpu.region"() ({
      %run_scoped3A = tpu.sem_alloc : memref<!tpu.dma_semaphore, #tpu.memory_space<semaphore_mem>>
      %dma_start3A_112 = arith.constant 0 : i32
      %dma_start3A_113 = arith.constant 0 : i32
      %dma_start3A_114 = tpu.memref_slice %arg3[%add3A, %dma_start3A_112, %dma_start3A_113] : memref<32x80x128xi32, #tpu.memory_space<hbm>> -> memref<1x80x128xi32, #tpu.memory_space<hbm>>
      %dma_start3A_115 = tpu.memref_squeeze %dma_start3A_114 : memref<1x80x128xi32, #tpu.memory_space<hbm>> -> memref<80x128xi32, #tpu.memory_space<hbm>>
      %dma_start3A_116 = arith.constant 32 : i32
      %dma_start3A_117 = arith.constant 0 : i32
      %dma_start3A_118 = tpu.memref_slice %dma_start3A_115[%dma_start3A_116, %dma_start3A_117] : memref<80x128xi32, #tpu.memory_space<hbm>> -> memref<16x128xi32, #tpu.memory_space<hbm>>
      %dma_start3A_119 = arith.constant 0 : i32
      %dma_start3A_120 = arith.constant 0 : i32
      %dma_start3A_121 = tpu.memref_slice %arg3[%add3A, %dma_start3A_119, %dma_start3A_120] : memref<32x80x128xi32, #tpu.memory_space<hbm>> -> memref<1x80x128xi32, #tpu.memory_space<hbm>>
      %dma_start3A_122 = tpu.memref_squeeze %dma_start3A_121 : memref<1x80x128xi32, #tpu.memory_space<hbm>> -> memref<80x128xi32, #tpu.memory_space<hbm>>
      %dma_start3A_123 = arith.constant 32 : i32
      %dma_start3A_124 = arith.constant 0 : i32
      %dma_start3A_125 = tpu.memref_slice %dma_start3A_122[%dma_start3A_123, %dma_start3A_124] : memref<80x128xi32, #tpu.memory_space<hbm>> -> memref<16x128xi32, #tpu.memory_space<hbm>>
      tpu.enqueue_dma source(%dma_start3A_125 : memref<16x128xi32, #tpu.memory_space<hbm>>) target(%arg6 : memref<16x128xi32, #tpu.memory_space<vmem>>) target_semaphore(%run_scoped3A : memref<!tpu.dma_semaphore, #tpu.memory_space<semaphore_mem>>)
      %dma_wait3A = arith.constant 0 : i32
      %dma_wait3A_126 = arith.constant 0 : i32
      %dma_wait3A_127 = tpu.memref_slice %arg3[%add3A, %dma_wait3A, %dma_wait3A_126] : memref<32x80x128xi32, #tpu.memory_space<hbm>> -> memref<1x80x128xi32, #tpu.memory_space<hbm>>
      %dma_wait3A_128 = tpu.memref_squeeze %dma_wait3A_127 : memref<1x80x128xi32, #tpu.memory_space<hbm>> -> memref<80x128xi32, #tpu.memory_space<hbm>>
      %dma_wait3A_129 = arith.constant 32 : i32
      %dma_wait3A_130 = arith.constant 0 : i32
      %dma_wait3A_131 = tpu.memref_slice %dma_wait3A_128[%dma_wait3A_129, %dma_wait3A_130] : memref<80x128xi32, #tpu.memory_space<hbm>> -> memref<16x128xi32, #tpu.memory_space<hbm>>
      %dma_wait3A_132 = arith.constant 0 : i32
      %dma_wait3A_133 = arith.constant 0 : i32
      %dma_wait3A_134 = tpu.memref_slice %arg3[%add3A, %dma_wait3A_132, %dma_wait3A_133] : memref<32x80x128xi32, #tpu.memory_space<hbm>> -> memref<1x80x128xi32, #tpu.memory_space<hbm>>
      %dma_wait3A_135 = tpu.memref_squeeze %dma_wait3A_134 : memref<1x80x128xi32, #tpu.memory_space<hbm>> -> memref<80x128xi32, #tpu.memory_space<hbm>>
      %dma_wait3A_136 = arith.constant 32 : i32
      %dma_wait3A_137 = arith.constant 0 : i32
      %dma_wait3A_138 = tpu.memref_slice %dma_wait3A_135[%dma_wait3A_136, %dma_wait3A_137] : memref<80x128xi32, #tpu.memory_space<hbm>> -> memref<16x128xi32, #tpu.memory_space<hbm>>
      tpu.wait_dma2 semaphore(%run_scoped3A : memref<!tpu.dma_semaphore, #tpu.memory_space<semaphore_mem>>) src(%dma_wait3A_138 : memref<16x128xi32, #tpu.memory_space<hbm>>) dst(%arg6 : memref<16x128xi32, #tpu.memory_space<vmem>>)
      tpu.yield
    }) : () -> ()
    "tpu.region"() ({
      %run_scoped3A = tpu.sem_alloc : memref<!tpu.dma_semaphore, #tpu.memory_space<semaphore_mem>>
      %dma_start3A_112 = arith.constant 0 : i32
      %dma_start3A_113 = arith.constant 0 : i32
      %dma_start3A_114 = tpu.memref_slice %arg4[%add3A, %dma_start3A_112, %dma_start3A_113] : memref<32x80x128xi32, #tpu.memory_space<hbm>> -> memref<1x80x128xi32, #tpu.memory_space<hbm>>
      %dma_start3A_115 = tpu.memref_squeeze %dma_start3A_114 : memref<1x80x128xi32, #tpu.memory_space<hbm>> -> memref<80x128xi32, #tpu.memory_space<hbm>>
      %dma_start3A_116 = arith.constant 32 : i32
      %dma_start3A_117 = arith.constant 0 : i32
      %dma_start3A_118 = tpu.memref_slice %dma_start3A_115[%dma_start3A_116, %dma_start3A_117] : memref<80x128xi32, #tpu.memory_space<hbm>> -> memref<16x128xi32, #tpu.memory_space<hbm>>
      %dma_start3A_119 = arith.constant 0 : i32
      %dma_start3A_120 = arith.constant 0 : i32
      %dma_start3A_121 = tpu.memref_slice %arg4[%add3A, %dma_start3A_119, %dma_start3A_120] : memref<32x80x128xi32, #tpu.memory_space<hbm>> -> memref<1x80x128xi32, #tpu.memory_space<hbm>>
      %dma_start3A_122 = tpu.memref_squeeze %dma_start3A_121 : memref<1x80x128xi32, #tpu.memory_space<hbm>> -> memref<80x128xi32, #tpu.memory_space<hbm>>
      %dma_start3A_123 = arith.constant 32 : i32
      %dma_start3A_124 = arith.constant 0 : i32
      %dma_start3A_125 = tpu.memref_slice %dma_start3A_122[%dma_start3A_123, %dma_start3A_124] : memref<80x128xi32, #tpu.memory_space<hbm>> -> memref<16x128xi32, #tpu.memory_space<hbm>>
      tpu.enqueue_dma source(%dma_start3A_125 : memref<16x128xi32, #tpu.memory_space<hbm>>) target(%arg7 : memref<16x128xi32, #tpu.memory_space<vmem>>) target_semaphore(%run_scoped3A : memref<!tpu.dma_semaphore, #tpu.memory_space<semaphore_mem>>)
      %dma_wait3A = arith.constant 0 : i32
      %dma_wait3A_126 = arith.constant 0 : i32
      %dma_wait3A_127 = tpu.memref_slice %arg4[%add3A, %dma_wait3A, %dma_wait3A_126] : memref<32x80x128xi32, #tpu.memory_space<hbm>> -> memref<1x80x128xi32, #tpu.memory_space<hbm>>
      %dma_wait3A_128 = tpu.memref_squeeze %dma_wait3A_127 : memref<1x80x128xi32, #tpu.memory_space<hbm>> -> memref<80x128xi32, #tpu.memory_space<hbm>>
      %dma_wait3A_129 = arith.constant 32 : i32
      %dma_wait3A_130 = arith.constant 0 : i32
      %dma_wait3A_131 = tpu.memref_slice %dma_wait3A_128[%dma_wait3A_129, %dma_wait3A_130] : memref<80x128xi32, #tpu.memory_space<hbm>> -> memref<16x128xi32, #tpu.memory_space<hbm>>
      %dma_wait3A_132 = arith.constant 0 : i32
      %dma_wait3A_133 = arith.constant 0 : i32
      %dma_wait3A_134 = tpu.memref_slice %arg4[%add3A, %dma_wait3A_132, %dma_wait3A_133] : memref<32x80x128xi32, #tpu.memory_space<hbm>> -> memref<1x80x128xi32, #tpu.memory_space<hbm>>
      %dma_wait3A_135 = tpu.memref_squeeze %dma_wait3A_134 : memref<1x80x128xi32, #tpu.memory_space<hbm>> -> memref<80x128xi32, #tpu.memory_space<hbm>>
      %dma_wait3A_136 = arith.constant 32 : i32
      %dma_wait3A_137 = arith.constant 0 : i32
      %dma_wait3A_138 = tpu.memref_slice %dma_wait3A_135[%dma_wait3A_136, %dma_wait3A_137] : memref<80x128xi32, #tpu.memory_space<hbm>> -> memref<16x128xi32, #tpu.memory_space<hbm>>
      tpu.wait_dma2 semaphore(%run_scoped3A : memref<!tpu.dma_semaphore, #tpu.memory_space<semaphore_mem>>) src(%dma_wait3A_138 : memref<16x128xi32, #tpu.memory_space<hbm>>) dst(%arg7 : memref<16x128xi32, #tpu.memory_space<vmem>>)
      tpu.yield
    }) : () -> ()
    %dma_start3A_52 = arith.constant 0 : i32
    %dma_start3A_53 = arith.constant 0 : i32
    %dma_start3A_54 = tpu.memref_slice %arg6[%dma_start3A_52, %dma_start3A_53] : memref<16x128xi32, #tpu.memory_space<vmem>> -> memref<1x128xi32, #tpu.memory_space<vmem>>
    %dma_start3A_55 = tpu.memref_squeeze %dma_start3A_54 : memref<1x128xi32, #tpu.memory_space<vmem>> -> memref<128xi32, #tpu.memory_space<vmem>>
    %dma_start3A_56 = arith.constant 0 : i32
    %dma_start3A_57 = arith.constant 0 : i32
    %dma_start3A_58 = tpu.memref_slice %arg2[%dma_start3A_56, %dma_start3A_57] : memref<10000x128xf32, #tpu.memory_space<hbm>> -> memref<10000x128xf32, #tpu.memory_space<hbm>>
    tpu.enqueue_indirect_dma source(%dma_start3A_58 : memref<10000x128xf32, #tpu.memory_space<hbm>>) target(%arg8 : memref<128x128xf32, #tpu.memory_space<vmem>>) offsets(%dma_start3A_55 : memref<128xi32, #tpu.memory_space<vmem>>) semaphore(%arg11 : memref<!tpu.dma_semaphore, #tpu.memory_space<semaphore_mem>>)
    %dma_start3A_59 = arith.constant 1 : i32
    %dma_start3A_60 = arith.constant 0 : i32
    %dma_start3A_61 = tpu.memref_slice %arg6[%dma_start3A_59, %dma_start3A_60] : memref<16x128xi32, #tpu.memory_space<vmem>> -> memref<1x128xi32, #tpu.memory_space<vmem>>
    %dma_start3A_62 = tpu.memref_squeeze %dma_start3A_61 : memref<1x128xi32, #tpu.memory_space<vmem>> -> memref<128xi32, #tpu.memory_space<vmem>>
    %dma_start3A_63 = arith.constant 0 : i32
    %dma_start3A_64 = arith.constant 0 : i32
    %dma_start3A_65 = tpu.memref_slice %arg2[%dma_start3A_63, %dma_start3A_64] : memref<10000x128xf32, #tpu.memory_space<hbm>> -> memref<10000x128xf32, #tpu.memory_space<hbm>>
    tpu.enqueue_indirect_dma source(%dma_start3A_65 : memref<10000x128xf32, #tpu.memory_space<hbm>>) target(%arg9 : memref<128x128xf32, #tpu.memory_space<vmem>>) offsets(%dma_start3A_62 : memref<128xi32, #tpu.memory_space<vmem>>) semaphore(%arg12 : memref<!tpu.dma_semaphore, #tpu.memory_space<semaphore_mem>>)
    %scan3A_66 = arith.constant 0 : i32
    %scan3A_67 = arith.constant 8 : i32
    %scan3A_68 = arith.addi %scan3A_66, %scan3A_67 : i32
    %scan3A_69 = arith.constant 1 : i32
    scf.for %scan3A_112 = %scan3A_66 to %scan3A_68 step %scan3A_69  : i32 {
      %mul3A_113 = arith.constant 2 : i32
      %mul3A_114 = arith.muli %scan3A_112, %mul3A_113 : i32
      %add3A_115 = arith.constant 0 : i32
      %add3A_116 = arith.addi %add3A_115, %mul3A_114 : i32
      %add3A_117 = arith.constant 0 : i32
      %add3A_118 = arith.addi %add3A_116, %add3A_117 : i32
      %dma_wait3A = arith.constant 0 : i32
      %dma_wait3A_119 = tpu.memref_slice %arg6[%add3A_118, %dma_wait3A] : memref<16x128xi32, #tpu.memory_space<vmem>> -> memref<1x128xi32, #tpu.memory_space<vmem>>
      %dma_wait3A_120 = tpu.memref_squeeze %dma_wait3A_119 : memref<1x128xi32, #tpu.memory_space<vmem>> -> memref<128xi32, #tpu.memory_space<vmem>>
      %dma_wait3A_121 = arith.constant 0 : i32
      %dma_wait3A_122 = arith.constant 0 : i32
      %dma_wait3A_123 = tpu.memref_slice %arg2[%dma_wait3A_121, %dma_wait3A_122] : memref<10000x128xf32, #tpu.memory_space<hbm>> -> memref<10000x128xf32, #tpu.memory_space<hbm>>
      tpu.wait_indirect_dma semaphore(%arg11 : memref<!tpu.dma_semaphore, #tpu.memory_space<semaphore_mem>>) src(%dma_wait3A_123 : memref<10000x128xf32, #tpu.memory_space<hbm>>) dst(%arg8 : memref<128x128xf32, #tpu.memory_space<vmem>>)
      %add3A_124 = arith.constant 0 : i32
      %add3A_125 = arith.addi %add3A_116, %add3A_124 : i32
      "tpu.region"() ({
        %run_scoped3A = tpu.sem_alloc : memref<!tpu.dma_semaphore, #tpu.memory_space<semaphore_mem>>
        %dma_start3A_151 = arith.constant 0 : i32
        %dma_start3A_152 = tpu.memref_slice %arg7[%add3A_125, %dma_start3A_151] : memref<16x128xi32, #tpu.memory_space<vmem>> -> memref<1x128xi32, #tpu.memory_space<vmem>>
        %dma_start3A_153 = tpu.memref_squeeze %dma_start3A_152 : memref<1x128xi32, #tpu.memory_space<vmem>> -> memref<128xi32, #tpu.memory_space<vmem>>
        %dma_start3A_154 = arith.constant 0 : i32
        %dma_start3A_155 = arith.constant 0 : i32
        %dma_start3A_156 = tpu.memref_slice %arg10[%dma_start3A_154, %dma_start3A_155] : memref<10112x128xf32, #tpu.memory_space<vmem_shared>> -> memref<10112x128xf32, #tpu.memory_space<vmem_shared>>
        tpu.enqueue_indirect_dma source(%arg8 : memref<128x128xf32, #tpu.memory_space<vmem>>) target(%dma_start3A_156 : memref<10112x128xf32, #tpu.memory_space<vmem_shared>>) offsets(%dma_start3A_153 : memref<128xi32, #tpu.memory_space<vmem>>) semaphore(%run_scoped3A : memref<!tpu.dma_semaphore, #tpu.memory_space<semaphore_mem>>) {add = true}
        %dma_wait3A_157 = arith.constant 0 : i32
        %dma_wait3A_158 = tpu.memref_slice %arg7[%add3A_125, %dma_wait3A_157] : memref<16x128xi32, #tpu.memory_space<vmem>> -> memref<1x128xi32, #tpu.memory_space<vmem>>
        %dma_wait3A_159 = tpu.memref_squeeze %dma_wait3A_158 : memref<1x128xi32, #tpu.memory_space<vmem>> -> memref<128xi32, #tpu.memory_space<vmem>>
        %dma_wait3A_160 = arith.constant 0 : i32
        %dma_wait3A_161 = arith.constant 0 : i32
        %dma_wait3A_162 = tpu.memref_slice %arg10[%dma_wait3A_160, %dma_wait3A_161] : memref<10112x128xf32, #tpu.memory_space<vmem_shared>> -> memref<10112x128xf32, #tpu.memory_space<vmem_shared>>
        tpu.wait_indirect_dma semaphore(%run_scoped3A : memref<!tpu.dma_semaphore, #tpu.memory_space<semaphore_mem>>) src(%arg8 : memref<128x128xf32, #tpu.memory_space<vmem>>) dst(%dma_wait3A_162 : memref<10112x128xf32, #tpu.memory_space<vmem_shared>>)
        tpu.yield
      }) : () -> ()
      %add3A_126 = arith.constant 0 : i32
      %add3A_127 = arith.addi %add3A_116, %add3A_126 : i32
      %add3A_128 = arith.constant 2 : i32
      %add3A_129 = arith.addi %add3A_127, %add3A_128 : i32
      %lt3A = arith.constant 16 : i32
      %lt3A_130 = arith.cmpi slt, %add3A_129, %lt3A : i32
      %convert_element_type3A = arith.extui %lt3A_130 : i1 to i32
      %cond3A = arith.constant 0 : i32
      %cond3A_131 = arith.cmpi ne, %convert_element_type3A, %cond3A : i32
      scf.if %cond3A_131 {
        %add3A_151 = arith.constant 0 : i32
        %add3A_152 = arith.addi %add3A_116, %add3A_151 : i32
        %add3A_153 = arith.constant 2 : i32
        %add3A_154 = arith.addi %add3A_152, %add3A_153 : i32
        %dma_start3A_155 = arith.constant 0 : i32
        %dma_start3A_156 = tpu.memref_slice %arg6[%add3A_154, %dma_start3A_155] : memref<16x128xi32, #tpu.memory_space<vmem>> -> memref<1x128xi32, #tpu.memory_space<vmem>>
        %dma_start3A_157 = tpu.memref_squeeze %dma_start3A_156 : memref<1x128xi32, #tpu.memory_space<vmem>> -> memref<128xi32, #tpu.memory_space<vmem>>
        %dma_start3A_158 = arith.constant 0 : i32
        %dma_start3A_159 = arith.constant 0 : i32
        %dma_start3A_160 = tpu.memref_slice %arg2[%dma_start3A_158, %dma_start3A_159] : memref<10000x128xf32, #tpu.memory_space<hbm>> -> memref<10000x128xf32, #tpu.memory_space<hbm>>
        tpu.enqueue_indirect_dma source(%dma_start3A_160 : memref<10000x128xf32, #tpu.memory_space<hbm>>) target(%arg8 : memref<128x128xf32, #tpu.memory_space<vmem>>) offsets(%dma_start3A_157 : memref<128xi32, #tpu.memory_space<vmem>>) semaphore(%arg11 : memref<!tpu.dma_semaphore, #tpu.memory_space<semaphore_mem>>)
      } else {
      }
      %add3A_132 = arith.constant 1 : i32
      %add3A_133 = arith.addi %add3A_116, %add3A_132 : i32
      %dma_wait3A_134 = arith.constant 0 : i32
      %dma_wait3A_135 = tpu.memref_slice %arg6[%add3A_133, %dma_wait3A_134] : memref<16x128xi32, #tpu.memory_space<vmem>> -> memref<1x128xi32, #tpu.memory_space<vmem>>
      %dma_wait3A_136 = tpu.memref_squeeze %dma_wait3A_135 : memref<1x128xi32, #tpu.memory_space<vmem>> -> memref<128xi32, #tpu.memory_space<vmem>>
      %dma_wait3A_137 = arith.constant 0 : i32
      %dma_wait3A_138 = arith.constant 0 : i32
      %dma_wait3A_139 = tpu.memref_slice %arg2[%dma_wait3A_137, %dma_wait3A_138] : memref<10000x128xf32, #tpu.memory_space<hbm>> -> memref<10000x128xf32, #tpu.memory_space<hbm>>
      tpu.wait_indirect_dma semaphore(%arg12 : memref<!tpu.dma_semaphore, #tpu.memory_space<semaphore_mem>>) src(%dma_wait3A_139 : memref<10000x128xf32, #tpu.memory_space<hbm>>) dst(%arg9 : memref<128x128xf32, #tpu.memory_space<vmem>>)
      %add3A_140 = arith.constant 1 : i32
      %add3A_141 = arith.addi %add3A_116, %add3A_140 : i32
      "tpu.region"() ({
        %run_scoped3A = tpu.sem_alloc : memref<!tpu.dma_semaphore, #tpu.memory_space<semaphore_mem>>
        %dma_start3A_151 = arith.constant 0 : i32
        %dma_start3A_152 = tpu.memref_slice %arg7[%add3A_141, %dma_start3A_151] : memref<16x128xi32, #tpu.memory_space<vmem>> -> memref<1x128xi32, #tpu.memory_space<vmem>>
        %dma_start3A_153 = tpu.memref_squeeze %dma_start3A_152 : memref<1x128xi32, #tpu.memory_space<vmem>> -> memref<128xi32, #tpu.memory_space<vmem>>
        %dma_start3A_154 = arith.constant 0 : i32
        %dma_start3A_155 = arith.constant 0 : i32
        %dma_start3A_156 = tpu.memref_slice %arg10[%dma_start3A_154, %dma_start3A_155] : memref<10112x128xf32, #tpu.memory_space<vmem_shared>> -> memref<10112x128xf32, #tpu.memory_space<vmem_shared>>
        tpu.enqueue_indirect_dma source(%arg9 : memref<128x128xf32, #tpu.memory_space<vmem>>) target(%dma_start3A_156 : memref<10112x128xf32, #tpu.memory_space<vmem_shared>>) offsets(%dma_start3A_153 : memref<128xi32, #tpu.memory_space<vmem>>) semaphore(%run_scoped3A : memref<!tpu.dma_semaphore, #tpu.memory_space<semaphore_mem>>) {add = true}
        %dma_wait3A_157 = arith.constant 0 : i32
        %dma_wait3A_158 = tpu.memref_slice %arg7[%add3A_141, %dma_wait3A_157] : memref<16x128xi32, #tpu.memory_space<vmem>> -> memref<1x128xi32, #tpu.memory_space<vmem>>
        %dma_wait3A_159 = tpu.memref_squeeze %dma_wait3A_158 : memref<1x128xi32, #tpu.memory_space<vmem>> -> memref<128xi32, #tpu.memory_space<vmem>>
        %dma_wait3A_160 = arith.constant 0 : i32
        %dma_wait3A_161 = arith.constant 0 : i32
        %dma_wait3A_162 = tpu.memref_slice %arg10[%dma_wait3A_160, %dma_wait3A_161] : memref<10112x128xf32, #tpu.memory_space<vmem_shared>> -> memref<10112x128xf32, #tpu.memory_space<vmem_shared>>
        tpu.wait_indirect_dma semaphore(%run_scoped3A : memref<!tpu.dma_semaphore, #tpu.memory_space<semaphore_mem>>) src(%arg9 : memref<128x128xf32, #tpu.memory_space<vmem>>) dst(%dma_wait3A_162 : memref<10112x128xf32, #tpu.memory_space<vmem_shared>>)
        tpu.yield
      }) : () -> ()
      %add3A_142 = arith.constant 1 : i32
      %add3A_143 = arith.addi %add3A_116, %add3A_142 : i32
      %add3A_144 = arith.constant 2 : i32
      %add3A_145 = arith.addi %add3A_143, %add3A_144 : i32
      %lt3A_146 = arith.constant 16 : i32
      %lt3A_147 = arith.cmpi slt, %add3A_145, %lt3A_146 : i32
      %convert_element_type3A_148 = arith.extui %lt3A_147 : i1 to i32
      %cond3A_149 = arith.constant 0 : i32
      %cond3A_150 = arith.cmpi ne, %convert_element_type3A_148, %cond3A_149 : i32
      scf.if %cond3A_150 {
        %add3A_151 = arith.constant 1 : i32
        %add3A_152 = arith.addi %add3A_116, %add3A_151 : i32
        %add3A_153 = arith.constant 2 : i32
        %add3A_154 = arith.addi %add3A_152, %add3A_153 : i32
        %dma_start3A_155 = arith.constant 0 : i32
        %dma_start3A_156 = tpu.memref_slice %arg6[%add3A_154, %dma_start3A_155] : memref<16x128xi32, #tpu.memory_space<vmem>> -> memref<1x128xi32, #tpu.memory_space<vmem>>
        %dma_start3A_157 = tpu.memref_squeeze %dma_start3A_156 : memref<1x128xi32, #tpu.memory_space<vmem>> -> memref<128xi32, #tpu.memory_space<vmem>>
        %dma_start3A_158 = arith.constant 0 : i32
        %dma_start3A_159 = arith.constant 0 : i32
        %dma_start3A_160 = tpu.memref_slice %arg2[%dma_start3A_158, %dma_start3A_159] : memref<10000x128xf32, #tpu.memory_space<hbm>> -> memref<10000x128xf32, #tpu.memory_space<hbm>>
        tpu.enqueue_indirect_dma source(%dma_start3A_160 : memref<10000x128xf32, #tpu.memory_space<hbm>>) target(%arg9 : memref<128x128xf32, #tpu.memory_space<vmem>>) offsets(%dma_start3A_157 : memref<128xi32, #tpu.memory_space<vmem>>) semaphore(%arg12 : memref<!tpu.dma_semaphore, #tpu.memory_space<semaphore_mem>>)
      } else {
      }
    }
    %scan3A_70 = arith.constant 8 : i32
    "tpu.region"() ({
      %run_scoped3A = tpu.sem_alloc : memref<!tpu.dma_semaphore, #tpu.memory_space<semaphore_mem>>
      %dma_start3A_112 = arith.constant 0 : i32
      %dma_start3A_113 = arith.constant 0 : i32
      %dma_start3A_114 = tpu.memref_slice %arg3[%add3A, %dma_start3A_112, %dma_start3A_113] : memref<32x80x128xi32, #tpu.memory_space<hbm>> -> memref<1x80x128xi32, #tpu.memory_space<hbm>>
      %dma_start3A_115 = tpu.memref_squeeze %dma_start3A_114 : memref<1x80x128xi32, #tpu.memory_space<hbm>> -> memref<80x128xi32, #tpu.memory_space<hbm>>
      %dma_start3A_116 = arith.constant 48 : i32
      %dma_start3A_117 = arith.constant 0 : i32
      %dma_start3A_118 = tpu.memref_slice %dma_start3A_115[%dma_start3A_116, %dma_start3A_117] : memref<80x128xi32, #tpu.memory_space<hbm>> -> memref<16x128xi32, #tpu.memory_space<hbm>>
      %dma_start3A_119 = arith.constant 0 : i32
      %dma_start3A_120 = arith.constant 0 : i32
      %dma_start3A_121 = tpu.memref_slice %arg3[%add3A, %dma_start3A_119, %dma_start3A_120] : memref<32x80x128xi32, #tpu.memory_space<hbm>> -> memref<1x80x128xi32, #tpu.memory_space<hbm>>
      %dma_start3A_122 = tpu.memref_squeeze %dma_start3A_121 : memref<1x80x128xi32, #tpu.memory_space<hbm>> -> memref<80x128xi32, #tpu.memory_space<hbm>>
      %dma_start3A_123 = arith.constant 48 : i32
      %dma_start3A_124 = arith.constant 0 : i32
      %dma_start3A_125 = tpu.memref_slice %dma_start3A_122[%dma_start3A_123, %dma_start3A_124] : memref<80x128xi32, #tpu.memory_space<hbm>> -> memref<16x128xi32, #tpu.memory_space<hbm>>
      tpu.enqueue_dma source(%dma_start3A_125 : memref<16x128xi32, #tpu.memory_space<hbm>>) target(%arg6 : memref<16x128xi32, #tpu.memory_space<vmem>>) target_semaphore(%run_scoped3A : memref<!tpu.dma_semaphore, #tpu.memory_space<semaphore_mem>>)
      %dma_wait3A = arith.constant 0 : i32
      %dma_wait3A_126 = arith.constant 0 : i32
      %dma_wait3A_127 = tpu.memref_slice %arg3[%add3A, %dma_wait3A, %dma_wait3A_126] : memref<32x80x128xi32, #tpu.memory_space<hbm>> -> memref<1x80x128xi32, #tpu.memory_space<hbm>>
      %dma_wait3A_128 = tpu.memref_squeeze %dma_wait3A_127 : memref<1x80x128xi32, #tpu.memory_space<hbm>> -> memref<80x128xi32, #tpu.memory_space<hbm>>
      %dma_wait3A_129 = arith.constant 48 : i32
      %dma_wait3A_130 = arith.constant 0 : i32
      %dma_wait3A_131 = tpu.memref_slice %dma_wait3A_128[%dma_wait3A_129, %dma_wait3A_130] : memref<80x128xi32, #tpu.memory_space<hbm>> -> memref<16x128xi32, #tpu.memory_space<hbm>>
      %dma_wait3A_132 = arith.constant 0 : i32
      %dma_wait3A_133 = arith.constant 0 : i32
      %dma_wait3A_134 = tpu.memref_slice %arg3[%add3A, %dma_wait3A_132, %dma_wait3A_133] : memref<32x80x128xi32, #tpu.memory_space<hbm>> -> memref<1x80x128xi32, #tpu.memory_space<hbm>>
      %dma_wait3A_135 = tpu.memref_squeeze %dma_wait3A_134 : memref<1x80x128xi32, #tpu.memory_space<hbm>> -> memref<80x128xi32, #tpu.memory_space<hbm>>
      %dma_wait3A_136 = arith.constant 48 : i32
      %dma_wait3A_137 = arith.constant 0 : i32
      %dma_wait3A_138 = tpu.memref_slice %dma_wait3A_135[%dma_wait3A_136, %dma_wait3A_137] : memref<80x128xi32, #tpu.memory_space<hbm>> -> memref<16x128xi32, #tpu.memory_space<hbm>>
      tpu.wait_dma2 semaphore(%run_scoped3A : memref<!tpu.dma_semaphore, #tpu.memory_space<semaphore_mem>>) src(%dma_wait3A_138 : memref<16x128xi32, #tpu.memory_space<hbm>>) dst(%arg6 : memref<16x128xi32, #tpu.memory_space<vmem>>)
      tpu.yield
    }) : () -> ()
    "tpu.region"() ({
      %run_scoped3A = tpu.sem_alloc : memref<!tpu.dma_semaphore, #tpu.memory_space<semaphore_mem>>
      %dma_start3A_112 = arith.constant 0 : i32
      %dma_start3A_113 = arith.constant 0 : i32
      %dma_start3A_114 = tpu.memref_slice %arg4[%add3A, %dma_start3A_112, %dma_start3A_113] : memref<32x80x128xi32, #tpu.memory_space<hbm>> -> memref<1x80x128xi32, #tpu.memory_space<hbm>>
      %dma_start3A_115 = tpu.memref_squeeze %dma_start3A_114 : memref<1x80x128xi32, #tpu.memory_space<hbm>> -> memref<80x128xi32, #tpu.memory_space<hbm>>
      %dma_start3A_116 = arith.constant 48 : i32
      %dma_start3A_117 = arith.constant 0 : i32
      %dma_start3A_118 = tpu.memref_slice %dma_start3A_115[%dma_start3A_116, %dma_start3A_117] : memref<80x128xi32, #tpu.memory_space<hbm>> -> memref<16x128xi32, #tpu.memory_space<hbm>>
      %dma_start3A_119 = arith.constant 0 : i32
      %dma_start3A_120 = arith.constant 0 : i32
      %dma_start3A_121 = tpu.memref_slice %arg4[%add3A, %dma_start3A_119, %dma_start3A_120] : memref<32x80x128xi32, #tpu.memory_space<hbm>> -> memref<1x80x128xi32, #tpu.memory_space<hbm>>
      %dma_start3A_122 = tpu.memref_squeeze %dma_start3A_121 : memref<1x80x128xi32, #tpu.memory_space<hbm>> -> memref<80x128xi32, #tpu.memory_space<hbm>>
      %dma_start3A_123 = arith.constant 48 : i32
      %dma_start3A_124 = arith.constant 0 : i32
      %dma_start3A_125 = tpu.memref_slice %dma_start3A_122[%dma_start3A_123, %dma_start3A_124] : memref<80x128xi32, #tpu.memory_space<hbm>> -> memref<16x128xi32, #tpu.memory_space<hbm>>
      tpu.enqueue_dma source(%dma_start3A_125 : memref<16x128xi32, #tpu.memory_space<hbm>>) target(%arg7 : memref<16x128xi32, #tpu.memory_space<vmem>>) target_semaphore(%run_scoped3A : memref<!tpu.dma_semaphore, #tpu.memory_space<semaphore_mem>>)
      %dma_wait3A = arith.constant 0 : i32
      %dma_wait3A_126 = arith.constant 0 : i32
      %dma_wait3A_127 = tpu.memref_slice %arg4[%add3A, %dma_wait3A, %dma_wait3A_126] : memref<32x80x128xi32, #tpu.memory_space<hbm>> -> memref<1x80x128xi32, #tpu.memory_space<hbm>>
      %dma_wait3A_128 = tpu.memref_squeeze %dma_wait3A_127 : memref<1x80x128xi32, #tpu.memory_space<hbm>> -> memref<80x128xi32, #tpu.memory_space<hbm>>
      %dma_wait3A_129 = arith.constant 48 : i32
      %dma_wait3A_130 = arith.constant 0 : i32
      %dma_wait3A_131 = tpu.memref_slice %dma_wait3A_128[%dma_wait3A_129, %dma_wait3A_130] : memref<80x128xi32, #tpu.memory_space<hbm>> -> memref<16x128xi32, #tpu.memory_space<hbm>>
      %dma_wait3A_132 = arith.constant 0 : i32
      %dma_wait3A_133 = arith.constant 0 : i32
      %dma_wait3A_134 = tpu.memref_slice %arg4[%add3A, %dma_wait3A_132, %dma_wait3A_133] : memref<32x80x128xi32, #tpu.memory_space<hbm>> -> memref<1x80x128xi32, #tpu.memory_space<hbm>>
      %dma_wait3A_135 = tpu.memref_squeeze %dma_wait3A_134 : memref<1x80x128xi32, #tpu.memory_space<hbm>> -> memref<80x128xi32, #tpu.memory_space<hbm>>
      %dma_wait3A_136 = arith.constant 48 : i32
      %dma_wait3A_137 = arith.constant 0 : i32
      %dma_wait3A_138 = tpu.memref_slice %dma_wait3A_135[%dma_wait3A_136, %dma_wait3A_137] : memref<80x128xi32, #tpu.memory_space<hbm>> -> memref<16x128xi32, #tpu.memory_space<hbm>>
      tpu.wait_dma2 semaphore(%run_scoped3A : memref<!tpu.dma_semaphore, #tpu.memory_space<semaphore_mem>>) src(%dma_wait3A_138 : memref<16x128xi32, #tpu.memory_space<hbm>>) dst(%arg7 : memref<16x128xi32, #tpu.memory_space<vmem>>)
      tpu.yield
    }) : () -> ()
    %dma_start3A_71 = arith.constant 0 : i32
    %dma_start3A_72 = arith.constant 0 : i32
    %dma_start3A_73 = tpu.memref_slice %arg6[%dma_start3A_71, %dma_start3A_72] : memref<16x128xi32, #tpu.memory_space<vmem>> -> memref<1x128xi32, #tpu.memory_space<vmem>>
    %dma_start3A_74 = tpu.memref_squeeze %dma_start3A_73 : memref<1x128xi32, #tpu.memory_space<vmem>> -> memref<128xi32, #tpu.memory_space<vmem>>
    %dma_start3A_75 = arith.constant 0 : i32
    %dma_start3A_76 = arith.constant 0 : i32
    %dma_start3A_77 = tpu.memref_slice %arg2[%dma_start3A_75, %dma_start3A_76] : memref<10000x128xf32, #tpu.memory_space<hbm>> -> memref<10000x128xf32, #tpu.memory_space<hbm>>
    tpu.enqueue_indirect_dma source(%dma_start3A_77 : memref<10000x128xf32, #tpu.memory_space<hbm>>) target(%arg8 : memref<128x128xf32, #tpu.memory_space<vmem>>) offsets(%dma_start3A_74 : memref<128xi32, #tpu.memory_space<vmem>>) semaphore(%arg11 : memref<!tpu.dma_semaphore, #tpu.memory_space<semaphore_mem>>)
    %dma_start3A_78 = arith.constant 1 : i32
    %dma_start3A_79 = arith.constant 0 : i32
    %dma_start3A_80 = tpu.memref_slice %arg6[%dma_start3A_78, %dma_start3A_79] : memref<16x128xi32, #tpu.memory_space<vmem>> -> memref<1x128xi32, #tpu.memory_space<vmem>>
    %dma_start3A_81 = tpu.memref_squeeze %dma_start3A_80 : memref<1x128xi32, #tpu.memory_space<vmem>> -> memref<128xi32, #tpu.memory_space<vmem>>
    %dma_start3A_82 = arith.constant 0 : i32
    %dma_start3A_83 = arith.constant 0 : i32
    %dma_start3A_84 = tpu.memref_slice %arg2[%dma_start3A_82, %dma_start3A_83] : memref<10000x128xf32, #tpu.memory_space<hbm>> -> memref<10000x128xf32, #tpu.memory_space<hbm>>
    tpu.enqueue_indirect_dma source(%dma_start3A_84 : memref<10000x128xf32, #tpu.memory_space<hbm>>) target(%arg9 : memref<128x128xf32, #tpu.memory_space<vmem>>) offsets(%dma_start3A_81 : memref<128xi32, #tpu.memory_space<vmem>>) semaphore(%arg12 : memref<!tpu.dma_semaphore, #tpu.memory_space<semaphore_mem>>)
    %scan3A_85 = arith.constant 0 : i32
    %scan3A_86 = arith.constant 8 : i32
    %scan3A_87 = arith.addi %scan3A_85, %scan3A_86 : i32
    %scan3A_88 = arith.constant 1 : i32
    scf.for %scan3A_112 = %scan3A_85 to %scan3A_87 step %scan3A_88  : i32 {
      %mul3A_113 = arith.constant 2 : i32
      %mul3A_114 = arith.muli %scan3A_112, %mul3A_113 : i32
      %add3A_115 = arith.constant 0 : i32
      %add3A_116 = arith.addi %add3A_115, %mul3A_114 : i32
      %add3A_117 = arith.constant 0 : i32
      %add3A_118 = arith.addi %add3A_116, %add3A_117 : i32
      %dma_wait3A = arith.constant 0 : i32
      %dma_wait3A_119 = tpu.memref_slice %arg6[%add3A_118, %dma_wait3A] : memref<16x128xi32, #tpu.memory_space<vmem>> -> memref<1x128xi32, #tpu.memory_space<vmem>>
      %dma_wait3A_120 = tpu.memref_squeeze %dma_wait3A_119 : memref<1x128xi32, #tpu.memory_space<vmem>> -> memref<128xi32, #tpu.memory_space<vmem>>
      %dma_wait3A_121 = arith.constant 0 : i32
      %dma_wait3A_122 = arith.constant 0 : i32
      %dma_wait3A_123 = tpu.memref_slice %arg2[%dma_wait3A_121, %dma_wait3A_122] : memref<10000x128xf32, #tpu.memory_space<hbm>> -> memref<10000x128xf32, #tpu.memory_space<hbm>>
      tpu.wait_indirect_dma semaphore(%arg11 : memref<!tpu.dma_semaphore, #tpu.memory_space<semaphore_mem>>) src(%dma_wait3A_123 : memref<10000x128xf32, #tpu.memory_space<hbm>>) dst(%arg8 : memref<128x128xf32, #tpu.memory_space<vmem>>)
      %add3A_124 = arith.constant 0 : i32
      %add3A_125 = arith.addi %add3A_116, %add3A_124 : i32
      "tpu.region"() ({
        %run_scoped3A = tpu.sem_alloc : memref<!tpu.dma_semaphore, #tpu.memory_space<semaphore_mem>>
        %dma_start3A_151 = arith.constant 0 : i32
        %dma_start3A_152 = tpu.memref_slice %arg7[%add3A_125, %dma_start3A_151] : memref<16x128xi32, #tpu.memory_space<vmem>> -> memref<1x128xi32, #tpu.memory_space<vmem>>
        %dma_start3A_153 = tpu.memref_squeeze %dma_start3A_152 : memref<1x128xi32, #tpu.memory_space<vmem>> -> memref<128xi32, #tpu.memory_space<vmem>>
        %dma_start3A_154 = arith.constant 0 : i32
        %dma_start3A_155 = arith.constant 0 : i32
        %dma_start3A_156 = tpu.memref_slice %arg10[%dma_start3A_154, %dma_start3A_155] : memref<10112x128xf32, #tpu.memory_space<vmem_shared>> -> memref<10112x128xf32, #tpu.memory_space<vmem_shared>>
        tpu.enqueue_indirect_dma source(%arg8 : memref<128x128xf32, #tpu.memory_space<vmem>>) target(%dma_start3A_156 : memref<10112x128xf32, #tpu.memory_space<vmem_shared>>) offsets(%dma_start3A_153 : memref<128xi32, #tpu.memory_space<vmem>>) semaphore(%run_scoped3A : memref<!tpu.dma_semaphore, #tpu.memory_space<semaphore_mem>>) {add = true}
        %dma_wait3A_157 = arith.constant 0 : i32
        %dma_wait3A_158 = tpu.memref_slice %arg7[%add3A_125, %dma_wait3A_157] : memref<16x128xi32, #tpu.memory_space<vmem>> -> memref<1x128xi32, #tpu.memory_space<vmem>>
        %dma_wait3A_159 = tpu.memref_squeeze %dma_wait3A_158 : memref<1x128xi32, #tpu.memory_space<vmem>> -> memref<128xi32, #tpu.memory_space<vmem>>
        %dma_wait3A_160 = arith.constant 0 : i32
        %dma_wait3A_161 = arith.constant 0 : i32
        %dma_wait3A_162 = tpu.memref_slice %arg10[%dma_wait3A_160, %dma_wait3A_161] : memref<10112x128xf32, #tpu.memory_space<vmem_shared>> -> memref<10112x128xf32, #tpu.memory_space<vmem_shared>>
        tpu.wait_indirect_dma semaphore(%run_scoped3A : memref<!tpu.dma_semaphore, #tpu.memory_space<semaphore_mem>>) src(%arg8 : memref<128x128xf32, #tpu.memory_space<vmem>>) dst(%dma_wait3A_162 : memref<10112x128xf32, #tpu.memory_space<vmem_shared>>)
        tpu.yield
      }) : () -> ()
      %add3A_126 = arith.constant 0 : i32
      %add3A_127 = arith.addi %add3A_116, %add3A_126 : i32
      %add3A_128 = arith.constant 2 : i32
      %add3A_129 = arith.addi %add3A_127, %add3A_128 : i32
      %lt3A = arith.constant 16 : i32
      %lt3A_130 = arith.cmpi slt, %add3A_129, %lt3A : i32
      %convert_element_type3A = arith.extui %lt3A_130 : i1 to i32
      %cond3A = arith.constant 0 : i32
      %cond3A_131 = arith.cmpi ne, %convert_element_type3A, %cond3A : i32
      scf.if %cond3A_131 {
        %add3A_151 = arith.constant 0 : i32
        %add3A_152 = arith.addi %add3A_116, %add3A_151 : i32
        %add3A_153 = arith.constant 2 : i32
        %add3A_154 = arith.addi %add3A_152, %add3A_153 : i32
        %dma_start3A_155 = arith.constant 0 : i32
        %dma_start3A_156 = tpu.memref_slice %arg6[%add3A_154, %dma_start3A_155] : memref<16x128xi32, #tpu.memory_space<vmem>> -> memref<1x128xi32, #tpu.memory_space<vmem>>
        %dma_start3A_157 = tpu.memref_squeeze %dma_start3A_156 : memref<1x128xi32, #tpu.memory_space<vmem>> -> memref<128xi32, #tpu.memory_space<vmem>>
        %dma_start3A_158 = arith.constant 0 : i32
        %dma_start3A_159 = arith.constant 0 : i32
        %dma_start3A_160 = tpu.memref_slice %arg2[%dma_start3A_158, %dma_start3A_159] : memref<10000x128xf32, #tpu.memory_space<hbm>> -> memref<10000x128xf32, #tpu.memory_space<hbm>>
        tpu.enqueue_indirect_dma source(%dma_start3A_160 : memref<10000x128xf32, #tpu.memory_space<hbm>>) target(%arg8 : memref<128x128xf32, #tpu.memory_space<vmem>>) offsets(%dma_start3A_157 : memref<128xi32, #tpu.memory_space<vmem>>) semaphore(%arg11 : memref<!tpu.dma_semaphore, #tpu.memory_space<semaphore_mem>>)
      } else {
      }
      %add3A_132 = arith.constant 1 : i32
      %add3A_133 = arith.addi %add3A_116, %add3A_132 : i32
      %dma_wait3A_134 = arith.constant 0 : i32
      %dma_wait3A_135 = tpu.memref_slice %arg6[%add3A_133, %dma_wait3A_134] : memref<16x128xi32, #tpu.memory_space<vmem>> -> memref<1x128xi32, #tpu.memory_space<vmem>>
      %dma_wait3A_136 = tpu.memref_squeeze %dma_wait3A_135 : memref<1x128xi32, #tpu.memory_space<vmem>> -> memref<128xi32, #tpu.memory_space<vmem>>
      %dma_wait3A_137 = arith.constant 0 : i32
      %dma_wait3A_138 = arith.constant 0 : i32
      %dma_wait3A_139 = tpu.memref_slice %arg2[%dma_wait3A_137, %dma_wait3A_138] : memref<10000x128xf32, #tpu.memory_space<hbm>> -> memref<10000x128xf32, #tpu.memory_space<hbm>>
      tpu.wait_indirect_dma semaphore(%arg12 : memref<!tpu.dma_semaphore, #tpu.memory_space<semaphore_mem>>) src(%dma_wait3A_139 : memref<10000x128xf32, #tpu.memory_space<hbm>>) dst(%arg9 : memref<128x128xf32, #tpu.memory_space<vmem>>)
      %add3A_140 = arith.constant 1 : i32
      %add3A_141 = arith.addi %add3A_116, %add3A_140 : i32
      "tpu.region"() ({
        %run_scoped3A = tpu.sem_alloc : memref<!tpu.dma_semaphore, #tpu.memory_space<semaphore_mem>>
        %dma_start3A_151 = arith.constant 0 : i32
        %dma_start3A_152 = tpu.memref_slice %arg7[%add3A_141, %dma_start3A_151] : memref<16x128xi32, #tpu.memory_space<vmem>> -> memref<1x128xi32, #tpu.memory_space<vmem>>
        %dma_start3A_153 = tpu.memref_squeeze %dma_start3A_152 : memref<1x128xi32, #tpu.memory_space<vmem>> -> memref<128xi32, #tpu.memory_space<vmem>>
        %dma_start3A_154 = arith.constant 0 : i32
        %dma_start3A_155 = arith.constant 0 : i32
        %dma_start3A_156 = tpu.memref_slice %arg10[%dma_start3A_154, %dma_start3A_155] : memref<10112x128xf32, #tpu.memory_space<vmem_shared>> -> memref<10112x128xf32, #tpu.memory_space<vmem_shared>>
        tpu.enqueue_indirect_dma source(%arg9 : memref<128x128xf32, #tpu.memory_space<vmem>>) target(%dma_start3A_156 : memref<10112x128xf32, #tpu.memory_space<vmem_shared>>) offsets(%dma_start3A_153 : memref<128xi32, #tpu.memory_space<vmem>>) semaphore(%run_scoped3A : memref<!tpu.dma_semaphore, #tpu.memory_space<semaphore_mem>>) {add = true}
        %dma_wait3A_157 = arith.constant 0 : i32
        %dma_wait3A_158 = tpu.memref_slice %arg7[%add3A_141, %dma_wait3A_157] : memref<16x128xi32, #tpu.memory_space<vmem>> -> memref<1x128xi32, #tpu.memory_space<vmem>>
        %dma_wait3A_159 = tpu.memref_squeeze %dma_wait3A_158 : memref<1x128xi32, #tpu.memory_space<vmem>> -> memref<128xi32, #tpu.memory_space<vmem>>
        %dma_wait3A_160 = arith.constant 0 : i32
        %dma_wait3A_161 = arith.constant 0 : i32
        %dma_wait3A_162 = tpu.memref_slice %arg10[%dma_wait3A_160, %dma_wait3A_161] : memref<10112x128xf32, #tpu.memory_space<vmem_shared>> -> memref<10112x128xf32, #tpu.memory_space<vmem_shared>>
        tpu.wait_indirect_dma semaphore(%run_scoped3A : memref<!tpu.dma_semaphore, #tpu.memory_space<semaphore_mem>>) src(%arg9 : memref<128x128xf32, #tpu.memory_space<vmem>>) dst(%dma_wait3A_162 : memref<10112x128xf32, #tpu.memory_space<vmem_shared>>)
        tpu.yield
      }) : () -> ()
      %add3A_142 = arith.constant 1 : i32
      %add3A_143 = arith.addi %add3A_116, %add3A_142 : i32
      %add3A_144 = arith.constant 2 : i32
      %add3A_145 = arith.addi %add3A_143, %add3A_144 : i32
      %lt3A_146 = arith.constant 16 : i32
      %lt3A_147 = arith.cmpi slt, %add3A_145, %lt3A_146 : i32
      %convert_element_type3A_148 = arith.extui %lt3A_147 : i1 to i32
      %cond3A_149 = arith.constant 0 : i32
      %cond3A_150 = arith.cmpi ne, %convert_element_type3A_148, %cond3A_149 : i32
      scf.if %cond3A_150 {
        %add3A_151 = arith.constant 1 : i32
        %add3A_152 = arith.addi %add3A_116, %add3A_151 : i32
        %add3A_153 = arith.constant 2 : i32
        %add3A_154 = arith.addi %add3A_152, %add3A_153 : i32
        %dma_start3A_155 = arith.constant 0 : i32
        %dma_start3A_156 = tpu.memref_slice %arg6[%add3A_154, %dma_start3A_155] : memref<16x128xi32, #tpu.memory_space<vmem>> -> memref<1x128xi32, #tpu.memory_space<vmem>>
        %dma_start3A_157 = tpu.memref_squeeze %dma_start3A_156 : memref<1x128xi32, #tpu.memory_space<vmem>> -> memref<128xi32, #tpu.memory_space<vmem>>
        %dma_start3A_158 = arith.constant 0 : i32
        %dma_start3A_159 = arith.constant 0 : i32
        %dma_start3A_160 = tpu.memref_slice %arg2[%dma_start3A_158, %dma_start3A_159] : memref<10000x128xf32, #tpu.memory_space<hbm>> -> memref<10000x128xf32, #tpu.memory_space<hbm>>
        tpu.enqueue_indirect_dma source(%dma_start3A_160 : memref<10000x128xf32, #tpu.memory_space<hbm>>) target(%arg9 : memref<128x128xf32, #tpu.memory_space<vmem>>) offsets(%dma_start3A_157 : memref<128xi32, #tpu.memory_space<vmem>>) semaphore(%arg12 : memref<!tpu.dma_semaphore, #tpu.memory_space<semaphore_mem>>)
      } else {
      }
    }
    %scan3A_89 = arith.constant 8 : i32
    "tpu.region"() ({
      %run_scoped3A = tpu.sem_alloc : memref<!tpu.dma_semaphore, #tpu.memory_space<semaphore_mem>>
      %dma_start3A_112 = arith.constant 0 : i32
      %dma_start3A_113 = arith.constant 0 : i32
      %dma_start3A_114 = tpu.memref_slice %arg3[%add3A, %dma_start3A_112, %dma_start3A_113] : memref<32x80x128xi32, #tpu.memory_space<hbm>> -> memref<1x80x128xi32, #tpu.memory_space<hbm>>
      %dma_start3A_115 = tpu.memref_squeeze %dma_start3A_114 : memref<1x80x128xi32, #tpu.memory_space<hbm>> -> memref<80x128xi32, #tpu.memory_space<hbm>>
      %dma_start3A_116 = arith.constant 64 : i32
      %dma_start3A_117 = arith.constant 0 : i32
      %dma_start3A_118 = tpu.memref_slice %dma_start3A_115[%dma_start3A_116, %dma_start3A_117] : memref<80x128xi32, #tpu.memory_space<hbm>> -> memref<16x128xi32, #tpu.memory_space<hbm>>
      %dma_start3A_119 = arith.constant 0 : i32
      %dma_start3A_120 = arith.constant 0 : i32
      %dma_start3A_121 = tpu.memref_slice %arg3[%add3A, %dma_start3A_119, %dma_start3A_120] : memref<32x80x128xi32, #tpu.memory_space<hbm>> -> memref<1x80x128xi32, #tpu.memory_space<hbm>>
      %dma_start3A_122 = tpu.memref_squeeze %dma_start3A_121 : memref<1x80x128xi32, #tpu.memory_space<hbm>> -> memref<80x128xi32, #tpu.memory_space<hbm>>
      %dma_start3A_123 = arith.constant 64 : i32
      %dma_start3A_124 = arith.constant 0 : i32
      %dma_start3A_125 = tpu.memref_slice %dma_start3A_122[%dma_start3A_123, %dma_start3A_124] : memref<80x128xi32, #tpu.memory_space<hbm>> -> memref<16x128xi32, #tpu.memory_space<hbm>>
      tpu.enqueue_dma source(%dma_start3A_125 : memref<16x128xi32, #tpu.memory_space<hbm>>) target(%arg6 : memref<16x128xi32, #tpu.memory_space<vmem>>) target_semaphore(%run_scoped3A : memref<!tpu.dma_semaphore, #tpu.memory_space<semaphore_mem>>)
      %dma_wait3A = arith.constant 0 : i32
      %dma_wait3A_126 = arith.constant 0 : i32
      %dma_wait3A_127 = tpu.memref_slice %arg3[%add3A, %dma_wait3A, %dma_wait3A_126] : memref<32x80x128xi32, #tpu.memory_space<hbm>> -> memref<1x80x128xi32, #tpu.memory_space<hbm>>
      %dma_wait3A_128 = tpu.memref_squeeze %dma_wait3A_127 : memref<1x80x128xi32, #tpu.memory_space<hbm>> -> memref<80x128xi32, #tpu.memory_space<hbm>>
      %dma_wait3A_129 = arith.constant 64 : i32
      %dma_wait3A_130 = arith.constant 0 : i32
      %dma_wait3A_131 = tpu.memref_slice %dma_wait3A_128[%dma_wait3A_129, %dma_wait3A_130] : memref<80x128xi32, #tpu.memory_space<hbm>> -> memref<16x128xi32, #tpu.memory_space<hbm>>
      %dma_wait3A_132 = arith.constant 0 : i32
      %dma_wait3A_133 = arith.constant 0 : i32
      %dma_wait3A_134 = tpu.memref_slice %arg3[%add3A, %dma_wait3A_132, %dma_wait3A_133] : memref<32x80x128xi32, #tpu.memory_space<hbm>> -> memref<1x80x128xi32, #tpu.memory_space<hbm>>
      %dma_wait3A_135 = tpu.memref_squeeze %dma_wait3A_134 : memref<1x80x128xi32, #tpu.memory_space<hbm>> -> memref<80x128xi32, #tpu.memory_space<hbm>>
      %dma_wait3A_136 = arith.constant 64 : i32
      %dma_wait3A_137 = arith.constant 0 : i32
      %dma_wait3A_138 = tpu.memref_slice %dma_wait3A_135[%dma_wait3A_136, %dma_wait3A_137] : memref<80x128xi32, #tpu.memory_space<hbm>> -> memref<16x128xi32, #tpu.memory_space<hbm>>
      tpu.wait_dma2 semaphore(%run_scoped3A : memref<!tpu.dma_semaphore, #tpu.memory_space<semaphore_mem>>) src(%dma_wait3A_138 : memref<16x128xi32, #tpu.memory_space<hbm>>) dst(%arg6 : memref<16x128xi32, #tpu.memory_space<vmem>>)
      tpu.yield
    }) : () -> ()
    "tpu.region"() ({
      %run_scoped3A = tpu.sem_alloc : memref<!tpu.dma_semaphore, #tpu.memory_space<semaphore_mem>>
      %dma_start3A_112 = arith.constant 0 : i32
      %dma_start3A_113 = arith.constant 0 : i32
      %dma_start3A_114 = tpu.memref_slice %arg4[%add3A, %dma_start3A_112, %dma_start3A_113] : memref<32x80x128xi32, #tpu.memory_space<hbm>> -> memref<1x80x128xi32, #tpu.memory_space<hbm>>
      %dma_start3A_115 = tpu.memref_squeeze %dma_start3A_114 : memref<1x80x128xi32, #tpu.memory_space<hbm>> -> memref<80x128xi32, #tpu.memory_space<hbm>>
      %dma_start3A_116 = arith.constant 64 : i32
      %dma_start3A_117 = arith.constant 0 : i32
      %dma_start3A_118 = tpu.memref_slice %dma_start3A_115[%dma_start3A_116, %dma_start3A_117] : memref<80x128xi32, #tpu.memory_space<hbm>> -> memref<16x128xi32, #tpu.memory_space<hbm>>
      %dma_start3A_119 = arith.constant 0 : i32
      %dma_start3A_120 = arith.constant 0 : i32
      %dma_start3A_121 = tpu.memref_slice %arg4[%add3A, %dma_start3A_119, %dma_start3A_120] : memref<32x80x128xi32, #tpu.memory_space<hbm>> -> memref<1x80x128xi32, #tpu.memory_space<hbm>>
      %dma_start3A_122 = tpu.memref_squeeze %dma_start3A_121 : memref<1x80x128xi32, #tpu.memory_space<hbm>> -> memref<80x128xi32, #tpu.memory_space<hbm>>
      %dma_start3A_123 = arith.constant 64 : i32
      %dma_start3A_124 = arith.constant 0 : i32
      %dma_start3A_125 = tpu.memref_slice %dma_start3A_122[%dma_start3A_123, %dma_start3A_124] : memref<80x128xi32, #tpu.memory_space<hbm>> -> memref<16x128xi32, #tpu.memory_space<hbm>>
      tpu.enqueue_dma source(%dma_start3A_125 : memref<16x128xi32, #tpu.memory_space<hbm>>) target(%arg7 : memref<16x128xi32, #tpu.memory_space<vmem>>) target_semaphore(%run_scoped3A : memref<!tpu.dma_semaphore, #tpu.memory_space<semaphore_mem>>)
      %dma_wait3A = arith.constant 0 : i32
      %dma_wait3A_126 = arith.constant 0 : i32
      %dma_wait3A_127 = tpu.memref_slice %arg4[%add3A, %dma_wait3A, %dma_wait3A_126] : memref<32x80x128xi32, #tpu.memory_space<hbm>> -> memref<1x80x128xi32, #tpu.memory_space<hbm>>
      %dma_wait3A_128 = tpu.memref_squeeze %dma_wait3A_127 : memref<1x80x128xi32, #tpu.memory_space<hbm>> -> memref<80x128xi32, #tpu.memory_space<hbm>>
      %dma_wait3A_129 = arith.constant 64 : i32
      %dma_wait3A_130 = arith.constant 0 : i32
      %dma_wait3A_131 = tpu.memref_slice %dma_wait3A_128[%dma_wait3A_129, %dma_wait3A_130] : memref<80x128xi32, #tpu.memory_space<hbm>> -> memref<16x128xi32, #tpu.memory_space<hbm>>
      %dma_wait3A_132 = arith.constant 0 : i32
      %dma_wait3A_133 = arith.constant 0 : i32
      %dma_wait3A_134 = tpu.memref_slice %arg4[%add3A, %dma_wait3A_132, %dma_wait3A_133] : memref<32x80x128xi32, #tpu.memory_space<hbm>> -> memref<1x80x128xi32, #tpu.memory_space<hbm>>
      %dma_wait3A_135 = tpu.memref_squeeze %dma_wait3A_134 : memref<1x80x128xi32, #tpu.memory_space<hbm>> -> memref<80x128xi32, #tpu.memory_space<hbm>>
      %dma_wait3A_136 = arith.constant 64 : i32
      %dma_wait3A_137 = arith.constant 0 : i32
      %dma_wait3A_138 = tpu.memref_slice %dma_wait3A_135[%dma_wait3A_136, %dma_wait3A_137] : memref<80x128xi32, #tpu.memory_space<hbm>> -> memref<16x128xi32, #tpu.memory_space<hbm>>
      tpu.wait_dma2 semaphore(%run_scoped3A : memref<!tpu.dma_semaphore, #tpu.memory_space<semaphore_mem>>) src(%dma_wait3A_138 : memref<16x128xi32, #tpu.memory_space<hbm>>) dst(%arg7 : memref<16x128xi32, #tpu.memory_space<vmem>>)
      tpu.yield
    }) : () -> ()
    %dma_start3A_90 = arith.constant 0 : i32
    %dma_start3A_91 = arith.constant 0 : i32
    %dma_start3A_92 = tpu.memref_slice %arg6[%dma_start3A_90, %dma_start3A_91] : memref<16x128xi32, #tpu.memory_space<vmem>> -> memref<1x128xi32, #tpu.memory_space<vmem>>
    %dma_start3A_93 = tpu.memref_squeeze %dma_start3A_92 : memref<1x128xi32, #tpu.memory_space<vmem>> -> memref<128xi32, #tpu.memory_space<vmem>>
    %dma_start3A_94 = arith.constant 0 : i32
    %dma_start3A_95 = arith.constant 0 : i32
    %dma_start3A_96 = tpu.memref_slice %arg2[%dma_start3A_94, %dma_start3A_95] : memref<10000x128xf32, #tpu.memory_space<hbm>> -> memref<10000x128xf32, #tpu.memory_space<hbm>>
    tpu.enqueue_indirect_dma source(%dma_start3A_96 : memref<10000x128xf32, #tpu.memory_space<hbm>>) target(%arg8 : memref<128x128xf32, #tpu.memory_space<vmem>>) offsets(%dma_start3A_93 : memref<128xi32, #tpu.memory_space<vmem>>) semaphore(%arg11 : memref<!tpu.dma_semaphore, #tpu.memory_space<semaphore_mem>>)
    %dma_start3A_97 = arith.constant 1 : i32
    %dma_start3A_98 = arith.constant 0 : i32
    %dma_start3A_99 = tpu.memref_slice %arg6[%dma_start3A_97, %dma_start3A_98] : memref<16x128xi32, #tpu.memory_space<vmem>> -> memref<1x128xi32, #tpu.memory_space<vmem>>
    %dma_start3A_100 = tpu.memref_squeeze %dma_start3A_99 : memref<1x128xi32, #tpu.memory_space<vmem>> -> memref<128xi32, #tpu.memory_space<vmem>>
    %dma_start3A_101 = arith.constant 0 : i32
    %dma_start3A_102 = arith.constant 0 : i32
    %dma_start3A_103 = tpu.memref_slice %arg2[%dma_start3A_101, %dma_start3A_102] : memref<10000x128xf32, #tpu.memory_space<hbm>> -> memref<10000x128xf32, #tpu.memory_space<hbm>>
    tpu.enqueue_indirect_dma source(%dma_start3A_103 : memref<10000x128xf32, #tpu.memory_space<hbm>>) target(%arg9 : memref<128x128xf32, #tpu.memory_space<vmem>>) offsets(%dma_start3A_100 : memref<128xi32, #tpu.memory_space<vmem>>) semaphore(%arg12 : memref<!tpu.dma_semaphore, #tpu.memory_space<semaphore_mem>>)
    %scan3A_104 = arith.constant 0 : i32
    %scan3A_105 = arith.constant 8 : i32
    %scan3A_106 = arith.addi %scan3A_104, %scan3A_105 : i32
    %scan3A_107 = arith.constant 1 : i32
    scf.for %scan3A_112 = %scan3A_104 to %scan3A_106 step %scan3A_107  : i32 {
      %mul3A_113 = arith.constant 2 : i32
      %mul3A_114 = arith.muli %scan3A_112, %mul3A_113 : i32
      %add3A_115 = arith.constant 0 : i32
      %add3A_116 = arith.addi %add3A_115, %mul3A_114 : i32
      %add3A_117 = arith.constant 0 : i32
      %add3A_118 = arith.addi %add3A_116, %add3A_117 : i32
      %dma_wait3A = arith.constant 0 : i32
      %dma_wait3A_119 = tpu.memref_slice %arg6[%add3A_118, %dma_wait3A] : memref<16x128xi32, #tpu.memory_space<vmem>> -> memref<1x128xi32, #tpu.memory_space<vmem>>
      %dma_wait3A_120 = tpu.memref_squeeze %dma_wait3A_119 : memref<1x128xi32, #tpu.memory_space<vmem>> -> memref<128xi32, #tpu.memory_space<vmem>>
      %dma_wait3A_121 = arith.constant 0 : i32
      %dma_wait3A_122 = arith.constant 0 : i32
      %dma_wait3A_123 = tpu.memref_slice %arg2[%dma_wait3A_121, %dma_wait3A_122] : memref<10000x128xf32, #tpu.memory_space<hbm>> -> memref<10000x128xf32, #tpu.memory_space<hbm>>
      tpu.wait_indirect_dma semaphore(%arg11 : memref<!tpu.dma_semaphore, #tpu.memory_space<semaphore_mem>>) src(%dma_wait3A_123 : memref<10000x128xf32, #tpu.memory_space<hbm>>) dst(%arg8 : memref<128x128xf32, #tpu.memory_space<vmem>>)
      %add3A_124 = arith.constant 0 : i32
      %add3A_125 = arith.addi %add3A_116, %add3A_124 : i32
      "tpu.region"() ({
        %run_scoped3A = tpu.sem_alloc : memref<!tpu.dma_semaphore, #tpu.memory_space<semaphore_mem>>
        %dma_start3A_151 = arith.constant 0 : i32
        %dma_start3A_152 = tpu.memref_slice %arg7[%add3A_125, %dma_start3A_151] : memref<16x128xi32, #tpu.memory_space<vmem>> -> memref<1x128xi32, #tpu.memory_space<vmem>>
        %dma_start3A_153 = tpu.memref_squeeze %dma_start3A_152 : memref<1x128xi32, #tpu.memory_space<vmem>> -> memref<128xi32, #tpu.memory_space<vmem>>
        %dma_start3A_154 = arith.constant 0 : i32
        %dma_start3A_155 = arith.constant 0 : i32
        %dma_start3A_156 = tpu.memref_slice %arg10[%dma_start3A_154, %dma_start3A_155] : memref<10112x128xf32, #tpu.memory_space<vmem_shared>> -> memref<10112x128xf32, #tpu.memory_space<vmem_shared>>
        tpu.enqueue_indirect_dma source(%arg8 : memref<128x128xf32, #tpu.memory_space<vmem>>) target(%dma_start3A_156 : memref<10112x128xf32, #tpu.memory_space<vmem_shared>>) offsets(%dma_start3A_153 : memref<128xi32, #tpu.memory_space<vmem>>) semaphore(%run_scoped3A : memref<!tpu.dma_semaphore, #tpu.memory_space<semaphore_mem>>) {add = true}
        %dma_wait3A_157 = arith.constant 0 : i32
        %dma_wait3A_158 = tpu.memref_slice %arg7[%add3A_125, %dma_wait3A_157] : memref<16x128xi32, #tpu.memory_space<vmem>> -> memref<1x128xi32, #tpu.memory_space<vmem>>
        %dma_wait3A_159 = tpu.memref_squeeze %dma_wait3A_158 : memref<1x128xi32, #tpu.memory_space<vmem>> -> memref<128xi32, #tpu.memory_space<vmem>>
        %dma_wait3A_160 = arith.constant 0 : i32
        %dma_wait3A_161 = arith.constant 0 : i32
        %dma_wait3A_162 = tpu.memref_slice %arg10[%dma_wait3A_160, %dma_wait3A_161] : memref<10112x128xf32, #tpu.memory_space<vmem_shared>> -> memref<10112x128xf32, #tpu.memory_space<vmem_shared>>
        tpu.wait_indirect_dma semaphore(%run_scoped3A : memref<!tpu.dma_semaphore, #tpu.memory_space<semaphore_mem>>) src(%arg8 : memref<128x128xf32, #tpu.memory_space<vmem>>) dst(%dma_wait3A_162 : memref<10112x128xf32, #tpu.memory_space<vmem_shared>>)
        tpu.yield
      }) : () -> ()
      %add3A_126 = arith.constant 0 : i32
      %add3A_127 = arith.addi %add3A_116, %add3A_126 : i32
      %add3A_128 = arith.constant 2 : i32
      %add3A_129 = arith.addi %add3A_127, %add3A_128 : i32
      %lt3A = arith.constant 16 : i32
      %lt3A_130 = arith.cmpi slt, %add3A_129, %lt3A : i32
      %convert_element_type3A = arith.extui %lt3A_130 : i1 to i32
      %cond3A = arith.constant 0 : i32
      %cond3A_131 = arith.cmpi ne, %convert_element_type3A, %cond3A : i32
      scf.if %cond3A_131 {
        %add3A_151 = arith.constant 0 : i32
        %add3A_152 = arith.addi %add3A_116, %add3A_151 : i32
        %add3A_153 = arith.constant 2 : i32
        %add3A_154 = arith.addi %add3A_152, %add3A_153 : i32
        %dma_start3A_155 = arith.constant 0 : i32
        %dma_start3A_156 = tpu.memref_slice %arg6[%add3A_154, %dma_start3A_155] : memref<16x128xi32, #tpu.memory_space<vmem>> -> memref<1x128xi32, #tpu.memory_space<vmem>>
        %dma_start3A_157 = tpu.memref_squeeze %dma_start3A_156 : memref<1x128xi32, #tpu.memory_space<vmem>> -> memref<128xi32, #tpu.memory_space<vmem>>
        %dma_start3A_158 = arith.constant 0 : i32
        %dma_start3A_159 = arith.constant 0 : i32
        %dma_start3A_160 = tpu.memref_slice %arg2[%dma_start3A_158, %dma_start3A_159] : memref<10000x128xf32, #tpu.memory_space<hbm>> -> memref<10000x128xf32, #tpu.memory_space<hbm>>
        tpu.enqueue_indirect_dma source(%dma_start3A_160 : memref<10000x128xf32, #tpu.memory_space<hbm>>) target(%arg8 : memref<128x128xf32, #tpu.memory_space<vmem>>) offsets(%dma_start3A_157 : memref<128xi32, #tpu.memory_space<vmem>>) semaphore(%arg11 : memref<!tpu.dma_semaphore, #tpu.memory_space<semaphore_mem>>)
      } else {
      }
      %add3A_132 = arith.constant 1 : i32
      %add3A_133 = arith.addi %add3A_116, %add3A_132 : i32
      %dma_wait3A_134 = arith.constant 0 : i32
      %dma_wait3A_135 = tpu.memref_slice %arg6[%add3A_133, %dma_wait3A_134] : memref<16x128xi32, #tpu.memory_space<vmem>> -> memref<1x128xi32, #tpu.memory_space<vmem>>
      %dma_wait3A_136 = tpu.memref_squeeze %dma_wait3A_135 : memref<1x128xi32, #tpu.memory_space<vmem>> -> memref<128xi32, #tpu.memory_space<vmem>>
      %dma_wait3A_137 = arith.constant 0 : i32
      %dma_wait3A_138 = arith.constant 0 : i32
      %dma_wait3A_139 = tpu.memref_slice %arg2[%dma_wait3A_137, %dma_wait3A_138] : memref<10000x128xf32, #tpu.memory_space<hbm>> -> memref<10000x128xf32, #tpu.memory_space<hbm>>
      tpu.wait_indirect_dma semaphore(%arg12 : memref<!tpu.dma_semaphore, #tpu.memory_space<semaphore_mem>>) src(%dma_wait3A_139 : memref<10000x128xf32, #tpu.memory_space<hbm>>) dst(%arg9 : memref<128x128xf32, #tpu.memory_space<vmem>>)
      %add3A_140 = arith.constant 1 : i32
      %add3A_141 = arith.addi %add3A_116, %add3A_140 : i32
      "tpu.region"() ({
        %run_scoped3A = tpu.sem_alloc : memref<!tpu.dma_semaphore, #tpu.memory_space<semaphore_mem>>
        %dma_start3A_151 = arith.constant 0 : i32
        %dma_start3A_152 = tpu.memref_slice %arg7[%add3A_141, %dma_start3A_151] : memref<16x128xi32, #tpu.memory_space<vmem>> -> memref<1x128xi32, #tpu.memory_space<vmem>>
        %dma_start3A_153 = tpu.memref_squeeze %dma_start3A_152 : memref<1x128xi32, #tpu.memory_space<vmem>> -> memref<128xi32, #tpu.memory_space<vmem>>
        %dma_start3A_154 = arith.constant 0 : i32
        %dma_start3A_155 = arith.constant 0 : i32
        %dma_start3A_156 = tpu.memref_slice %arg10[%dma_start3A_154, %dma_start3A_155] : memref<10112x128xf32, #tpu.memory_space<vmem_shared>> -> memref<10112x128xf32, #tpu.memory_space<vmem_shared>>
        tpu.enqueue_indirect_dma source(%arg9 : memref<128x128xf32, #tpu.memory_space<vmem>>) target(%dma_start3A_156 : memref<10112x128xf32, #tpu.memory_space<vmem_shared>>) offsets(%dma_start3A_153 : memref<128xi32, #tpu.memory_space<vmem>>) semaphore(%run_scoped3A : memref<!tpu.dma_semaphore, #tpu.memory_space<semaphore_mem>>) {add = true}
        %dma_wait3A_157 = arith.constant 0 : i32
        %dma_wait3A_158 = tpu.memref_slice %arg7[%add3A_141, %dma_wait3A_157] : memref<16x128xi32, #tpu.memory_space<vmem>> -> memref<1x128xi32, #tpu.memory_space<vmem>>
        %dma_wait3A_159 = tpu.memref_squeeze %dma_wait3A_158 : memref<1x128xi32, #tpu.memory_space<vmem>> -> memref<128xi32, #tpu.memory_space<vmem>>
        %dma_wait3A_160 = arith.constant 0 : i32
        %dma_wait3A_161 = arith.constant 0 : i32
        %dma_wait3A_162 = tpu.memref_slice %arg10[%dma_wait3A_160, %dma_wait3A_161] : memref<10112x128xf32, #tpu.memory_space<vmem_shared>> -> memref<10112x128xf32, #tpu.memory_space<vmem_shared>>
        tpu.wait_indirect_dma semaphore(%run_scoped3A : memref<!tpu.dma_semaphore, #tpu.memory_space<semaphore_mem>>) src(%arg9 : memref<128x128xf32, #tpu.memory_space<vmem>>) dst(%dma_wait3A_162 : memref<10112x128xf32, #tpu.memory_space<vmem_shared>>)
        tpu.yield
      }) : () -> ()
      %add3A_142 = arith.constant 1 : i32
      %add3A_143 = arith.addi %add3A_116, %add3A_142 : i32
      %add3A_144 = arith.constant 2 : i32
      %add3A_145 = arith.addi %add3A_143, %add3A_144 : i32
      %lt3A_146 = arith.constant 16 : i32
      %lt3A_147 = arith.cmpi slt, %add3A_145, %lt3A_146 : i32
      %convert_element_type3A_148 = arith.extui %lt3A_147 : i1 to i32
      %cond3A_149 = arith.constant 0 : i32
      %cond3A_150 = arith.cmpi ne, %convert_element_type3A_148, %cond3A_149 : i32
      scf.if %cond3A_150 {
        %add3A_151 = arith.constant 1 : i32
        %add3A_152 = arith.addi %add3A_116, %add3A_151 : i32
        %add3A_153 = arith.constant 2 : i32
        %add3A_154 = arith.addi %add3A_152, %add3A_153 : i32
        %dma_start3A_155 = arith.constant 0 : i32
        %dma_start3A_156 = tpu.memref_slice %arg6[%add3A_154, %dma_start3A_155] : memref<16x128xi32, #tpu.memory_space<vmem>> -> memref<1x128xi32, #tpu.memory_space<vmem>>
        %dma_start3A_157 = tpu.memref_squeeze %dma_start3A_156 : memref<1x128xi32, #tpu.memory_space<vmem>> -> memref<128xi32, #tpu.memory_space<vmem>>
        %dma_start3A_158 = arith.constant 0 : i32
        %dma_start3A_159 = arith.constant 0 : i32
        %dma_start3A_160 = tpu.memref_slice %arg2[%dma_start3A_158, %dma_start3A_159] : memref<10000x128xf32, #tpu.memory_space<hbm>> -> memref<10000x128xf32, #tpu.memory_space<hbm>>
        tpu.enqueue_indirect_dma source(%dma_start3A_160 : memref<10000x128xf32, #tpu.memory_space<hbm>>) target(%arg9 : memref<128x128xf32, #tpu.memory_space<vmem>>) offsets(%dma_start3A_157 : memref<128xi32, #tpu.memory_space<vmem>>) semaphore(%arg12 : memref<!tpu.dma_semaphore, #tpu.memory_space<semaphore_mem>>)
      } else {
      }
    }
    %scan3A_108 = arith.constant 8 : i32
    %barrier3A_109 = arith.constant 0 : index
    tpu.barrier barrier_id(%barrier3A_109)
    %mul3A_110 = arith.constant 632 : i32
    %mul3A_111 = arith.muli %arg1, %mul3A_110 : i32
    "tpu.region"() ({
      %run_scoped3A = tpu.sem_alloc : memref<!tpu.dma_semaphore, #tpu.memory_space<semaphore_mem>>
      %dma_start3A_112 = arith.constant 0 : i32
      %dma_start3A_113 = arith.constant 0 : i32
      %dma_start3A_114 = tpu.memref_slice %arg5[%arg0, %dma_start3A_112, %dma_start3A_113] : memref<2x10112x128xf32, #tpu.memory_space<hbm>> -> memref<1x10112x128xf32, #tpu.memory_space<hbm>>
      %dma_start3A_115 = tpu.memref_squeeze %dma_start3A_114 : memref<1x10112x128xf32, #tpu.memory_space<hbm>> -> memref<10112x128xf32, #tpu.memory_space<hbm>>
      %dma_start3A_116 = arith.constant 0 : i32
      %dma_start3A_117 = tpu.memref_slice %dma_start3A_115[%mul3A_111, %dma_start3A_116] : memref<10112x128xf32, #tpu.memory_space<hbm>> -> memref<632x128xf32, #tpu.memory_space<hbm>>
      %dma_start3A_118 = arith.constant 0 : i32
      %dma_start3A_119 = tpu.memref_slice %arg10[%mul3A_111, %dma_start3A_118] : memref<10112x128xf32, #tpu.memory_space<vmem_shared>> -> memref<632x128xf32, #tpu.memory_space<vmem_shared>>
      tpu.enqueue_dma source(%dma_start3A_119 : memref<632x128xf32, #tpu.memory_space<vmem_shared>>) target(%dma_start3A_117 : memref<632x128xf32, #tpu.memory_space<hbm>>) target_semaphore(%run_scoped3A : memref<!tpu.dma_semaphore, #tpu.memory_space<semaphore_mem>>)
      %dma_wait3A = arith.constant 0 : i32
      %dma_wait3A_120 = arith.constant 0 : i32
      %dma_wait3A_121 = tpu.memref_slice %arg5[%arg0, %dma_wait3A, %dma_wait3A_120] : memref<2x10112x128xf32, #tpu.memory_space<hbm>> -> memref<1x10112x128xf32, #tpu.memory_space<hbm>>
      %dma_wait3A_122 = tpu.memref_squeeze %dma_wait3A_121 : memref<1x10112x128xf32, #tpu.memory_space<hbm>> -> memref<10112x128xf32, #tpu.memory_space<hbm>>
      %dma_wait3A_123 = arith.constant 0 : i32
      %dma_wait3A_124 = tpu.memref_slice %dma_wait3A_122[%mul3A_111, %dma_wait3A_123] : memref<10112x128xf32, #tpu.memory_space<hbm>> -> memref<632x128xf32, #tpu.memory_space<hbm>>
      %dma_wait3A_125 = arith.constant 0 : i32
      %dma_wait3A_126 = tpu.memref_slice %arg10[%mul3A_111, %dma_wait3A_125] : memref<10112x128xf32, #tpu.memory_space<vmem_shared>> -> memref<632x128xf32, #tpu.memory_space<vmem_shared>>
      tpu.wait_dma2 semaphore(%run_scoped3A : memref<!tpu.dma_semaphore, #tpu.memory_space<semaphore_mem>>) src(%dma_wait3A_126 : memref<632x128xf32, #tpu.memory_space<vmem_shared>>) dst(%dma_wait3A_124 : memref<632x128xf32, #tpu.memory_space<hbm>>)
      tpu.yield
    }) : () -> ()
    return
  }
}

#map = affine_map<(d0, d1) -> (0, 0)>
#map1 = affine_map<(d0, d1) -> (0, 0, 0)>
module attributes {stable_mosaic.version = 14 : i64} {
  func.func @body(%arg0: i32, %arg1: i32, %arg2: memref<10000x128xf32, #tpu.memory_space<hbm>>, %arg3: memref<32x80x128xi32, #tpu.memory_space<hbm>>, %arg4: memref<32x80x128xi32, #tpu.memory_space<hbm>>, %arg5: memref<2x10112x128xf32, #tpu.memory_space<hbm>>, %arg6: memref<16x128xi32, #tpu.memory_space<vmem>>, %arg7: memref<16x128xi32, #tpu.memory_space<vmem>>, %arg8: memref<128x128xf32, #tpu.memory_space<vmem>>, %arg9: memref<128x128xf32, #tpu.memory_space<vmem>>, %arg10: memref<10112x128xf32, #tpu.memory_space<vmem_shared>>, %arg11: memref<!tpu.dma_semaphore, #tpu.memory_space<semaphore_mem>>, %arg12: memref<!tpu.dma_semaphore, #tpu.memory_space<semaphore_mem>>) attributes {dimension_semantics = [#tpu.dimension_semantics<core_parallel>, #tpu.dimension_semantics<subcore_parallel>], iteration_bounds = array<i64: 2, 16>, scalar_prefetch = 0 : i64, scratch_operands = 7 : i64, tpu.core_type = #tpu.core_type<sc_vector_subcore>, window_params = [{transform_indices = #map}, {transform_indices = #map1}, {transform_indices = #map1}, {transform_indices = #map1}]} {
    %mul3A = arith.constant 16 : i32
    %mul3A_0 = arith.muli %arg0, %mul3A : i32
    %add3A = arith.addi %mul3A_0, %arg1 : i32
    %broadcast_in_dim3A = arith.constant 0.000000e+00 : f32
    %broadcast_in_dim3A_1 = vector.broadcast %broadcast_in_dim3A : f32 to vector<16xf32>
    %scan3A = arith.constant 0 : i32
    %scan3A_2 = arith.constant 128 : i32
    %scan3A_3 = arith.addi %scan3A, %scan3A_2 : i32
    %scan3A_4 = arith.constant 1 : i32
    scf.for %scan3A_112 = %scan3A to %scan3A_3 step %scan3A_4  : i32 {
      %mul3A_113 = arith.constant 1 : i32
      %mul3A_114 = arith.muli %scan3A_112, %mul3A_113 : i32
      %add3A_115 = arith.constant 0 : i32
      %add3A_116 = arith.addi %add3A_115, %mul3A_114 : i32
      %scan3A_117 = arith.constant 0 : i32
      %scan3A_118 = arith.constant 8 : i32
      %scan3A_119 = arith.addi %scan3A_117, %scan3A_118 : i32
      %scan3A_120 = arith.constant 1 : i32
      scf.for %scan3A_122 = %scan3A_117 to %scan3A_119 step %scan3A_120  : i32 {
        %mul3A_123 = arith.constant 16 : i32
        %mul3A_124 = arith.muli %scan3A_122, %mul3A_123 : i32
        %add3A_125 = arith.constant 0 : i32
        %add3A_126 = arith.addi %add3A_125, %mul3A_124 : i32
        %swap3A = arith.index_cast %add3A_116 : i32 to index
        %swap3A_127 = arith.index_cast %add3A_126 : i32 to index
        %swap3A_128 = tpu.vector_load %arg8[%swap3A, %swap3A_127] {strides = array<i32>} : memref<128x128xf32, #tpu.memory_space<vmem>>, vector<1x16xf32>,
        %swap3A_129 = vector.shape_cast %swap3A_128 : vector<1x16xf32> to vector<16xf32>
        %swap3A_130 = vector.shape_cast %broadcast_in_dim3A_1 : vector<16xf32> to vector<1x16xf32>
        tpu.vector_store %arg8[%swap3A, %swap3A_127], %swap3A_130 {strides = array<i32>} : memref<128x128xf32, #tpu.memory_space<vmem>>, vector<1x16xf32>,
      }
      %scan3A_121 = arith.constant 8 : i32
    }
    %scan3A_5 = arith.constant 128 : i32
    %mul3A_6 = arith.constant 632 : i32
    %mul3A_7 = arith.muli %arg1, %mul3A_6 : i32
    %scan3A_8 = arith.constant 0 : i32
    %scan3A_9 = arith.constant 4 : i32
    %scan3A_10 = arith.addi %scan3A_8, %scan3A_9 : i32
    %scan3A_11 = arith.constant 1 : i32
    scf.for %scan3A_112 = %scan3A_8 to %scan3A_10 step %scan3A_11  : i32 {
      %mul3A_113 = arith.constant 1 : i32
      %mul3A_114 = arith.muli %scan3A_112, %mul3A_113 : i32
      %add3A_115 = arith.constant 0 : i32
      %add3A_116 = arith.addi %add3A_115, %mul3A_114 : i32
      %mul3A_117 = arith.constant 128 : i32
      %mul3A_118 = arith.muli %add3A_116, %mul3A_117 : i32
      %add3A_119 = arith.addi %mul3A_7, %mul3A_118 : i32
      "tpu.region"() ({
        %run_scoped3A = tpu.sem_alloc : memref<!tpu.dma_semaphore, #tpu.memory_space<semaphore_mem>>
        %dma_start3A_120 = arith.constant 0 : i32
        %dma_start3A_121 = tpu.memref_slice %arg10[%add3A_119, %dma_start3A_120] : memref<10112x128xf32, #tpu.memory_space<vmem_shared>> -> memref<128x128xf32, #tpu.memory_space<vmem_shared>>
        %dma_start3A_122 = arith.constant 0 : i32
        %dma_start3A_123 = tpu.memref_slice %arg10[%add3A_119, %dma_start3A_122] : memref<10112x128xf32, #tpu.memory_space<vmem_shared>> -> memref<128x128xf32, #tpu.memory_space<vmem_shared>>
        tpu.enqueue_dma source(%arg8 : memref<128x128xf32, #tpu.memory_space<vmem>>) target(%dma_start3A_123 : memref<128x128xf32, #tpu.memory_space<vmem_shared>>) target_semaphore(%run_scoped3A : memref<!tpu.dma_semaphore, #tpu.memory_space<semaphore_mem>>)
        %dma_wait3A = arith.constant 0 : i32
        %dma_wait3A_124 = tpu.memref_slice %arg10[%add3A_119, %dma_wait3A] : memref<10112x128xf32, #tpu.memory_space<vmem_shared>> -> memref<128x128xf32, #tpu.memory_space<vmem_shared>>
        %dma_wait3A_125 = arith.constant 0 : i32
        %dma_wait3A_126 = tpu.memref_slice %arg10[%add3A_119, %dma_wait3A_125] : memref<10112x128xf32, #tpu.memory_space<vmem_shared>> -> memref<128x128xf32, #tpu.memory_space<vmem_shared>>
        tpu.wait_dma2 semaphore(%run_scoped3A : memref<!tpu.dma_semaphore, #tpu.memory_space<semaphore_mem>>) src(%arg8 : memref<128x128xf32, #tpu.memory_space<vmem>>) dst(%dma_wait3A_126 : memref<128x128xf32, #tpu.memory_space<vmem_shared>>)
        tpu.yield
      }) : () -> ()
    }
    %scan3A_12 = arith.constant 4 : i32
    %add3A_13 = arith.constant 512 : i32
    %add3A_14 = arith.addi %mul3A_7, %add3A_13 : i32
    "tpu.region"() ({
      %run_scoped3A = tpu.sem_alloc : memref<!tpu.dma_semaphore, #tpu.memory_space<semaphore_mem>>
      %dma_start3A_112 = arith.constant 0 : i32
      %dma_start3A_113 = arith.constant 0 : i32
      %dma_start3A_114 = tpu.memref_slice %arg8[%dma_start3A_112, %dma_start3A_113] : memref<128x128xf32, #tpu.memory_space<vmem>> -> memref<120x128xf32, #tpu.memory_space<vmem>>
      %dma_start3A_115 = arith.constant 0 : i32
      %dma_start3A_116 = tpu.memref_slice %arg10[%add3A_14, %dma_start3A_115] : memref<10112x128xf32, #tpu.memory_space<vmem_shared>> -> memref<120x128xf32, #tpu.memory_space<vmem_shared>>
      %dma_start3A_117 = arith.constant 0 : i32
      %dma_start3A_118 = tpu.memref_slice %arg10[%add3A_14, %dma_start3A_117] : memref<10112x128xf32, #tpu.memory_space<vmem_shared>> -> memref<120x128xf32, #tpu.memory_space<vmem_shared>>
      %dma_start3A_119 = arith.constant 0 : i32
      %dma_start3A_120 = arith.constant 0 : i32
      %dma_start3A_121 = tpu.memref_slice %arg8[%dma_start3A_119, %dma_start3A_120] : memref<128x128xf32, #tpu.memory_space<vmem>> -> memref<120x128xf32, #tpu.memory_space<vmem>>
      tpu.enqueue_dma source(%dma_start3A_121 : memref<120x128xf32, #tpu.memory_space<vmem>>) target(%dma_start3A_118 : memref<120x128xf32, #tpu.memory_space<vmem_shared>>) target_semaphore(%run_scoped3A : memref<!tpu.dma_semaphore, #tpu.memory_space<semaphore_mem>>)
      %dma_wait3A = arith.constant 0 : i32
      %dma_wait3A_122 = arith.constant 0 : i32
      %dma_wait3A_123 = tpu.memref_slice %arg8[%dma_wait3A, %dma_wait3A_122] : memref<128x128xf32, #tpu.memory_space<vmem>> -> memref<120x128xf32, #tpu.memory_space<vmem>>
      %dma_wait3A_124 = arith.constant 0 : i32
      %dma_wait3A_125 = tpu.memref_slice %arg10[%add3A_14, %dma_wait3A_124] : memref<10112x128xf32, #tpu.memory_space<vmem_shared>> -> memref<120x128xf32, #tpu.memory_space<vmem_shared>>
      %dma_wait3A_126 = arith.constant 0 : i32
      %dma_wait3A_127 = tpu.memref_slice %arg10[%add3A_14, %dma_wait3A_126] : memref<10112x128xf32, #tpu.memory_space<vmem_shared>> -> memref<120x128xf32, #tpu.memory_space<vmem_shared>>
      %dma_wait3A_128 = arith.constant 0 : i32
      %dma_wait3A_129 = arith.constant 0 : i32
      %dma_wait3A_130 = tpu.memref_slice %arg8[%dma_wait3A_128, %dma_wait3A_129] : memref<128x128xf32, #tpu.memory_space<vmem>> -> memref<120x128xf32, #tpu.memory_space<vmem>>
      tpu.wait_dma2 semaphore(%run_scoped3A : memref<!tpu.dma_semaphore, #tpu.memory_space<semaphore_mem>>) src(%dma_wait3A_130 : memref<120x128xf32, #tpu.memory_space<vmem>>) dst(%dma_wait3A_127 : memref<120x128xf32, #tpu.memory_space<vmem_shared>>)
      tpu.yield
    }) : () -> ()
    %barrier3A = arith.constant 0 : index
    tpu.barrier barrier_id(%barrier3A)
    "tpu.region"() ({
      %run_scoped3A = tpu.sem_alloc : memref<!tpu.dma_semaphore, #tpu.memory_space<semaphore_mem>>
      %dma_start3A_112 = arith.constant 0 : i32
      %dma_start3A_113 = arith.constant 0 : i32
      %dma_start3A_114 = tpu.memref_slice %arg3[%add3A, %dma_start3A_112, %dma_start3A_113] : memref<32x80x128xi32, #tpu.memory_space<hbm>> -> memref<1x80x128xi32, #tpu.memory_space<hbm>>
      %dma_start3A_115 = tpu.memref_squeeze %dma_start3A_114 : memref<1x80x128xi32, #tpu.memory_space<hbm>> -> memref<80x128xi32, #tpu.memory_space<hbm>>
      %dma_start3A_116 = arith.constant 0 : i32
      %dma_start3A_117 = arith.constant 0 : i32
      %dma_start3A_118 = tpu.memref_slice %dma_start3A_115[%dma_start3A_116, %dma_start3A_117] : memref<80x128xi32, #tpu.memory_space<hbm>> -> memref<16x128xi32, #tpu.memory_space<hbm>>
      %dma_start3A_119 = arith.constant 0 : i32
      %dma_start3A_120 = arith.constant 0 : i32
      %dma_start3A_121 = tpu.memref_slice %arg3[%add3A, %dma_start3A_119, %dma_start3A_120] : memref<32x80x128xi32, #tpu.memory_space<hbm>> -> memref<1x80x128xi32, #tpu.memory_space<hbm>>
      %dma_start3A_122 = tpu.memref_squeeze %dma_start3A_121 : memref<1x80x128xi32, #tpu.memory_space<hbm>> -> memref<80x128xi32, #tpu.memory_space<hbm>>
      %dma_start3A_123 = arith.constant 0 : i32
      %dma_start3A_124 = arith.constant 0 : i32
      %dma_start3A_125 = tpu.memref_slice %dma_start3A_122[%dma_start3A_123, %dma_start3A_124] : memref<80x128xi32, #tpu.memory_space<hbm>> -> memref<16x128xi32, #tpu.memory_space<hbm>>
      tpu.enqueue_dma source(%dma_start3A_125 : memref<16x128xi32, #tpu.memory_space<hbm>>) target(%arg6 : memref<16x128xi32, #tpu.memory_space<vmem>>) target_semaphore(%run_scoped3A : memref<!tpu.dma_semaphore, #tpu.memory_space<semaphore_mem>>)
      %dma_wait3A = arith.constant 0 : i32
      %dma_wait3A_126 = arith.constant 0 : i32
      %dma_wait3A_127 = tpu.memref_slice %arg3[%add3A, %dma_wait3A, %dma_wait3A_126] : memref<32x80x128xi32, #tpu.memory_space<hbm>> -> memref<1x80x128xi32, #tpu.memory_space<hbm>>
      %dma_wait3A_128 = tpu.memref_squeeze %dma_wait3A_127 : memref<1x80x128xi32, #tpu.memory_space<hbm>> -> memref<80x128xi32, #tpu.memory_space<hbm>>
      %dma_wait3A_129 = arith.constant 0 : i32
      %dma_wait3A_130 = arith.constant 0 : i32
      %dma_wait3A_131 = tpu.memref_slice %dma_wait3A_128[%dma_wait3A_129, %dma_wait3A_130] : memref<80x128xi32, #tpu.memory_space<hbm>> -> memref<16x128xi32, #tpu.memory_space<hbm>>
      %dma_wait3A_132 = arith.constant 0 : i32
      %dma_wait3A_133 = arith.constant 0 : i32
      %dma_wait3A_134 = tpu.memref_slice %arg3[%add3A, %dma_wait3A_132, %dma_wait3A_133] : memref<32x80x128xi32, #tpu.memory_space<hbm>> -> memref<1x80x128xi32, #tpu.memory_space<hbm>>
      %dma_wait3A_135 = tpu.memref_squeeze %dma_wait3A_134 : memref<1x80x128xi32, #tpu.memory_space<hbm>> -> memref<80x128xi32, #tpu.memory_space<hbm>>
      %dma_wait3A_136 = arith.constant 0 : i32
      %dma_wait3A_137 = arith.constant 0 : i32
      %dma_wait3A_138 = tpu.memref_slice %dma_wait3A_135[%dma_wait3A_136, %dma_wait3A_137] : memref<80x128xi32, #tpu.memory_space<hbm>> -> memref<16x128xi32, #tpu.memory_space<hbm>>
      tpu.wait_dma2 semaphore(%run_scoped3A : memref<!tpu.dma_semaphore, #tpu.memory_space<semaphore_mem>>) src(%dma_wait3A_138 : memref<16x128xi32, #tpu.memory_space<hbm>>) dst(%arg6 : memref<16x128xi32, #tpu.memory_space<vmem>>)
      tpu.yield
    }) : () -> ()
    "tpu.region"() ({
      %run_scoped3A = tpu.sem_alloc : memref<!tpu.dma_semaphore, #tpu.memory_space<semaphore_mem>>
      %dma_start3A_112 = arith.constant 0 : i32
      %dma_start3A_113 = arith.constant 0 : i32
      %dma_start3A_114 = tpu.memref_slice %arg4[%add3A, %dma_start3A_112, %dma_start3A_113] : memref<32x80x128xi32, #tpu.memory_space<hbm>> -> memref<1x80x128xi32, #tpu.memory_space<hbm>>
      %dma_start3A_115 = tpu.memref_squeeze %dma_start3A_114 : memref<1x80x128xi32, #tpu.memory_space<hbm>> -> memref<80x128xi32, #tpu.memory_space<hbm>>
      %dma_start3A_116 = arith.constant 0 : i32
      %dma_start3A_117 = arith.constant 0 : i32
      %dma_start3A_118 = tpu.memref_slice %dma_start3A_115[%dma_start3A_116, %dma_start3A_117] : memref<80x128xi32, #tpu.memory_space<hbm>> -> memref<16x128xi32, #tpu.memory_space<hbm>>
      %dma_start3A_119 = arith.constant 0 : i32
      %dma_start3A_120 = arith.constant 0 : i32
      %dma_start3A_121 = tpu.memref_slice %arg4[%add3A, %dma_start3A_119, %dma_start3A_120] : memref<32x80x128xi32, #tpu.memory_space<hbm>> -> memref<1x80x128xi32, #tpu.memory_space<hbm>>
      %dma_start3A_122 = tpu.memref_squeeze %dma_start3A_121 : memref<1x80x128xi32, #tpu.memory_space<hbm>> -> memref<80x128xi32, #tpu.memory_space<hbm>>
      %dma_start3A_123 = arith.constant 0 : i32
      %dma_start3A_124 = arith.constant 0 : i32
      %dma_start3A_125 = tpu.memref_slice %dma_start3A_122[%dma_start3A_123, %dma_start3A_124] : memref<80x128xi32, #tpu.memory_space<hbm>> -> memref<16x128xi32, #tpu.memory_space<hbm>>
      tpu.enqueue_dma source(%dma_start3A_125 : memref<16x128xi32, #tpu.memory_space<hbm>>) target(%arg7 : memref<16x128xi32, #tpu.memory_space<vmem>>) target_semaphore(%run_scoped3A : memref<!tpu.dma_semaphore, #tpu.memory_space<semaphore_mem>>)
      %dma_wait3A = arith.constant 0 : i32
      %dma_wait3A_126 = arith.constant 0 : i32
      %dma_wait3A_127 = tpu.memref_slice %arg4[%add3A, %dma_wait3A, %dma_wait3A_126] : memref<32x80x128xi32, #tpu.memory_space<hbm>> -> memref<1x80x128xi32, #tpu.memory_space<hbm>>
      %dma_wait3A_128 = tpu.memref_squeeze %dma_wait3A_127 : memref<1x80x128xi32, #tpu.memory_space<hbm>> -> memref<80x128xi32, #tpu.memory_space<hbm>>
      %dma_wait3A_129 = arith.constant 0 : i32
      %dma_wait3A_130 = arith.constant 0 : i32
      %dma_wait3A_131 = tpu.memref_slice %dma_wait3A_128[%dma_wait3A_129, %dma_wait3A_130] : memref<80x128xi32, #tpu.memory_space<hbm>> -> memref<16x128xi32, #tpu.memory_space<hbm>>
      %dma_wait3A_132 = arith.constant 0 : i32
      %dma_wait3A_133 = arith.constant 0 : i32
      %dma_wait3A_134 = tpu.memref_slice %arg4[%add3A, %dma_wait3A_132, %dma_wait3A_133] : memref<32x80x128xi32, #tpu.memory_space<hbm>> -> memref<1x80x128xi32, #tpu.memory_space<hbm>>
      %dma_wait3A_135 = tpu.memref_squeeze %dma_wait3A_134 : memref<1x80x128xi32, #tpu.memory_space<hbm>> -> memref<80x128xi32, #tpu.memory_space<hbm>>
      %dma_wait3A_136 = arith.constant 0 : i32
      %dma_wait3A_137 = arith.constant 0 : i32
      %dma_wait3A_138 = tpu.memref_slice %dma_wait3A_135[%dma_wait3A_136, %dma_wait3A_137] : memref<80x128xi32, #tpu.memory_space<hbm>> -> memref<16x128xi32, #tpu.memory_space<hbm>>
      tpu.wait_dma2 semaphore(%run_scoped3A : memref<!tpu.dma_semaphore, #tpu.memory_space<semaphore_mem>>) src(%dma_wait3A_138 : memref<16x128xi32, #tpu.memory_space<hbm>>) dst(%arg7 : memref<16x128xi32, #tpu.memory_space<vmem>>)
      tpu.yield
    }) : () -> ()
    %dma_start3A = arith.constant 0 : i32
    %dma_start3A_15 = arith.constant 0 : i32
    %dma_start3A_16 = tpu.memref_slice %arg6[%dma_start3A, %dma_start3A_15] : memref<16x128xi32, #tpu.memory_space<vmem>> -> memref<1x128xi32, #tpu.memory_space<vmem>>
    %dma_start3A_17 = tpu.memref_squeeze %dma_start3A_16 : memref<1x128xi32, #tpu.memory_space<vmem>> -> memref<128xi32, #tpu.memory_space<vmem>>
    %dma_start3A_18 = arith.constant 0 : i32
    %dma_start3A_19 = arith.constant 0 : i32
    %dma_start3A_20 = tpu.memref_slice %arg2[%dma_start3A_18, %dma_start3A_19] : memref<10000x128xf32, #tpu.memory_space<hbm>> -> memref<10000x128xf32, #tpu.memory_space<hbm>>
    tpu.enqueue_indirect_dma source(%dma_start3A_20 : memref<10000x128xf32, #tpu.memory_space<hbm>>) target(%arg8 : memref<128x128xf32, #tpu.memory_space<vmem>>) offsets(%dma_start3A_17 : memref<128xi32, #tpu.memory_space<vmem>>) semaphore(%arg11 : memref<!tpu.dma_semaphore, #tpu.memory_space<semaphore_mem>>)
    %dma_start3A_21 = arith.constant 1 : i32
    %dma_start3A_22 = arith.constant 0 : i32
    %dma_start3A_23 = tpu.memref_slice %arg6[%dma_start3A_21, %dma_start3A_22] : memref<16x128xi32, #tpu.memory_space<vmem>> -> memref<1x128xi32, #tpu.memory_space<vmem>>
    %dma_start3A_24 = tpu.memref_squeeze %dma_start3A_23 : memref<1x128xi32, #tpu.memory_space<vmem>> -> memref<128xi32, #tpu.memory_space<vmem>>
    %dma_start3A_25 = arith.constant 0 : i32
    %dma_start3A_26 = arith.constant 0 : i32
    %dma_start3A_27 = tpu.memref_slice %arg2[%dma_start3A_25, %dma_start3A_26] : memref<10000x128xf32, #tpu.memory_space<hbm>> -> memref<10000x128xf32, #tpu.memory_space<hbm>>
    tpu.enqueue_indirect_dma source(%dma_start3A_27 : memref<10000x128xf32, #tpu.memory_space<hbm>>) target(%arg9 : memref<128x128xf32, #tpu.memory_space<vmem>>) offsets(%dma_start3A_24 : memref<128xi32, #tpu.memory_space<vmem>>) semaphore(%arg12 : memref<!tpu.dma_semaphore, #tpu.memory_space<semaphore_mem>>)
    %scan3A_28 = arith.constant 0 : i32
    %scan3A_29 = arith.constant 8 : i32
    %scan3A_30 = arith.addi %scan3A_28, %scan3A_29 : i32
    %scan3A_31 = arith.constant 1 : i32
    scf.for %scan3A_112 = %scan3A_28 to %scan3A_30 step %scan3A_31  : i32 {
      %mul3A_113 = arith.constant 2 : i32
      %mul3A_114 = arith.muli %scan3A_112, %mul3A_113 : i32
      %add3A_115 = arith.constant 0 : i32
      %add3A_116 = arith.addi %add3A_115, %mul3A_114 : i32
      %add3A_117 = arith.constant 0 : i32
      %add3A_118 = arith.addi %add3A_116, %add3A_117 : i32
      %dma_wait3A = arith.constant 0 : i32
      %dma_wait3A_119 = tpu.memref_slice %arg6[%add3A_118, %dma_wait3A] : memref<16x128xi32, #tpu.memory_space<vmem>> -> memref<1x128xi32, #tpu.memory_space<vmem>>
      %dma_wait3A_120 = tpu.memref_squeeze %dma_wait3A_119 : memref<1x128xi32, #tpu.memory_space<vmem>> -> memref<128xi32, #tpu.memory_space<vmem>>
      %dma_wait3A_121 = arith.constant 0 : i32
      %dma_wait3A_122 = arith.constant 0 : i32
      %dma_wait3A_123 = tpu.memref_slice %arg2[%dma_wait3A_121, %dma_wait3A_122] : memref<10000x128xf32, #tpu.memory_space<hbm>> -> memref<10000x128xf32, #tpu.memory_space<hbm>>
      tpu.wait_indirect_dma semaphore(%arg11 : memref<!tpu.dma_semaphore, #tpu.memory_space<semaphore_mem>>) src(%dma_wait3A_123 : memref<10000x128xf32, #tpu.memory_space<hbm>>) dst(%arg8 : memref<128x128xf32, #tpu.memory_space<vmem>>)
      %add3A_124 = arith.constant 0 : i32
      %add3A_125 = arith.addi %add3A_116, %add3A_124 : i32
      "tpu.region"() ({
        %run_scoped3A = tpu.sem_alloc : memref<!tpu.dma_semaphore, #tpu.memory_space<semaphore_mem>>
        %dma_start3A_151 = arith.constant 0 : i32
        %dma_start3A_152 = tpu.memref_slice %arg7[%add3A_125, %dma_start3A_151] : memref<16x128xi32, #tpu.memory_space<vmem>> -> memref<1x128xi32, #tpu.memory_space<vmem>>
        %dma_start3A_153 = tpu.memref_squeeze %dma_start3A_152 : memref<1x128xi32, #tpu.memory_space<vmem>> -> memref<128xi32, #tpu.memory_space<vmem>>
        %dma_start3A_154 = arith.constant 0 : i32
        %dma_start3A_155 = arith.constant 0 : i32
        %dma_start3A_156 = tpu.memref_slice %arg10[%dma_start3A_154, %dma_start3A_155] : memref<10112x128xf32, #tpu.memory_space<vmem_shared>> -> memref<10112x128xf32, #tpu.memory_space<vmem_shared>>
        tpu.enqueue_indirect_dma source(%arg8 : memref<128x128xf32, #tpu.memory_space<vmem>>) target(%dma_start3A_156 : memref<10112x128xf32, #tpu.memory_space<vmem_shared>>) offsets(%dma_start3A_153 : memref<128xi32, #tpu.memory_space<vmem>>) semaphore(%run_scoped3A : memref<!tpu.dma_semaphore, #tpu.memory_space<semaphore_mem>>) {add = true}
        %dma_wait3A_157 = arith.constant 0 : i32
        %dma_wait3A_158 = tpu.memref_slice %arg7[%add3A_125, %dma_wait3A_157] : memref<16x128xi32, #tpu.memory_space<vmem>> -> memref<1x128xi32, #tpu.memory_space<vmem>>
        %dma_wait3A_159 = tpu.memref_squeeze %dma_wait3A_158 : memref<1x128xi32, #tpu.memory_space<vmem>> -> memref<128xi32, #tpu.memory_space<vmem>>
        %dma_wait3A_160 = arith.constant 0 : i32
        %dma_wait3A_161 = arith.constant 0 : i32
        %dma_wait3A_162 = tpu.memref_slice %arg10[%dma_wait3A_160, %dma_wait3A_161] : memref<10112x128xf32, #tpu.memory_space<vmem_shared>> -> memref<10112x128xf32, #tpu.memory_space<vmem_shared>>
        tpu.wait_indirect_dma semaphore(%run_scoped3A : memref<!tpu.dma_semaphore, #tpu.memory_space<semaphore_mem>>) src(%arg8 : memref<128x128xf32, #tpu.memory_space<vmem>>) dst(%dma_wait3A_162 : memref<10112x128xf32, #tpu.memory_space<vmem_shared>>)
        tpu.yield
      }) : () -> ()
      %add3A_126 = arith.constant 0 : i32
      %add3A_127 = arith.addi %add3A_116, %add3A_126 : i32
      %add3A_128 = arith.constant 2 : i32
      %add3A_129 = arith.addi %add3A_127, %add3A_128 : i32
      %lt3A = arith.constant 16 : i32
      %lt3A_130 = arith.cmpi slt, %add3A_129, %lt3A : i32
      %convert_element_type3A = arith.extui %lt3A_130 : i1 to i32
      %cond3A = arith.constant 0 : i32
      %cond3A_131 = arith.cmpi ne, %convert_element_type3A, %cond3A : i32
      scf.if %cond3A_131 {
        %add3A_151 = arith.constant 0 : i32
        %add3A_152 = arith.addi %add3A_116, %add3A_151 : i32
        %add3A_153 = arith.constant 2 : i32
        %add3A_154 = arith.addi %add3A_152, %add3A_153 : i32
        %dma_start3A_155 = arith.constant 0 : i32
        %dma_start3A_156 = tpu.memref_slice %arg6[%add3A_154, %dma_start3A_155] : memref<16x128xi32, #tpu.memory_space<vmem>> -> memref<1x128xi32, #tpu.memory_space<vmem>>
        %dma_start3A_157 = tpu.memref_squeeze %dma_start3A_156 : memref<1x128xi32, #tpu.memory_space<vmem>> -> memref<128xi32, #tpu.memory_space<vmem>>
        %dma_start3A_158 = arith.constant 0 : i32
        %dma_start3A_159 = arith.constant 0 : i32
        %dma_start3A_160 = tpu.memref_slice %arg2[%dma_start3A_158, %dma_start3A_159] : memref<10000x128xf32, #tpu.memory_space<hbm>> -> memref<10000x128xf32, #tpu.memory_space<hbm>>
        tpu.enqueue_indirect_dma source(%dma_start3A_160 : memref<10000x128xf32, #tpu.memory_space<hbm>>) target(%arg8 : memref<128x128xf32, #tpu.memory_space<vmem>>) offsets(%dma_start3A_157 : memref<128xi32, #tpu.memory_space<vmem>>) semaphore(%arg11 : memref<!tpu.dma_semaphore, #tpu.memory_space<semaphore_mem>>)
      } else {
      }
      %add3A_132 = arith.constant 1 : i32
      %add3A_133 = arith.addi %add3A_116, %add3A_132 : i32
      %dma_wait3A_134 = arith.constant 0 : i32
      %dma_wait3A_135 = tpu.memref_slice %arg6[%add3A_133, %dma_wait3A_134] : memref<16x128xi32, #tpu.memory_space<vmem>> -> memref<1x128xi32, #tpu.memory_space<vmem>>
      %dma_wait3A_136 = tpu.memref_squeeze %dma_wait3A_135 : memref<1x128xi32, #tpu.memory_space<vmem>> -> memref<128xi32, #tpu.memory_space<vmem>>
      %dma_wait3A_137 = arith.constant 0 : i32
      %dma_wait3A_138 = arith.constant 0 : i32
      %dma_wait3A_139 = tpu.memref_slice %arg2[%dma_wait3A_137, %dma_wait3A_138] : memref<10000x128xf32, #tpu.memory_space<hbm>> -> memref<10000x128xf32, #tpu.memory_space<hbm>>
      tpu.wait_indirect_dma semaphore(%arg12 : memref<!tpu.dma_semaphore, #tpu.memory_space<semaphore_mem>>) src(%dma_wait3A_139 : memref<10000x128xf32, #tpu.memory_space<hbm>>) dst(%arg9 : memref<128x128xf32, #tpu.memory_space<vmem>>)
      %add3A_140 = arith.constant 1 : i32
      %add3A_141 = arith.addi %add3A_116, %add3A_140 : i32
      "tpu.region"() ({
        %run_scoped3A = tpu.sem_alloc : memref<!tpu.dma_semaphore, #tpu.memory_space<semaphore_mem>>
        %dma_start3A_151 = arith.constant 0 : i32
        %dma_start3A_152 = tpu.memref_slice %arg7[%add3A_141, %dma_start3A_151] : memref<16x128xi32, #tpu.memory_space<vmem>> -> memref<1x128xi32, #tpu.memory_space<vmem>>
        %dma_start3A_153 = tpu.memref_squeeze %dma_start3A_152 : memref<1x128xi32, #tpu.memory_space<vmem>> -> memref<128xi32, #tpu.memory_space<vmem>>
        %dma_start3A_154 = arith.constant 0 : i32
        %dma_start3A_155 = arith.constant 0 : i32
        %dma_start3A_156 = tpu.memref_slice %arg10[%dma_start3A_154, %dma_start3A_155] : memref<10112x128xf32, #tpu.memory_space<vmem_shared>> -> memref<10112x128xf32, #tpu.memory_space<vmem_shared>>
        tpu.enqueue_indirect_dma source(%arg9 : memref<128x128xf32, #tpu.memory_space<vmem>>) target(%dma_start3A_156 : memref<10112x128xf32, #tpu.memory_space<vmem_shared>>) offsets(%dma_start3A_153 : memref<128xi32, #tpu.memory_space<vmem>>) semaphore(%run_scoped3A : memref<!tpu.dma_semaphore, #tpu.memory_space<semaphore_mem>>) {add = true}
        %dma_wait3A_157 = arith.constant 0 : i32
        %dma_wait3A_158 = tpu.memref_slice %arg7[%add3A_141, %dma_wait3A_157] : memref<16x128xi32, #tpu.memory_space<vmem>> -> memref<1x128xi32, #tpu.memory_space<vmem>>
        %dma_wait3A_159 = tpu.memref_squeeze %dma_wait3A_158 : memref<1x128xi32, #tpu.memory_space<vmem>> -> memref<128xi32, #tpu.memory_space<vmem>>
        %dma_wait3A_160 = arith.constant 0 : i32
        %dma_wait3A_161 = arith.constant 0 : i32
        %dma_wait3A_162 = tpu.memref_slice %arg10[%dma_wait3A_160, %dma_wait3A_161] : memref<10112x128xf32, #tpu.memory_space<vmem_shared>> -> memref<10112x128xf32, #tpu.memory_space<vmem_shared>>
        tpu.wait_indirect_dma semaphore(%run_scoped3A : memref<!tpu.dma_semaphore, #tpu.memory_space<semaphore_mem>>) src(%arg9 : memref<128x128xf32, #tpu.memory_space<vmem>>) dst(%dma_wait3A_162 : memref<10112x128xf32, #tpu.memory_space<vmem_shared>>)
        tpu.yield
      }) : () -> ()
      %add3A_142 = arith.constant 1 : i32
      %add3A_143 = arith.addi %add3A_116, %add3A_142 : i32
      %add3A_144 = arith.constant 2 : i32
      %add3A_145 = arith.addi %add3A_143, %add3A_144 : i32
      %lt3A_146 = arith.constant 16 : i32
      %lt3A_147 = arith.cmpi slt, %add3A_145, %lt3A_146 : i32
      %convert_element_type3A_148 = arith.extui %lt3A_147 : i1 to i32
      %cond3A_149 = arith.constant 0 : i32
      %cond3A_150 = arith.cmpi ne, %convert_element_type3A_148, %cond3A_149 : i32
      scf.if %cond3A_150 {
        %add3A_151 = arith.constant 1 : i32
        %add3A_152 = arith.addi %add3A_116, %add3A_151 : i32
        %add3A_153 = arith.constant 2 : i32
        %add3A_154 = arith.addi %add3A_152, %add3A_153 : i32
        %dma_start3A_155 = arith.constant 0 : i32
        %dma_start3A_156 = tpu.memref_slice %arg6[%add3A_154, %dma_start3A_155] : memref<16x128xi32, #tpu.memory_space<vmem>> -> memref<1x128xi32, #tpu.memory_space<vmem>>
        %dma_start3A_157 = tpu.memref_squeeze %dma_start3A_156 : memref<1x128xi32, #tpu.memory_space<vmem>> -> memref<128xi32, #tpu.memory_space<vmem>>
        %dma_start3A_158 = arith.constant 0 : i32
        %dma_start3A_159 = arith.constant 0 : i32
        %dma_start3A_160 = tpu.memref_slice %arg2[%dma_start3A_158, %dma_start3A_159] : memref<10000x128xf32, #tpu.memory_space<hbm>> -> memref<10000x128xf32, #tpu.memory_space<hbm>>
        tpu.enqueue_indirect_dma source(%dma_start3A_160 : memref<10000x128xf32, #tpu.memory_space<hbm>>) target(%arg9 : memref<128x128xf32, #tpu.memory_space<vmem>>) offsets(%dma_start3A_157 : memref<128xi32, #tpu.memory_space<vmem>>) semaphore(%arg12 : memref<!tpu.dma_semaphore, #tpu.memory_space<semaphore_mem>>)
      } else {
      }
    }
    %scan3A_32 = arith.constant 8 : i32
    "tpu.region"() ({
      %run_scoped3A = tpu.sem_alloc : memref<!tpu.dma_semaphore, #tpu.memory_space<semaphore_mem>>
      %dma_start3A_112 = arith.constant 0 : i32
      %dma_start3A_113 = arith.constant 0 : i32
      %dma_start3A_114 = tpu.memref_slice %arg3[%add3A, %dma_start3A_112, %dma_start3A_113] : memref<32x80x128xi32, #tpu.memory_space<hbm>> -> memref<1x80x128xi32, #tpu.memory_space<hbm>>
      %dma_start3A_115 = tpu.memref_squeeze %dma_start3A_114 : memref<1x80x128xi32, #tpu.memory_space<hbm>> -> memref<80x128xi32, #tpu.memory_space<hbm>>
      %dma_start3A_116 = arith.constant 16 : i32
      %dma_start3A_117 = arith.constant 0 : i32
      %dma_start3A_118 = tpu.memref_slice %dma_start3A_115[%dma_start3A_116, %dma_start3A_117] : memref<80x128xi32, #tpu.memory_space<hbm>> -> memref<16x128xi32, #tpu.memory_space<hbm>>
      %dma_start3A_119 = arith.constant 0 : i32
      %dma_start3A_120 = arith.constant 0 : i32
      %dma_start3A_121 = tpu.memref_slice %arg3[%add3A, %dma_start3A_119, %dma_start3A_120] : memref<32x80x128xi32, #tpu.memory_space<hbm>> -> memref<1x80x128xi32, #tpu.memory_space<hbm>>
      %dma_start3A_122 = tpu.memref_squeeze %dma_start3A_121 : memref<1x80x128xi32, #tpu.memory_space<hbm>> -> memref<80x128xi32, #tpu.memory_space<hbm>>
      %dma_start3A_123 = arith.constant 16 : i32
      %dma_start3A_124 = arith.constant 0 : i32
      %dma_start3A_125 = tpu.memref_slice %dma_start3A_122[%dma_start3A_123, %dma_start3A_124] : memref<80x128xi32, #tpu.memory_space<hbm>> -> memref<16x128xi32, #tpu.memory_space<hbm>>
      tpu.enqueue_dma source(%dma_start3A_125 : memref<16x128xi32, #tpu.memory_space<hbm>>) target(%arg6 : memref<16x128xi32, #tpu.memory_space<vmem>>) target_semaphore(%run_scoped3A : memref<!tpu.dma_semaphore, #tpu.memory_space<semaphore_mem>>)
      %dma_wait3A = arith.constant 0 : i32
      %dma_wait3A_126 = arith.constant 0 : i32
      %dma_wait3A_127 = tpu.memref_slice %arg3[%add3A, %dma_wait3A, %dma_wait3A_126] : memref<32x80x128xi32, #tpu.memory_space<hbm>> -> memref<1x80x128xi32, #tpu.memory_space<hbm>>
      %dma_wait3A_128 = tpu.memref_squeeze %dma_wait3A_127 : memref<1x80x128xi32, #tpu.memory_space<hbm>> -> memref<80x128xi32, #tpu.memory_space<hbm>>
      %dma_wait3A_129 = arith.constant 16 : i32
      %dma_wait3A_130 = arith.constant 0 : i32
      %dma_wait3A_131 = tpu.memref_slice %dma_wait3A_128[%dma_wait3A_129, %dma_wait3A_130] : memref<80x128xi32, #tpu.memory_space<hbm>> -> memref<16x128xi32, #tpu.memory_space<hbm>>
      %dma_wait3A_132 = arith.constant 0 : i32
      %dma_wait3A_133 = arith.constant 0 : i32
      %dma_wait3A_134 = tpu.memref_slice %arg3[%add3A, %dma_wait3A_132, %dma_wait3A_133] : memref<32x80x128xi32, #tpu.memory_space<hbm>> -> memref<1x80x128xi32, #tpu.memory_space<hbm>>
      %dma_wait3A_135 = tpu.memref_squeeze %dma_wait3A_134 : memref<1x80x128xi32, #tpu.memory_space<hbm>> -> memref<80x128xi32, #tpu.memory_space<hbm>>
      %dma_wait3A_136 = arith.constant 16 : i32
      %dma_wait3A_137 = arith.constant 0 : i32
      %dma_wait3A_138 = tpu.memref_slice %dma_wait3A_135[%dma_wait3A_136, %dma_wait3A_137] : memref<80x128xi32, #tpu.memory_space<hbm>> -> memref<16x128xi32, #tpu.memory_space<hbm>>
      tpu.wait_dma2 semaphore(%run_scoped3A : memref<!tpu.dma_semaphore, #tpu.memory_space<semaphore_mem>>) src(%dma_wait3A_138 : memref<16x128xi32, #tpu.memory_space<hbm>>) dst(%arg6 : memref<16x128xi32, #tpu.memory_space<vmem>>)
      tpu.yield
    }) : () -> ()
    "tpu.region"() ({
      %run_scoped3A = tpu.sem_alloc : memref<!tpu.dma_semaphore, #tpu.memory_space<semaphore_mem>>
      %dma_start3A_112 = arith.constant 0 : i32
      %dma_start3A_113 = arith.constant 0 : i32
      %dma_start3A_114 = tpu.memref_slice %arg4[%add3A, %dma_start3A_112, %dma_start3A_113] : memref<32x80x128xi32, #tpu.memory_space<hbm>> -> memref<1x80x128xi32, #tpu.memory_space<hbm>>
      %dma_start3A_115 = tpu.memref_squeeze %dma_start3A_114 : memref<1x80x128xi32, #tpu.memory_space<hbm>> -> memref<80x128xi32, #tpu.memory_space<hbm>>
      %dma_start3A_116 = arith.constant 16 : i32
      %dma_start3A_117 = arith.constant 0 : i32
      %dma_start3A_118 = tpu.memref_slice %dma_start3A_115[%dma_start3A_116, %dma_start3A_117] : memref<80x128xi32, #tpu.memory_space<hbm>> -> memref<16x128xi32, #tpu.memory_space<hbm>>
      %dma_start3A_119 = arith.constant 0 : i32
      %dma_start3A_120 = arith.constant 0 : i32
      %dma_start3A_121 = tpu.memref_slice %arg4[%add3A, %dma_start3A_119, %dma_start3A_120] : memref<32x80x128xi32, #tpu.memory_space<hbm>> -> memref<1x80x128xi32, #tpu.memory_space<hbm>>
      %dma_start3A_122 = tpu.memref_squeeze %dma_start3A_121 : memref<1x80x128xi32, #tpu.memory_space<hbm>> -> memref<80x128xi32, #tpu.memory_space<hbm>>
      %dma_start3A_123 = arith.constant 16 : i32
      %dma_start3A_124 = arith.constant 0 : i32
      %dma_start3A_125 = tpu.memref_slice %dma_start3A_122[%dma_start3A_123, %dma_start3A_124] : memref<80x128xi32, #tpu.memory_space<hbm>> -> memref<16x128xi32, #tpu.memory_space<hbm>>
      tpu.enqueue_dma source(%dma_start3A_125 : memref<16x128xi32, #tpu.memory_space<hbm>>) target(%arg7 : memref<16x128xi32, #tpu.memory_space<vmem>>) target_semaphore(%run_scoped3A : memref<!tpu.dma_semaphore, #tpu.memory_space<semaphore_mem>>)
      %dma_wait3A = arith.constant 0 : i32
      %dma_wait3A_126 = arith.constant 0 : i32
      %dma_wait3A_127 = tpu.memref_slice %arg4[%add3A, %dma_wait3A, %dma_wait3A_126] : memref<32x80x128xi32, #tpu.memory_space<hbm>> -> memref<1x80x128xi32, #tpu.memory_space<hbm>>
      %dma_wait3A_128 = tpu.memref_squeeze %dma_wait3A_127 : memref<1x80x128xi32, #tpu.memory_space<hbm>> -> memref<80x128xi32, #tpu.memory_space<hbm>>
      %dma_wait3A_129 = arith.constant 16 : i32
      %dma_wait3A_130 = arith.constant 0 : i32
      %dma_wait3A_131 = tpu.memref_slice %dma_wait3A_128[%dma_wait3A_129, %dma_wait3A_130] : memref<80x128xi32, #tpu.memory_space<hbm>> -> memref<16x128xi32, #tpu.memory_space<hbm>>
      %dma_wait3A_132 = arith.constant 0 : i32
      %dma_wait3A_133 = arith.constant 0 : i32
      %dma_wait3A_134 = tpu.memref_slice %arg4[%add3A, %dma_wait3A_132, %dma_wait3A_133] : memref<32x80x128xi32, #tpu.memory_space<hbm>> -> memref<1x80x128xi32, #tpu.memory_space<hbm>>
      %dma_wait3A_135 = tpu.memref_squeeze %dma_wait3A_134 : memref<1x80x128xi32, #tpu.memory_space<hbm>> -> memref<80x128xi32, #tpu.memory_space<hbm>>
      %dma_wait3A_136 = arith.constant 16 : i32
      %dma_wait3A_137 = arith.constant 0 : i32
      %dma_wait3A_138 = tpu.memref_slice %dma_wait3A_135[%dma_wait3A_136, %dma_wait3A_137] : memref<80x128xi32, #tpu.memory_space<hbm>> -> memref<16x128xi32, #tpu.memory_space<hbm>>
      tpu.wait_dma2 semaphore(%run_scoped3A : memref<!tpu.dma_semaphore, #tpu.memory_space<semaphore_mem>>) src(%dma_wait3A_138 : memref<16x128xi32, #tpu.memory_space<hbm>>) dst(%arg7 : memref<16x128xi32, #tpu.memory_space<vmem>>)
      tpu.yield
    }) : () -> ()
    %dma_start3A_33 = arith.constant 0 : i32
    %dma_start3A_34 = arith.constant 0 : i32
    %dma_start3A_35 = tpu.memref_slice %arg6[%dma_start3A_33, %dma_start3A_34] : memref<16x128xi32, #tpu.memory_space<vmem>> -> memref<1x128xi32, #tpu.memory_space<vmem>>
    %dma_start3A_36 = tpu.memref_squeeze %dma_start3A_35 : memref<1x128xi32, #tpu.memory_space<vmem>> -> memref<128xi32, #tpu.memory_space<vmem>>
    %dma_start3A_37 = arith.constant 0 : i32
    %dma_start3A_38 = arith.constant 0 : i32
    %dma_start3A_39 = tpu.memref_slice %arg2[%dma_start3A_37, %dma_start3A_38] : memref<10000x128xf32, #tpu.memory_space<hbm>> -> memref<10000x128xf32, #tpu.memory_space<hbm>>
    tpu.enqueue_indirect_dma source(%dma_start3A_39 : memref<10000x128xf32, #tpu.memory_space<hbm>>) target(%arg8 : memref<128x128xf32, #tpu.memory_space<vmem>>) offsets(%dma_start3A_36 : memref<128xi32, #tpu.memory_space<vmem>>) semaphore(%arg11 : memref<!tpu.dma_semaphore, #tpu.memory_space<semaphore_mem>>)
    %dma_start3A_40 = arith.constant 1 : i32
    %dma_start3A_41 = arith.constant 0 : i32
    %dma_start3A_42 = tpu.memref_slice %arg6[%dma_start3A_40, %dma_start3A_41] : memref<16x128xi32, #tpu.memory_space<vmem>> -> memref<1x128xi32, #tpu.memory_space<vmem>>
    %dma_start3A_43 = tpu.memref_squeeze %dma_start3A_42 : memref<1x128xi32, #tpu.memory_space<vmem>> -> memref<128xi32, #tpu.memory_space<vmem>>
    %dma_start3A_44 = arith.constant 0 : i32
    %dma_start3A_45 = arith.constant 0 : i32
    %dma_start3A_46 = tpu.memref_slice %arg2[%dma_start3A_44, %dma_start3A_45] : memref<10000x128xf32, #tpu.memory_space<hbm>> -> memref<10000x128xf32, #tpu.memory_space<hbm>>
    tpu.enqueue_indirect_dma source(%dma_start3A_46 : memref<10000x128xf32, #tpu.memory_space<hbm>>) target(%arg9 : memref<128x128xf32, #tpu.memory_space<vmem>>) offsets(%dma_start3A_43 : memref<128xi32, #tpu.memory_space<vmem>>) semaphore(%arg12 : memref<!tpu.dma_semaphore, #tpu.memory_space<semaphore_mem>>)
    %scan3A_47 = arith.constant 0 : i32
    %scan3A_48 = arith.constant 8 : i32
    %scan3A_49 = arith.addi %scan3A_47, %scan3A_48 : i32
    %scan3A_50 = arith.constant 1 : i32
    scf.for %scan3A_112 = %scan3A_47 to %scan3A_49 step %scan3A_50  : i32 {
      %mul3A_113 = arith.constant 2 : i32
      %mul3A_114 = arith.muli %scan3A_112, %mul3A_113 : i32
      %add3A_115 = arith.constant 0 : i32
      %add3A_116 = arith.addi %add3A_115, %mul3A_114 : i32
      %add3A_117 = arith.constant 0 : i32
      %add3A_118 = arith.addi %add3A_116, %add3A_117 : i32
      %dma_wait3A = arith.constant 0 : i32
      %dma_wait3A_119 = tpu.memref_slice %arg6[%add3A_118, %dma_wait3A] : memref<16x128xi32, #tpu.memory_space<vmem>> -> memref<1x128xi32, #tpu.memory_space<vmem>>
      %dma_wait3A_120 = tpu.memref_squeeze %dma_wait3A_119 : memref<1x128xi32, #tpu.memory_space<vmem>> -> memref<128xi32, #tpu.memory_space<vmem>>
      %dma_wait3A_121 = arith.constant 0 : i32
      %dma_wait3A_122 = arith.constant 0 : i32
      %dma_wait3A_123 = tpu.memref_slice %arg2[%dma_wait3A_121, %dma_wait3A_122] : memref<10000x128xf32, #tpu.memory_space<hbm>> -> memref<10000x128xf32, #tpu.memory_space<hbm>>
      tpu.wait_indirect_dma semaphore(%arg11 : memref<!tpu.dma_semaphore, #tpu.memory_space<semaphore_mem>>) src(%dma_wait3A_123 : memref<10000x128xf32, #tpu.memory_space<hbm>>) dst(%arg8 : memref<128x128xf32, #tpu.memory_space<vmem>>)
      %add3A_124 = arith.constant 0 : i32
      %add3A_125 = arith.addi %add3A_116, %add3A_124 : i32
      "tpu.region"() ({
        %run_scoped3A = tpu.sem_alloc : memref<!tpu.dma_semaphore, #tpu.memory_space<semaphore_mem>>
        %dma_start3A_151 = arith.constant 0 : i32
        %dma_start3A_152 = tpu.memref_slice %arg7[%add3A_125, %dma_start3A_151] : memref<16x128xi32, #tpu.memory_space<vmem>> -> memref<1x128xi32, #tpu.memory_space<vmem>>
        %dma_start3A_153 = tpu.memref_squeeze %dma_start3A_152 : memref<1x128xi32, #tpu.memory_space<vmem>> -> memref<128xi32, #tpu.memory_space<vmem>>
        %dma_start3A_154 = arith.constant 0 : i32
        %dma_start3A_155 = arith.constant 0 : i32
        %dma_start3A_156 = tpu.memref_slice %arg10[%dma_start3A_154, %dma_start3A_155] : memref<10112x128xf32, #tpu.memory_space<vmem_shared>> -> memref<10112x128xf32, #tpu.memory_space<vmem_shared>>
        tpu.enqueue_indirect_dma source(%arg8 : memref<128x128xf32, #tpu.memory_space<vmem>>) target(%dma_start3A_156 : memref<10112x128xf32, #tpu.memory_space<vmem_shared>>) offsets(%dma_start3A_153 : memref<128xi32, #tpu.memory_space<vmem>>) semaphore(%run_scoped3A : memref<!tpu.dma_semaphore, #tpu.memory_space<semaphore_mem>>) {add = true}
        %dma_wait3A_157 = arith.constant 0 : i32
        %dma_wait3A_158 = tpu.memref_slice %arg7[%add3A_125, %dma_wait3A_157] : memref<16x128xi32, #tpu.memory_space<vmem>> -> memref<1x128xi32, #tpu.memory_space<vmem>>
        %dma_wait3A_159 = tpu.memref_squeeze %dma_wait3A_158 : memref<1x128xi32, #tpu.memory_space<vmem>> -> memref<128xi32, #tpu.memory_space<vmem>>
        %dma_wait3A_160 = arith.constant 0 : i32
        %dma_wait3A_161 = arith.constant 0 : i32
        %dma_wait3A_162 = tpu.memref_slice %arg10[%dma_wait3A_160, %dma_wait3A_161] : memref<10112x128xf32, #tpu.memory_space<vmem_shared>> -> memref<10112x128xf32, #tpu.memory_space<vmem_shared>>
        tpu.wait_indirect_dma semaphore(%run_scoped3A : memref<!tpu.dma_semaphore, #tpu.memory_space<semaphore_mem>>) src(%arg8 : memref<128x128xf32, #tpu.memory_space<vmem>>) dst(%dma_wait3A_162 : memref<10112x128xf32, #tpu.memory_space<vmem_shared>>)
        tpu.yield
      }) : () -> ()
      %add3A_126 = arith.constant 0 : i32
      %add3A_127 = arith.addi %add3A_116, %add3A_126 : i32
      %add3A_128 = arith.constant 2 : i32
      %add3A_129 = arith.addi %add3A_127, %add3A_128 : i32
      %lt3A = arith.constant 16 : i32
      %lt3A_130 = arith.cmpi slt, %add3A_129, %lt3A : i32
      %convert_element_type3A = arith.extui %lt3A_130 : i1 to i32
      %cond3A = arith.constant 0 : i32
      %cond3A_131 = arith.cmpi ne, %convert_element_type3A, %cond3A : i32
      scf.if %cond3A_131 {
        %add3A_151 = arith.constant 0 : i32
        %add3A_152 = arith.addi %add3A_116, %add3A_151 : i32
        %add3A_153 = arith.constant 2 : i32
        %add3A_154 = arith.addi %add3A_152, %add3A_153 : i32
        %dma_start3A_155 = arith.constant 0 : i32
        %dma_start3A_156 = tpu.memref_slice %arg6[%add3A_154, %dma_start3A_155] : memref<16x128xi32, #tpu.memory_space<vmem>> -> memref<1x128xi32, #tpu.memory_space<vmem>>
        %dma_start3A_157 = tpu.memref_squeeze %dma_start3A_156 : memref<1x128xi32, #tpu.memory_space<vmem>> -> memref<128xi32, #tpu.memory_space<vmem>>
        %dma_start3A_158 = arith.constant 0 : i32
        %dma_start3A_159 = arith.constant 0 : i32
        %dma_start3A_160 = tpu.memref_slice %arg2[%dma_start3A_158, %dma_start3A_159] : memref<10000x128xf32, #tpu.memory_space<hbm>> -> memref<10000x128xf32, #tpu.memory_space<hbm>>
        tpu.enqueue_indirect_dma source(%dma_start3A_160 : memref<10000x128xf32, #tpu.memory_space<hbm>>) target(%arg8 : memref<128x128xf32, #tpu.memory_space<vmem>>) offsets(%dma_start3A_157 : memref<128xi32, #tpu.memory_space<vmem>>) semaphore(%arg11 : memref<!tpu.dma_semaphore, #tpu.memory_space<semaphore_mem>>)
      } else {
      }
      %add3A_132 = arith.constant 1 : i32
      %add3A_133 = arith.addi %add3A_116, %add3A_132 : i32
      %dma_wait3A_134 = arith.constant 0 : i32
      %dma_wait3A_135 = tpu.memref_slice %arg6[%add3A_133, %dma_wait3A_134] : memref<16x128xi32, #tpu.memory_space<vmem>> -> memref<1x128xi32, #tpu.memory_space<vmem>>
      %dma_wait3A_136 = tpu.memref_squeeze %dma_wait3A_135 : memref<1x128xi32, #tpu.memory_space<vmem>> -> memref<128xi32, #tpu.memory_space<vmem>>
      %dma_wait3A_137 = arith.constant 0 : i32
      %dma_wait3A_138 = arith.constant 0 : i32
      %dma_wait3A_139 = tpu.memref_slice %arg2[%dma_wait3A_137, %dma_wait3A_138] : memref<10000x128xf32, #tpu.memory_space<hbm>> -> memref<10000x128xf32, #tpu.memory_space<hbm>>
      tpu.wait_indirect_dma semaphore(%arg12 : memref<!tpu.dma_semaphore, #tpu.memory_space<semaphore_mem>>) src(%dma_wait3A_139 : memref<10000x128xf32, #tpu.memory_space<hbm>>) dst(%arg9 : memref<128x128xf32, #tpu.memory_space<vmem>>)
      %add3A_140 = arith.constant 1 : i32
      %add3A_141 = arith.addi %add3A_116, %add3A_140 : i32
      "tpu.region"() ({
        %run_scoped3A = tpu.sem_alloc : memref<!tpu.dma_semaphore, #tpu.memory_space<semaphore_mem>>
        %dma_start3A_151 = arith.constant 0 : i32
        %dma_start3A_152 = tpu.memref_slice %arg7[%add3A_141, %dma_start3A_151] : memref<16x128xi32, #tpu.memory_space<vmem>> -> memref<1x128xi32, #tpu.memory_space<vmem>>
        %dma_start3A_153 = tpu.memref_squeeze %dma_start3A_152 : memref<1x128xi32, #tpu.memory_space<vmem>> -> memref<128xi32, #tpu.memory_space<vmem>>
        %dma_start3A_154 = arith.constant 0 : i32
        %dma_start3A_155 = arith.constant 0 : i32
        %dma_start3A_156 = tpu.memref_slice %arg10[%dma_start3A_154, %dma_start3A_155] : memref<10112x128xf32, #tpu.memory_space<vmem_shared>> -> memref<10112x128xf32, #tpu.memory_space<vmem_shared>>
        tpu.enqueue_indirect_dma source(%arg9 : memref<128x128xf32, #tpu.memory_space<vmem>>) target(%dma_start3A_156 : memref<10112x128xf32, #tpu.memory_space<vmem_shared>>) offsets(%dma_start3A_153 : memref<128xi32, #tpu.memory_space<vmem>>) semaphore(%run_scoped3A : memref<!tpu.dma_semaphore, #tpu.memory_space<semaphore_mem>>) {add = true}
        %dma_wait3A_157 = arith.constant 0 : i32
        %dma_wait3A_158 = tpu.memref_slice %arg7[%add3A_141, %dma_wait3A_157] : memref<16x128xi32, #tpu.memory_space<vmem>> -> memref<1x128xi32, #tpu.memory_space<vmem>>
        %dma_wait3A_159 = tpu.memref_squeeze %dma_wait3A_158 : memref<1x128xi32, #tpu.memory_space<vmem>> -> memref<128xi32, #tpu.memory_space<vmem>>
        %dma_wait3A_160 = arith.constant 0 : i32
        %dma_wait3A_161 = arith.constant 0 : i32
        %dma_wait3A_162 = tpu.memref_slice %arg10[%dma_wait3A_160, %dma_wait3A_161] : memref<10112x128xf32, #tpu.memory_space<vmem_shared>> -> memref<10112x128xf32, #tpu.memory_space<vmem_shared>>
        tpu.wait_indirect_dma semaphore(%run_scoped3A : memref<!tpu.dma_semaphore, #tpu.memory_space<semaphore_mem>>) src(%arg9 : memref<128x128xf32, #tpu.memory_space<vmem>>) dst(%dma_wait3A_162 : memref<10112x128xf32, #tpu.memory_space<vmem_shared>>)
        tpu.yield
      }) : () -> ()
      %add3A_142 = arith.constant 1 : i32
      %add3A_143 = arith.addi %add3A_116, %add3A_142 : i32
      %add3A_144 = arith.constant 2 : i32
      %add3A_145 = arith.addi %add3A_143, %add3A_144 : i32
      %lt3A_146 = arith.constant 16 : i32
      %lt3A_147 = arith.cmpi slt, %add3A_145, %lt3A_146 : i32
      %convert_element_type3A_148 = arith.extui %lt3A_147 : i1 to i32
      %cond3A_149 = arith.constant 0 : i32
      %cond3A_150 = arith.cmpi ne, %convert_element_type3A_148, %cond3A_149 : i32
      scf.if %cond3A_150 {
        %add3A_151 = arith.constant 1 : i32
        %add3A_152 = arith.addi %add3A_116, %add3A_151 : i32
        %add3A_153 = arith.constant 2 : i32
        %add3A_154 = arith.addi %add3A_152, %add3A_153 : i32
        %dma_start3A_155 = arith.constant 0 : i32
        %dma_start3A_156 = tpu.memref_slice %arg6[%add3A_154, %dma_start3A_155] : memref<16x128xi32, #tpu.memory_space<vmem>> -> memref<1x128xi32, #tpu.memory_space<vmem>>
        %dma_start3A_157 = tpu.memref_squeeze %dma_start3A_156 : memref<1x128xi32, #tpu.memory_space<vmem>> -> memref<128xi32, #tpu.memory_space<vmem>>
        %dma_start3A_158 = arith.constant 0 : i32
        %dma_start3A_159 = arith.constant 0 : i32
        %dma_start3A_160 = tpu.memref_slice %arg2[%dma_start3A_158, %dma_start3A_159] : memref<10000x128xf32, #tpu.memory_space<hbm>> -> memref<10000x128xf32, #tpu.memory_space<hbm>>
        tpu.enqueue_indirect_dma source(%dma_start3A_160 : memref<10000x128xf32, #tpu.memory_space<hbm>>) target(%arg9 : memref<128x128xf32, #tpu.memory_space<vmem>>) offsets(%dma_start3A_157 : memref<128xi32, #tpu.memory_space<vmem>>) semaphore(%arg12 : memref<!tpu.dma_semaphore, #tpu.memory_space<semaphore_mem>>)
      } else {
      }
    }
    %scan3A_51 = arith.constant 8 : i32
    "tpu.region"() ({
      %run_scoped3A = tpu.sem_alloc : memref<!tpu.dma_semaphore, #tpu.memory_space<semaphore_mem>>
      %dma_start3A_112 = arith.constant 0 : i32
      %dma_start3A_113 = arith.constant 0 : i32
      %dma_start3A_114 = tpu.memref_slice %arg3[%add3A, %dma_start3A_112, %dma_start3A_113] : memref<32x80x128xi32, #tpu.memory_space<hbm>> -> memref<1x80x128xi32, #tpu.memory_space<hbm>>
      %dma_start3A_115 = tpu.memref_squeeze %dma_start3A_114 : memref<1x80x128xi32, #tpu.memory_space<hbm>> -> memref<80x128xi32, #tpu.memory_space<hbm>>
      %dma_start3A_116 = arith.constant 32 : i32
      %dma_start3A_117 = arith.constant 0 : i32
      %dma_start3A_118 = tpu.memref_slice %dma_start3A_115[%dma_start3A_116, %dma_start3A_117] : memref<80x128xi32, #tpu.memory_space<hbm>> -> memref<16x128xi32, #tpu.memory_space<hbm>>
      %dma_start3A_119 = arith.constant 0 : i32
      %dma_start3A_120 = arith.constant 0 : i32
      %dma_start3A_121 = tpu.memref_slice %arg3[%add3A, %dma_start3A_119, %dma_start3A_120] : memref<32x80x128xi32, #tpu.memory_space<hbm>> -> memref<1x80x128xi32, #tpu.memory_space<hbm>>
      %dma_start3A_122 = tpu.memref_squeeze %dma_start3A_121 : memref<1x80x128xi32, #tpu.memory_space<hbm>> -> memref<80x128xi32, #tpu.memory_space<hbm>>
      %dma_start3A_123 = arith.constant 32 : i32
      %dma_start3A_124 = arith.constant 0 : i32
      %dma_start3A_125 = tpu.memref_slice %dma_start3A_122[%dma_start3A_123, %dma_start3A_124] : memref<80x128xi32, #tpu.memory_space<hbm>> -> memref<16x128xi32, #tpu.memory_space<hbm>>
      tpu.enqueue_dma source(%dma_start3A_125 : memref<16x128xi32, #tpu.memory_space<hbm>>) target(%arg6 : memref<16x128xi32, #tpu.memory_space<vmem>>) target_semaphore(%run_scoped3A : memref<!tpu.dma_semaphore, #tpu.memory_space<semaphore_mem>>)
      %dma_wait3A = arith.constant 0 : i32
      %dma_wait3A_126 = arith.constant 0 : i32
      %dma_wait3A_127 = tpu.memref_slice %arg3[%add3A, %dma_wait3A, %dma_wait3A_126] : memref<32x80x128xi32, #tpu.memory_space<hbm>> -> memref<1x80x128xi32, #tpu.memory_space<hbm>>
      %dma_wait3A_128 = tpu.memref_squeeze %dma_wait3A_127 : memref<1x80x128xi32, #tpu.memory_space<hbm>> -> memref<80x128xi32, #tpu.memory_space<hbm>>
      %dma_wait3A_129 = arith.constant 32 : i32
      %dma_wait3A_130 = arith.constant 0 : i32
      %dma_wait3A_131 = tpu.memref_slice %dma_wait3A_128[%dma_wait3A_129, %dma_wait3A_130] : memref<80x128xi32, #tpu.memory_space<hbm>> -> memref<16x128xi32, #tpu.memory_space<hbm>>
      %dma_wait3A_132 = arith.constant 0 : i32
      %dma_wait3A_133 = arith.constant 0 : i32
      %dma_wait3A_134 = tpu.memref_slice %arg3[%add3A, %dma_wait3A_132, %dma_wait3A_133] : memref<32x80x128xi32, #tpu.memory_space<hbm>> -> memref<1x80x128xi32, #tpu.memory_space<hbm>>
      %dma_wait3A_135 = tpu.memref_squeeze %dma_wait3A_134 : memref<1x80x128xi32, #tpu.memory_space<hbm>> -> memref<80x128xi32, #tpu.memory_space<hbm>>
      %dma_wait3A_136 = arith.constant 32 : i32
      %dma_wait3A_137 = arith.constant 0 : i32
      %dma_wait3A_138 = tpu.memref_slice %dma_wait3A_135[%dma_wait3A_136, %dma_wait3A_137] : memref<80x128xi32, #tpu.memory_space<hbm>> -> memref<16x128xi32, #tpu.memory_space<hbm>>
      tpu.wait_dma2 semaphore(%run_scoped3A : memref<!tpu.dma_semaphore, #tpu.memory_space<semaphore_mem>>) src(%dma_wait3A_138 : memref<16x128xi32, #tpu.memory_space<hbm>>) dst(%arg6 : memref<16x128xi32, #tpu.memory_space<vmem>>)
      tpu.yield
    }) : () -> ()
    "tpu.region"() ({
      %run_scoped3A = tpu.sem_alloc : memref<!tpu.dma_semaphore, #tpu.memory_space<semaphore_mem>>
      %dma_start3A_112 = arith.constant 0 : i32
      %dma_start3A_113 = arith.constant 0 : i32
      %dma_start3A_114 = tpu.memref_slice %arg4[%add3A, %dma_start3A_112, %dma_start3A_113] : memref<32x80x128xi32, #tpu.memory_space<hbm>> -> memref<1x80x128xi32, #tpu.memory_space<hbm>>
      %dma_start3A_115 = tpu.memref_squeeze %dma_start3A_114 : memref<1x80x128xi32, #tpu.memory_space<hbm>> -> memref<80x128xi32, #tpu.memory_space<hbm>>
      %dma_start3A_116 = arith.constant 32 : i32
      %dma_start3A_117 = arith.constant 0 : i32
      %dma_start3A_118 = tpu.memref_slice %dma_start3A_115[%dma_start3A_116, %dma_start3A_117] : memref<80x128xi32, #tpu.memory_space<hbm>> -> memref<16x128xi32, #tpu.memory_space<hbm>>
      %dma_start3A_119 = arith.constant 0 : i32
      %dma_start3A_120 = arith.constant 0 : i32
      %dma_start3A_121 = tpu.memref_slice %arg4[%add3A, %dma_start3A_119, %dma_start3A_120] : memref<32x80x128xi32, #tpu.memory_space<hbm>> -> memref<1x80x128xi32, #tpu.memory_space<hbm>>
      %dma_start3A_122 = tpu.memref_squeeze %dma_start3A_121 : memref<1x80x128xi32, #tpu.memory_space<hbm>> -> memref<80x128xi32, #tpu.memory_space<hbm>>
      %dma_start3A_123 = arith.constant 32 : i32
      %dma_start3A_124 = arith.constant 0 : i32
      %dma_start3A_125 = tpu.memref_slice %dma_start3A_122[%dma_start3A_123, %dma_start3A_124] : memref<80x128xi32, #tpu.memory_space<hbm>> -> memref<16x128xi32, #tpu.memory_space<hbm>>
      tpu.enqueue_dma source(%dma_start3A_125 : memref<16x128xi32, #tpu.memory_space<hbm>>) target(%arg7 : memref<16x128xi32, #tpu.memory_space<vmem>>) target_semaphore(%run_scoped3A : memref<!tpu.dma_semaphore, #tpu.memory_space<semaphore_mem>>)
      %dma_wait3A = arith.constant 0 : i32
      %dma_wait3A_126 = arith.constant 0 : i32
      %dma_wait3A_127 = tpu.memref_slice %arg4[%add3A, %dma_wait3A, %dma_wait3A_126] : memref<32x80x128xi32, #tpu.memory_space<hbm>> -> memref<1x80x128xi32, #tpu.memory_space<hbm>>
      %dma_wait3A_128 = tpu.memref_squeeze %dma_wait3A_127 : memref<1x80x128xi32, #tpu.memory_space<hbm>> -> memref<80x128xi32, #tpu.memory_space<hbm>>
      %dma_wait3A_129 = arith.constant 32 : i32
      %dma_wait3A_130 = arith.constant 0 : i32
      %dma_wait3A_131 = tpu.memref_slice %dma_wait3A_128[%dma_wait3A_129, %dma_wait3A_130] : memref<80x128xi32, #tpu.memory_space<hbm>> -> memref<16x128xi32, #tpu.memory_space<hbm>>
      %dma_wait3A_132 = arith.constant 0 : i32
      %dma_wait3A_133 = arith.constant 0 : i32
      %dma_wait3A_134 = tpu.memref_slice %arg4[%add3A, %dma_wait3A_132, %dma_wait3A_133] : memref<32x80x128xi32, #tpu.memory_space<hbm>> -> memref<1x80x128xi32, #tpu.memory_space<hbm>>
      %dma_wait3A_135 = tpu.memref_squeeze %dma_wait3A_134 : memref<1x80x128xi32, #tpu.memory_space<hbm>> -> memref<80x128xi32, #tpu.memory_space<hbm>>
      %dma_wait3A_136 = arith.constant 32 : i32
      %dma_wait3A_137 = arith.constant 0 : i32
      %dma_wait3A_138 = tpu.memref_slice %dma_wait3A_135[%dma_wait3A_136, %dma_wait3A_137] : memref<80x128xi32, #tpu.memory_space<hbm>> -> memref<16x128xi32, #tpu.memory_space<hbm>>
      tpu.wait_dma2 semaphore(%run_scoped3A : memref<!tpu.dma_semaphore, #tpu.memory_space<semaphore_mem>>) src(%dma_wait3A_138 : memref<16x128xi32, #tpu.memory_space<hbm>>) dst(%arg7 : memref<16x128xi32, #tpu.memory_space<vmem>>)
      tpu.yield
    }) : () -> ()
    %dma_start3A_52 = arith.constant 0 : i32
    %dma_start3A_53 = arith.constant 0 : i32
    %dma_start3A_54 = tpu.memref_slice %arg6[%dma_start3A_52, %dma_start3A_53] : memref<16x128xi32, #tpu.memory_space<vmem>> -> memref<1x128xi32, #tpu.memory_space<vmem>>
    %dma_start3A_55 = tpu.memref_squeeze %dma_start3A_54 : memref<1x128xi32, #tpu.memory_space<vmem>> -> memref<128xi32, #tpu.memory_space<vmem>>
    %dma_start3A_56 = arith.constant 0 : i32
    %dma_start3A_57 = arith.constant 0 : i32
    %dma_start3A_58 = tpu.memref_slice %arg2[%dma_start3A_56, %dma_start3A_57] : memref<10000x128xf32, #tpu.memory_space<hbm>> -> memref<10000x128xf32, #tpu.memory_space<hbm>>
    tpu.enqueue_indirect_dma source(%dma_start3A_58 : memref<10000x128xf32, #tpu.memory_space<hbm>>) target(%arg8 : memref<128x128xf32, #tpu.memory_space<vmem>>) offsets(%dma_start3A_55 : memref<128xi32, #tpu.memory_space<vmem>>) semaphore(%arg11 : memref<!tpu.dma_semaphore, #tpu.memory_space<semaphore_mem>>)
    %dma_start3A_59 = arith.constant 1 : i32
    %dma_start3A_60 = arith.constant 0 : i32
    %dma_start3A_61 = tpu.memref_slice %arg6[%dma_start3A_59, %dma_start3A_60] : memref<16x128xi32, #tpu.memory_space<vmem>> -> memref<1x128xi32, #tpu.memory_space<vmem>>
    %dma_start3A_62 = tpu.memref_squeeze %dma_start3A_61 : memref<1x128xi32, #tpu.memory_space<vmem>> -> memref<128xi32, #tpu.memory_space<vmem>>
    %dma_start3A_63 = arith.constant 0 : i32
    %dma_start3A_64 = arith.constant 0 : i32
    %dma_start3A_65 = tpu.memref_slice %arg2[%dma_start3A_63, %dma_start3A_64] : memref<10000x128xf32, #tpu.memory_space<hbm>> -> memref<10000x128xf32, #tpu.memory_space<hbm>>
    tpu.enqueue_indirect_dma source(%dma_start3A_65 : memref<10000x128xf32, #tpu.memory_space<hbm>>) target(%arg9 : memref<128x128xf32, #tpu.memory_space<vmem>>) offsets(%dma_start3A_62 : memref<128xi32, #tpu.memory_space<vmem>>) semaphore(%arg12 : memref<!tpu.dma_semaphore, #tpu.memory_space<semaphore_mem>>)
    %scan3A_66 = arith.constant 0 : i32
    %scan3A_67 = arith.constant 8 : i32
    %scan3A_68 = arith.addi %scan3A_66, %scan3A_67 : i32
    %scan3A_69 = arith.constant 1 : i32
    scf.for %scan3A_112 = %scan3A_66 to %scan3A_68 step %scan3A_69  : i32 {
      %mul3A_113 = arith.constant 2 : i32
      %mul3A_114 = arith.muli %scan3A_112, %mul3A_113 : i32
      %add3A_115 = arith.constant 0 : i32
      %add3A_116 = arith.addi %add3A_115, %mul3A_114 : i32
      %add3A_117 = arith.constant 0 : i32
      %add3A_118 = arith.addi %add3A_116, %add3A_117 : i32
      %dma_wait3A = arith.constant 0 : i32
      %dma_wait3A_119 = tpu.memref_slice %arg6[%add3A_118, %dma_wait3A] : memref<16x128xi32, #tpu.memory_space<vmem>> -> memref<1x128xi32, #tpu.memory_space<vmem>>
      %dma_wait3A_120 = tpu.memref_squeeze %dma_wait3A_119 : memref<1x128xi32, #tpu.memory_space<vmem>> -> memref<128xi32, #tpu.memory_space<vmem>>
      %dma_wait3A_121 = arith.constant 0 : i32
      %dma_wait3A_122 = arith.constant 0 : i32
      %dma_wait3A_123 = tpu.memref_slice %arg2[%dma_wait3A_121, %dma_wait3A_122] : memref<10000x128xf32, #tpu.memory_space<hbm>> -> memref<10000x128xf32, #tpu.memory_space<hbm>>
      tpu.wait_indirect_dma semaphore(%arg11 : memref<!tpu.dma_semaphore, #tpu.memory_space<semaphore_mem>>) src(%dma_wait3A_123 : memref<10000x128xf32, #tpu.memory_space<hbm>>) dst(%arg8 : memref<128x128xf32, #tpu.memory_space<vmem>>)
      %add3A_124 = arith.constant 0 : i32
      %add3A_125 = arith.addi %add3A_116, %add3A_124 : i32
      "tpu.region"() ({
        %run_scoped3A = tpu.sem_alloc : memref<!tpu.dma_semaphore, #tpu.memory_space<semaphore_mem>>
        %dma_start3A_151 = arith.constant 0 : i32
        %dma_start3A_152 = tpu.memref_slice %arg7[%add3A_125, %dma_start3A_151] : memref<16x128xi32, #tpu.memory_space<vmem>> -> memref<1x128xi32, #tpu.memory_space<vmem>>
        %dma_start3A_153 = tpu.memref_squeeze %dma_start3A_152 : memref<1x128xi32, #tpu.memory_space<vmem>> -> memref<128xi32, #tpu.memory_space<vmem>>
        %dma_start3A_154 = arith.constant 0 : i32
        %dma_start3A_155 = arith.constant 0 : i32
        %dma_start3A_156 = tpu.memref_slice %arg10[%dma_start3A_154, %dma_start3A_155] : memref<10112x128xf32, #tpu.memory_space<vmem_shared>> -> memref<10112x128xf32, #tpu.memory_space<vmem_shared>>
        tpu.enqueue_indirect_dma source(%arg8 : memref<128x128xf32, #tpu.memory_space<vmem>>) target(%dma_start3A_156 : memref<10112x128xf32, #tpu.memory_space<vmem_shared>>) offsets(%dma_start3A_153 : memref<128xi32, #tpu.memory_space<vmem>>) semaphore(%run_scoped3A : memref<!tpu.dma_semaphore, #tpu.memory_space<semaphore_mem>>) {add = true}
        %dma_wait3A_157 = arith.constant 0 : i32
        %dma_wait3A_158 = tpu.memref_slice %arg7[%add3A_125, %dma_wait3A_157] : memref<16x128xi32, #tpu.memory_space<vmem>> -> memref<1x128xi32, #tpu.memory_space<vmem>>
        %dma_wait3A_159 = tpu.memref_squeeze %dma_wait3A_158 : memref<1x128xi32, #tpu.memory_space<vmem>> -> memref<128xi32, #tpu.memory_space<vmem>>
        %dma_wait3A_160 = arith.constant 0 : i32
        %dma_wait3A_161 = arith.constant 0 : i32
        %dma_wait3A_162 = tpu.memref_slice %arg10[%dma_wait3A_160, %dma_wait3A_161] : memref<10112x128xf32, #tpu.memory_space<vmem_shared>> -> memref<10112x128xf32, #tpu.memory_space<vmem_shared>>
        tpu.wait_indirect_dma semaphore(%run_scoped3A : memref<!tpu.dma_semaphore, #tpu.memory_space<semaphore_mem>>) src(%arg8 : memref<128x128xf32, #tpu.memory_space<vmem>>) dst(%dma_wait3A_162 : memref<10112x128xf32, #tpu.memory_space<vmem_shared>>)
        tpu.yield
      }) : () -> ()
      %add3A_126 = arith.constant 0 : i32
      %add3A_127 = arith.addi %add3A_116, %add3A_126 : i32
      %add3A_128 = arith.constant 2 : i32
      %add3A_129 = arith.addi %add3A_127, %add3A_128 : i32
      %lt3A = arith.constant 16 : i32
      %lt3A_130 = arith.cmpi slt, %add3A_129, %lt3A : i32
      %convert_element_type3A = arith.extui %lt3A_130 : i1 to i32
      %cond3A = arith.constant 0 : i32
      %cond3A_131 = arith.cmpi ne, %convert_element_type3A, %cond3A : i32
      scf.if %cond3A_131 {
        %add3A_151 = arith.constant 0 : i32
        %add3A_152 = arith.addi %add3A_116, %add3A_151 : i32
        %add3A_153 = arith.constant 2 : i32
        %add3A_154 = arith.addi %add3A_152, %add3A_153 : i32
        %dma_start3A_155 = arith.constant 0 : i32
        %dma_start3A_156 = tpu.memref_slice %arg6[%add3A_154, %dma_start3A_155] : memref<16x128xi32, #tpu.memory_space<vmem>> -> memref<1x128xi32, #tpu.memory_space<vmem>>
        %dma_start3A_157 = tpu.memref_squeeze %dma_start3A_156 : memref<1x128xi32, #tpu.memory_space<vmem>> -> memref<128xi32, #tpu.memory_space<vmem>>
        %dma_start3A_158 = arith.constant 0 : i32
        %dma_start3A_159 = arith.constant 0 : i32
        %dma_start3A_160 = tpu.memref_slice %arg2[%dma_start3A_158, %dma_start3A_159] : memref<10000x128xf32, #tpu.memory_space<hbm>> -> memref<10000x128xf32, #tpu.memory_space<hbm>>
        tpu.enqueue_indirect_dma source(%dma_start3A_160 : memref<10000x128xf32, #tpu.memory_space<hbm>>) target(%arg8 : memref<128x128xf32, #tpu.memory_space<vmem>>) offsets(%dma_start3A_157 : memref<128xi32, #tpu.memory_space<vmem>>) semaphore(%arg11 : memref<!tpu.dma_semaphore, #tpu.memory_space<semaphore_mem>>)
      } else {
      }
      %add3A_132 = arith.constant 1 : i32
      %add3A_133 = arith.addi %add3A_116, %add3A_132 : i32
      %dma_wait3A_134 = arith.constant 0 : i32
      %dma_wait3A_135 = tpu.memref_slice %arg6[%add3A_133, %dma_wait3A_134] : memref<16x128xi32, #tpu.memory_space<vmem>> -> memref<1x128xi32, #tpu.memory_space<vmem>>
      %dma_wait3A_136 = tpu.memref_squeeze %dma_wait3A_135 : memref<1x128xi32, #tpu.memory_space<vmem>> -> memref<128xi32, #tpu.memory_space<vmem>>
      %dma_wait3A_137 = arith.constant 0 : i32
      %dma_wait3A_138 = arith.constant 0 : i32
      %dma_wait3A_139 = tpu.memref_slice %arg2[%dma_wait3A_137, %dma_wait3A_138] : memref<10000x128xf32, #tpu.memory_space<hbm>> -> memref<10000x128xf32, #tpu.memory_space<hbm>>
      tpu.wait_indirect_dma semaphore(%arg12 : memref<!tpu.dma_semaphore, #tpu.memory_space<semaphore_mem>>) src(%dma_wait3A_139 : memref<10000x128xf32, #tpu.memory_space<hbm>>) dst(%arg9 : memref<128x128xf32, #tpu.memory_space<vmem>>)
      %add3A_140 = arith.constant 1 : i32
      %add3A_141 = arith.addi %add3A_116, %add3A_140 : i32
      "tpu.region"() ({
        %run_scoped3A = tpu.sem_alloc : memref<!tpu.dma_semaphore, #tpu.memory_space<semaphore_mem>>
        %dma_start3A_151 = arith.constant 0 : i32
        %dma_start3A_152 = tpu.memref_slice %arg7[%add3A_141, %dma_start3A_151] : memref<16x128xi32, #tpu.memory_space<vmem>> -> memref<1x128xi32, #tpu.memory_space<vmem>>
        %dma_start3A_153 = tpu.memref_squeeze %dma_start3A_152 : memref<1x128xi32, #tpu.memory_space<vmem>> -> memref<128xi32, #tpu.memory_space<vmem>>
        %dma_start3A_154 = arith.constant 0 : i32
        %dma_start3A_155 = arith.constant 0 : i32
        %dma_start3A_156 = tpu.memref_slice %arg10[%dma_start3A_154, %dma_start3A_155] : memref<10112x128xf32, #tpu.memory_space<vmem_shared>> -> memref<10112x128xf32, #tpu.memory_space<vmem_shared>>
        tpu.enqueue_indirect_dma source(%arg9 : memref<128x128xf32, #tpu.memory_space<vmem>>) target(%dma_start3A_156 : memref<10112x128xf32, #tpu.memory_space<vmem_shared>>) offsets(%dma_start3A_153 : memref<128xi32, #tpu.memory_space<vmem>>) semaphore(%run_scoped3A : memref<!tpu.dma_semaphore, #tpu.memory_space<semaphore_mem>>) {add = true}
        %dma_wait3A_157 = arith.constant 0 : i32
        %dma_wait3A_158 = tpu.memref_slice %arg7[%add3A_141, %dma_wait3A_157] : memref<16x128xi32, #tpu.memory_space<vmem>> -> memref<1x128xi32, #tpu.memory_space<vmem>>
        %dma_wait3A_159 = tpu.memref_squeeze %dma_wait3A_158 : memref<1x128xi32, #tpu.memory_space<vmem>> -> memref<128xi32, #tpu.memory_space<vmem>>
        %dma_wait3A_160 = arith.constant 0 : i32
        %dma_wait3A_161 = arith.constant 0 : i32
        %dma_wait3A_162 = tpu.memref_slice %arg10[%dma_wait3A_160, %dma_wait3A_161] : memref<10112x128xf32, #tpu.memory_space<vmem_shared>> -> memref<10112x128xf32, #tpu.memory_space<vmem_shared>>
        tpu.wait_indirect_dma semaphore(%run_scoped3A : memref<!tpu.dma_semaphore, #tpu.memory_space<semaphore_mem>>) src(%arg9 : memref<128x128xf32, #tpu.memory_space<vmem>>) dst(%dma_wait3A_162 : memref<10112x128xf32, #tpu.memory_space<vmem_shared>>)
        tpu.yield
      }) : () -> ()
      %add3A_142 = arith.constant 1 : i32
      %add3A_143 = arith.addi %add3A_116, %add3A_142 : i32
      %add3A_144 = arith.constant 2 : i32
      %add3A_145 = arith.addi %add3A_143, %add3A_144 : i32
      %lt3A_146 = arith.constant 16 : i32
      %lt3A_147 = arith.cmpi slt, %add3A_145, %lt3A_146 : i32
      %convert_element_type3A_148 = arith.extui %lt3A_147 : i1 to i32
      %cond3A_149 = arith.constant 0 : i32
      %cond3A_150 = arith.cmpi ne, %convert_element_type3A_148, %cond3A_149 : i32
      scf.if %cond3A_150 {
        %add3A_151 = arith.constant 1 : i32
        %add3A_152 = arith.addi %add3A_116, %add3A_151 : i32
        %add3A_153 = arith.constant 2 : i32
        %add3A_154 = arith.addi %add3A_152, %add3A_153 : i32
        %dma_start3A_155 = arith.constant 0 : i32
        %dma_start3A_156 = tpu.memref_slice %arg6[%add3A_154, %dma_start3A_155] : memref<16x128xi32, #tpu.memory_space<vmem>> -> memref<1x128xi32, #tpu.memory_space<vmem>>
        %dma_start3A_157 = tpu.memref_squeeze %dma_start3A_156 : memref<1x128xi32, #tpu.memory_space<vmem>> -> memref<128xi32, #tpu.memory_space<vmem>>
        %dma_start3A_158 = arith.constant 0 : i32
        %dma_start3A_159 = arith.constant 0 : i32
        %dma_start3A_160 = tpu.memref_slice %arg2[%dma_start3A_158, %dma_start3A_159] : memref<10000x128xf32, #tpu.memory_space<hbm>> -> memref<10000x128xf32, #tpu.memory_space<hbm>>
        tpu.enqueue_indirect_dma source(%dma_start3A_160 : memref<10000x128xf32, #tpu.memory_space<hbm>>) target(%arg9 : memref<128x128xf32, #tpu.memory_space<vmem>>) offsets(%dma_start3A_157 : memref<128xi32, #tpu.memory_space<vmem>>) semaphore(%arg12 : memref<!tpu.dma_semaphore, #tpu.memory_space<semaphore_mem>>)
      } else {
      }
    }
    %scan3A_70 = arith.constant 8 : i32
    "tpu.region"() ({
      %run_scoped3A = tpu.sem_alloc : memref<!tpu.dma_semaphore, #tpu.memory_space<semaphore_mem>>
      %dma_start3A_112 = arith.constant 0 : i32
      %dma_start3A_113 = arith.constant 0 : i32
      %dma_start3A_114 = tpu.memref_slice %arg3[%add3A, %dma_start3A_112, %dma_start3A_113] : memref<32x80x128xi32, #tpu.memory_space<hbm>> -> memref<1x80x128xi32, #tpu.memory_space<hbm>>
      %dma_start3A_115 = tpu.memref_squeeze %dma_start3A_114 : memref<1x80x128xi32, #tpu.memory_space<hbm>> -> memref<80x128xi32, #tpu.memory_space<hbm>>
      %dma_start3A_116 = arith.constant 48 : i32
      %dma_start3A_117 = arith.constant 0 : i32
      %dma_start3A_118 = tpu.memref_slice %dma_start3A_115[%dma_start3A_116, %dma_start3A_117] : memref<80x128xi32, #tpu.memory_space<hbm>> -> memref<16x128xi32, #tpu.memory_space<hbm>>
      %dma_start3A_119 = arith.constant 0 : i32
      %dma_start3A_120 = arith.constant 0 : i32
      %dma_start3A_121 = tpu.memref_slice %arg3[%add3A, %dma_start3A_119, %dma_start3A_120] : memref<32x80x128xi32, #tpu.memory_space<hbm>> -> memref<1x80x128xi32, #tpu.memory_space<hbm>>
      %dma_start3A_122 = tpu.memref_squeeze %dma_start3A_121 : memref<1x80x128xi32, #tpu.memory_space<hbm>> -> memref<80x128xi32, #tpu.memory_space<hbm>>
      %dma_start3A_123 = arith.constant 48 : i32
      %dma_start3A_124 = arith.constant 0 : i32
      %dma_start3A_125 = tpu.memref_slice %dma_start3A_122[%dma_start3A_123, %dma_start3A_124] : memref<80x128xi32, #tpu.memory_space<hbm>> -> memref<16x128xi32, #tpu.memory_space<hbm>>
      tpu.enqueue_dma source(%dma_start3A_125 : memref<16x128xi32, #tpu.memory_space<hbm>>) target(%arg6 : memref<16x128xi32, #tpu.memory_space<vmem>>) target_semaphore(%run_scoped3A : memref<!tpu.dma_semaphore, #tpu.memory_space<semaphore_mem>>)
      %dma_wait3A = arith.constant 0 : i32
      %dma_wait3A_126 = arith.constant 0 : i32
      %dma_wait3A_127 = tpu.memref_slice %arg3[%add3A, %dma_wait3A, %dma_wait3A_126] : memref<32x80x128xi32, #tpu.memory_space<hbm>> -> memref<1x80x128xi32, #tpu.memory_space<hbm>>
      %dma_wait3A_128 = tpu.memref_squeeze %dma_wait3A_127 : memref<1x80x128xi32, #tpu.memory_space<hbm>> -> memref<80x128xi32, #tpu.memory_space<hbm>>
      %dma_wait3A_129 = arith.constant 48 : i32
      %dma_wait3A_130 = arith.constant 0 : i32
      %dma_wait3A_131 = tpu.memref_slice %dma_wait3A_128[%dma_wait3A_129, %dma_wait3A_130] : memref<80x128xi32, #tpu.memory_space<hbm>> -> memref<16x128xi32, #tpu.memory_space<hbm>>
      %dma_wait3A_132 = arith.constant 0 : i32
      %dma_wait3A_133 = arith.constant 0 : i32
      %dma_wait3A_134 = tpu.memref_slice %arg3[%add3A, %dma_wait3A_132, %dma_wait3A_133] : memref<32x80x128xi32, #tpu.memory_space<hbm>> -> memref<1x80x128xi32, #tpu.memory_space<hbm>>
      %dma_wait3A_135 = tpu.memref_squeeze %dma_wait3A_134 : memref<1x80x128xi32, #tpu.memory_space<hbm>> -> memref<80x128xi32, #tpu.memory_space<hbm>>
      %dma_wait3A_136 = arith.constant 48 : i32
      %dma_wait3A_137 = arith.constant 0 : i32
      %dma_wait3A_138 = tpu.memref_slice %dma_wait3A_135[%dma_wait3A_136, %dma_wait3A_137] : memref<80x128xi32, #tpu.memory_space<hbm>> -> memref<16x128xi32, #tpu.memory_space<hbm>>
      tpu.wait_dma2 semaphore(%run_scoped3A : memref<!tpu.dma_semaphore, #tpu.memory_space<semaphore_mem>>) src(%dma_wait3A_138 : memref<16x128xi32, #tpu.memory_space<hbm>>) dst(%arg6 : memref<16x128xi32, #tpu.memory_space<vmem>>)
      tpu.yield
    }) : () -> ()
    "tpu.region"() ({
      %run_scoped3A = tpu.sem_alloc : memref<!tpu.dma_semaphore, #tpu.memory_space<semaphore_mem>>
      %dma_start3A_112 = arith.constant 0 : i32
      %dma_start3A_113 = arith.constant 0 : i32
      %dma_start3A_114 = tpu.memref_slice %arg4[%add3A, %dma_start3A_112, %dma_start3A_113] : memref<32x80x128xi32, #tpu.memory_space<hbm>> -> memref<1x80x128xi32, #tpu.memory_space<hbm>>
      %dma_start3A_115 = tpu.memref_squeeze %dma_start3A_114 : memref<1x80x128xi32, #tpu.memory_space<hbm>> -> memref<80x128xi32, #tpu.memory_space<hbm>>
      %dma_start3A_116 = arith.constant 48 : i32
      %dma_start3A_117 = arith.constant 0 : i32
      %dma_start3A_118 = tpu.memref_slice %dma_start3A_115[%dma_start3A_116, %dma_start3A_117] : memref<80x128xi32, #tpu.memory_space<hbm>> -> memref<16x128xi32, #tpu.memory_space<hbm>>
      %dma_start3A_119 = arith.constant 0 : i32
      %dma_start3A_120 = arith.constant 0 : i32
      %dma_start3A_121 = tpu.memref_slice %arg4[%add3A, %dma_start3A_119, %dma_start3A_120] : memref<32x80x128xi32, #tpu.memory_space<hbm>> -> memref<1x80x128xi32, #tpu.memory_space<hbm>>
      %dma_start3A_122 = tpu.memref_squeeze %dma_start3A_121 : memref<1x80x128xi32, #tpu.memory_space<hbm>> -> memref<80x128xi32, #tpu.memory_space<hbm>>
      %dma_start3A_123 = arith.constant 48 : i32
      %dma_start3A_124 = arith.constant 0 : i32
      %dma_start3A_125 = tpu.memref_slice %dma_start3A_122[%dma_start3A_123, %dma_start3A_124] : memref<80x128xi32, #tpu.memory_space<hbm>> -> memref<16x128xi32, #tpu.memory_space<hbm>>
      tpu.enqueue_dma source(%dma_start3A_125 : memref<16x128xi32, #tpu.memory_space<hbm>>) target(%arg7 : memref<16x128xi32, #tpu.memory_space<vmem>>) target_semaphore(%run_scoped3A : memref<!tpu.dma_semaphore, #tpu.memory_space<semaphore_mem>>)
      %dma_wait3A = arith.constant 0 : i32
      %dma_wait3A_126 = arith.constant 0 : i32
      %dma_wait3A_127 = tpu.memref_slice %arg4[%add3A, %dma_wait3A, %dma_wait3A_126] : memref<32x80x128xi32, #tpu.memory_space<hbm>> -> memref<1x80x128xi32, #tpu.memory_space<hbm>>
      %dma_wait3A_128 = tpu.memref_squeeze %dma_wait3A_127 : memref<1x80x128xi32, #tpu.memory_space<hbm>> -> memref<80x128xi32, #tpu.memory_space<hbm>>
      %dma_wait3A_129 = arith.constant 48 : i32
      %dma_wait3A_130 = arith.constant 0 : i32
      %dma_wait3A_131 = tpu.memref_slice %dma_wait3A_128[%dma_wait3A_129, %dma_wait3A_130] : memref<80x128xi32, #tpu.memory_space<hbm>> -> memref<16x128xi32, #tpu.memory_space<hbm>>
      %dma_wait3A_132 = arith.constant 0 : i32
      %dma_wait3A_133 = arith.constant 0 : i32
      %dma_wait3A_134 = tpu.memref_slice %arg4[%add3A, %dma_wait3A_132, %dma_wait3A_133] : memref<32x80x128xi32, #tpu.memory_space<hbm>> -> memref<1x80x128xi32, #tpu.memory_space<hbm>>
      %dma_wait3A_135 = tpu.memref_squeeze %dma_wait3A_134 : memref<1x80x128xi32, #tpu.memory_space<hbm>> -> memref<80x128xi32, #tpu.memory_space<hbm>>
      %dma_wait3A_136 = arith.constant 48 : i32
      %dma_wait3A_137 = arith.constant 0 : i32
      %dma_wait3A_138 = tpu.memref_slice %dma_wait3A_135[%dma_wait3A_136, %dma_wait3A_137] : memref<80x128xi32, #tpu.memory_space<hbm>> -> memref<16x128xi32, #tpu.memory_space<hbm>>
      tpu.wait_dma2 semaphore(%run_scoped3A : memref<!tpu.dma_semaphore, #tpu.memory_space<semaphore_mem>>) src(%dma_wait3A_138 : memref<16x128xi32, #tpu.memory_space<hbm>>) dst(%arg7 : memref<16x128xi32, #tpu.memory_space<vmem>>)
      tpu.yield
    }) : () -> ()
    %dma_start3A_71 = arith.constant 0 : i32
    %dma_start3A_72 = arith.constant 0 : i32
    %dma_start3A_73 = tpu.memref_slice %arg6[%dma_start3A_71, %dma_start3A_72] : memref<16x128xi32, #tpu.memory_space<vmem>> -> memref<1x128xi32, #tpu.memory_space<vmem>>
    %dma_start3A_74 = tpu.memref_squeeze %dma_start3A_73 : memref<1x128xi32, #tpu.memory_space<vmem>> -> memref<128xi32, #tpu.memory_space<vmem>>
    %dma_start3A_75 = arith.constant 0 : i32
    %dma_start3A_76 = arith.constant 0 : i32
    %dma_start3A_77 = tpu.memref_slice %arg2[%dma_start3A_75, %dma_start3A_76] : memref<10000x128xf32, #tpu.memory_space<hbm>> -> memref<10000x128xf32, #tpu.memory_space<hbm>>
    tpu.enqueue_indirect_dma source(%dma_start3A_77 : memref<10000x128xf32, #tpu.memory_space<hbm>>) target(%arg8 : memref<128x128xf32, #tpu.memory_space<vmem>>) offsets(%dma_start3A_74 : memref<128xi32, #tpu.memory_space<vmem>>) semaphore(%arg11 : memref<!tpu.dma_semaphore, #tpu.memory_space<semaphore_mem>>)
    %dma_start3A_78 = arith.constant 1 : i32
    %dma_start3A_79 = arith.constant 0 : i32
    %dma_start3A_80 = tpu.memref_slice %arg6[%dma_start3A_78, %dma_start3A_79] : memref<16x128xi32, #tpu.memory_space<vmem>> -> memref<1x128xi32, #tpu.memory_space<vmem>>
    %dma_start3A_81 = tpu.memref_squeeze %dma_start3A_80 : memref<1x128xi32, #tpu.memory_space<vmem>> -> memref<128xi32, #tpu.memory_space<vmem>>
    %dma_start3A_82 = arith.constant 0 : i32
    %dma_start3A_83 = arith.constant 0 : i32
    %dma_start3A_84 = tpu.memref_slice %arg2[%dma_start3A_82, %dma_start3A_83] : memref<10000x128xf32, #tpu.memory_space<hbm>> -> memref<10000x128xf32, #tpu.memory_space<hbm>>
    tpu.enqueue_indirect_dma source(%dma_start3A_84 : memref<10000x128xf32, #tpu.memory_space<hbm>>) target(%arg9 : memref<128x128xf32, #tpu.memory_space<vmem>>) offsets(%dma_start3A_81 : memref<128xi32, #tpu.memory_space<vmem>>) semaphore(%arg12 : memref<!tpu.dma_semaphore, #tpu.memory_space<semaphore_mem>>)
    %scan3A_85 = arith.constant 0 : i32
    %scan3A_86 = arith.constant 8 : i32
    %scan3A_87 = arith.addi %scan3A_85, %scan3A_86 : i32
    %scan3A_88 = arith.constant 1 : i32
    scf.for %scan3A_112 = %scan3A_85 to %scan3A_87 step %scan3A_88  : i32 {
      %mul3A_113 = arith.constant 2 : i32
      %mul3A_114 = arith.muli %scan3A_112, %mul3A_113 : i32
      %add3A_115 = arith.constant 0 : i32
      %add3A_116 = arith.addi %add3A_115, %mul3A_114 : i32
      %add3A_117 = arith.constant 0 : i32
      %add3A_118 = arith.addi %add3A_116, %add3A_117 : i32
      %dma_wait3A = arith.constant 0 : i32
      %dma_wait3A_119 = tpu.memref_slice %arg6[%add3A_118, %dma_wait3A] : memref<16x128xi32, #tpu.memory_space<vmem>> -> memref<1x128xi32, #tpu.memory_space<vmem>>
      %dma_wait3A_120 = tpu.memref_squeeze %dma_wait3A_119 : memref<1x128xi32, #tpu.memory_space<vmem>> -> memref<128xi32, #tpu.memory_space<vmem>>
      %dma_wait3A_121 = arith.constant 0 : i32
      %dma_wait3A_122 = arith.constant 0 : i32
      %dma_wait3A_123 = tpu.memref_slice %arg2[%dma_wait3A_121, %dma_wait3A_122] : memref<10000x128xf32, #tpu.memory_space<hbm>> -> memref<10000x128xf32, #tpu.memory_space<hbm>>
      tpu.wait_indirect_dma semaphore(%arg11 : memref<!tpu.dma_semaphore, #tpu.memory_space<semaphore_mem>>) src(%dma_wait3A_123 : memref<10000x128xf32, #tpu.memory_space<hbm>>) dst(%arg8 : memref<128x128xf32, #tpu.memory_space<vmem>>)
      %add3A_124 = arith.constant 0 : i32
      %add3A_125 = arith.addi %add3A_116, %add3A_124 : i32
      "tpu.region"() ({
        %run_scoped3A = tpu.sem_alloc : memref<!tpu.dma_semaphore, #tpu.memory_space<semaphore_mem>>
        %dma_start3A_151 = arith.constant 0 : i32
        %dma_start3A_152 = tpu.memref_slice %arg7[%add3A_125, %dma_start3A_151] : memref<16x128xi32, #tpu.memory_space<vmem>> -> memref<1x128xi32, #tpu.memory_space<vmem>>
        %dma_start3A_153 = tpu.memref_squeeze %dma_start3A_152 : memref<1x128xi32, #tpu.memory_space<vmem>> -> memref<128xi32, #tpu.memory_space<vmem>>
        %dma_start3A_154 = arith.constant 0 : i32
        %dma_start3A_155 = arith.constant 0 : i32
        %dma_start3A_156 = tpu.memref_slice %arg10[%dma_start3A_154, %dma_start3A_155] : memref<10112x128xf32, #tpu.memory_space<vmem_shared>> -> memref<10112x128xf32, #tpu.memory_space<vmem_shared>>
        tpu.enqueue_indirect_dma source(%arg8 : memref<128x128xf32, #tpu.memory_space<vmem>>) target(%dma_start3A_156 : memref<10112x128xf32, #tpu.memory_space<vmem_shared>>) offsets(%dma_start3A_153 : memref<128xi32, #tpu.memory_space<vmem>>) semaphore(%run_scoped3A : memref<!tpu.dma_semaphore, #tpu.memory_space<semaphore_mem>>) {add = true}
        %dma_wait3A_157 = arith.constant 0 : i32
        %dma_wait3A_158 = tpu.memref_slice %arg7[%add3A_125, %dma_wait3A_157] : memref<16x128xi32, #tpu.memory_space<vmem>> -> memref<1x128xi32, #tpu.memory_space<vmem>>
        %dma_wait3A_159 = tpu.memref_squeeze %dma_wait3A_158 : memref<1x128xi32, #tpu.memory_space<vmem>> -> memref<128xi32, #tpu.memory_space<vmem>>
        %dma_wait3A_160 = arith.constant 0 : i32
        %dma_wait3A_161 = arith.constant 0 : i32
        %dma_wait3A_162 = tpu.memref_slice %arg10[%dma_wait3A_160, %dma_wait3A_161] : memref<10112x128xf32, #tpu.memory_space<vmem_shared>> -> memref<10112x128xf32, #tpu.memory_space<vmem_shared>>
        tpu.wait_indirect_dma semaphore(%run_scoped3A : memref<!tpu.dma_semaphore, #tpu.memory_space<semaphore_mem>>) src(%arg8 : memref<128x128xf32, #tpu.memory_space<vmem>>) dst(%dma_wait3A_162 : memref<10112x128xf32, #tpu.memory_space<vmem_shared>>)
        tpu.yield
      }) : () -> ()
      %add3A_126 = arith.constant 0 : i32
      %add3A_127 = arith.addi %add3A_116, %add3A_126 : i32
      %add3A_128 = arith.constant 2 : i32
      %add3A_129 = arith.addi %add3A_127, %add3A_128 : i32
      %lt3A = arith.constant 16 : i32
      %lt3A_130 = arith.cmpi slt, %add3A_129, %lt3A : i32
      %convert_element_type3A = arith.extui %lt3A_130 : i1 to i32
      %cond3A = arith.constant 0 : i32
      %cond3A_131 = arith.cmpi ne, %convert_element_type3A, %cond3A : i32
      scf.if %cond3A_131 {
        %add3A_151 = arith.constant 0 : i32
        %add3A_152 = arith.addi %add3A_116, %add3A_151 : i32
        %add3A_153 = arith.constant 2 : i32
        %add3A_154 = arith.addi %add3A_152, %add3A_153 : i32
        %dma_start3A_155 = arith.constant 0 : i32
        %dma_start3A_156 = tpu.memref_slice %arg6[%add3A_154, %dma_start3A_155] : memref<16x128xi32, #tpu.memory_space<vmem>> -> memref<1x128xi32, #tpu.memory_space<vmem>>
        %dma_start3A_157 = tpu.memref_squeeze %dma_start3A_156 : memref<1x128xi32, #tpu.memory_space<vmem>> -> memref<128xi32, #tpu.memory_space<vmem>>
        %dma_start3A_158 = arith.constant 0 : i32
        %dma_start3A_159 = arith.constant 0 : i32
        %dma_start3A_160 = tpu.memref_slice %arg2[%dma_start3A_158, %dma_start3A_159] : memref<10000x128xf32, #tpu.memory_space<hbm>> -> memref<10000x128xf32, #tpu.memory_space<hbm>>
        tpu.enqueue_indirect_dma source(%dma_start3A_160 : memref<10000x128xf32, #tpu.memory_space<hbm>>) target(%arg8 : memref<128x128xf32, #tpu.memory_space<vmem>>) offsets(%dma_start3A_157 : memref<128xi32, #tpu.memory_space<vmem>>) semaphore(%arg11 : memref<!tpu.dma_semaphore, #tpu.memory_space<semaphore_mem>>)
      } else {
      }
      %add3A_132 = arith.constant 1 : i32
      %add3A_133 = arith.addi %add3A_116, %add3A_132 : i32
      %dma_wait3A_134 = arith.constant 0 : i32
      %dma_wait3A_135 = tpu.memref_slice %arg6[%add3A_133, %dma_wait3A_134] : memref<16x128xi32, #tpu.memory_space<vmem>> -> memref<1x128xi32, #tpu.memory_space<vmem>>
      %dma_wait3A_136 = tpu.memref_squeeze %dma_wait3A_135 : memref<1x128xi32, #tpu.memory_space<vmem>> -> memref<128xi32, #tpu.memory_space<vmem>>
      %dma_wait3A_137 = arith.constant 0 : i32
      %dma_wait3A_138 = arith.constant 0 : i32
      %dma_wait3A_139 = tpu.memref_slice %arg2[%dma_wait3A_137, %dma_wait3A_138] : memref<10000x128xf32, #tpu.memory_space<hbm>> -> memref<10000x128xf32, #tpu.memory_space<hbm>>
      tpu.wait_indirect_dma semaphore(%arg12 : memref<!tpu.dma_semaphore, #tpu.memory_space<semaphore_mem>>) src(%dma_wait3A_139 : memref<10000x128xf32, #tpu.memory_space<hbm>>) dst(%arg9 : memref<128x128xf32, #tpu.memory_space<vmem>>)
      %add3A_140 = arith.constant 1 : i32
      %add3A_141 = arith.addi %add3A_116, %add3A_140 : i32
      "tpu.region"() ({
        %run_scoped3A = tpu.sem_alloc : memref<!tpu.dma_semaphore, #tpu.memory_space<semaphore_mem>>
        %dma_start3A_151 = arith.constant 0 : i32
        %dma_start3A_152 = tpu.memref_slice %arg7[%add3A_141, %dma_start3A_151] : memref<16x128xi32, #tpu.memory_space<vmem>> -> memref<1x128xi32, #tpu.memory_space<vmem>>
        %dma_start3A_153 = tpu.memref_squeeze %dma_start3A_152 : memref<1x128xi32, #tpu.memory_space<vmem>> -> memref<128xi32, #tpu.memory_space<vmem>>
        %dma_start3A_154 = arith.constant 0 : i32
        %dma_start3A_155 = arith.constant 0 : i32
        %dma_start3A_156 = tpu.memref_slice %arg10[%dma_start3A_154, %dma_start3A_155] : memref<10112x128xf32, #tpu.memory_space<vmem_shared>> -> memref<10112x128xf32, #tpu.memory_space<vmem_shared>>
        tpu.enqueue_indirect_dma source(%arg9 : memref<128x128xf32, #tpu.memory_space<vmem>>) target(%dma_start3A_156 : memref<10112x128xf32, #tpu.memory_space<vmem_shared>>) offsets(%dma_start3A_153 : memref<128xi32, #tpu.memory_space<vmem>>) semaphore(%run_scoped3A : memref<!tpu.dma_semaphore, #tpu.memory_space<semaphore_mem>>) {add = true}
        %dma_wait3A_157 = arith.constant 0 : i32
        %dma_wait3A_158 = tpu.memref_slice %arg7[%add3A_141, %dma_wait3A_157] : memref<16x128xi32, #tpu.memory_space<vmem>> -> memref<1x128xi32, #tpu.memory_space<vmem>>
        %dma_wait3A_159 = tpu.memref_squeeze %dma_wait3A_158 : memref<1x128xi32, #tpu.memory_space<vmem>> -> memref<128xi32, #tpu.memory_space<vmem>>
        %dma_wait3A_160 = arith.constant 0 : i32
        %dma_wait3A_161 = arith.constant 0 : i32
        %dma_wait3A_162 = tpu.memref_slice %arg10[%dma_wait3A_160, %dma_wait3A_161] : memref<10112x128xf32, #tpu.memory_space<vmem_shared>> -> memref<10112x128xf32, #tpu.memory_space<vmem_shared>>
        tpu.wait_indirect_dma semaphore(%run_scoped3A : memref<!tpu.dma_semaphore, #tpu.memory_space<semaphore_mem>>) src(%arg9 : memref<128x128xf32, #tpu.memory_space<vmem>>) dst(%dma_wait3A_162 : memref<10112x128xf32, #tpu.memory_space<vmem_shared>>)
        tpu.yield
      }) : () -> ()
      %add3A_142 = arith.constant 1 : i32
      %add3A_143 = arith.addi %add3A_116, %add3A_142 : i32
      %add3A_144 = arith.constant 2 : i32
      %add3A_145 = arith.addi %add3A_143, %add3A_144 : i32
      %lt3A_146 = arith.constant 16 : i32
      %lt3A_147 = arith.cmpi slt, %add3A_145, %lt3A_146 : i32
      %convert_element_type3A_148 = arith.extui %lt3A_147 : i1 to i32
      %cond3A_149 = arith.constant 0 : i32
      %cond3A_150 = arith.cmpi ne, %convert_element_type3A_148, %cond3A_149 : i32
      scf.if %cond3A_150 {
        %add3A_151 = arith.constant 1 : i32
        %add3A_152 = arith.addi %add3A_116, %add3A_151 : i32
        %add3A_153 = arith.constant 2 : i32
        %add3A_154 = arith.addi %add3A_152, %add3A_153 : i32
        %dma_start3A_155 = arith.constant 0 : i32
        %dma_start3A_156 = tpu.memref_slice %arg6[%add3A_154, %dma_start3A_155] : memref<16x128xi32, #tpu.memory_space<vmem>> -> memref<1x128xi32, #tpu.memory_space<vmem>>
        %dma_start3A_157 = tpu.memref_squeeze %dma_start3A_156 : memref<1x128xi32, #tpu.memory_space<vmem>> -> memref<128xi32, #tpu.memory_space<vmem>>
        %dma_start3A_158 = arith.constant 0 : i32
        %dma_start3A_159 = arith.constant 0 : i32
        %dma_start3A_160 = tpu.memref_slice %arg2[%dma_start3A_158, %dma_start3A_159] : memref<10000x128xf32, #tpu.memory_space<hbm>> -> memref<10000x128xf32, #tpu.memory_space<hbm>>
        tpu.enqueue_indirect_dma source(%dma_start3A_160 : memref<10000x128xf32, #tpu.memory_space<hbm>>) target(%arg9 : memref<128x128xf32, #tpu.memory_space<vmem>>) offsets(%dma_start3A_157 : memref<128xi32, #tpu.memory_space<vmem>>) semaphore(%arg12 : memref<!tpu.dma_semaphore, #tpu.memory_space<semaphore_mem>>)
      } else {
      }
    }
    %scan3A_89 = arith.constant 8 : i32
    "tpu.region"() ({
      %run_scoped3A = tpu.sem_alloc : memref<!tpu.dma_semaphore, #tpu.memory_space<semaphore_mem>>
      %dma_start3A_112 = arith.constant 0 : i32
      %dma_start3A_113 = arith.constant 0 : i32
      %dma_start3A_114 = tpu.memref_slice %arg3[%add3A, %dma_start3A_112, %dma_start3A_113] : memref<32x80x128xi32, #tpu.memory_space<hbm>> -> memref<1x80x128xi32, #tpu.memory_space<hbm>>
      %dma_start3A_115 = tpu.memref_squeeze %dma_start3A_114 : memref<1x80x128xi32, #tpu.memory_space<hbm>> -> memref<80x128xi32, #tpu.memory_space<hbm>>
      %dma_start3A_116 = arith.constant 64 : i32
      %dma_start3A_117 = arith.constant 0 : i32
      %dma_start3A_118 = tpu.memref_slice %dma_start3A_115[%dma_start3A_116, %dma_start3A_117] : memref<80x128xi32, #tpu.memory_space<hbm>> -> memref<16x128xi32, #tpu.memory_space<hbm>>
      %dma_start3A_119 = arith.constant 0 : i32
      %dma_start3A_120 = arith.constant 0 : i32
      %dma_start3A_121 = tpu.memref_slice %arg3[%add3A, %dma_start3A_119, %dma_start3A_120] : memref<32x80x128xi32, #tpu.memory_space<hbm>> -> memref<1x80x128xi32, #tpu.memory_space<hbm>>
      %dma_start3A_122 = tpu.memref_squeeze %dma_start3A_121 : memref<1x80x128xi32, #tpu.memory_space<hbm>> -> memref<80x128xi32, #tpu.memory_space<hbm>>
      %dma_start3A_123 = arith.constant 64 : i32
      %dma_start3A_124 = arith.constant 0 : i32
      %dma_start3A_125 = tpu.memref_slice %dma_start3A_122[%dma_start3A_123, %dma_start3A_124] : memref<80x128xi32, #tpu.memory_space<hbm>> -> memref<16x128xi32, #tpu.memory_space<hbm>>
      tpu.enqueue_dma source(%dma_start3A_125 : memref<16x128xi32, #tpu.memory_space<hbm>>) target(%arg6 : memref<16x128xi32, #tpu.memory_space<vmem>>) target_semaphore(%run_scoped3A : memref<!tpu.dma_semaphore, #tpu.memory_space<semaphore_mem>>)
      %dma_wait3A = arith.constant 0 : i32
      %dma_wait3A_126 = arith.constant 0 : i32
      %dma_wait3A_127 = tpu.memref_slice %arg3[%add3A, %dma_wait3A, %dma_wait3A_126] : memref<32x80x128xi32, #tpu.memory_space<hbm>> -> memref<1x80x128xi32, #tpu.memory_space<hbm>>
      %dma_wait3A_128 = tpu.memref_squeeze %dma_wait3A_127 : memref<1x80x128xi32, #tpu.memory_space<hbm>> -> memref<80x128xi32, #tpu.memory_space<hbm>>
      %dma_wait3A_129 = arith.constant 64 : i32
      %dma_wait3A_130 = arith.constant 0 : i32
      %dma_wait3A_131 = tpu.memref_slice %dma_wait3A_128[%dma_wait3A_129, %dma_wait3A_130] : memref<80x128xi32, #tpu.memory_space<hbm>> -> memref<16x128xi32, #tpu.memory_space<hbm>>
      %dma_wait3A_132 = arith.constant 0 : i32
      %dma_wait3A_133 = arith.constant 0 : i32
      %dma_wait3A_134 = tpu.memref_slice %arg3[%add3A, %dma_wait3A_132, %dma_wait3A_133] : memref<32x80x128xi32, #tpu.memory_space<hbm>> -> memref<1x80x128xi32, #tpu.memory_space<hbm>>
      %dma_wait3A_135 = tpu.memref_squeeze %dma_wait3A_134 : memref<1x80x128xi32, #tpu.memory_space<hbm>> -> memref<80x128xi32, #tpu.memory_space<hbm>>
      %dma_wait3A_136 = arith.constant 64 : i32
      %dma_wait3A_137 = arith.constant 0 : i32
      %dma_wait3A_138 = tpu.memref_slice %dma_wait3A_135[%dma_wait3A_136, %dma_wait3A_137] : memref<80x128xi32, #tpu.memory_space<hbm>> -> memref<16x128xi32, #tpu.memory_space<hbm>>
      tpu.wait_dma2 semaphore(%run_scoped3A : memref<!tpu.dma_semaphore, #tpu.memory_space<semaphore_mem>>) src(%dma_wait3A_138 : memref<16x128xi32, #tpu.memory_space<hbm>>) dst(%arg6 : memref<16x128xi32, #tpu.memory_space<vmem>>)
      tpu.yield
    }) : () -> ()
    "tpu.region"() ({
      %run_scoped3A = tpu.sem_alloc : memref<!tpu.dma_semaphore, #tpu.memory_space<semaphore_mem>>
      %dma_start3A_112 = arith.constant 0 : i32
      %dma_start3A_113 = arith.constant 0 : i32
      %dma_start3A_114 = tpu.memref_slice %arg4[%add3A, %dma_start3A_112, %dma_start3A_113] : memref<32x80x128xi32, #tpu.memory_space<hbm>> -> memref<1x80x128xi32, #tpu.memory_space<hbm>>
      %dma_start3A_115 = tpu.memref_squeeze %dma_start3A_114 : memref<1x80x128xi32, #tpu.memory_space<hbm>> -> memref<80x128xi32, #tpu.memory_space<hbm>>
      %dma_start3A_116 = arith.constant 64 : i32
      %dma_start3A_117 = arith.constant 0 : i32
      %dma_start3A_118 = tpu.memref_slice %dma_start3A_115[%dma_start3A_116, %dma_start3A_117] : memref<80x128xi32, #tpu.memory_space<hbm>> -> memref<16x128xi32, #tpu.memory_space<hbm>>
      %dma_start3A_119 = arith.constant 0 : i32
      %dma_start3A_120 = arith.constant 0 : i32
      %dma_start3A_121 = tpu.memref_slice %arg4[%add3A, %dma_start3A_119, %dma_start3A_120] : memref<32x80x128xi32, #tpu.memory_space<hbm>> -> memref<1x80x128xi32, #tpu.memory_space<hbm>>
      %dma_start3A_122 = tpu.memref_squeeze %dma_start3A_121 : memref<1x80x128xi32, #tpu.memory_space<hbm>> -> memref<80x128xi32, #tpu.memory_space<hbm>>
      %dma_start3A_123 = arith.constant 64 : i32
      %dma_start3A_124 = arith.constant 0 : i32
      %dma_start3A_125 = tpu.memref_slice %dma_start3A_122[%dma_start3A_123, %dma_start3A_124] : memref<80x128xi32, #tpu.memory_space<hbm>> -> memref<16x128xi32, #tpu.memory_space<hbm>>
      tpu.enqueue_dma source(%dma_start3A_125 : memref<16x128xi32, #tpu.memory_space<hbm>>) target(%arg7 : memref<16x128xi32, #tpu.memory_space<vmem>>) target_semaphore(%run_scoped3A : memref<!tpu.dma_semaphore, #tpu.memory_space<semaphore_mem>>)
      %dma_wait3A = arith.constant 0 : i32
      %dma_wait3A_126 = arith.constant 0 : i32
      %dma_wait3A_127 = tpu.memref_slice %arg4[%add3A, %dma_wait3A, %dma_wait3A_126] : memref<32x80x128xi32, #tpu.memory_space<hbm>> -> memref<1x80x128xi32, #tpu.memory_space<hbm>>
      %dma_wait3A_128 = tpu.memref_squeeze %dma_wait3A_127 : memref<1x80x128xi32, #tpu.memory_space<hbm>> -> memref<80x128xi32, #tpu.memory_space<hbm>>
      %dma_wait3A_129 = arith.constant 64 : i32
      %dma_wait3A_130 = arith.constant 0 : i32
      %dma_wait3A_131 = tpu.memref_slice %dma_wait3A_128[%dma_wait3A_129, %dma_wait3A_130] : memref<80x128xi32, #tpu.memory_space<hbm>> -> memref<16x128xi32, #tpu.memory_space<hbm>>
      %dma_wait3A_132 = arith.constant 0 : i32
      %dma_wait3A_133 = arith.constant 0 : i32
      %dma_wait3A_134 = tpu.memref_slice %arg4[%add3A, %dma_wait3A_132, %dma_wait3A_133] : memref<32x80x128xi32, #tpu.memory_space<hbm>> -> memref<1x80x128xi32, #tpu.memory_space<hbm>>
      %dma_wait3A_135 = tpu.memref_squeeze %dma_wait3A_134 : memref<1x80x128xi32, #tpu.memory_space<hbm>> -> memref<80x128xi32, #tpu.memory_space<hbm>>
      %dma_wait3A_136 = arith.constant 64 : i32
      %dma_wait3A_137 = arith.constant 0 : i32
      %dma_wait3A_138 = tpu.memref_slice %dma_wait3A_135[%dma_wait3A_136, %dma_wait3A_137] : memref<80x128xi32, #tpu.memory_space<hbm>> -> memref<16x128xi32, #tpu.memory_space<hbm>>
      tpu.wait_dma2 semaphore(%run_scoped3A : memref<!tpu.dma_semaphore, #tpu.memory_space<semaphore_mem>>) src(%dma_wait3A_138 : memref<16x128xi32, #tpu.memory_space<hbm>>) dst(%arg7 : memref<16x128xi32, #tpu.memory_space<vmem>>)
      tpu.yield
    }) : () -> ()
    %dma_start3A_90 = arith.constant 0 : i32
    %dma_start3A_91 = arith.constant 0 : i32
    %dma_start3A_92 = tpu.memref_slice %arg6[%dma_start3A_90, %dma_start3A_91] : memref<16x128xi32, #tpu.memory_space<vmem>> -> memref<1x128xi32, #tpu.memory_space<vmem>>
    %dma_start3A_93 = tpu.memref_squeeze %dma_start3A_92 : memref<1x128xi32, #tpu.memory_space<vmem>> -> memref<128xi32, #tpu.memory_space<vmem>>
    %dma_start3A_94 = arith.constant 0 : i32
    %dma_start3A_95 = arith.constant 0 : i32
    %dma_start3A_96 = tpu.memref_slice %arg2[%dma_start3A_94, %dma_start3A_95] : memref<10000x128xf32, #tpu.memory_space<hbm>> -> memref<10000x128xf32, #tpu.memory_space<hbm>>
    tpu.enqueue_indirect_dma source(%dma_start3A_96 : memref<10000x128xf32, #tpu.memory_space<hbm>>) target(%arg8 : memref<128x128xf32, #tpu.memory_space<vmem>>) offsets(%dma_start3A_93 : memref<128xi32, #tpu.memory_space<vmem>>) semaphore(%arg11 : memref<!tpu.dma_semaphore, #tpu.memory_space<semaphore_mem>>)
    %dma_start3A_97 = arith.constant 1 : i32
    %dma_start3A_98 = arith.constant 0 : i32
    %dma_start3A_99 = tpu.memref_slice %arg6[%dma_start3A_97, %dma_start3A_98] : memref<16x128xi32, #tpu.memory_space<vmem>> -> memref<1x128xi32, #tpu.memory_space<vmem>>
    %dma_start3A_100 = tpu.memref_squeeze %dma_start3A_99 : memref<1x128xi32, #tpu.memory_space<vmem>> -> memref<128xi32, #tpu.memory_space<vmem>>
    %dma_start3A_101 = arith.constant 0 : i32
    %dma_start3A_102 = arith.constant 0 : i32
    %dma_start3A_103 = tpu.memref_slice %arg2[%dma_start3A_101, %dma_start3A_102] : memref<10000x128xf32, #tpu.memory_space<hbm>> -> memref<10000x128xf32, #tpu.memory_space<hbm>>
    tpu.enqueue_indirect_dma source(%dma_start3A_103 : memref<10000x128xf32, #tpu.memory_space<hbm>>) target(%arg9 : memref<128x128xf32, #tpu.memory_space<vmem>>) offsets(%dma_start3A_100 : memref<128xi32, #tpu.memory_space<vmem>>) semaphore(%arg12 : memref<!tpu.dma_semaphore, #tpu.memory_space<semaphore_mem>>)
    %scan3A_104 = arith.constant 0 : i32
    %scan3A_105 = arith.constant 8 : i32
    %scan3A_106 = arith.addi %scan3A_104, %scan3A_105 : i32
    %scan3A_107 = arith.constant 1 : i32
    scf.for %scan3A_112 = %scan3A_104 to %scan3A_106 step %scan3A_107  : i32 {
      %mul3A_113 = arith.constant 2 : i32
      %mul3A_114 = arith.muli %scan3A_112, %mul3A_113 : i32
      %add3A_115 = arith.constant 0 : i32
      %add3A_116 = arith.addi %add3A_115, %mul3A_114 : i32
      %add3A_117 = arith.constant 0 : i32
      %add3A_118 = arith.addi %add3A_116, %add3A_117 : i32
      %dma_wait3A = arith.constant 0 : i32
      %dma_wait3A_119 = tpu.memref_slice %arg6[%add3A_118, %dma_wait3A] : memref<16x128xi32, #tpu.memory_space<vmem>> -> memref<1x128xi32, #tpu.memory_space<vmem>>
      %dma_wait3A_120 = tpu.memref_squeeze %dma_wait3A_119 : memref<1x128xi32, #tpu.memory_space<vmem>> -> memref<128xi32, #tpu.memory_space<vmem>>
      %dma_wait3A_121 = arith.constant 0 : i32
      %dma_wait3A_122 = arith.constant 0 : i32
      %dma_wait3A_123 = tpu.memref_slice %arg2[%dma_wait3A_121, %dma_wait3A_122] : memref<10000x128xf32, #tpu.memory_space<hbm>> -> memref<10000x128xf32, #tpu.memory_space<hbm>>
      tpu.wait_indirect_dma semaphore(%arg11 : memref<!tpu.dma_semaphore, #tpu.memory_space<semaphore_mem>>) src(%dma_wait3A_123 : memref<10000x128xf32, #tpu.memory_space<hbm>>) dst(%arg8 : memref<128x128xf32, #tpu.memory_space<vmem>>)
      %add3A_124 = arith.constant 0 : i32
      %add3A_125 = arith.addi %add3A_116, %add3A_124 : i32
      "tpu.region"() ({
        %run_scoped3A = tpu.sem_alloc : memref<!tpu.dma_semaphore, #tpu.memory_space<semaphore_mem>>
        %dma_start3A_151 = arith.constant 0 : i32
        %dma_start3A_152 = tpu.memref_slice %arg7[%add3A_125, %dma_start3A_151] : memref<16x128xi32, #tpu.memory_space<vmem>> -> memref<1x128xi32, #tpu.memory_space<vmem>>
        %dma_start3A_153 = tpu.memref_squeeze %dma_start3A_152 : memref<1x128xi32, #tpu.memory_space<vmem>> -> memref<128xi32, #tpu.memory_space<vmem>>
        %dma_start3A_154 = arith.constant 0 : i32
        %dma_start3A_155 = arith.constant 0 : i32
        %dma_start3A_156 = tpu.memref_slice %arg10[%dma_start3A_154, %dma_start3A_155] : memref<10112x128xf32, #tpu.memory_space<vmem_shared>> -> memref<10112x128xf32, #tpu.memory_space<vmem_shared>>
        tpu.enqueue_indirect_dma source(%arg8 : memref<128x128xf32, #tpu.memory_space<vmem>>) target(%dma_start3A_156 : memref<10112x128xf32, #tpu.memory_space<vmem_shared>>) offsets(%dma_start3A_153 : memref<128xi32, #tpu.memory_space<vmem>>) semaphore(%run_scoped3A : memref<!tpu.dma_semaphore, #tpu.memory_space<semaphore_mem>>) {add = true}
        %dma_wait3A_157 = arith.constant 0 : i32
        %dma_wait3A_158 = tpu.memref_slice %arg7[%add3A_125, %dma_wait3A_157] : memref<16x128xi32, #tpu.memory_space<vmem>> -> memref<1x128xi32, #tpu.memory_space<vmem>>
        %dma_wait3A_159 = tpu.memref_squeeze %dma_wait3A_158 : memref<1x128xi32, #tpu.memory_space<vmem>> -> memref<128xi32, #tpu.memory_space<vmem>>
        %dma_wait3A_160 = arith.constant 0 : i32
        %dma_wait3A_161 = arith.constant 0 : i32
        %dma_wait3A_162 = tpu.memref_slice %arg10[%dma_wait3A_160, %dma_wait3A_161] : memref<10112x128xf32, #tpu.memory_space<vmem_shared>> -> memref<10112x128xf32, #tpu.memory_space<vmem_shared>>
        tpu.wait_indirect_dma semaphore(%run_scoped3A : memref<!tpu.dma_semaphore, #tpu.memory_space<semaphore_mem>>) src(%arg8 : memref<128x128xf32, #tpu.memory_space<vmem>>) dst(%dma_wait3A_162 : memref<10112x128xf32, #tpu.memory_space<vmem_shared>>)
        tpu.yield
      }) : () -> ()
      %add3A_126 = arith.constant 0 : i32
      %add3A_127 = arith.addi %add3A_116, %add3A_126 : i32
      %add3A_128 = arith.constant 2 : i32
      %add3A_129 = arith.addi %add3A_127, %add3A_128 : i32
      %lt3A = arith.constant 16 : i32
      %lt3A_130 = arith.cmpi slt, %add3A_129, %lt3A : i32
      %convert_element_type3A = arith.extui %lt3A_130 : i1 to i32
      %cond3A = arith.constant 0 : i32
      %cond3A_131 = arith.cmpi ne, %convert_element_type3A, %cond3A : i32
      scf.if %cond3A_131 {
        %add3A_151 = arith.constant 0 : i32
        %add3A_152 = arith.addi %add3A_116, %add3A_151 : i32
        %add3A_153 = arith.constant 2 : i32
        %add3A_154 = arith.addi %add3A_152, %add3A_153 : i32
        %dma_start3A_155 = arith.constant 0 : i32
        %dma_start3A_156 = tpu.memref_slice %arg6[%add3A_154, %dma_start3A_155] : memref<16x128xi32, #tpu.memory_space<vmem>> -> memref<1x128xi32, #tpu.memory_space<vmem>>
        %dma_start3A_157 = tpu.memref_squeeze %dma_start3A_156 : memref<1x128xi32, #tpu.memory_space<vmem>> -> memref<128xi32, #tpu.memory_space<vmem>>
        %dma_start3A_158 = arith.constant 0 : i32
        %dma_start3A_159 = arith.constant 0 : i32
        %dma_start3A_160 = tpu.memref_slice %arg2[%dma_start3A_158, %dma_start3A_159] : memref<10000x128xf32, #tpu.memory_space<hbm>> -> memref<10000x128xf32, #tpu.memory_space<hbm>>
        tpu.enqueue_indirect_dma source(%dma_start3A_160 : memref<10000x128xf32, #tpu.memory_space<hbm>>) target(%arg8 : memref<128x128xf32, #tpu.memory_space<vmem>>) offsets(%dma_start3A_157 : memref<128xi32, #tpu.memory_space<vmem>>) semaphore(%arg11 : memref<!tpu.dma_semaphore, #tpu.memory_space<semaphore_mem>>)
      } else {
      }
      %add3A_132 = arith.constant 1 : i32
      %add3A_133 = arith.addi %add3A_116, %add3A_132 : i32
      %dma_wait3A_134 = arith.constant 0 : i32
      %dma_wait3A_135 = tpu.memref_slice %arg6[%add3A_133, %dma_wait3A_134] : memref<16x128xi32, #tpu.memory_space<vmem>> -> memref<1x128xi32, #tpu.memory_space<vmem>>
      %dma_wait3A_136 = tpu.memref_squeeze %dma_wait3A_135 : memref<1x128xi32, #tpu.memory_space<vmem>> -> memref<128xi32, #tpu.memory_space<vmem>>
      %dma_wait3A_137 = arith.constant 0 : i32
      %dma_wait3A_138 = arith.constant 0 : i32
      %dma_wait3A_139 = tpu.memref_slice %arg2[%dma_wait3A_137, %dma_wait3A_138] : memref<10000x128xf32, #tpu.memory_space<hbm>> -> memref<10000x128xf32, #tpu.memory_space<hbm>>
      tpu.wait_indirect_dma semaphore(%arg12 : memref<!tpu.dma_semaphore, #tpu.memory_space<semaphore_mem>>) src(%dma_wait3A_139 : memref<10000x128xf32, #tpu.memory_space<hbm>>) dst(%arg9 : memref<128x128xf32, #tpu.memory_space<vmem>>)
      %add3A_140 = arith.constant 1 : i32
      %add3A_141 = arith.addi %add3A_116, %add3A_140 : i32
      "tpu.region"() ({
        %run_scoped3A = tpu.sem_alloc : memref<!tpu.dma_semaphore, #tpu.memory_space<semaphore_mem>>
        %dma_start3A_151 = arith.constant 0 : i32
        %dma_start3A_152 = tpu.memref_slice %arg7[%add3A_141, %dma_start3A_151] : memref<16x128xi32, #tpu.memory_space<vmem>> -> memref<1x128xi32, #tpu.memory_space<vmem>>
        %dma_start3A_153 = tpu.memref_squeeze %dma_start3A_152 : memref<1x128xi32, #tpu.memory_space<vmem>> -> memref<128xi32, #tpu.memory_space<vmem>>
        %dma_start3A_154 = arith.constant 0 : i32
        %dma_start3A_155 = arith.constant 0 : i32
        %dma_start3A_156 = tpu.memref_slice %arg10[%dma_start3A_154, %dma_start3A_155] : memref<10112x128xf32, #tpu.memory_space<vmem_shared>> -> memref<10112x128xf32, #tpu.memory_space<vmem_shared>>
        tpu.enqueue_indirect_dma source(%arg9 : memref<128x128xf32, #tpu.memory_space<vmem>>) target(%dma_start3A_156 : memref<10112x128xf32, #tpu.memory_space<vmem_shared>>) offsets(%dma_start3A_153 : memref<128xi32, #tpu.memory_space<vmem>>) semaphore(%run_scoped3A : memref<!tpu.dma_semaphore, #tpu.memory_space<semaphore_mem>>) {add = true}
        %dma_wait3A_157 = arith.constant 0 : i32
        %dma_wait3A_158 = tpu.memref_slice %arg7[%add3A_141, %dma_wait3A_157] : memref<16x128xi32, #tpu.memory_space<vmem>> -> memref<1x128xi32, #tpu.memory_space<vmem>>
        %dma_wait3A_159 = tpu.memref_squeeze %dma_wait3A_158 : memref<1x128xi32, #tpu.memory_space<vmem>> -> memref<128xi32, #tpu.memory_space<vmem>>
        %dma_wait3A_160 = arith.constant 0 : i32
        %dma_wait3A_161 = arith.constant 0 : i32
        %dma_wait3A_162 = tpu.memref_slice %arg10[%dma_wait3A_160, %dma_wait3A_161] : memref<10112x128xf32, #tpu.memory_space<vmem_shared>> -> memref<10112x128xf32, #tpu.memory_space<vmem_shared>>
        tpu.wait_indirect_dma semaphore(%run_scoped3A : memref<!tpu.dma_semaphore, #tpu.memory_space<semaphore_mem>>) src(%arg9 : memref<128x128xf32, #tpu.memory_space<vmem>>) dst(%dma_wait3A_162 : memref<10112x128xf32, #tpu.memory_space<vmem_shared>>)
        tpu.yield
      }) : () -> ()
      %add3A_142 = arith.constant 1 : i32
      %add3A_143 = arith.addi %add3A_116, %add3A_142 : i32
      %add3A_144 = arith.constant 2 : i32
      %add3A_145 = arith.addi %add3A_143, %add3A_144 : i32
      %lt3A_146 = arith.constant 16 : i32
      %lt3A_147 = arith.cmpi slt, %add3A_145, %lt3A_146 : i32
      %convert_element_type3A_148 = arith.extui %lt3A_147 : i1 to i32
      %cond3A_149 = arith.constant 0 : i32
      %cond3A_150 = arith.cmpi ne, %convert_element_type3A_148, %cond3A_149 : i32
      scf.if %cond3A_150 {
        %add3A_151 = arith.constant 1 : i32
        %add3A_152 = arith.addi %add3A_116, %add3A_151 : i32
        %add3A_153 = arith.constant 2 : i32
        %add3A_154 = arith.addi %add3A_152, %add3A_153 : i32
        %dma_start3A_155 = arith.constant 0 : i32
        %dma_start3A_156 = tpu.memref_slice %arg6[%add3A_154, %dma_start3A_155] : memref<16x128xi32, #tpu.memory_space<vmem>> -> memref<1x128xi32, #tpu.memory_space<vmem>>
        %dma_start3A_157 = tpu.memref_squeeze %dma_start3A_156 : memref<1x128xi32, #tpu.memory_space<vmem>> -> memref<128xi32, #tpu.memory_space<vmem>>
        %dma_start3A_158 = arith.constant 0 : i32
        %dma_start3A_159 = arith.constant 0 : i32
        %dma_start3A_160 = tpu.memref_slice %arg2[%dma_start3A_158, %dma_start3A_159] : memref<10000x128xf32, #tpu.memory_space<hbm>> -> memref<10000x128xf32, #tpu.memory_space<hbm>>
        tpu.enqueue_indirect_dma source(%dma_start3A_160 : memref<10000x128xf32, #tpu.memory_space<hbm>>) target(%arg9 : memref<128x128xf32, #tpu.memory_space<vmem>>) offsets(%dma_start3A_157 : memref<128xi32, #tpu.memory_space<vmem>>) semaphore(%arg12 : memref<!tpu.dma_semaphore, #tpu.memory_space<semaphore_mem>>)
      } else {
      }
    }
    %scan3A_108 = arith.constant 8 : i32
    %barrier3A_109 = arith.constant 0 : index
    tpu.barrier barrier_id(%barrier3A_109)
    %mul3A_110 = arith.constant 632 : i32
    %mul3A_111 = arith.muli %arg1, %mul3A_110 : i32
    "tpu.region"() ({
      %run_scoped3A = tpu.sem_alloc : memref<!tpu.dma_semaphore, #tpu.memory_space<semaphore_mem>>
      %dma_start3A_112 = arith.constant 0 : i32
      %dma_start3A_113 = arith.constant 0 : i32
      %dma_start3A_114 = tpu.memref_slice %arg5[%arg0, %dma_start3A_112, %dma_start3A_113] : memref<2x10112x128xf32, #tpu.memory_space<hbm>> -> memref<1x10112x128xf32, #tpu.memory_space<hbm>>
      %dma_start3A_115 = tpu.memref_squeeze %dma_start3A_114 : memref<1x10112x128xf32, #tpu.memory_space<hbm>> -> memref<10112x128xf32, #tpu.memory_space<hbm>>
      %dma_start3A_116 = arith.constant 0 : i32
      %dma_start3A_117 = tpu.memref_slice %dma_start3A_115[%mul3A_111, %dma_start3A_116] : memref<10112x128xf32, #tpu.memory_space<hbm>> -> memref<632x128xf32, #tpu.memory_space<hbm>>
      %dma_start3A_118 = arith.constant 0 : i32
      %dma_start3A_119 = tpu.memref_slice %arg10[%mul3A_111, %dma_start3A_118] : memref<10112x128xf32, #tpu.memory_space<vmem_shared>> -> memref<632x128xf32, #tpu.memory_space<vmem_shared>>
      tpu.enqueue_dma source(%dma_start3A_119 : memref<632x128xf32, #tpu.memory_space<vmem_shared>>) target(%dma_start3A_117 : memref<632x128xf32, #tpu.memory_space<hbm>>) target_semaphore(%run_scoped3A : memref<!tpu.dma_semaphore, #tpu.memory_space<semaphore_mem>>)
      %dma_wait3A = arith.constant 0 : i32
      %dma_wait3A_120 = arith.constant 0 : i32
      %dma_wait3A_121 = tpu.memref_slice %arg5[%arg0, %dma_wait3A, %dma_wait3A_120] : memref<2x10112x128xf32, #tpu.memory_space<hbm>> -> memref<1x10112x128xf32, #tpu.memory_space<hbm>>
      %dma_wait3A_122 = tpu.memref_squeeze %dma_wait3A_121 : memref<1x10112x128xf32, #tpu.memory_space<hbm>> -> memref<10112x128xf32, #tpu.memory_space<hbm>>
      %dma_wait3A_123 = arith.constant 0 : i32
      %dma_wait3A_124 = tpu.memref_slice %dma_wait3A_122[%mul3A_111, %dma_wait3A_123] : memref<10112x128xf32, #tpu.memory_space<hbm>> -> memref<632x128xf32, #tpu.memory_space<hbm>>
      %dma_wait3A_125 = arith.constant 0 : i32
      %dma_wait3A_126 = tpu.memref_slice %arg10[%mul3A_111, %dma_wait3A_125] : memref<10112x128xf32, #tpu.memory_space<vmem_shared>> -> memref<632x128xf32, #tpu.memory_space<vmem_shared>>
      tpu.wait_dma2 semaphore(%run_scoped3A : memref<!tpu.dma_semaphore, #tpu.memory_space<semaphore_mem>>) src(%dma_wait3A_126 : memref<632x128xf32, #tpu.memory_space<vmem_shared>>) dst(%dma_wait3A_124 : memref<632x128xf32, #tpu.memory_space<hbm>>)
      tpu.yield
    }) : () -> ()
    return
  }
}

module attributes {stable_mosaic.version = 14 : i64} {
  func.func @_affine_body(%arg0: memref<10000x128xf32, #tpu.memory_space<vmem>>, %arg1: memref<128x128xf32, #tpu.memory_space<vmem>>, %arg2: memref<1x128xf32, #tpu.memory_space<vmem>>, %arg3: memref<10000x128xf32, #tpu.memory_space<vmem>>) attributes {dimension_semantics = [], scalar_prefetch = 0 : i64, scratch_operands = 0 : i64, tpu.core_type = #tpu.core_type<tc>} {
    %get3A = arith.constant 0 : index
    %get3A_0 = arith.constant 0 : index
    %get3A_1 = vector.load %arg0[%get3A, %get3A_0] : memref<10000x128xf32, #tpu.memory_space<vmem>>, vector<10000x128xf32>
    %get3A_2 = arith.constant 0 : index
    %get3A_3 = arith.constant 0 : index
    %get3A_4 = vector.load %arg1[%get3A_2, %get3A_3] : memref<128x128xf32, #tpu.memory_space<vmem>>, vector<128x128xf32>
    %dot_general3A = arith.constant dense<0.000000e+00> : vector<10000x128xf32>
    %dot_general3A_5 = tpu.matmul %get3A_1, %get3A_4, %dot_general3A {dimension_numbers = #tpu.dot_dimension_numbers<[1], [1], [0], [0], [0, 0, 1, 0], [], []>, transpose_lhs_hint = false} : vector<10000x128xf32>, vector<128x128xf32>, vector<10000x128xf32> -> vector<10000x128xf32>
    %get3A_6 = arith.constant 0 : index
    %get3A_7 = arith.constant 0 : index
    %get3A_8 = vector.load %arg2[%get3A_6, %get3A_7] : memref<1x128xf32, #tpu.memory_space<vmem>>, vector<1x128xf32>
    %add3A = vector.broadcast %get3A_8 : vector<1x128xf32> to vector<10000x128xf32>
    %add3A_9 = arith.addf %dot_general3A_5, %add3A : vector<10000x128xf32>
    %swap3A = arith.constant 0 : index
    %swap3A_10 = arith.constant 0 : index
    %swap3A_11 = vector.load %arg3[%swap3A, %swap3A_10] : memref<10000x128xf32, #tpu.memory_space<vmem>>, vector<10000x128xf32>
    tpu.vector_store %arg3[%swap3A, %swap3A_10], %add3A_9 {strides = array<i32>} : memref<10000x128xf32, #tpu.memory_space<vmem>>, vector<10000x128xf32>,
    return
  }
}

module attributes {stable_mosaic.version = 14 : i64} {
  func.func @_copy_body(%arg0: memref<10000x128xf32, #tpu.memory_space<vmem>>, %arg1: memref<10000x128xf32, #tpu.memory_space<vmem>>) attributes {dimension_semantics = [], scalar_prefetch = 0 : i64, scratch_operands = 0 : i64, tpu.core_type = #tpu.core_type<tc>} {
    %get3A = arith.constant 0 : index
    %get3A_0 = arith.constant 0 : index
    %get3A_1 = vector.load %arg0[%get3A, %get3A_0] : memref<10000x128xf32, #tpu.memory_space<vmem>>, vector<10000x128xf32>
    %swap3A = arith.constant 0 : index
    %swap3A_2 = arith.constant 0 : index
    %swap3A_3 = vector.load %arg1[%swap3A, %swap3A_2] : memref<10000x128xf32, #tpu.memory_space<vmem>>, vector<10000x128xf32>
    tpu.vector_store %arg1[%swap3A, %swap3A_2], %get3A_1 {strides = array<i32>} : memref<10000x128xf32, #tpu.memory_space<vmem>>, vector<10000x128xf32>,
    return
  }
}

module attributes {stable_mosaic.version = 14 : i64} {
  func.func @_mid_body(%arg0: memref<2x10112x128xf32, #tpu.memory_space<vmem>>, %arg1: memref<2x10112x128xf32, #tpu.memory_space<vmem>>, %arg2: memref<10000x128xf32, #tpu.memory_space<vmem>>, %arg3: memref<128x128xf32, #tpu.memory_space<vmem>>, %arg4: memref<128x128xf32, #tpu.memory_space<vmem>>, %arg5: memref<1x128xf32, #tpu.memory_space<vmem>>, %arg6: memref<10000x128xf32, #tpu.memory_space<vmem>>, %arg7: memref<10000x128xf32, #tpu.memory_space<vmem>>) attributes {dimension_semantics = [], scalar_prefetch = 0 : i64, scratch_operands = 0 : i64, tpu.core_type = #tpu.core_type<tc>} {
    %get3A = arith.constant 0 : index
    %get3A_0 = arith.constant 0 : index
    %get3A_1 = arith.constant 0 : index
    %get3A_2 = vector.load %arg1[%get3A, %get3A_0, %get3A_1] : memref<2x10112x128xf32, #tpu.memory_space<vmem>>, vector<1x10112x128xf32>
    %get3A_3 = vector.shape_cast %get3A_2 : vector<1x10112x128xf32> to vector<10112x128xf32>
    %slice3A = vector.extract_strided_slice %get3A_3 {offsets = [0, 0], sizes = [10000, 1], strides = [1, 1]} : vector<10112x128xf32> to vector<10000x1xf32>
    %get3A_4 = arith.constant 1 : index
    %get3A_5 = arith.constant 0 : index
    %get3A_6 = arith.constant 0 : index
    %get3A_7 = vector.load %arg1[%get3A_4, %get3A_5, %get3A_6] : memref<2x10112x128xf32, #tpu.memory_space<vmem>>, vector<1x10112x128xf32>
    %get3A_8 = vector.shape_cast %get3A_7 : vector<1x10112x128xf32> to vector<10112x128xf32>
    %slice3A_9 = vector.extract_strided_slice %get3A_8 {offsets = [0, 0], sizes = [10000, 1], strides = [1, 1]} : vector<10112x128xf32> to vector<10000x1xf32>
    %add3A = arith.addf %slice3A, %slice3A_9 : vector<10000x1xf32>
    %max3A = arith.constant 1.000000e+00 : f32
    %max3A_10 = vector.broadcast %max3A : f32 to vector<10000x1xf32>
    %max3A_11 = arith.maximumf %add3A, %max3A_10 : vector<10000x1xf32>
    %div3A = arith.constant 1.000000e+00 : f32
    %div3A_12 = vector.broadcast %div3A : f32 to vector<10000x1xf32>
    %div3A_13 = arith.divf %div3A_12, %max3A_11 : vector<10000x1xf32>
    %get3A_14 = arith.constant 0 : index
    %get3A_15 = arith.constant 0 : index
    %get3A_16 = arith.constant 0 : index
    %get3A_17 = vector.load %arg0[%get3A_14, %get3A_15, %get3A_16] : memref<2x10112x128xf32, #tpu.memory_space<vmem>>, vector<1x10112x128xf32>
    %get3A_18 = vector.shape_cast %get3A_17 : vector<1x10112x128xf32> to vector<10112x128xf32>
    %slice3A_19 = vector.extract_strided_slice %get3A_18 {offsets = [0, 0], sizes = [10000, 128], strides = [1, 1]} : vector<10112x128xf32> to vector<10000x128xf32>
    %get3A_20 = arith.constant 1 : index
    %get3A_21 = arith.constant 0 : index
    %get3A_22 = arith.constant 0 : index
    %get3A_23 = vector.load %arg0[%get3A_20, %get3A_21, %get3A_22] : memref<2x10112x128xf32, #tpu.memory_space<vmem>>, vector<1x10112x128xf32>
    %get3A_24 = vector.shape_cast %get3A_23 : vector<1x10112x128xf32> to vector<10112x128xf32>
    %slice3A_25 = vector.extract_strided_slice %get3A_24 {offsets = [0, 0], sizes = [10000, 128], strides = [1, 1]} : vector<10112x128xf32> to vector<10000x128xf32>
    %add3A_26 = arith.addf %slice3A_19, %slice3A_25 : vector<10000x128xf32>
    %mul3A = vector.broadcast %div3A_13 : vector<10000x1xf32> to vector<10000x128xf32>
    %mul3A_27 = arith.mulf %add3A_26, %mul3A : vector<10000x128xf32>
    %get3A_28 = arith.constant 0 : index
    %get3A_29 = arith.constant 0 : index
    %get3A_30 = vector.load %arg3[%get3A_28, %get3A_29] : memref<128x128xf32, #tpu.memory_space<vmem>>, vector<128x128xf32>
    %dot_general3A = arith.constant dense<0.000000e+00> : vector<10000x128xf32>
    %dot_general3A_31 = tpu.matmul %mul3A_27, %get3A_30, %dot_general3A {dimension_numbers = #tpu.dot_dimension_numbers<[1], [1], [0], [0], [0, 0, 1, 0], [], []>, transpose_lhs_hint = false} : vector<10000x128xf32>, vector<128x128xf32>, vector<10000x128xf32> -> vector<10000x128xf32>
    %get3A_32 = arith.constant 0 : index
    %get3A_33 = arith.constant 0 : index
    %get3A_34 = vector.load %arg2[%get3A_32, %get3A_33] : memref<10000x128xf32, #tpu.memory_space<vmem>>, vector<10000x128xf32>
    %add3A_35 = arith.addf %dot_general3A_31, %get3A_34 : vector<10000x128xf32>
    %max3A_36 = arith.constant 0.000000e+00 : f32
    %max3A_37 = vector.broadcast %max3A_36 : f32 to vector<10000x128xf32>
    %max3A_38 = arith.maximumf %add3A_35, %max3A_37 : vector<10000x128xf32>
    %swap3A = arith.constant 0 : index
    %swap3A_39 = arith.constant 0 : index
    %swap3A_40 = vector.load %arg6[%swap3A, %swap3A_39] : memref<10000x128xf32, #tpu.memory_space<vmem>>, vector<10000x128xf32>
    tpu.vector_store %arg6[%swap3A, %swap3A_39], %max3A_38 {strides = array<i32>} : memref<10000x128xf32, #tpu.memory_space<vmem>>, vector<10000x128xf32>,
    %get3A_41 = arith.constant 0 : index
    %get3A_42 = arith.constant 0 : index
    %get3A_43 = vector.load %arg4[%get3A_41, %get3A_42] : memref<128x128xf32, #tpu.memory_space<vmem>>, vector<128x128xf32>
    %dot_general3A_44 = arith.constant dense<0.000000e+00> : vector<10000x128xf32>
    %dot_general3A_45 = tpu.matmul %max3A_38, %get3A_43, %dot_general3A_44 {dimension_numbers = #tpu.dot_dimension_numbers<[1], [1], [0], [0], [0, 0, 1, 0], [], []>, transpose_lhs_hint = false} : vector<10000x128xf32>, vector<128x128xf32>, vector<10000x128xf32> -> vector<10000x128xf32>
    %get3A_46 = arith.constant 0 : index
    %get3A_47 = arith.constant 0 : index
    %get3A_48 = vector.load %arg5[%get3A_46, %get3A_47] : memref<1x128xf32, #tpu.memory_space<vmem>>, vector<1x128xf32>
    %add3A_49 = vector.broadcast %get3A_48 : vector<1x128xf32> to vector<10000x128xf32>
    %add3A_50 = arith.addf %dot_general3A_45, %add3A_49 : vector<10000x128xf32>
    %swap3A_51 = arith.constant 0 : index
    %swap3A_52 = arith.constant 0 : index
    %swap3A_53 = vector.load %arg7[%swap3A_51, %swap3A_52] : memref<10000x128xf32, #tpu.memory_space<vmem>>, vector<10000x128xf32>
    tpu.vector_store %arg7[%swap3A_51, %swap3A_52], %add3A_50 {strides = array<i32>} : memref<10000x128xf32, #tpu.memory_space<vmem>>, vector<10000x128xf32>,
    return
  }
}

module attributes {stable_mosaic.version = 14 : i64} {
  func.func @_final_body(%arg0: memref<2x10112x128xf32, #tpu.memory_space<vmem>>, %arg1: memref<2x10112x128xf32, #tpu.memory_space<vmem>>, %arg2: memref<10000x128xf32, #tpu.memory_space<vmem>>, %arg3: memref<128x128xf32, #tpu.memory_space<vmem>>, %arg4: memref<2x128xf32, #tpu.memory_space<vmem>>, %arg5: memref<1x2xf32, #tpu.memory_space<vmem>>, %arg6: memref<10000x2xf32, #tpu.memory_space<vmem>>) attributes {dimension_semantics = [], scalar_prefetch = 0 : i64, scratch_operands = 0 : i64, tpu.core_type = #tpu.core_type<tc>} {
    %get3A = arith.constant 0 : index
    %get3A_0 = arith.constant 0 : index
    %get3A_1 = arith.constant 0 : index
    %get3A_2 = vector.load %arg1[%get3A, %get3A_0, %get3A_1] : memref<2x10112x128xf32, #tpu.memory_space<vmem>>, vector<1x10112x128xf32>
    %get3A_3 = vector.shape_cast %get3A_2 : vector<1x10112x128xf32> to vector<10112x128xf32>
    %slice3A = vector.extract_strided_slice %get3A_3 {offsets = [0, 0], sizes = [10000, 1], strides = [1, 1]} : vector<10112x128xf32> to vector<10000x1xf32>
    %get3A_4 = arith.constant 1 : index
    %get3A_5 = arith.constant 0 : index
    %get3A_6 = arith.constant 0 : index
    %get3A_7 = vector.load %arg1[%get3A_4, %get3A_5, %get3A_6] : memref<2x10112x128xf32, #tpu.memory_space<vmem>>, vector<1x10112x128xf32>
    %get3A_8 = vector.shape_cast %get3A_7 : vector<1x10112x128xf32> to vector<10112x128xf32>
    %slice3A_9 = vector.extract_strided_slice %get3A_8 {offsets = [0, 0], sizes = [10000, 1], strides = [1, 1]} : vector<10112x128xf32> to vector<10000x1xf32>
    %add3A = arith.addf %slice3A, %slice3A_9 : vector<10000x1xf32>
    %max3A = arith.constant 1.000000e+00 : f32
    %max3A_10 = vector.broadcast %max3A : f32 to vector<10000x1xf32>
    %max3A_11 = arith.maximumf %add3A, %max3A_10 : vector<10000x1xf32>
    %div3A = arith.constant 1.000000e+00 : f32
    %div3A_12 = vector.broadcast %div3A : f32 to vector<10000x1xf32>
    %div3A_13 = arith.divf %div3A_12, %max3A_11 : vector<10000x1xf32>
    %get3A_14 = arith.constant 0 : index
    %get3A_15 = arith.constant 0 : index
    %get3A_16 = arith.constant 0 : index
    %get3A_17 = vector.load %arg0[%get3A_14, %get3A_15, %get3A_16] : memref<2x10112x128xf32, #tpu.memory_space<vmem>>, vector<1x10112x128xf32>
    %get3A_18 = vector.shape_cast %get3A_17 : vector<1x10112x128xf32> to vector<10112x128xf32>
    %slice3A_19 = vector.extract_strided_slice %get3A_18 {offsets = [0, 0], sizes = [10000, 128], strides = [1, 1]} : vector<10112x128xf32> to vector<10000x128xf32>
    %get3A_20 = arith.constant 1 : index
    %get3A_21 = arith.constant 0 : index
    %get3A_22 = arith.constant 0 : index
    %get3A_23 = vector.load %arg0[%get3A_20, %get3A_21, %get3A_22] : memref<2x10112x128xf32, #tpu.memory_space<vmem>>, vector<1x10112x128xf32>
    %get3A_24 = vector.shape_cast %get3A_23 : vector<1x10112x128xf32> to vector<10112x128xf32>
    %slice3A_25 = vector.extract_strided_slice %get3A_24 {offsets = [0, 0], sizes = [10000, 128], strides = [1, 1]} : vector<10112x128xf32> to vector<10000x128xf32>
    %add3A_26 = arith.addf %slice3A_19, %slice3A_25 : vector<10000x128xf32>
    %mul3A = vector.broadcast %div3A_13 : vector<10000x1xf32> to vector<10000x128xf32>
    %mul3A_27 = arith.mulf %add3A_26, %mul3A : vector<10000x128xf32>
    %get3A_28 = arith.constant 0 : index
    %get3A_29 = arith.constant 0 : index
    %get3A_30 = vector.load %arg3[%get3A_28, %get3A_29] : memref<128x128xf32, #tpu.memory_space<vmem>>, vector<128x128xf32>
    %dot_general3A = arith.constant dense<0.000000e+00> : vector<10000x128xf32>
    %dot_general3A_31 = tpu.matmul %mul3A_27, %get3A_30, %dot_general3A {dimension_numbers = #tpu.dot_dimension_numbers<[1], [1], [0], [0], [0, 0, 1, 0], [], []>, transpose_lhs_hint = false} : vector<10000x128xf32>, vector<128x128xf32>, vector<10000x128xf32> -> vector<10000x128xf32>
    %get3A_32 = arith.constant 0 : index
    %get3A_33 = arith.constant 0 : index
    %get3A_34 = vector.load %arg2[%get3A_32, %get3A_33] : memref<10000x128xf32, #tpu.memory_space<vmem>>, vector<10000x128xf32>
    %add3A_35 = arith.addf %dot_general3A_31, %get3A_34 : vector<10000x128xf32>
    %max3A_36 = arith.constant 0.000000e+00 : f32
    %max3A_37 = vector.broadcast %max3A_36 : f32 to vector<10000x128xf32>
    %max3A_38 = arith.maximumf %add3A_35, %max3A_37 : vector<10000x128xf32>
    %get3A_39 = arith.constant 0 : index
    %get3A_40 = arith.constant 0 : index
    %get3A_41 = vector.load %arg4[%get3A_39, %get3A_40] : memref<2x128xf32, #tpu.memory_space<vmem>>, vector<2x128xf32>
    %dot_general3A_42 = arith.constant dense<0.000000e+00> : vector<10000x2xf32>
    %dot_general3A_43 = tpu.matmul %max3A_38, %get3A_41, %dot_general3A_42 {dimension_numbers = #tpu.dot_dimension_numbers<[1], [1], [0], [0], [0, 0, 1, 0], [], []>, transpose_lhs_hint = false} : vector<10000x128xf32>, vector<2x128xf32>, vector<10000x2xf32> -> vector<10000x2xf32>
    %get3A_44 = arith.constant 0 : index
    %get3A_45 = arith.constant 0 : index
    %get3A_46 = vector.load %arg5[%get3A_44, %get3A_45] : memref<1x2xf32, #tpu.memory_space<vmem>>, vector<1x2xf32>
    %add3A_47 = vector.broadcast %get3A_46 : vector<1x2xf32> to vector<10000x2xf32>
    %add3A_48 = arith.addf %dot_general3A_43, %add3A_47 : vector<10000x2xf32>
    %swap3A = arith.constant 0 : index
    %swap3A_49 = arith.constant 0 : index
    %swap3A_50 = vector.load %arg6[%swap3A, %swap3A_49] : memref<10000x2xf32, #tpu.memory_space<vmem>>, vector<10000x2xf32>
    tpu.vector_store %arg6[%swap3A, %swap3A_49], %add3A_48 {strides = array<i32>} : memref<10000x2xf32, #tpu.memory_space<vmem>>, vector<10000x2xf32>,
    return
  }
}

</mosaic_0001>

<sc_bundles>
// kernel: kernel.12.cloned.1.call-start
scs
__scs_entry_jumppad:
0x0: {  	(pc) =	sbr.rel $0x88, $3  }
0x1: {  	(tag) =	ssettag $0x0;
	lr =	simm.s32 $0x1  }
0x2: {  	[smem:$0x3F97] =	sst lr;
	_ =	strace $0xD0000000  }
0x3: {  	_ = 	snop  }
0x4: {  	_ = 	snop  }
0x5: {  	_ = 	snop  }
0x6: {  	_ = 	snop  }
0x7: {  	_ = 	snop  }
__scs_overlays_trampoline_lowered:
0x8: {  	[smem:$0x3FA6] =	sst s0  }
0x9: {  	[smem:$0x3FA7] =	sst s1  }
0xa: {  	[smem:$0x3FA8] =	sst s2  }
0xb: {  	[smem:$0x3FA9] =	sst s3  }
0xc: {  	[smem:$0x3FAA] =	sst s4  }
0xd: {  	[smem:$0x3FAB] =	sst s5  }
0xe: {  	[smem:$0x3FAC] =	sst s6  }
0xf: {  	[smem:$0x3FAD] =	sst s7  }
0x10: {  	[smem:$0x3FAE] =	sst s8  }
0x11: {  	[smem:$0x3FAF] =	sst s9;
	s0 =	simm.s32 @!p0 $0x0  }
0x12: {  	s1 =	sld [smem:$0x3F95];
	s0 =	simm.s32 @p0 $0x1  }
0x13: {  	[smem:$0x3FB0] =	sst s0;
	s0 =	simm.s32 @!p1 $0x0  }
0x14: {  	s2 =	sld [smem:$0x3F94];
	s0 =	simm.s32 @p1 $0x1  }
0x15: {  	[smem:$0x3FB1] =	sst s0;
	s0 =	simm.s32 @!p2 $0x0  }
0x16: {  	s3 =	sld [smem:$0x3FDB];
	s0 =	simm.s32 @p2 $0x1  }
0x17: {  	s4 =	simm.s32 $0x1BF5;
	[smem:$0x3FB3] =	sst s0  }
0x18: {  	s0 =	sld [smem:$0x3F96];
	_ =	swait.ge [sflag:s4], $0x0  }
0x19: {  	s7 =	sld [smem:$0x3F97]  }
0x1a: {  	s8 =	sadd.s32 $0xFFFFE003, lr  }
0x1b: {  	s9 =	sadd.s32 $0xFFFFFEF7, lr;
	s5 =	simm.s32 $0xFFFFFFFF;
	p2 =	slt.u32 s8, $0xFFFFF086  }
0x1c: {  	p1 =	slt.u32 s9, $0xF7A;
	s5 =	simm.s32 @!p2 $0x0  }
0x1d: {  	s5 =	simm.s32 @p1 $0x1;
	p0 =	seq.s32 s7, s2  }
0x1e: {  	s7 =	smul.u32 @!p0 $0xF7A, s2;
	p2 =	seq.s32 @!p0 s5, $0x0  }
0x1f: {  	s9 =	smul.u32 $0xF7A, s1;
	s8 =	simm.s32 @!p0 $0x1BF5;
	p2 =	por !p2, p0  }
0x20: {  	[sflag:s8] =	ssyncset.s32 @!p0 $0xFFFFF086;
	s6 =	sadd.s32 @!p0 s3, s7;
	s7 =	simm.s32 @!p0 $0x108  }
0x21: {  	s3 =	sadd.s32 s3, s9;
	s6 =	sadd.s32 @!p0 $0x88, s6;
	s7 =	simm.s32 @p2 $0x1082  }
0x22: {  	[simem:s7], [sflag:s8] =	dma.local @!p0 [hbm:s6], $0xF7A  }
0x23: {  	s9 =	sor.u32 $0xD0000000, s2;
	s6 =	simm.s32 $0x108;
	_ =	swait.ge @!p0 [sflag:s8], $0x0  }
0x24: {  	s3 =	sadd.s32 $0x88, s3;
	s6 =	simm.s32 @!p1 $0x1082;
	[sflag:s4] =	ssyncset.s32 $0xFFFFF086  }
0x25: {  	[simem:s6], [sflag:s4] =	dma.local [hbm:s3], $0xF7A  }
0x26: {  	[smem:$0x3F97] =	sst s1;
	(tag) =	ssettag s2;
	_ =	strace s9  }
0x27: {  	s1 =	sld [smem:$0x3FA7]  }
0x28: {  	s2 =	sld [smem:$0x3FA8]  }
0x29: {  	s4 =	sld [smem:$0x3FAA]  }
0x2a: {  	p0 =	seq.s32 s5, $0x0;
	s5 =	sld [smem:$0x3FAB]  }
0x2b: {  	s6 =	sld [smem:$0x3FAC]  }
0x2c: {  	s7 =	sld [smem:$0x3FAD]  }
0x2d: {  	s3 =	simm.s32 $0x108;
	s8 =	sld [smem:$0x3FAE]  }
0x2e: {  	s3 =	simm.s32 @!p0 $0x1082;
	s9 =	sld [smem:$0x3FAF]  }
0x2f: {  	lr =	sadd.s32 s0, s3;
	s0 =	sld [smem:$0x3FA6]  }
0x30: {  	s3 =	sld [smem:$0x3FA9]  }
0x31: {  	[smem:$0x3FB2] =	sst s10  }
0x32: {  	s10 =	sld [smem:$0x3FB0];
	_ =	sdelay $0x3  }
0x33: {  	p0 =	seq.s32 s10, $0x1;
	s10 =	sld [smem:$0x3FB2];
	_ =	sdelay $0x3  }
0x34: {  	[smem:$0x3FB2] =	sst s10  }
0x35: {  	s10 =	sld [smem:$0x3FB1];
	_ =	sdelay $0x3  }
0x36: {  	p1 =	seq.s32 s10, $0x1;
	s10 =	sld [smem:$0x3FB2];
	_ =	sdelay $0x3  }
0x37: {  	[smem:$0x3FB2] =	sst s10  }
0x38: {  	s10 =	sld [smem:$0x3FB3]  }
0x39: {  	_ = 	snop;
	(pc) =	sbr.ind lr, $3  }
0x3a: {  	_ = 	snop  }
0x3b: {  	_ = 	snop  }
0x3c: {  	p2 =	seq.s32 s10, $0x1;
	s10 =	sld [smem:$0x3FB2]  }
0x3d: {  	_ =	shalt  }
0x3e: {  	_ =	shalt  }
0x3f: {  	_ =	shalt  }
0x40: {  	_ =	shalt  }
0x41: {  	_ =	shalt  }
0x42: {  	_ =	shalt  }
0x43: {  	_ =	shalt  }
0x44: {  	_ =	shalt  }
0x45: {  	_ =	shalt  }
0x46: {  	_ =	shalt  }
0x47: {  	_ =	shalt  }
0x48: {  	_ =	shalt  }
0x49: {  	_ =	shalt  }
0x4a: {  	_ =	shalt  }
0x4b: {  	_ =	shalt  }
0x4c: {  	_ =	shalt  }
0x4d: {  	_ =	shalt  }
0x4e: {  	_ =	shalt  }
0x4f: {  	_ =	shalt  }
0x50: {  	_ =	shalt  }
0x51: {  	_ =	shalt  }
0x52: {  	_ =	shalt  }
0x53: {  	_ =	shalt  }
0x54: {  	_ =	shalt  }
0x55: {  	_ =	shalt  }
0x56: {  	_ =	shalt  }
0x57: {  	_ =	shalt  }
0x58: {  	_ =	shalt  }
0x59: {  	_ =	shalt  }
0x5a: {  	_ =	shalt  }
0x5b: {  	_ =	shalt  }
0x5c: {  	_ =	shalt  }
0x5d: {  	_ =	shalt  }
0x5e: {  	_ =	shalt  }
0x5f: {  	_ =	shalt  }
0x60: {  	_ =	shalt  }
0x61: {  	_ =	shalt  }
0x62: {  	_ =	shalt  }
0x63: {  	_ =	shalt  }
0x64: {  	_ =	shalt  }
0x65: {  	_ =	shalt  }
0x66: {  	_ =	shalt  }
0x67: {  	_ =	shalt  }
0x68: {  	_ =	shalt  }
0x69: {  	_ =	shalt  }
0x6a: {  	_ =	shalt  }
0x6b: {  	_ =	shalt  }
0x6c: {  	_ =	shalt  }
0x6d: {  	_ =	shalt  }
0x6e: {  	_ =	shalt  }
0x6f: {  	_ =	shalt  }
0x70: {  	_ =	shalt  }
0x71: {  	_ =	shalt  }
0x72: {  	_ =	shalt  }
0x73: {  	_ =	shalt  }
0x74: {  	_ =	shalt  }
0x75: {  	_ =	shalt  }
0x76: {  	_ =	shalt  }
0x77: {  	_ =	shalt  }
0x78: {  	_ =	shalt  }
0x79: {  	_ =	shalt  }
0x7a: {  	_ =	shalt  }
0x7b: {  	_ =	shalt  }
0x7c: {  	_ =	shalt  }
0x7d: {  	_ =	shalt  }
0x7e: {  	_ =	shalt  }
0x7f: {  	_ =	shalt  }
0x80: {  	_ =	shalt  }
0x81: {  	_ =	shalt  }
0x82: {  	_ =	shalt  }
0x83: {  	_ =	shalt  }
0x84: {  	_ =	shalt  }
0x85: {  	_ =	shalt  }
0x86: {  	_ =	shalt  }
0x87: {  	_ =	shalt  }
.Lfunc_end0:
.L_simem_size_0:
called_computation.1_lowered:
.L_overlay_start_0:
0x88: {  	s2 =	sld [smem:$0x3FD9]  }
0x89: {  	s3 =	sld [smem:$0x3FFE];
	_ =	sdelay $0x1  }
0x8a: {  	s1 =	srdreg.scid  }
0x8b: {  	s0 =	sand.u32 $0x1, s1  }
0x8c: {  	s16 =	sshll.u32 s0, $0xA;
	s2 =	sadd.s32 s3, s2  }
0x8d: {  	s2 =	sadd.s32 s2, s16  }
0x8e: {  	[smem:$0x3FBE] =	sst s2  }
0x8f: {  	_ = 	snop  }
0x90: {  	(tm) =	ssettm $0x1  }
0x91: {  	s17 =	sld [smem:$0x3FFB];
	_ =	sdelay $0x3  }
0x92: {  	_ =	strace s17  }
0x93: {  	s2 =	sld [smem:$0x3FFC];
	_ =	sdelay $0x3  }
0x94: {  	_ =	strace s2  }
0x95: {  	s2 =	sld [smem:$0x3FFD];
	_ =	sdelay $0x3  }
0x96: {  	_ =	strace s2  }
0x97: {  	_ =	strace $0x8FFFFFFF  }
0x98: {  	s18 =	sld [smem:$0x3FDB];
	_ =	sdelay $0x1  }
0x99: {  	s19 =	simm.s32 $_scs_section_size  }
0x9a: {  	s4 =	simm.s32 $_size__tile_overlayer_lowered;
	s5 =	simm.s32 $_tile_overlayer_lowered  }
0x9b: {  	s22 =	simm.s32 $0x1BFF;
	s21 =	sshll.u32 s5, $0x1;
	s2 =	sadd.s32 s19, s18  }
0x9c: {  	s6 =	simm.s32 $0x0;
	s20 =	sshll.u32 s4, $0x1;
	s4 =	sadd.s32 s21, s2  }
0x9d: {  	[timem:s6], [sflag:s22] =	dma.local [hbm:s4], s20  }
0x9e: {  	_ =	swait.ge [sflag:s22], s20  }
0x9f: {  	s3 =	ssub.s32 $0x0, s20;
	[sflag:s22] =	ssyncset.done $0x0  }
0xa0: {  	[sflag:s22] =	ssyncadd.s32 s3;
	_ =	sdelay $0x1  }
0xa1: {  	s23 =	simm.s32 $0x1B8B  }
0xa2: {  	_ =	swait.ge [sflag:s23], $0x1  }
0xa3: {  	[sflag:s23] =	ssyncset.done $0x0  }
0xa4: {  	s25 =	simm.s32 $0x1B8E;
	s24 =	sld [smem:$0x3FFE];
	[sflag:s23] =	ssyncadd.s32 $0xFFFFFFFF  }
0xa5: {  	s26 =	simm.s32 $execute0_lowered;
	[smem:$0x3FD2] =	sst s25  }
0xa6: {  	s4 =	sshll.u32 s26, $0x1;
	_ =	strace $0x80000046;
	[dreg:$0x1] =	wrdreg $0xFFFFFFFF  }
0xa7: {  	s28 =	simm.s32 $_size_execute0_lowered;
	s2 =	sadd.s32 s2, s4;
	[dreg:$0x0] =	wrdreg $0x0  }
0xa8: {  	s4 =	sshll.u32 s28, $0x1;
	[dreg:$0x2] =	wrdreg s2  }
0xa9: {  	[dreg:$0x3] =	wrdreg s4  }
0xaa: {  	[dreg:$0x4] =	wrdreg $0xC0  }
0xab: {  	_ =	task [dreg:s6], $0x5FFFF  }
0xac: {  	[dreg:$0x1] =	wrdreg $0xFFFFFFFF  }
0xad: {  	[dreg:$0x0] =	wrdreg $0x60  }
0xae: {  	[dreg:$0x2] =	wrdreg s24  }
0xaf: {  	[dreg:$0x3] =	wrdreg $0x90000  }
0xb0: {  	[dreg:$0x4] =	wrdreg $0xA  }
0xb1: {  	_ =	task.clear_ibuf [dreg:s6], $0x5FFFF;
	_ =	strace $0x90000046  }
0xb2: {  	s29 =	simm.s32 $0xA;
	_ =	strace $0x80000048  }
0xb3: {  	_ =	swait.ge [sflag:s29], $0x1  }
0xb4: {  	[sflag:s29] =	ssyncadd.s32 $0xFFFFFFFF  }
0xb5: {  	_ =	strace $0x90000048  }
0xb6: {  	_ =	sfence  }
0xb7: {  	s30 =	sld [smem:$0x0];
	_ =	sdelay $0x2  }
0xb8: {  	s31 =	sshll.u32 s1, $0xD;
	s1 =	sshrl.u32 s1, $0x2  }
0xb9: {  	s3 =	sand.u32 $0x4000, s31;
	s1 =	sadd.s32 s1, s30  }
0xba: {  	s0 =	sor.u32 s3, s0;
	s1 =	sshll.u32 s1, $0x11  }
0xbb: {  	s0 =	sor.u32 s1, s0  }
0xbc: {  	s0 =	sadd.s32 $0x8F2B, s0  }
0xbd: {  	[sflag:s0] =	ssyncadd.remote.s32 $0x1  }
0xbe: {  	_ =	sfence.sel $0xFFFF  }
0xbf: {  	[dreg:$0x0] =	wrdreg $0xFFFFFFFF;
	(pc) =	sbr.abs _section_cstart, $3  }
0xc0: {  	[dreg:$0x1] =	wrdreg $0xFFFFFFFF  }
0xc1: {  	_ =	task.clear_ibuf [dreg:s6], $0x2FFFF;
	_ =	strace $0x9FFFFFFF  }
0xc2: {  	(tm) =	ssettm $0x7FFFFFFF  }
0xc3: {  	_ =	shalt  }
tec
execute0_lowered:
.L_overlay_start_1:
0x0: {  	(tag) =	ssettag $0x1  }
0x1: {  	s0 =	srdreg.scid  }
0x2: {  	s1 =	rddreg [dreg:$0x0];
	s9 =	stileid.u32  }
0x3: {  	s2 =	rddreg [dreg:$0x1];
	s10 =	simm.s32 $0x0;
	s13 =	simm.s32 $0x1000  }
0x4: {  	s14 =	simm.s32 $0x3;
	s16 =	simm.s32 $0x80;
	s17 =	simm.s32 $0x5000  }
0x5: {  	s18 =	simm.s32 $0x1;
	s0 =	sand.u32 $0x1, s0;
	s6 =	smul.u32 $0x4F000, s9  }
0x6: {  	[smem:$0x7FF] =	sst s10;
	s26 =	smul.u32 $0x2780, s9;
	s3 =	sshll.u32 s0, $0x4  }
0x7: {  	s7 =	smul.u32 $0x27800, s0;
	s0 =	ssub.s32 $0x2, s0;
	s6 =	sshrl.u32 s6, $0x2  }
0x8: {  	_ =	strace $0x80000047;
	s23 =	sshrl.u32 s0, $0x1;
	s6 =	sadd.s32 s6, s2  }
0x9: {  	s0 =	ssub.s32 s0, s23;
	s24 =	sadd.s32 $0x10000, s6;
	[dreg:$0x3] =	wrdreg s6  }
0xa: {  	s4 =	sor.u32 s9, s3;
	s0 =	smax.u32 s0, $0x1;
	[dreg:$0x4] =	wrdreg s24  }
0xb: {  	s5 =	smul.u32 $0x500, s4;
	s28 =	sadd.s32 $0x4000, s6;
	[dreg:$0x5] =	wrdreg s0  }
0xc: {  	s4 =	sadd.s32 $0x1E00, s1;
	s29 =	sadd.s32 $0x8000, s6;
	[dreg:$0x6] =	wrdreg s28  }
0xd: {  	s30 =	sadd.s32 $0xC000, s6;
	s5 =	sadd.s32 s5, s1;
	[dreg:$0x7] =	wrdreg s29  }
0xe: {  	s1 =	sadd.s32 s7, s1;
	[dreg:$0x8] =	wrdreg s30;
	s25 =	sadd.s32 $0x33000, s5  }
0xf: {  	s5 =	sadd.s32 $0x29000, s5;
	s1 =	sadd.s32 $0x3D000, s1;
	[dreg:$0xa] =	wrdreg s25  }
0x10: {  	s20 =	simm.s32 $0x2;
	[dreg:$0xb] =	wrdreg s5;
	s31 =	sadd.s32 s26, s1  }
0x11: {  	v0 =	vimm.f32 $0.0e+00;
	s3 =	simm.s32 $0x800;
	s1 =	simm.s32 $0x0;
	[dreg:$0x9] =	wrdreg s31  }
.LBB2_1:
0x12: {  	s0 =	simm.s32 $0x0;
	s6 =	simm.s32 $0x200  }
.LBB2_2:
0x13: {  	p0 =	sne.s32 s6, $0xFE00;
	[tilespmem:s0+$0x1070] =	vst v0  }
0x14: {  	[tilespmem:s0+$0x1000] =	vst v0  }
0x15: {  	[tilespmem:s0+$0x1010] =	vst v0  }
.Ltmp0:
0x16: {  	[tilespmem:s0+$0x1020] =	vst v0;
	(pc) =	sbr.rel @p0 .LBB2_2-.Ltmp0, $4  }
0x17: {  	[tilespmem:s0+$0x1030] =	vst v0  }
0x18: {  	[tilespmem:s0+$0x1040] =	vst v0  }
0x19: {  	[tilespmem:s0+$0x1050] =	vst v0  }
0x1a: {  	[tilespmem:s0+$0x1060] =	vst v0;
	s0 =	sshra.s32 s6, $0x2;
	s6 =	sadd.s32 $0x200, s6  }
0x1b: {  	[tilespmem:s0+$0x1070] =	vst v0  }
0x1c: {  	[tilespmem:s0+$0x1000] =	vst v0  }
0x1d: {  	[tilespmem:s0+$0x1010] =	vst v0  }
0x1e: {  	[tilespmem:s0+$0x1020] =	vst v0  }
0x1f: {  	[tilespmem:s0+$0x1030] =	vst v0  }
0x20: {  	[tilespmem:s0+$0x1040] =	vst v0  }
0x21: {  	[tilespmem:s0+$0x1050] =	vst v0  }
0x22: {  	[tilespmem:s0+$0x1060] =	vst v0;
	s22 =	rddreg [dreg:$0x3]  }
0x23: {  	[spmem:s22] =	stream.linear.scatter [tilespmem:s13], [sflag:$0x3], $0x4000, $0x38;
	[tilespmem:$0x1CC00] =	vst v63  }
0x24: {  	_ =	swait.ge [sflag:s14], $0x4000  }
0x25: {  	[sflag:s14] =	ssyncset.done $0x0  }
0x26: {  	s23 =	rddreg [dreg:$0x6];
	[sflag:s14] =	ssyncadd.s32 $0xFFFFC000  }
0x27: {  	[spmem:s23] =	stream.linear.scatter [tilespmem:s13], [sflag:$0x3], $0x4000, $0x38;
	[tilespmem:$0x1CC00] =	vst v63  }
0x28: {  	_ =	swait.ge [sflag:s14], $0x4000  }
0x29: {  	[sflag:s14] =	ssyncset.done $0x0  }
0x2a: {  	s24 =	rddreg [dreg:$0x7];
	[sflag:s14] =	ssyncadd.s32 $0xFFFFC000  }
0x2b: {  	[spmem:s24] =	stream.linear.scatter [tilespmem:s13], [sflag:$0x3], $0x4000, $0x38;
	[tilespmem:$0x1CC00] =	vst v63  }
0x2c: {  	_ =	swait.ge [sflag:s14], $0x4000  }
0x2d: {  	[sflag:s14] =	ssyncset.done $0x0  }
0x2e: {  	s25 =	rddreg [dreg:$0x8];
	[sflag:s14] =	ssyncadd.s32 $0xFFFFC000  }
0x2f: {  	[spmem:s25] =	stream.linear.scatter [tilespmem:s13], [sflag:$0x3], $0x4000, $0x38;
	[tilespmem:$0x1CC00] =	vst v63  }
0x30: {  	_ =	swait.ge [sflag:s14], $0x4000  }
0x31: {  	[sflag:s14] =	ssyncset.done $0x0  }
0x32: {  	s26 =	rddreg [dreg:$0x4];
	[sflag:s14] =	ssyncadd.s32 $0xFFFFC000  }
0x33: {  	[spmem:s26] =	stream.linear.scatter [tilespmem:s13], [sflag:$0x3], $0x3C00, $0x38;
	[tilespmem:$0x1CC00] =	vst v63  }
0x34: {  	_ =	swait.ge [sflag:s14], $0x3C00  }
0x35: {  	[sflag:s14] =	ssyncset.done $0x0  }
0x36: {  	[sflag:s14] =	ssyncadd.s32 $0xFFFFC400  }
0x37: {  	[bflag:$0x0] =	sbarrier.arrive $0xFFFF  }
0x38: {  	s8 =	rddreg [dreg:$0xa]  }
0x39: {  	[tilespmem:s10], [sflag:$0x3] =	stream.linear.gather [hbm4b:s8+s10], $0x800, $0x38;
	[tilespmem:$0x1CC00] =	vst v63  }
0x3a: {  	_ =	swait.ge [sflag:s14], $0x800  }
0x3b: {  	[sflag:s14] =	ssyncset.done $0x0  }
0x3c: {  	s15 =	rddreg [dreg:$0xb];
	[sflag:s14] =	ssyncadd.s32 $0xFFFFF800  }
0x3d: {  	[tilespmem:s3], [sflag:$0x3] =	stream.linear.gather [hbm4b:s15+s10], $0x800, $0x38;
	[tilespmem:$0x1CC00] =	vst v63  }
0x3e: {  	_ =	swait.ge [sflag:s14], $0x800  }
0x3f: {  	[sflag:s14] =	ssyncset.done $0x0  }
0x40: {  	[sflag:s14] =	ssyncadd.s32 $0xFFFFF800  }
0x41: {  	[tilespmem:s13], [sflag:$0x1] =	stream.indirect.gather [hbm4b:s4+s16], $0x80, s10, s16, $0xb8;
	[tilespmem:$0x1CC00] =	vst v63  }
0x42: {  	_ = 	snop  }
0x43: {  	[tilespmem:s17], [sflag:$0x2] =	stream.indirect.gather [hbm4b:s4+s16], $0x80, s16, s16, $0xb8;
	[tilespmem:$0x1CC00] =	vst v63  }
0x44: {  	_ =	swait.ge [sflag:s18], $0x4000  }
0x45: {  	[sflag:s18] =	ssyncset.done $0x0  }
0x46: {  	[sflag:s18] =	ssyncadd.s32 $0xFFFFC000  }
0x47: {  	[spmem:s2] =	stream.indirect.scatter.add.f32 [tilespmem:s13], [sflag:$0x3], $0x80, s3, s16, $0xb8;
	[tilespmem:$0x1CC00] =	vst v63  }
0x48: {  	_ =	swait.ge [sflag:s14], $0x4000  }
0x49: {  	[sflag:s14] =	ssyncset.done $0x0  }
0x4a: {  	s28 =	simm.s32 $0x100;
	[sflag:s14] =	ssyncadd.s32 $0xFFFFC000  }
0x4b: {  	[tilespmem:s13], [sflag:$0x1] =	stream.indirect.gather [hbm4b:s4+s16], $0x80, s28, s16, $0xb8;
	[tilespmem:$0x1CC00] =	vst v63  }
0x4c: {  	_ =	swait.ge [sflag:s20], $0x4000  }
0x4d: {  	[sflag:s20] =	ssyncset.done $0x0  }
0x4e: {  	s29 =	simm.s32 $0x880;
	[sflag:s20] =	ssyncadd.s32 $0xFFFFC000  }
0x4f: {  	[spmem:s2] =	stream.indirect.scatter.add.f32 [tilespmem:s17], [sflag:$0x3], $0x80, s29, s16, $0xb8;
	[tilespmem:$0x1CC00] =	vst v63  }
0x50: {  	_ =	swait.ge [sflag:s14], $0x4000  }
0x51: {  	[sflag:s14] =	ssyncset.done $0x0  }
0x52: {  	s30 =	simm.s32 $0x180;
	[sflag:s14] =	ssyncadd.s32 $0xFFFFC000  }
0x53: {  	[tilespmem:s17], [sflag:$0x2] =	stream.indirect.gather [hbm4b:s4+s16], $0x80, s30, s16, $0xb8;
	[tilespmem:$0x1CC00] =	vst v63  }
0x54: {  	_ =	swait.ge [sflag:s18], $0x4000  }
0x55: {  	[sflag:s18] =	ssyncset.done $0x0  }
0x56: {  	s31 =	simm.s32 $0x900;
	[sflag:s18] =	ssyncadd.s32 $0xFFFFC000  }
0x57: {  	[spmem:s2] =	stream.indirect.scatter.add.f32 [tilespmem:s13], [sflag:$0x3], $0x80, s31, s16, $0xb8;
	[tilespmem:$0x1CC00] =	vst v63  }
0x58: {  	_ =	swait.ge [sflag:s14], $0x4000  }
0x59: {  	[sflag:s14] =	ssyncset.done $0x0  }
0x5a: {  	s5 =	simm.s32 $0x200;
	[sflag:s14] =	ssyncadd.s32 $0xFFFFC000  }
0x5b: {  	[tilespmem:s13], [sflag:$0x1] =	stream.indirect.gather [hbm4b:s4+s16], $0x80, s5, s16, $0xb8;
	[tilespmem:$0x1CC00] =	vst v63  }
0x5c: {  	_ =	swait.ge [sflag:s20], $0x4000  }
0x5d: {  	[sflag:s20] =	ssyncset.done $0x0  }
0x5e: {  	s6 =	simm.s32 $0x980;
	[sflag:s20] =	ssyncadd.s32 $0xFFFFC000  }
0x5f: {  	[spmem:s2] =	stream.indirect.scatter.add.f32 [tilespmem:s17], [sflag:$0x3], $0x80, s6, s16, $0xb8;
	[tilespmem:$0x1CC00] =	vst v63  }
0x60: {  	_ =	swait.ge [sflag:s14], $0x4000  }
0x61: {  	[sflag:s14] =	ssyncset.done $0x0  }
0x62: {  	s7 =	simm.s32 $0x280;
	[sflag:s14] =	ssyncadd.s32 $0xFFFFC000  }
0x63: {  	[tilespmem:s17], [sflag:$0x2] =	stream.indirect.gather [hbm4b:s4+s16], $0x80, s7, s16, $0xb8;
	[tilespmem:$0x1CC00] =	vst v63  }
0x64: {  	_ =	swait.ge [sflag:s18], $0x4000  }
0x65: {  	[sflag:s18] =	ssyncset.done $0x0  }
0x66: {  	s9 =	simm.s32 $0xA00;
	[sflag:s18] =	ssyncadd.s32 $0xFFFFC000  }
0x67: {  	[spmem:s2] =	stream.indirect.scatter.add.f32 [tilespmem:s13], [sflag:$0x3], $0x80, s9, s16, $0xb8;
	[tilespmem:$0x1CC00] =	vst v63  }
0x68: {  	_ =	swait.ge [sflag:s14], $0x4000  }
0x69: {  	[sflag:s14] =	ssyncset.done $0x0  }
0x6a: {  	s11 =	simm.s32 $0x300;
	[sflag:s14] =	ssyncadd.s32 $0xFFFFC000  }
0x6b: {  	[tilespmem:s13], [sflag:$0x1] =	stream.indirect.gather [hbm4b:s4+s16], $0x80, s11, s16, $0xb8;
	[tilespmem:$0x1CC00] =	vst v63  }
0x6c: {  	_ =	swait.ge [sflag:s20], $0x4000  }
0x6d: {  	[sflag:s20] =	ssyncset.done $0x0  }
0x6e: {  	s12 =	simm.s32 $0xA80;
	[sflag:s20] =	ssyncadd.s32 $0xFFFFC000  }
0x6f: {  	[spmem:s2] =	stream.indirect.scatter.add.f32 [tilespmem:s17], [sflag:$0x3], $0x80, s12, s16, $0xb8;
	[tilespmem:$0x1CC00] =	vst v63  }
0x70: {  	_ =	swait.ge [sflag:s14], $0x4000  }
0x71: {  	[sflag:s14] =	ssyncset.done $0x0  }
0x72: {  	s19 =	simm.s32 $0x380;
	[sflag:s14] =	ssyncadd.s32 $0xFFFFC000  }
0x73: {  	[tilespmem:s17], [sflag:$0x2] =	stream.indirect.gather [hbm4b:s4+s16], $0x80, s19, s16, $0xb8;
	[tilespmem:$0x1CC00] =	vst v63  }
0x74: {  	_ =	swait.ge [sflag:s18], $0x4000  }
0x75: {  	[sflag:s18] =	ssyncset.done $0x0  }
0x76: {  	s21 =	simm.s32 $0xB00;
	[sflag:s18] =	ssyncadd.s32 $0xFFFFC000  }
0x77: {  	[spmem:s2] =	stream.indirect.scatter.add.f32 [tilespmem:s13], [sflag:$0x3], $0x80, s21, s16, $0xb8;
	[tilespmem:$0x1CC00] =	vst v63  }
0x78: {  	_ =	swait.ge [sflag:s14], $0x4000  }
0x79: {  	[sflag:s14] =	ssyncset.done $0x0  }
0x7a: {  	s22 =	simm.s32 $0x400;
	[sflag:s14] =	ssyncadd.s32 $0xFFFFC000  }
0x7b: {  	[tilespmem:s13], [sflag:$0x1] =	stream.indirect.gather [hbm4b:s4+s16], $0x80, s22, s16, $0xb8;
	[tilespmem:$0x1CC00] =	vst v63  }
0x7c: {  	_ =	swait.ge [sflag:s20], $0x4000  }
0x7d: {  	[sflag:s20] =	ssyncset.done $0x0  }
0x7e: {  	s23 =	simm.s32 $0xB80;
	[sflag:s20] =	ssyncadd.s32 $0xFFFFC000  }
0x7f: {  	[spmem:s2] =	stream.indirect.scatter.add.f32 [tilespmem:s17], [sflag:$0x3], $0x80, s23, s16, $0xb8;
	[tilespmem:$0x1CC00] =	vst v63  }
0x80: {  	_ =	swait.ge [sflag:s14], $0x4000  }
0x81: {  	[sflag:s14] =	ssyncset.done $0x0  }
0x82: {  	s24 =	simm.s32 $0x480;
	[sflag:s14] =	ssyncadd.s32 $0xFFFFC000  }
0x83: {  	[tilespmem:s17], [sflag:$0x2] =	stream.indirect.gather [hbm4b:s4+s16], $0x80, s24, s16, $0xb8;
	[tilespmem:$0x1CC00] =	vst v63  }
0x84: {  	_ =	swait.ge [sflag:s18], $0x4000  }
0x85: {  	[sflag:s18] =	ssyncset.done $0x0  }
0x86: {  	s25 =	simm.s32 $0xC00;
	[sflag:s18] =	ssyncadd.s32 $0xFFFFC000  }
0x87: {  	[spmem:s2] =	stream.indirect.scatter.add.f32 [tilespmem:s13], [sflag:$0x3], $0x80, s25, s16, $0xb8;
	[tilespmem:$0x1CC00] =	vst v63  }
0x88: {  	_ =	swait.ge [sflag:s14], $0x4000  }
0x89: {  	[sflag:s14] =	ssyncset.done $0x0  }
0x8a: {  	s28 =	simm.s32 $0x500;
	[sflag:s14] =	ssyncadd.s32 $0xFFFFC000  }
0x8b: {  	[tilespmem:s13], [sflag:$0x1] =	stream.indirect.gather [hbm4b:s4+s16], $0x80, s28, s16, $0xb8;
	[tilespmem:$0x1CC00] =	vst v63  }
0x8c: {  	_ =	swait.ge [sflag:s20], $0x4000  }
0x8d: {  	[sflag:s20] =	ssyncset.done $0x0  }
0x8e: {  	s5 =	simm.s32 $0xC80;
	[sflag:s20] =	ssyncadd.s32 $0xFFFFC000  }
0x8f: {  	[spmem:s2] =	stream.indirect.scatter.add.f32 [tilespmem:s17], [sflag:$0x3], $0x80, s5, s16, $0xb8;
	[tilespmem:$0x1CC00] =	vst v63  }
0x90: {  	_ =	swait.ge [sflag:s14], $0x4000  }
0x91: {  	[sflag:s14] =	ssyncset.done $0x0  }
0x92: {  	s6 =	simm.s32 $0x580;
	[sflag:s14] =	ssyncadd.s32 $0xFFFFC000  }
0x93: {  	[tilespmem:s17], [sflag:$0x2] =	stream.indirect.gather [hbm4b:s4+s16], $0x80, s6, s16, $0xb8;
	[tilespmem:$0x1CC00] =	vst v63  }
0x94: {  	_ =	swait.ge [sflag:s18], $0x4000  }
0x95: {  	[sflag:s18] =	ssyncset.done $0x0  }
0x96: {  	s7 =	simm.s32 $0xD00;
	[sflag:s18] =	ssyncadd.s32 $0xFFFFC000  }
0x97: {  	[spmem:s2] =	stream.indirect.scatter.add.f32 [tilespmem:s13], [sflag:$0x3], $0x80, s7, s16, $0xb8;
	[tilespmem:$0x1CC00] =	vst v63  }
0x98: {  	_ =	swait.ge [sflag:s14], $0x4000  }
0x99: {  	[sflag:s14] =	ssyncset.done $0x0  }
0x9a: {  	s9 =	simm.s32 $0x600;
	[sflag:s14] =	ssyncadd.s32 $0xFFFFC000  }
0x9b: {  	[tilespmem:s13], [sflag:$0x1] =	stream.indirect.gather [hbm4b:s4+s16], $0x80, s9, s16, $0xb8;
	[tilespmem:$0x1CC00] =	vst v63  }
0x9c: {  	_ =	swait.ge [sflag:s20], $0x4000  }
0x9d: {  	[sflag:s20] =	ssyncset.done $0x0  }
0x9e: {  	s11 =	simm.s32 $0xD80;
	[sflag:s20] =	ssyncadd.s32 $0xFFFFC000  }
0x9f: {  	[spmem:s2] =	stream.indirect.scatter.add.f32 [tilespmem:s17], [sflag:$0x3], $0x80, s11, s16, $0xb8;
	[tilespmem:$0x1CC00] =	vst v63  }
0xa0: {  	_ =	swait.ge [sflag:s14], $0x4000  }
0xa1: {  	[sflag:s14] =	ssyncset.done $0x0  }
0xa2: {  	s12 =	simm.s32 $0x680;
	[sflag:s14] =	ssyncadd.s32 $0xFFFFC000  }
0xa3: {  	[tilespmem:s17], [sflag:$0x2] =	stream.indirect.gather [hbm4b:s4+s16], $0x80, s12, s16, $0xb8;
	[tilespmem:$0x1CC00] =	vst v63  }
0xa4: {  	_ =	swait.ge [sflag:s18], $0x4000  }
0xa5: {  	[sflag:s18] =	ssyncset.done $0x0  }
0xa6: {  	s19 =	simm.s32 $0xE00;
	[sflag:s18] =	ssyncadd.s32 $0xFFFFC000  }
0xa7: {  	[spmem:s2] =	stream.indirect.scatter.add.f32 [tilespmem:s13], [sflag:$0x3], $0x80, s19, s16, $0xb8;
	[tilespmem:$0x1CC00] =	vst v63  }
0xa8: {  	_ =	swait.ge [sflag:s14], $0x4000  }
0xa9: {  	[sflag:s14] =	ssyncset.done $0x0  }
0xaa: {  	s21 =	simm.s32 $0x700;
	[sflag:s14] =	ssyncadd.s32 $0xFFFFC000  }
0xab: {  	[tilespmem:s13], [sflag:$0x1] =	stream.indirect.gather [hbm4b:s4+s16], $0x80, s21, s16, $0xb8;
	[tilespmem:$0x1CC00] =	vst v63  }
0xac: {  	_ =	swait.ge [sflag:s20], $0x4000  }
0xad: {  	[sflag:s20] =	ssyncset.done $0x0  }
0xae: {  	s22 =	simm.s32 $0xE80;
	[sflag:s20] =	ssyncadd.s32 $0xFFFFC000  }
0xaf: {  	[spmem:s2] =	stream.indirect.scatter.add.f32 [tilespmem:s17], [sflag:$0x3], $0x80, s22, s16, $0xb8;
	[tilespmem:$0x1CC00] =	vst v63  }
0xb0: {  	_ =	swait.ge [sflag:s14], $0x4000  }
0xb1: {  	[sflag:s14] =	ssyncset.done $0x0  }
0xb2: {  	s23 =	simm.s32 $0x780;
	[sflag:s14] =	ssyncadd.s32 $0xFFFFC000  }
0xb3: {  	[tilespmem:s17], [sflag:$0x2] =	stream.indirect.gather [hbm4b:s4+s16], $0x80, s23, s16, $0xb8;
	[tilespmem:$0x1CC00] =	vst v63  }
0xb4: {  	_ =	swait.ge [sflag:s18], $0x4000  }
0xb5: {  	[sflag:s18] =	ssyncset.done $0x0  }
0xb6: {  	s24 =	simm.s32 $0xF00;
	[sflag:s18] =	ssyncadd.s32 $0xFFFFC000  }
0xb7: {  	[spmem:s2] =	stream.indirect.scatter.add.f32 [tilespmem:s13], [sflag:$0x3], $0x80, s24, s16, $0xb8;
	[tilespmem:$0x1CC00] =	vst v63  }
0xb8: {  	_ =	swait.ge [sflag:s14], $0x4000  }
0xb9: {  	[sflag:s14] =	ssyncset.done $0x0  }
0xba: {  	[sflag:s14] =	ssyncadd.s32 $0xFFFFC000  }
0xbb: {  	_ =	swait.ge [sflag:s20], $0x4000  }
0xbc: {  	[sflag:s20] =	ssyncset.done $0x0  }
0xbd: {  	s25 =	simm.s32 $0xF80;
	[sflag:s20] =	ssyncadd.s32 $0xFFFFC000  }
0xbe: {  	[spmem:s2] =	stream.indirect.scatter.add.f32 [tilespmem:s17], [sflag:$0x3], $0x80, s25, s16, $0xb8;
	[tilespmem:$0x1CC00] =	vst v63  }
0xbf: {  	_ =	swait.ge [sflag:s14], $0x4000  }
0xc0: {  	[sflag:s14] =	ssyncset.done $0x0  }
0xc1: {  	s0 =	sadd.s32 $0x100, s8;
	[sflag:s14] =	ssyncadd.s32 $0xFFFFC000  }
0xc2: {  	[tilespmem:s10], [sflag:$0x3] =	stream.linear.gather [hbm4b:s0+s10], $0x800, $0x38;
	[tilespmem:$0x1CC00] =	vst v63  }
0xc3: {  	_ =	swait.ge [sflag:s14], $0x800  }
0xc4: {  	[sflag:s14] =	ssyncset.done $0x0  }
0xc5: {  	s0 =	sadd.s32 $0x100, s15;
	[sflag:s14] =	ssyncadd.s32 $0xFFFFF800  }
0xc6: {  	[tilespmem:s3], [sflag:$0x3] =	stream.linear.gather [hbm4b:s0+s10], $0x800, $0x38;
	[tilespmem:$0x1CC00] =	vst v63  }
0xc7: {  	_ =	swait.ge [sflag:s14], $0x800  }
0xc8: {  	[sflag:s14] =	ssyncset.done $0x0  }
0xc9: {  	[sflag:s14] =	ssyncadd.s32 $0xFFFFF800  }
0xca: {  	[tilespmem:s13], [sflag:$0x1] =	stream.indirect.gather [hbm4b:s4+s16], $0x80, s10, s16, $0xb8;
	[tilespmem:$0x1CC00] =	vst v63  }
0xcb: {  	_ = 	snop  }
0xcc: {  	[tilespmem:s17], [sflag:$0x2] =	stream.indirect.gather [hbm4b:s4+s16], $0x80, s16, s16, $0xb8;
	[tilespmem:$0x1CC00] =	vst v63  }
0xcd: {  	_ =	swait.ge [sflag:s18], $0x4000  }
0xce: {  	[sflag:s18] =	ssyncset.done $0x0  }
0xcf: {  	[sflag:s18] =	ssyncadd.s32 $0xFFFFC000  }
0xd0: {  	[spmem:s2] =	stream.indirect.scatter.add.f32 [tilespmem:s13], [sflag:$0x3], $0x80, s3, s16, $0xb8;
	[tilespmem:$0x1CC00] =	vst v63  }
0xd1: {  	_ =	swait.ge [sflag:s14], $0x4000  }
0xd2: {  	[sflag:s14] =	ssyncset.done $0x0  }
0xd3: {  	s0 =	simm.s32 $0x100;
	[sflag:s14] =	ssyncadd.s32 $0xFFFFC000  }
0xd4: {  	[tilespmem:s13], [sflag:$0x1] =	stream.indirect.gather [hbm4b:s4+s16], $0x80, s0, s16, $0xb8;
	[tilespmem:$0x1CC00] =	vst v63  }
0xd5: {  	_ =	swait.ge [sflag:s20], $0x4000  }
0xd6: {  	[sflag:s20] =	ssyncset.done $0x0  }
0xd7: {  	s29 =	simm.s32 $0x880;
	[sflag:s20] =	ssyncadd.s32 $0xFFFFC000  }
0xd8: {  	[spmem:s2] =	stream.indirect.scatter.add.f32 [tilespmem:s17], [sflag:$0x3], $0x80, s29, s16, $0xb8;
	[tilespmem:$0x1CC00] =	vst v63  }
0xd9: {  	_ =	swait.ge [sflag:s14], $0x4000  }
0xda: {  	[sflag:s14] =	ssyncset.done $0x0  }
0xdb: {  	s30 =	simm.s32 $0x180;
	[sflag:s14] =	ssyncadd.s32 $0xFFFFC000  }
0xdc: {  	[tilespmem:s17], [sflag:$0x2] =	stream.indirect.gather [hbm4b:s4+s16], $0x80, s30, s16, $0xb8;
	[tilespmem:$0x1CC00] =	vst v63  }
0xdd: {  	_ =	swait.ge [sflag:s18], $0x4000  }
0xde: {  	[sflag:s18] =	ssyncset.done $0x0  }
0xdf: {  	s31 =	simm.s32 $0x900;
	[sflag:s18] =	ssyncadd.s32 $0xFFFFC000  }
0xe0: {  	[spmem:s2] =	stream.indirect.scatter.add.f32 [tilespmem:s13], [sflag:$0x3], $0x80, s31, s16, $0xb8;
	[tilespmem:$0x1CC00] =	vst v63  }
0xe1: {  	_ =	swait.ge [sflag:s14], $0x4000  }
0xe2: {  	[sflag:s14] =	ssyncset.done $0x0  }
0xe3: {  	s29 =	simm.s32 $0x200;
	[sflag:s14] =	ssyncadd.s32 $0xFFFFC000  }
0xe4: {  	[tilespmem:s13], [sflag:$0x1] =	stream.indirect.gather [hbm4b:s4+s16], $0x80, s29, s16, $0xb8;
	[tilespmem:$0x1CC00] =	vst v63  }
0xe5: {  	_ =	swait.ge [sflag:s20], $0x4000  }
0xe6: {  	[sflag:s20] =	ssyncset.done $0x0  }
0xe7: {  	s26 =	simm.s32 $0x980;
	[sflag:s20] =	ssyncadd.s32 $0xFFFFC000  }
0xe8: {  	[spmem:s2] =	stream.indirect.scatter.add.f32 [tilespmem:s17], [sflag:$0x3], $0x80, s26, s16, $0xb8;
	[tilespmem:$0x1CC00] =	vst v63  }
0xe9: {  	_ =	swait.ge [sflag:s14], $0x4000  }
0xea: {  	[sflag:s14] =	ssyncset.done $0x0  }
0xeb: {  	s29 =	simm.s32 $0x280;
	[sflag:s14] =	ssyncadd.s32 $0xFFFFC000  }
0xec: {  	[tilespmem:s17], [sflag:$0x2] =	stream.indirect.gather [hbm4b:s4+s16], $0x80, s29, s16, $0xb8;
	[tilespmem:$0x1CC00] =	vst v63  }
0xed: {  	_ =	swait.ge [sflag:s18], $0x4000  }
0xee: {  	[sflag:s18] =	ssyncset.done $0x0  }
0xef: {  	s29 =	simm.s32 $0xA00;
	[sflag:s18] =	ssyncadd.s32 $0xFFFFC000  }
0xf0: {  	[spmem:s2] =	stream.indirect.scatter.add.f32 [tilespmem:s13], [sflag:$0x3], $0x80, s29, s16, $0xb8;
	[tilespmem:$0x1CC00] =	vst v63  }
0xf1: {  	_ =	swait.ge [sflag:s14], $0x4000  }
0xf2: {  	[sflag:s14] =	ssyncset.done $0x0  }
0xf3: {  	s29 =	simm.s32 $0x300;
	[sflag:s14] =	ssyncadd.s32 $0xFFFFC000  }
0xf4: {  	[tilespmem:s13], [sflag:$0x1] =	stream.indirect.gather [hbm4b:s4+s16], $0x80, s29, s16, $0xb8;
	[tilespmem:$0x1CC00] =	vst v63  }
0xf5: {  	_ =	swait.ge [sflag:s20], $0x4000  }
0xf6: {  	[sflag:s20] =	ssyncset.done $0x0  }
0xf7: {  	s29 =	simm.s32 $0xA80;
	[sflag:s20] =	ssyncadd.s32 $0xFFFFC000  }
0xf8: {  	[spmem:s2] =	stream.indirect.scatter.add.f32 [tilespmem:s17], [sflag:$0x3], $0x80, s29, s16, $0xb8;
	[tilespmem:$0x1CC00] =	vst v63  }
0xf9: {  	_ =	swait.ge [sflag:s14], $0x4000  }
0xfa: {  	[sflag:s14] =	ssyncset.done $0x0  }
0xfb: {  	s29 =	simm.s32 $0x380;
	[sflag:s14] =	ssyncadd.s32 $0xFFFFC000  }
0xfc: {  	[tilespmem:s17], [sflag:$0x2] =	stream.indirect.gather [hbm4b:s4+s16], $0x80, s29, s16, $0xb8;
	[tilespmem:$0x1CC00] =	vst v63  }
0xfd: {  	_ =	swait.ge [sflag:s18], $0x4000  }
0xfe: {  	[sflag:s18] =	ssyncset.done $0x0  }
0xff: {  	s29 =	simm.s32 $0xB00;
	[sflag:s18] =	ssyncadd.s32 $0xFFFFC000  }
0x100: {  	[spmem:s2] =	stream.indirect.scatter.add.f32 [tilespmem:s13], [sflag:$0x3], $0x80, s29, s16, $0xb8;
	[tilespmem:$0x1CC00] =	vst v63  }
0x101: {  	_ =	swait.ge [sflag:s14], $0x4000  }
0x102: {  	[sflag:s14] =	ssyncset.done $0x0  }
0x103: {  	s29 =	simm.s32 $0x400;
	[sflag:s14] =	ssyncadd.s32 $0xFFFFC000  }
0x104: {  	[tilespmem:s13], [sflag:$0x1] =	stream.indirect.gather [hbm4b:s4+s16], $0x80, s29, s16, $0xb8;
	[tilespmem:$0x1CC00] =	vst v63  }
0x105: {  	_ =	swait.ge [sflag:s20], $0x4000  }
0x106: {  	[sflag:s20] =	ssyncset.done $0x0  }
0x107: {  	s29 =	simm.s32 $0xB80;
	[sflag:s20] =	ssyncadd.s32 $0xFFFFC000  }
0x108: {  	[spmem:s2] =	stream.indirect.scatter.add.f32 [tilespmem:s17], [sflag:$0x3], $0x80, s29, s16, $0xb8;
	[tilespmem:$0x1CC00] =	vst v63  }
0x109: {  	_ =	swait.ge [sflag:s14], $0x4000  }
0x10a: {  	[sflag:s14] =	ssyncset.done $0x0  }
0x10b: {  	s29 =	simm.s32 $0x480;
	[sflag:s14] =	ssyncadd.s32 $0xFFFFC000  }
0x10c: {  	[tilespmem:s17], [sflag:$0x2] =	stream.indirect.gather [hbm4b:s4+s16], $0x80, s29, s16, $0xb8;
	[tilespmem:$0x1CC00] =	vst v63  }
0x10d: {  	_ =	swait.ge [sflag:s18], $0x4000  }
0x10e: {  	[sflag:s18] =	ssyncset.done $0x0  }
0x10f: {  	s29 =	simm.s32 $0xC00;
	[sflag:s18] =	ssyncadd.s32 $0xFFFFC000  }
0x110: {  	[spmem:s2] =	stream.indirect.scatter.add.f32 [tilespmem:s13], [sflag:$0x3], $0x80, s29, s16, $0xb8;
	[tilespmem:$0x1CC00] =	vst v63  }
0x111: {  	_ =	swait.ge [sflag:s14], $0x4000  }
0x112: {  	[sflag:s14] =	ssyncset.done $0x0  }
0x113: {  	s28 =	simm.s32 $0x500;
	[sflag:s14] =	ssyncadd.s32 $0xFFFFC000  }
0x114: {  	[tilespmem:s13], [sflag:$0x1] =	stream.indirect.gather [hbm4b:s4+s16], $0x80, s28, s16, $0xb8;
	[tilespmem:$0x1CC00] =	vst v63  }
0x115: {  	_ =	swait.ge [sflag:s20], $0x4000  }
0x116: {  	[sflag:s20] =	ssyncset.done $0x0  }
0x117: {  	s5 =	simm.s32 $0xC80;
	[sflag:s20] =	ssyncadd.s32 $0xFFFFC000  }
0x118: {  	[spmem:s2] =	stream.indirect.scatter.add.f32 [tilespmem:s17], [sflag:$0x3], $0x80, s5, s16, $0xb8;
	[tilespmem:$0x1CC00] =	vst v63  }
0x119: {  	_ =	swait.ge [sflag:s14], $0x4000  }
0x11a: {  	[sflag:s14] =	ssyncset.done $0x0  }
0x11b: {  	s6 =	simm.s32 $0x580;
	[sflag:s14] =	ssyncadd.s32 $0xFFFFC000  }
0x11c: {  	[tilespmem:s17], [sflag:$0x2] =	stream.indirect.gather [hbm4b:s4+s16], $0x80, s6, s16, $0xb8;
	[tilespmem:$0x1CC00] =	vst v63  }
0x11d: {  	_ =	swait.ge [sflag:s18], $0x4000  }
0x11e: {  	[sflag:s18] =	ssyncset.done $0x0  }
0x11f: {  	s7 =	simm.s32 $0xD00;
	[sflag:s18] =	ssyncadd.s32 $0xFFFFC000  }
0x120: {  	[spmem:s2] =	stream.indirect.scatter.add.f32 [tilespmem:s13], [sflag:$0x3], $0x80, s7, s16, $0xb8;
	[tilespmem:$0x1CC00] =	vst v63  }
0x121: {  	_ =	swait.ge [sflag:s14], $0x4000  }
0x122: {  	[sflag:s14] =	ssyncset.done $0x0  }
0x123: {  	s9 =	simm.s32 $0x600;
	[sflag:s14] =	ssyncadd.s32 $0xFFFFC000  }
0x124: {  	[tilespmem:s13], [sflag:$0x1] =	stream.indirect.gather [hbm4b:s4+s16], $0x80, s9, s16, $0xb8;
	[tilespmem:$0x1CC00] =	vst v63  }
0x125: {  	_ =	swait.ge [sflag:s20], $0x4000  }
0x126: {  	[sflag:s20] =	ssyncset.done $0x0  }
0x127: {  	s11 =	simm.s32 $0xD80;
	[sflag:s20] =	ssyncadd.s32 $0xFFFFC000  }
0x128: {  	[spmem:s2] =	stream.indirect.scatter.add.f32 [tilespmem:s17], [sflag:$0x3], $0x80, s11, s16, $0xb8;
	[tilespmem:$0x1CC00] =	vst v63  }
0x129: {  	_ =	swait.ge [sflag:s14], $0x4000  }
0x12a: {  	[sflag:s14] =	ssyncset.done $0x0  }
0x12b: {  	s12 =	simm.s32 $0x680;
	[sflag:s14] =	ssyncadd.s32 $0xFFFFC000  }
0x12c: {  	[tilespmem:s17], [sflag:$0x2] =	stream.indirect.gather [hbm4b:s4+s16], $0x80, s12, s16, $0xb8;
	[tilespmem:$0x1CC00] =	vst v63  }
0x12d: {  	_ =	swait.ge [sflag:s18], $0x4000  }
0x12e: {  	[sflag:s18] =	ssyncset.done $0x0  }
0x12f: {  	s19 =	simm.s32 $0xE00;
	[sflag:s18] =	ssyncadd.s32 $0xFFFFC000  }
0x130: {  	[spmem:s2] =	stream.indirect.scatter.add.f32 [tilespmem:s13], [sflag:$0x3], $0x80, s19, s16, $0xb8;
	[tilespmem:$0x1CC00] =	vst v63  }
0x131: {  	_ =	swait.ge [sflag:s14], $0x4000  }
0x132: {  	[sflag:s14] =	ssyncset.done $0x0  }
0x133: {  	s21 =	simm.s32 $0x700;
	[sflag:s14] =	ssyncadd.s32 $0xFFFFC000  }
0x134: {  	[tilespmem:s13], [sflag:$0x1] =	stream.indirect.gather [hbm4b:s4+s16], $0x80, s21, s16, $0xb8;
	[tilespmem:$0x1CC00] =	vst v63  }
0x135: {  	_ =	swait.ge [sflag:s20], $0x4000  }
0x136: {  	[sflag:s20] =	ssyncset.done $0x0  }
0x137: {  	s22 =	simm.s32 $0xE80;
	[sflag:s20] =	ssyncadd.s32 $0xFFFFC000  }
0x138: {  	[spmem:s2] =	stream.indirect.scatter.add.f32 [tilespmem:s17], [sflag:$0x3], $0x80, s22, s16, $0xb8;
	[tilespmem:$0x1CC00] =	vst v63  }
0x139: {  	_ =	swait.ge [sflag:s14], $0x4000  }
0x13a: {  	[sflag:s14] =	ssyncset.done $0x0  }
0x13b: {  	s23 =	simm.s32 $0x780;
	[sflag:s14] =	ssyncadd.s32 $0xFFFFC000  }
0x13c: {  	[tilespmem:s17], [sflag:$0x2] =	stream.indirect.gather [hbm4b:s4+s16], $0x80, s23, s16, $0xb8;
	[tilespmem:$0x1CC00] =	vst v63  }
0x13d: {  	_ =	swait.ge [sflag:s18], $0x4000  }
0x13e: {  	[sflag:s18] =	ssyncset.done $0x0  }
0x13f: {  	s24 =	simm.s32 $0xF00;
	[sflag:s18] =	ssyncadd.s32 $0xFFFFC000  }
0x140: {  	[spmem:s2] =	stream.indirect.scatter.add.f32 [tilespmem:s13], [sflag:$0x3], $0x80, s24, s16, $0xb8;
	[tilespmem:$0x1CC00] =	vst v63  }
0x141: {  	_ =	swait.ge [sflag:s14], $0x4000  }
0x142: {  	[sflag:s14] =	ssyncset.done $0x0  }
0x143: {  	[sflag:s14] =	ssyncadd.s32 $0xFFFFC000  }
0x144: {  	_ =	swait.ge [sflag:s20], $0x4000  }
0x145: {  	[sflag:s20] =	ssyncset.done $0x0  }
0x146: {  	s25 =	simm.s32 $0xF80;
	[sflag:s20] =	ssyncadd.s32 $0xFFFFC000  }
0x147: {  	[spmem:s2] =	stream.indirect.scatter.add.f32 [tilespmem:s17], [sflag:$0x3], $0x80, s25, s16, $0xb8;
	[tilespmem:$0x1CC00] =	vst v63  }
0x148: {  	_ =	swait.ge [sflag:s14], $0x4000  }
0x149: {  	[sflag:s14] =	ssyncset.done $0x0  }
0x14a: {  	s25 =	sadd.s32 $0x200, s8;
	[sflag:s14] =	ssyncadd.s32 $0xFFFFC000  }
0x14b: {  	[tilespmem:s10], [sflag:$0x3] =	stream.linear.gather [hbm4b:s25+s10], $0x800, $0x38;
	[tilespmem:$0x1CC00] =	vst v63  }
0x14c: {  	_ =	swait.ge [sflag:s14], $0x800  }
0x14d: {  	[sflag:s14] =	ssyncset.done $0x0  }
0x14e: {  	s25 =	sadd.s32 $0x200, s15;
	[sflag:s14] =	ssyncadd.s32 $0xFFFFF800  }
0x14f: {  	[tilespmem:s3], [sflag:$0x3] =	stream.linear.gather [hbm4b:s25+s10], $0x800, $0x38;
	[tilespmem:$0x1CC00] =	vst v63  }
0x150: {  	_ =	swait.ge [sflag:s14], $0x800  }
0x151: {  	[sflag:s14] =	ssyncset.done $0x0  }
0x152: {  	[sflag:s14] =	ssyncadd.s32 $0xFFFFF800  }
0x153: {  	[tilespmem:s13], [sflag:$0x1] =	stream.indirect.gather [hbm4b:s4+s16], $0x80, s10, s16, $0xb8;
	[tilespmem:$0x1CC00] =	vst v63  }
0x154: {  	_ = 	snop  }
0x155: {  	[tilespmem:s17], [sflag:$0x2] =	stream.indirect.gather [hbm4b:s4+s16], $0x80, s16, s16, $0xb8;
	[tilespmem:$0x1CC00] =	vst v63  }
0x156: {  	_ =	swait.ge [sflag:s18], $0x4000  }
0x157: {  	[sflag:s18] =	ssyncset.done $0x0  }
0x158: {  	[sflag:s18] =	ssyncadd.s32 $0xFFFFC000  }
0x159: {  	[spmem:s2] =	stream.indirect.scatter.add.f32 [tilespmem:s13], [sflag:$0x3], $0x80, s3, s16, $0xb8;
	[tilespmem:$0x1CC00] =	vst v63  }
0x15a: {  	_ =	swait.ge [sflag:s14], $0x4000  }
0x15b: {  	[sflag:s14] =	ssyncset.done $0x0  }
0x15c: {  	s25 =	simm.s32 $0x100;
	[sflag:s14] =	ssyncadd.s32 $0xFFFFC000  }
0x15d: {  	[tilespmem:s13], [sflag:$0x1] =	stream.indirect.gather [hbm4b:s4+s16], $0x80, s25, s16, $0xb8;
	[tilespmem:$0x1CC00] =	vst v63  }
0x15e: {  	_ =	swait.ge [sflag:s20], $0x4000  }
0x15f: {  	[sflag:s20] =	ssyncset.done $0x0  }
0x160: {  	s25 =	simm.s32 $0x880;
	[sflag:s20] =	ssyncadd.s32 $0xFFFFC000  }
0x161: {  	[spmem:s2] =	stream.indirect.scatter.add.f32 [tilespmem:s17], [sflag:$0x3], $0x80, s25, s16, $0xb8;
	[tilespmem:$0x1CC00] =	vst v63  }
0x162: {  	_ =	swait.ge [sflag:s14], $0x4000  }
0x163: {  	[sflag:s14] =	ssyncset.done $0x0  }
0x164: {  	s30 =	simm.s32 $0x180;
	[sflag:s14] =	ssyncadd.s32 $0xFFFFC000  }
0x165: {  	[tilespmem:s17], [sflag:$0x2] =	stream.indirect.gather [hbm4b:s4+s16], $0x80, s30, s16, $0xb8;
	[tilespmem:$0x1CC00] =	vst v63  }
0x166: {  	_ =	swait.ge [sflag:s18], $0x4000  }
0x167: {  	[sflag:s18] =	ssyncset.done $0x0  }
0x168: {  	s31 =	simm.s32 $0x900;
	[sflag:s18] =	ssyncadd.s32 $0xFFFFC000  }
0x169: {  	[spmem:s2] =	stream.indirect.scatter.add.f32 [tilespmem:s13], [sflag:$0x3], $0x80, s31, s16, $0xb8;
	[tilespmem:$0x1CC00] =	vst v63  }
0x16a: {  	_ =	swait.ge [sflag:s14], $0x4000  }
0x16b: {  	[sflag:s14] =	ssyncset.done $0x0  }
0x16c: {  	s31 =	simm.s32 $0x200;
	[sflag:s14] =	ssyncadd.s32 $0xFFFFC000  }
0x16d: {  	[tilespmem:s13], [sflag:$0x1] =	stream.indirect.gather [hbm4b:s4+s16], $0x80, s31, s16, $0xb8;
	[tilespmem:$0x1CC00] =	vst v63  }
0x16e: {  	_ =	swait.ge [sflag:s20], $0x4000  }
0x16f: {  	[sflag:s20] =	ssyncset.done $0x0  }
0x170: {  	s26 =	simm.s32 $0x980;
	[sflag:s20] =	ssyncadd.s32 $0xFFFFC000  }
0x171: {  	[spmem:s2] =	stream.indirect.scatter.add.f32 [tilespmem:s17], [sflag:$0x3], $0x80, s26, s16, $0xb8;
	[tilespmem:$0x1CC00] =	vst v63  }
0x172: {  	_ =	swait.ge [sflag:s14], $0x4000  }
0x173: {  	[sflag:s14] =	ssyncset.done $0x0  }
0x174: {  	s26 =	simm.s32 $0x280;
	[sflag:s14] =	ssyncadd.s32 $0xFFFFC000  }
0x175: {  	[tilespmem:s17], [sflag:$0x2] =	stream.indirect.gather [hbm4b:s4+s16], $0x80, s26, s16, $0xb8;
	[tilespmem:$0x1CC00] =	vst v63  }
0x176: {  	_ =	swait.ge [sflag:s18], $0x4000  }
0x177: {  	[sflag:s18] =	ssyncset.done $0x0  }
0x178: {  	s26 =	simm.s32 $0xA00;
	[sflag:s18] =	ssyncadd.s32 $0xFFFFC000  }
0x179: {  	[spmem:s2] =	stream.indirect.scatter.add.f32 [tilespmem:s13], [sflag:$0x3], $0x80, s26, s16, $0xb8;
	[tilespmem:$0x1CC00] =	vst v63  }
0x17a: {  	_ =	swait.ge [sflag:s14], $0x4000  }
0x17b: {  	[sflag:s14] =	ssyncset.done $0x0  }
0x17c: {  	s26 =	simm.s32 $0x300;
	[sflag:s14] =	ssyncadd.s32 $0xFFFFC000  }
0x17d: {  	[tilespmem:s13], [sflag:$0x1] =	stream.indirect.gather [hbm4b:s4+s16], $0x80, s26, s16, $0xb8;
	[tilespmem:$0x1CC00] =	vst v63  }
0x17e: {  	_ =	swait.ge [sflag:s20], $0x4000  }
0x17f: {  	[sflag:s20] =	ssyncset.done $0x0  }
0x180: {  	s26 =	simm.s32 $0xA80;
	[sflag:s20] =	ssyncadd.s32 $0xFFFFC000  }
0x181: {  	[spmem:s2] =	stream.indirect.scatter.add.f32 [tilespmem:s17], [sflag:$0x3], $0x80, s26, s16, $0xb8;
	[tilespmem:$0x1CC00] =	vst v63  }
0x182: {  	_ =	swait.ge [sflag:s14], $0x4000  }
0x183: {  	[sflag:s14] =	ssyncset.done $0x0  }
0x184: {  	s26 =	simm.s32 $0x380;
	[sflag:s14] =	ssyncadd.s32 $0xFFFFC000  }
0x185: {  	[tilespmem:s17], [sflag:$0x2] =	stream.indirect.gather [hbm4b:s4+s16], $0x80, s26, s16, $0xb8;
	[tilespmem:$0x1CC00] =	vst v63  }
0x186: {  	_ =	swait.ge [sflag:s18], $0x4000  }
0x187: {  	[sflag:s18] =	ssyncset.done $0x0  }
0x188: {  	s26 =	simm.s32 $0xB00;
	[sflag:s18] =	ssyncadd.s32 $0xFFFFC000  }
0x189: {  	[spmem:s2] =	stream.indirect.scatter.add.f32 [tilespmem:s13], [sflag:$0x3], $0x80, s26, s16, $0xb8;
	[tilespmem:$0x1CC00] =	vst v63  }
0x18a: {  	_ =	swait.ge [sflag:s14], $0x4000  }
0x18b: {  	[sflag:s14] =	ssyncset.done $0x0  }
0x18c: {  	s26 =	simm.s32 $0x400;
	[sflag:s14] =	ssyncadd.s32 $0xFFFFC000  }
0x18d: {  	[tilespmem:s13], [sflag:$0x1] =	stream.indirect.gather [hbm4b:s4+s16], $0x80, s26, s16, $0xb8;
	[tilespmem:$0x1CC00] =	vst v63  }
0x18e: {  	_ =	swait.ge [sflag:s20], $0x4000  }
0x18f: {  	[sflag:s20] =	ssyncset.done $0x0  }
0x190: {  	s26 =	simm.s32 $0xB80;
	[sflag:s20] =	ssyncadd.s32 $0xFFFFC000  }
0x191: {  	[spmem:s2] =	stream.indirect.scatter.add.f32 [tilespmem:s17], [sflag:$0x3], $0x80, s26, s16, $0xb8;
	[tilespmem:$0x1CC00] =	vst v63  }
0x192: {  	_ =	swait.ge [sflag:s14], $0x4000  }
0x193: {  	[sflag:s14] =	ssyncset.done $0x0  }
0x194: {  	s26 =	simm.s32 $0x480;
	[sflag:s14] =	ssyncadd.s32 $0xFFFFC000  }
0x195: {  	[tilespmem:s17], [sflag:$0x2] =	stream.indirect.gather [hbm4b:s4+s16], $0x80, s26, s16, $0xb8;
	[tilespmem:$0x1CC00] =	vst v63  }
0x196: {  	_ =	swait.ge [sflag:s18], $0x4000  }
0x197: {  	[sflag:s18] =	ssyncset.done $0x0  }
0x198: {  	s26 =	simm.s32 $0xC00;
	[sflag:s18] =	ssyncadd.s32 $0xFFFFC000  }
0x199: {  	[spmem:s2] =	stream.indirect.scatter.add.f32 [tilespmem:s13], [sflag:$0x3], $0x80, s26, s16, $0xb8;
	[tilespmem:$0x1CC00] =	vst v63  }
0x19a: {  	_ =	swait.ge [sflag:s14], $0x4000  }
0x19b: {  	[sflag:s14] =	ssyncset.done $0x0  }
0x19c: {  	s28 =	simm.s32 $0x500;
	[sflag:s14] =	ssyncadd.s32 $0xFFFFC000  }
0x19d: {  	[tilespmem:s13], [sflag:$0x1] =	stream.indirect.gather [hbm4b:s4+s16], $0x80, s28, s16, $0xb8;
	[tilespmem:$0x1CC00] =	vst v63  }
0x19e: {  	_ =	swait.ge [sflag:s20], $0x4000  }
0x19f: {  	[sflag:s20] =	ssyncset.done $0x0  }
0x1a0: {  	s5 =	simm.s32 $0xC80;
	[sflag:s20] =	ssyncadd.s32 $0xFFFFC000  }
0x1a1: {  	[spmem:s2] =	stream.indirect.scatter.add.f32 [tilespmem:s17], [sflag:$0x3], $0x80, s5, s16, $0xb8;
	[tilespmem:$0x1CC00] =	vst v63  }
0x1a2: {  	_ =	swait.ge [sflag:s14], $0x4000  }
0x1a3: {  	[sflag:s14] =	ssyncset.done $0x0  }
0x1a4: {  	s6 =	simm.s32 $0x580;
	[sflag:s14] =	ssyncadd.s32 $0xFFFFC000  }
0x1a5: {  	[tilespmem:s17], [sflag:$0x2] =	stream.indirect.gather [hbm4b:s4+s16], $0x80, s6, s16, $0xb8;
	[tilespmem:$0x1CC00] =	vst v63  }
0x1a6: {  	_ =	swait.ge [sflag:s18], $0x4000  }
0x1a7: {  	[sflag:s18] =	ssyncset.done $0x0  }
0x1a8: {  	s7 =	simm.s32 $0xD00;
	[sflag:s18] =	ssyncadd.s32 $0xFFFFC000  }
0x1a9: {  	[spmem:s2] =	stream.indirect.scatter.add.f32 [tilespmem:s13], [sflag:$0x3], $0x80, s7, s16, $0xb8;
	[tilespmem:$0x1CC00] =	vst v63  }
0x1aa: {  	_ =	swait.ge [sflag:s14], $0x4000  }
0x1ab: {  	[sflag:s14] =	ssyncset.done $0x0  }
0x1ac: {  	s9 =	simm.s32 $0x600;
	[sflag:s14] =	ssyncadd.s32 $0xFFFFC000  }
0x1ad: {  	[tilespmem:s13], [sflag:$0x1] =	stream.indirect.gather [hbm4b:s4+s16], $0x80, s9, s16, $0xb8;
	[tilespmem:$0x1CC00] =	vst v63  }
0x1ae: {  	_ =	swait.ge [sflag:s20], $0x4000  }
0x1af: {  	[sflag:s20] =	ssyncset.done $0x0  }
0x1b0: {  	s29 =	simm.s32 $0xD80;
	[sflag:s20] =	ssyncadd.s32 $0xFFFFC000  }
0x1b1: {  	[spmem:s2] =	stream.indirect.scatter.add.f32 [tilespmem:s17], [sflag:$0x3], $0x80, s29, s16, $0xb8;
	[tilespmem:$0x1CC00] =	vst v63  }
0x1b2: {  	_ =	swait.ge [sflag:s14], $0x4000  }
0x1b3: {  	[sflag:s14] =	ssyncset.done $0x0  }
0x1b4: {  	s11 =	simm.s32 $0x680;
	[sflag:s14] =	ssyncadd.s32 $0xFFFFC000  }
0x1b5: {  	[tilespmem:s17], [sflag:$0x2] =	stream.indirect.gather [hbm4b:s4+s16], $0x80, s11, s16, $0xb8;
	[tilespmem:$0x1CC00] =	vst v63  }
0x1b6: {  	_ =	swait.ge [sflag:s18], $0x4000  }
0x1b7: {  	[sflag:s18] =	ssyncset.done $0x0  }
0x1b8: {  	s12 =	simm.s32 $0xE00;
	[sflag:s18] =	ssyncadd.s32 $0xFFFFC000  }
0x1b9: {  	[spmem:s2] =	stream.indirect.scatter.add.f32 [tilespmem:s13], [sflag:$0x3], $0x80, s12, s16, $0xb8;
	[tilespmem:$0x1CC00] =	vst v63  }
0x1ba: {  	_ =	swait.ge [sflag:s14], $0x4000  }
0x1bb: {  	[sflag:s14] =	ssyncset.done $0x0  }
0x1bc: {  	s19 =	simm.s32 $0x700;
	[sflag:s14] =	ssyncadd.s32 $0xFFFFC000  }
0x1bd: {  	[tilespmem:s13], [sflag:$0x1] =	stream.indirect.gather [hbm4b:s4+s16], $0x80, s19, s16, $0xb8;
	[tilespmem:$0x1CC00] =	vst v63  }
0x1be: {  	_ =	swait.ge [sflag:s20], $0x4000  }
0x1bf: {  	[sflag:s20] =	ssyncset.done $0x0  }
0x1c0: {  	s21 =	simm.s32 $0xE80;
	[sflag:s20] =	ssyncadd.s32 $0xFFFFC000  }
0x1c1: {  	[spmem:s2] =	stream.indirect.scatter.add.f32 [tilespmem:s17], [sflag:$0x3], $0x80, s21, s16, $0xb8;
	[tilespmem:$0x1CC00] =	vst v63  }
0x1c2: {  	_ =	swait.ge [sflag:s14], $0x4000  }
0x1c3: {  	[sflag:s14] =	ssyncset.done $0x0  }
0x1c4: {  	s22 =	simm.s32 $0x780;
	[sflag:s14] =	ssyncadd.s32 $0xFFFFC000  }
0x1c5: {  	[tilespmem:s17], [sflag:$0x2] =	stream.indirect.gather [hbm4b:s4+s16], $0x80, s22, s16, $0xb8;
	[tilespmem:$0x1CC00] =	vst v63  }
0x1c6: {  	_ =	swait.ge [sflag:s18], $0x4000  }
0x1c7: {  	[sflag:s18] =	ssyncset.done $0x0  }
0x1c8: {  	s23 =	simm.s32 $0xF00;
	[sflag:s18] =	ssyncadd.s32 $0xFFFFC000  }
0x1c9: {  	[spmem:s2] =	stream.indirect.scatter.add.f32 [tilespmem:s13], [sflag:$0x3], $0x80, s23, s16, $0xb8;
	[tilespmem:$0x1CC00] =	vst v63  }
0x1ca: {  	_ =	swait.ge [sflag:s14], $0x4000  }
0x1cb: {  	[sflag:s14] =	ssyncset.done $0x0  }
0x1cc: {  	[sflag:s14] =	ssyncadd.s32 $0xFFFFC000  }
0x1cd: {  	_ =	swait.ge [sflag:s20], $0x4000  }
0x1ce: {  	[sflag:s20] =	ssyncset.done $0x0  }
0x1cf: {  	s24 =	simm.s32 $0xF80;
	[sflag:s20] =	ssyncadd.s32 $0xFFFFC000  }
0x1d0: {  	[spmem:s2] =	stream.indirect.scatter.add.f32 [tilespmem:s17], [sflag:$0x3], $0x80, s24, s16, $0xb8;
	[tilespmem:$0x1CC00] =	vst v63  }
0x1d1: {  	_ =	swait.ge [sflag:s14], $0x4000  }
0x1d2: {  	[sflag:s14] =	ssyncset.done $0x0  }
0x1d3: {  	s11 =	sadd.s32 $0x300, s8;
	[sflag:s14] =	ssyncadd.s32 $0xFFFFC000  }
0x1d4: {  	[tilespmem:s10], [sflag:$0x3] =	stream.linear.gather [hbm4b:s11+s10], $0x800, $0x38;
	[tilespmem:$0x1CC00] =	vst v63  }
0x1d5: {  	_ =	swait.ge [sflag:s14], $0x800  }
0x1d6: {  	[sflag:s14] =	ssyncset.done $0x0  }
0x1d7: {  	s12 =	sadd.s32 $0x300, s15;
	[sflag:s14] =	ssyncadd.s32 $0xFFFFF800  }
0x1d8: {  	[tilespmem:s3], [sflag:$0x3] =	stream.linear.gather [hbm4b:s12+s10], $0x800, $0x38;
	[tilespmem:$0x1CC00] =	vst v63  }
0x1d9: {  	_ =	swait.ge [sflag:s14], $0x800  }
0x1da: {  	[sflag:s14] =	ssyncset.done $0x0  }
0x1db: {  	[sflag:s14] =	ssyncadd.s32 $0xFFFFF800  }
0x1dc: {  	[tilespmem:s13], [sflag:$0x1] =	stream.indirect.gather [hbm4b:s4+s16], $0x80, s10, s16, $0xb8;
	[tilespmem:$0x1CC00] =	vst v63  }
0x1dd: {  	_ = 	snop  }
0x1de: {  	[tilespmem:s17], [sflag:$0x2] =	stream.indirect.gather [hbm4b:s4+s16], $0x80, s16, s16, $0xb8;
	[tilespmem:$0x1CC00] =	vst v63  }
0x1df: {  	_ =	swait.ge [sflag:s18], $0x4000  }
0x1e0: {  	[sflag:s18] =	ssyncset.done $0x0  }
0x1e1: {  	[sflag:s18] =	ssyncadd.s32 $0xFFFFC000  }
0x1e2: {  	[spmem:s2] =	stream.indirect.scatter.add.f32 [tilespmem:s13], [sflag:$0x3], $0x80, s3, s16, $0xb8;
	[tilespmem:$0x1CC00] =	vst v63  }
0x1e3: {  	_ =	swait.ge [sflag:s14], $0x4000  }
0x1e4: {  	[sflag:s14] =	ssyncset.done $0x0  }
0x1e5: {  	s24 =	simm.s32 $0x100;
	[sflag:s14] =	ssyncadd.s32 $0xFFFFC000  }
0x1e6: {  	[tilespmem:s13], [sflag:$0x1] =	stream.indirect.gather [hbm4b:s4+s16], $0x80, s24, s16, $0xb8;
	[tilespmem:$0x1CC00] =	vst v63  }
0x1e7: {  	_ =	swait.ge [sflag:s20], $0x4000  }
0x1e8: {  	[sflag:s20] =	ssyncset.done $0x0  }
0x1e9: {  	s25 =	simm.s32 $0x880;
	[sflag:s20] =	ssyncadd.s32 $0xFFFFC000  }
0x1ea: {  	[spmem:s2] =	stream.indirect.scatter.add.f32 [tilespmem:s17], [sflag:$0x3], $0x80, s25, s16, $0xb8;
	[tilespmem:$0x1CC00] =	vst v63  }
0x1eb: {  	_ =	swait.ge [sflag:s14], $0x4000  }
0x1ec: {  	[sflag:s14] =	ssyncset.done $0x0  }
0x1ed: {  	s30 =	simm.s32 $0x180;
	[sflag:s14] =	ssyncadd.s32 $0xFFFFC000  }
0x1ee: {  	[tilespmem:s17], [sflag:$0x2] =	stream.indirect.gather [hbm4b:s4+s16], $0x80, s30, s16, $0xb8;
	[tilespmem:$0x1CC00] =	vst v63  }
0x1ef: {  	_ =	swait.ge [sflag:s18], $0x4000  }
0x1f0: {  	[sflag:s18] =	ssyncset.done $0x0  }
0x1f1: {  	s30 =	simm.s32 $0x900;
	[sflag:s18] =	ssyncadd.s32 $0xFFFFC000  }
0x1f2: {  	[spmem:s2] =	stream.indirect.scatter.add.f32 [tilespmem:s13], [sflag:$0x3], $0x80, s30, s16, $0xb8;
	[tilespmem:$0x1CC00] =	vst v63  }
0x1f3: {  	_ =	swait.ge [sflag:s14], $0x4000  }
0x1f4: {  	[sflag:s14] =	ssyncset.done $0x0  }
0x1f5: {  	s12 =	simm.s32 $0x200;
	[sflag:s14] =	ssyncadd.s32 $0xFFFFC000  }
0x1f6: {  	[tilespmem:s13], [sflag:$0x1] =	stream.indirect.gather [hbm4b:s4+s16], $0x80, s12, s16, $0xb8;
	[tilespmem:$0x1CC00] =	vst v63  }
0x1f7: {  	_ =	swait.ge [sflag:s20], $0x4000  }
0x1f8: {  	[sflag:s20] =	ssyncset.done $0x0  }
0x1f9: {  	s31 =	simm.s32 $0x980;
	[sflag:s20] =	ssyncadd.s32 $0xFFFFC000  }
0x1fa: {  	[spmem:s2] =	stream.indirect.scatter.add.f32 [tilespmem:s17], [sflag:$0x3], $0x80, s31, s16, $0xb8;
	[tilespmem:$0x1CC00] =	vst v63  }
0x1fb: {  	_ =	swait.ge [sflag:s14], $0x4000  }
0x1fc: {  	[sflag:s14] =	ssyncset.done $0x0  }
0x1fd: {  	s25 =	simm.s32 $0x280;
	[sflag:s14] =	ssyncadd.s32 $0xFFFFC000  }
0x1fe: {  	[tilespmem:s17], [sflag:$0x2] =	stream.indirect.gather [hbm4b:s4+s16], $0x80, s25, s16, $0xb8;
	[tilespmem:$0x1CC00] =	vst v63  }
0x1ff: {  	_ =	swait.ge [sflag:s18], $0x4000  }
0x200: {  	[sflag:s18] =	ssyncset.done $0x0  }
0x201: {  	s30 =	simm.s32 $0xA00;
	[sflag:s18] =	ssyncadd.s32 $0xFFFFC000  }
0x202: {  	[spmem:s2] =	stream.indirect.scatter.add.f32 [tilespmem:s13], [sflag:$0x3], $0x80, s30, s16, $0xb8;
	[tilespmem:$0x1CC00] =	vst v63  }
0x203: {  	_ =	swait.ge [sflag:s14], $0x4000  }
0x204: {  	[sflag:s14] =	ssyncset.done $0x0  }
0x205: {  	s25 =	simm.s32 $0x300;
	[sflag:s14] =	ssyncadd.s32 $0xFFFFC000  }
0x206: {  	[tilespmem:s13], [sflag:$0x1] =	stream.indirect.gather [hbm4b:s4+s16], $0x80, s25, s16, $0xb8;
	[tilespmem:$0x1CC00] =	vst v63  }
0x207: {  	_ =	swait.ge [sflag:s20], $0x4000  }
0x208: {  	[sflag:s20] =	ssyncset.done $0x0  }
0x209: {  	s30 =	simm.s32 $0xA80;
	[sflag:s20] =	ssyncadd.s32 $0xFFFFC000  }
0x20a: {  	[spmem:s2] =	stream.indirect.scatter.add.f32 [tilespmem:s17], [sflag:$0x3], $0x80, s30, s16, $0xb8;
	[tilespmem:$0x1CC00] =	vst v63  }
0x20b: {  	_ =	swait.ge [sflag:s14], $0x4000  }
0x20c: {  	[sflag:s14] =	ssyncset.done $0x0  }
0x20d: {  	s25 =	simm.s32 $0x380;
	[sflag:s14] =	ssyncadd.s32 $0xFFFFC000  }
0x20e: {  	[tilespmem:s17], [sflag:$0x2] =	stream.indirect.gather [hbm4b:s4+s16], $0x80, s25, s16, $0xb8;
	[tilespmem:$0x1CC00] =	vst v63  }
0x20f: {  	_ =	swait.ge [sflag:s18], $0x4000  }
0x210: {  	[sflag:s18] =	ssyncset.done $0x0  }
0x211: {  	s30 =	simm.s32 $0xB00;
	[sflag:s18] =	ssyncadd.s32 $0xFFFFC000  }
0x212: {  	[spmem:s2] =	stream.indirect.scatter.add.f32 [tilespmem:s13], [sflag:$0x3], $0x80, s30, s16, $0xb8;
	[tilespmem:$0x1CC00] =	vst v63  }
0x213: {  	_ =	swait.ge [sflag:s14], $0x4000  }
0x214: {  	[sflag:s14] =	ssyncset.done $0x0  }
0x215: {  	s25 =	simm.s32 $0x400;
	[sflag:s14] =	ssyncadd.s32 $0xFFFFC000  }
0x216: {  	[tilespmem:s13], [sflag:$0x1] =	stream.indirect.gather [hbm4b:s4+s16], $0x80, s25, s16, $0xb8;
	[tilespmem:$0x1CC00] =	vst v63  }
0x217: {  	_ =	swait.ge [sflag:s20], $0x4000  }
0x218: {  	[sflag:s20] =	ssyncset.done $0x0  }
0x219: {  	s30 =	simm.s32 $0xB80;
	[sflag:s20] =	ssyncadd.s32 $0xFFFFC000  }
0x21a: {  	[spmem:s2] =	stream.indirect.scatter.add.f32 [tilespmem:s17], [sflag:$0x3], $0x80, s30, s16, $0xb8;
	[tilespmem:$0x1CC00] =	vst v63  }
0x21b: {  	_ =	swait.ge [sflag:s14], $0x4000  }
0x21c: {  	[sflag:s14] =	ssyncset.done $0x0  }
0x21d: {  	s25 =	simm.s32 $0x480;
	[sflag:s14] =	ssyncadd.s32 $0xFFFFC000  }
0x21e: {  	[tilespmem:s17], [sflag:$0x2] =	stream.indirect.gather [hbm4b:s4+s16], $0x80, s25, s16, $0xb8;
	[tilespmem:$0x1CC00] =	vst v63  }
0x21f: {  	_ =	swait.ge [sflag:s18], $0x4000  }
0x220: {  	[sflag:s18] =	ssyncset.done $0x0  }
0x221: {  	s30 =	simm.s32 $0xC00;
	[sflag:s18] =	ssyncadd.s32 $0xFFFFC000  }
0x222: {  	[spmem:s2] =	stream.indirect.scatter.add.f32 [tilespmem:s13], [sflag:$0x3], $0x80, s30, s16, $0xb8;
	[tilespmem:$0x1CC00] =	vst v63  }
0x223: {  	_ =	swait.ge [sflag:s14], $0x4000  }
0x224: {  	[sflag:s14] =	ssyncset.done $0x0  }
0x225: {  	s26 =	simm.s32 $0x500;
	[sflag:s14] =	ssyncadd.s32 $0xFFFFC000  }
0x226: {  	[tilespmem:s13], [sflag:$0x1] =	stream.indirect.gather [hbm4b:s4+s16], $0x80, s26, s16, $0xb8;
	[tilespmem:$0x1CC00] =	vst v63  }
0x227: {  	_ =	swait.ge [sflag:s20], $0x4000  }
0x228: {  	[sflag:s20] =	ssyncset.done $0x0  }
0x229: {  	s5 =	simm.s32 $0xC80;
	[sflag:s20] =	ssyncadd.s32 $0xFFFFC000  }
0x22a: {  	[spmem:s2] =	stream.indirect.scatter.add.f32 [tilespmem:s17], [sflag:$0x3], $0x80, s5, s16, $0xb8;
	[tilespmem:$0x1CC00] =	vst v63  }
0x22b: {  	_ =	swait.ge [sflag:s14], $0x4000  }
0x22c: {  	[sflag:s14] =	ssyncset.done $0x0  }
0x22d: {  	s6 =	simm.s32 $0x580;
	[sflag:s14] =	ssyncadd.s32 $0xFFFFC000  }
0x22e: {  	[tilespmem:s17], [sflag:$0x2] =	stream.indirect.gather [hbm4b:s4+s16], $0x80, s6, s16, $0xb8;
	[tilespmem:$0x1CC00] =	vst v63  }
0x22f: {  	_ =	swait.ge [sflag:s18], $0x4000  }
0x230: {  	[sflag:s18] =	ssyncset.done $0x0  }
0x231: {  	s7 =	simm.s32 $0xD00;
	[sflag:s18] =	ssyncadd.s32 $0xFFFFC000  }
0x232: {  	[spmem:s2] =	stream.indirect.scatter.add.f32 [tilespmem:s13], [sflag:$0x3], $0x80, s7, s16, $0xb8;
	[tilespmem:$0x1CC00] =	vst v63  }
0x233: {  	_ =	swait.ge [sflag:s14], $0x4000  }
0x234: {  	[sflag:s14] =	ssyncset.done $0x0  }
0x235: {  	s9 =	simm.s32 $0x600;
	[sflag:s14] =	ssyncadd.s32 $0xFFFFC000  }
0x236: {  	[tilespmem:s13], [sflag:$0x1] =	stream.indirect.gather [hbm4b:s4+s16], $0x80, s9, s16, $0xb8;
	[tilespmem:$0x1CC00] =	vst v63  }
0x237: {  	_ =	swait.ge [sflag:s20], $0x4000  }
0x238: {  	[sflag:s20] =	ssyncset.done $0x0  }
0x239: {  	s29 =	simm.s32 $0xD80;
	[sflag:s20] =	ssyncadd.s32 $0xFFFFC000  }
0x23a: {  	[spmem:s2] =	stream.indirect.scatter.add.f32 [tilespmem:s17], [sflag:$0x3], $0x80, s29, s16, $0xb8;
	[tilespmem:$0x1CC00] =	vst v63  }
0x23b: {  	_ =	swait.ge [sflag:s14], $0x4000  }
0x23c: {  	[sflag:s14] =	ssyncset.done $0x0  }
0x23d: {  	s9 =	simm.s32 $0x680;
	[sflag:s14] =	ssyncadd.s32 $0xFFFFC000  }
0x23e: {  	[tilespmem:s17], [sflag:$0x2] =	stream.indirect.gather [hbm4b:s4+s16], $0x80, s9, s16, $0xb8;
	[tilespmem:$0x1CC00] =	vst v63  }
0x23f: {  	_ =	swait.ge [sflag:s18], $0x4000  }
0x240: {  	[sflag:s18] =	ssyncset.done $0x0  }
0x241: {  	s28 =	simm.s32 $0xE00;
	[sflag:s18] =	ssyncadd.s32 $0xFFFFC000  }
0x242: {  	[spmem:s2] =	stream.indirect.scatter.add.f32 [tilespmem:s13], [sflag:$0x3], $0x80, s28, s16, $0xb8;
	[tilespmem:$0x1CC00] =	vst v63  }
0x243: {  	_ =	swait.ge [sflag:s14], $0x4000  }
0x244: {  	[sflag:s14] =	ssyncset.done $0x0  }
0x245: {  	s19 =	simm.s32 $0x700;
	[sflag:s14] =	ssyncadd.s32 $0xFFFFC000  }
0x246: {  	[tilespmem:s13], [sflag:$0x1] =	stream.indirect.gather [hbm4b:s4+s16], $0x80, s19, s16, $0xb8;
	[tilespmem:$0x1CC00] =	vst v63  }
0x247: {  	_ =	swait.ge [sflag:s20], $0x4000  }
0x248: {  	[sflag:s20] =	ssyncset.done $0x0  }
0x249: {  	s21 =	simm.s32 $0xE80;
	[sflag:s20] =	ssyncadd.s32 $0xFFFFC000  }
0x24a: {  	[spmem:s2] =	stream.indirect.scatter.add.f32 [tilespmem:s17], [sflag:$0x3], $0x80, s21, s16, $0xb8;
	[tilespmem:$0x1CC00] =	vst v63  }
0x24b: {  	_ =	swait.ge [sflag:s14], $0x4000  }
0x24c: {  	[sflag:s14] =	ssyncset.done $0x0  }
0x24d: {  	s22 =	simm.s32 $0x780;
	[sflag:s14] =	ssyncadd.s32 $0xFFFFC000  }
0x24e: {  	[tilespmem:s17], [sflag:$0x2] =	stream.indirect.gather [hbm4b:s4+s16], $0x80, s22, s16, $0xb8;
	[tilespmem:$0x1CC00] =	vst v63  }
0x24f: {  	_ =	swait.ge [sflag:s18], $0x4000  }
0x250: {  	[sflag:s18] =	ssyncset.done $0x0  }
0x251: {  	s23 =	simm.s32 $0xF00;
	[sflag:s18] =	ssyncadd.s32 $0xFFFFC000  }
0x252: {  	[spmem:s2] =	stream.indirect.scatter.add.f32 [tilespmem:s13], [sflag:$0x3], $0x80, s23, s16, $0xb8;
	[tilespmem:$0x1CC00] =	vst v63  }
0x253: {  	_ =	swait.ge [sflag:s14], $0x4000  }
0x254: {  	[sflag:s14] =	ssyncset.done $0x0  }
0x255: {  	[sflag:s14] =	ssyncadd.s32 $0xFFFFC000  }
0x256: {  	_ =	swait.ge [sflag:s20], $0x4000  }
0x257: {  	[sflag:s20] =	ssyncset.done $0x0  }
0x258: {  	s23 =	simm.s32 $0xF80;
	[sflag:s20] =	ssyncadd.s32 $0xFFFFC000  }
0x259: {  	[spmem:s2] =	stream.indirect.scatter.add.f32 [tilespmem:s17], [sflag:$0x3], $0x80, s23, s16, $0xb8;
	[tilespmem:$0x1CC00] =	vst v63  }
0x25a: {  	_ =	swait.ge [sflag:s14], $0x4000  }
0x25b: {  	[sflag:s14] =	ssyncset.done $0x0  }
0x25c: {  	s8 =	sadd.s32 $0x400, s8;
	[sflag:s14] =	ssyncadd.s32 $0xFFFFC000  }
0x25d: {  	[tilespmem:s10], [sflag:$0x3] =	stream.linear.gather [hbm4b:s8+s10], $0x800, $0x38;
	[tilespmem:$0x1CC00] =	vst v63  }
0x25e: {  	_ =	swait.ge [sflag:s14], $0x800  }
0x25f: {  	[sflag:s14] =	ssyncset.done $0x0  }
0x260: {  	s8 =	sadd.s32 $0x400, s15;
	[sflag:s14] =	ssyncadd.s32 $0xFFFFF800  }
0x261: {  	[tilespmem:s3], [sflag:$0x3] =	stream.linear.gather [hbm4b:s8+s10], $0x800, $0x38;
	[tilespmem:$0x1CC00] =	vst v63  }
0x262: {  	_ =	swait.ge [sflag:s14], $0x800  }
0x263: {  	[sflag:s14] =	ssyncset.done $0x0  }
0x264: {  	[sflag:s14] =	ssyncadd.s32 $0xFFFFF800  }
0x265: {  	[tilespmem:s13], [sflag:$0x1] =	stream.indirect.gather [hbm4b:s4+s16], $0x80, s10, s16, $0xb8;
	[tilespmem:$0x1CC00] =	vst v63  }
0x266: {  	_ = 	snop  }
0x267: {  	[tilespmem:s17], [sflag:$0x2] =	stream.indirect.gather [hbm4b:s4+s16], $0x80, s16, s16, $0xb8;
	[tilespmem:$0x1CC00] =	vst v63  }
0x268: {  	_ =	swait.ge [sflag:s18], $0x4000  }
0x269: {  	[sflag:s18] =	ssyncset.done $0x0  }
0x26a: {  	[sflag:s18] =	ssyncadd.s32 $0xFFFFC000  }
0x26b: {  	[spmem:s2] =	stream.indirect.scatter.add.f32 [tilespmem:s13], [sflag:$0x3], $0x80, s3, s16, $0xb8;
	[tilespmem:$0x1CC00] =	vst v63  }
0x26c: {  	_ =	swait.ge [sflag:s14], $0x4000  }
0x26d: {  	[sflag:s14] =	ssyncset.done $0x0  }
0x26e: {  	s15 =	simm.s32 $0x100;
	[sflag:s14] =	ssyncadd.s32 $0xFFFFC000  }
0x26f: {  	[tilespmem:s13], [sflag:$0x1] =	stream.indirect.gather [hbm4b:s4+s16], $0x80, s15, s16, $0xb8;
	[tilespmem:$0x1CC00] =	vst v63  }
0x270: {  	_ =	swait.ge [sflag:s20], $0x4000  }
0x271: {  	[sflag:s20] =	ssyncset.done $0x0  }
0x272: {  	s24 =	simm.s32 $0x880;
	[sflag:s20] =	ssyncadd.s32 $0xFFFFC000  }
0x273: {  	[spmem:s2] =	stream.indirect.scatter.add.f32 [tilespmem:s17], [sflag:$0x3], $0x80, s24, s16, $0xb8;
	[tilespmem:$0x1CC00] =	vst v63  }
0x274: {  	_ =	swait.ge [sflag:s14], $0x4000  }
0x275: {  	[sflag:s14] =	ssyncset.done $0x0  }
0x276: {  	s11 =	simm.s32 $0x180;
	[sflag:s14] =	ssyncadd.s32 $0xFFFFC000  }
0x277: {  	[tilespmem:s17], [sflag:$0x2] =	stream.indirect.gather [hbm4b:s4+s16], $0x80, s11, s16, $0xb8;
	[tilespmem:$0x1CC00] =	vst v63  }
0x278: {  	_ =	swait.ge [sflag:s18], $0x4000  }
0x279: {  	[sflag:s18] =	ssyncset.done $0x0  }
0x27a: {  	s8 =	simm.s32 $0x900;
	[sflag:s18] =	ssyncadd.s32 $0xFFFFC000  }
0x27b: {  	[spmem:s2] =	stream.indirect.scatter.add.f32 [tilespmem:s13], [sflag:$0x3], $0x80, s8, s16, $0xb8;
	[tilespmem:$0x1CC00] =	vst v63  }
0x27c: {  	_ =	swait.ge [sflag:s14], $0x4000  }
0x27d: {  	[sflag:s14] =	ssyncset.done $0x0  }
0x27e: {  	s11 =	simm.s32 $0x200;
	[sflag:s14] =	ssyncadd.s32 $0xFFFFC000  }
0x27f: {  	[tilespmem:s13], [sflag:$0x1] =	stream.indirect.gather [hbm4b:s4+s16], $0x80, s11, s16, $0xb8;
	[tilespmem:$0x1CC00] =	vst v63  }
0x280: {  	_ =	swait.ge [sflag:s20], $0x4000  }
0x281: {  	[sflag:s20] =	ssyncset.done $0x0  }
0x282: {  	s12 =	simm.s32 $0x980;
	[sflag:s20] =	ssyncadd.s32 $0xFFFFC000  }
0x283: {  	[spmem:s2] =	stream.indirect.scatter.add.f32 [tilespmem:s17], [sflag:$0x3], $0x80, s12, s16, $0xb8;
	[tilespmem:$0x1CC00] =	vst v63  }
0x284: {  	_ =	swait.ge [sflag:s14], $0x4000  }
0x285: {  	[sflag:s14] =	ssyncset.done $0x0  }
0x286: {  	s31 =	simm.s32 $0x280;
	[sflag:s14] =	ssyncadd.s32 $0xFFFFC000  }
0x287: {  	[tilespmem:s17], [sflag:$0x2] =	stream.indirect.gather [hbm4b:s4+s16], $0x80, s31, s16, $0xb8;
	[tilespmem:$0x1CC00] =	vst v63  }
0x288: {  	_ =	swait.ge [sflag:s18], $0x4000  }
0x289: {  	[sflag:s18] =	ssyncset.done $0x0  }
0x28a: {  	s12 =	simm.s32 $0xA00;
	[sflag:s18] =	ssyncadd.s32 $0xFFFFC000  }
0x28b: {  	[spmem:s2] =	stream.indirect.scatter.add.f32 [tilespmem:s13], [sflag:$0x3], $0x80, s12, s16, $0xb8;
	[tilespmem:$0x1CC00] =	vst v63  }
0x28c: {  	_ =	swait.ge [sflag:s14], $0x4000  }
0x28d: {  	[sflag:s14] =	ssyncset.done $0x0  }
0x28e: {  	s15 =	simm.s32 $0x300;
	[sflag:s14] =	ssyncadd.s32 $0xFFFFC000  }
0x28f: {  	[tilespmem:s13], [sflag:$0x1] =	stream.indirect.gather [hbm4b:s4+s16], $0x80, s15, s16, $0xb8;
	[tilespmem:$0x1CC00] =	vst v63  }
0x290: {  	_ =	swait.ge [sflag:s20], $0x4000  }
0x291: {  	[sflag:s20] =	ssyncset.done $0x0  }
0x292: {  	s24 =	simm.s32 $0xA80;
	[sflag:s20] =	ssyncadd.s32 $0xFFFFC000  }
0x293: {  	[spmem:s2] =	stream.indirect.scatter.add.f32 [tilespmem:s17], [sflag:$0x3], $0x80, s24, s16, $0xb8;
	[tilespmem:$0x1CC00] =	vst v63  }
0x294: {  	_ =	swait.ge [sflag:s14], $0x4000  }
0x295: {  	[sflag:s14] =	ssyncset.done $0x0  }
0x296: {  	s31 =	simm.s32 $0x380;
	[sflag:s14] =	ssyncadd.s32 $0xFFFFC000  }
0x297: {  	[tilespmem:s17], [sflag:$0x2] =	stream.indirect.gather [hbm4b:s4+s16], $0x80, s31, s16, $0xb8;
	[tilespmem:$0x1CC00] =	vst v63  }
0x298: {  	_ =	swait.ge [sflag:s18], $0x4000  }
0x299: {  	[sflag:s18] =	ssyncset.done $0x0  }
0x29a: {  	s8 =	simm.s32 $0xB00;
	[sflag:s18] =	ssyncadd.s32 $0xFFFFC000  }
0x29b: {  	[spmem:s2] =	stream.indirect.scatter.add.f32 [tilespmem:s13], [sflag:$0x3], $0x80, s8, s16, $0xb8;
	[tilespmem:$0x1CC00] =	vst v63  }
0x29c: {  	_ =	swait.ge [sflag:s14], $0x4000  }
0x29d: {  	[sflag:s14] =	ssyncset.done $0x0  }
0x29e: {  	s11 =	simm.s32 $0x400;
	[sflag:s14] =	ssyncadd.s32 $0xFFFFC000  }
0x29f: {  	[tilespmem:s13], [sflag:$0x1] =	stream.indirect.gather [hbm4b:s4+s16], $0x80, s11, s16, $0xb8;
	[tilespmem:$0x1CC00] =	vst v63  }
0x2a0: {  	_ =	swait.ge [sflag:s20], $0x4000  }
0x2a1: {  	[sflag:s20] =	ssyncset.done $0x0  }
0x2a2: {  	s12 =	simm.s32 $0xB80;
	[sflag:s20] =	ssyncadd.s32 $0xFFFFC000  }
0x2a3: {  	[spmem:s2] =	stream.indirect.scatter.add.f32 [tilespmem:s17], [sflag:$0x3], $0x80, s12, s16, $0xb8;
	[tilespmem:$0x1CC00] =	vst v63  }
0x2a4: {  	_ =	swait.ge [sflag:s14], $0x4000  }
0x2a5: {  	[sflag:s14] =	ssyncset.done $0x0  }
0x2a6: {  	s15 =	simm.s32 $0x480;
	[sflag:s14] =	ssyncadd.s32 $0xFFFFC000  }
0x2a7: {  	[tilespmem:s17], [sflag:$0x2] =	stream.indirect.gather [hbm4b:s4+s16], $0x80, s15, s16, $0xb8;
	[tilespmem:$0x1CC00] =	vst v63  }
0x2a8: {  	_ =	swait.ge [sflag:s18], $0x4000  }
0x2a9: {  	[sflag:s18] =	ssyncset.done $0x0  }
0x2aa: {  	s24 =	simm.s32 $0xC00;
	[sflag:s18] =	ssyncadd.s32 $0xFFFFC000  }
0x2ab: {  	[spmem:s2] =	stream.indirect.scatter.add.f32 [tilespmem:s13], [sflag:$0x3], $0x80, s24, s16, $0xb8;
	[tilespmem:$0x1CC00] =	vst v63  }
0x2ac: {  	_ =	swait.ge [sflag:s14], $0x4000  }
0x2ad: {  	[sflag:s14] =	ssyncset.done $0x0  }
0x2ae: {  	s30 =	simm.s32 $0x500;
	[sflag:s14] =	ssyncadd.s32 $0xFFFFC000  }
0x2af: {  	[tilespmem:s13], [sflag:$0x1] =	stream.indirect.gather [hbm4b:s4+s16], $0x80, s30, s16, $0xb8;
	[tilespmem:$0x1CC00] =	vst v63  }
0x2b0: {  	_ =	swait.ge [sflag:s20], $0x4000  }
0x2b1: {  	[sflag:s20] =	ssyncset.done $0x0  }
0x2b2: {  	s25 =	simm.s32 $0xC80;
	[sflag:s20] =	ssyncadd.s32 $0xFFFFC000  }
0x2b3: {  	[spmem:s2] =	stream.indirect.scatter.add.f32 [tilespmem:s17], [sflag:$0x3], $0x80, s25, s16, $0xb8;
	[tilespmem:$0x1CC00] =	vst v63  }
0x2b4: {  	_ =	swait.ge [sflag:s14], $0x4000  }
0x2b5: {  	[sflag:s14] =	ssyncset.done $0x0  }
0x2b6: {  	s5 =	simm.s32 $0x580;
	[sflag:s14] =	ssyncadd.s32 $0xFFFFC000  }
0x2b7: {  	[tilespmem:s17], [sflag:$0x2] =	stream.indirect.gather [hbm4b:s4+s16], $0x80, s5, s16, $0xb8;
	[tilespmem:$0x1CC00] =	vst v63  }
0x2b8: {  	_ =	swait.ge [sflag:s18], $0x4000  }
0x2b9: {  	[sflag:s18] =	ssyncset.done $0x0  }
0x2ba: {  	s6 =	simm.s32 $0xD00;
	[sflag:s18] =	ssyncadd.s32 $0xFFFFC000  }
0x2bb: {  	[spmem:s2] =	stream.indirect.scatter.add.f32 [tilespmem:s13], [sflag:$0x3], $0x80, s6, s16, $0xb8;
	[tilespmem:$0x1CC00] =	vst v63  }
0x2bc: {  	_ =	swait.ge [sflag:s14], $0x4000  }
0x2bd: {  	[sflag:s14] =	ssyncset.done $0x0  }
0x2be: {  	s7 =	simm.s32 $0x600;
	[sflag:s14] =	ssyncadd.s32 $0xFFFFC000  }
0x2bf: {  	[tilespmem:s13], [sflag:$0x1] =	stream.indirect.gather [hbm4b:s4+s16], $0x80, s7, s16, $0xb8;
	[tilespmem:$0x1CC00] =	vst v63  }
0x2c0: {  	_ =	swait.ge [sflag:s20], $0x4000  }
0x2c1: {  	[sflag:s20] =	ssyncset.done $0x0  }
0x2c2: {  	s26 =	simm.s32 $0xD80;
	[sflag:s20] =	ssyncadd.s32 $0xFFFFC000  }
0x2c3: {  	[spmem:s2] =	stream.indirect.scatter.add.f32 [tilespmem:s17], [sflag:$0x3], $0x80, s26, s16, $0xb8;
	[tilespmem:$0x1CC00] =	vst v63  }
0x2c4: {  	_ =	swait.ge [sflag:s14], $0x4000  }
0x2c5: {  	[sflag:s14] =	ssyncset.done $0x0  }
0x2c6: {  	s29 =	simm.s32 $0x680;
	[sflag:s14] =	ssyncadd.s32 $0xFFFFC000  }
0x2c7: {  	[tilespmem:s17], [sflag:$0x2] =	stream.indirect.gather [hbm4b:s4+s16], $0x80, s29, s16, $0xb8;
	[tilespmem:$0x1CC00] =	vst v63  }
0x2c8: {  	_ =	swait.ge [sflag:s18], $0x4000  }
0x2c9: {  	[sflag:s18] =	ssyncset.done $0x0  }
0x2ca: {  	s9 =	simm.s32 $0xE00;
	[sflag:s18] =	ssyncadd.s32 $0xFFFFC000  }
0x2cb: {  	[spmem:s2] =	stream.indirect.scatter.add.f32 [tilespmem:s13], [sflag:$0x3], $0x80, s9, s16, $0xb8;
	[tilespmem:$0x1CC00] =	vst v63  }
0x2cc: {  	_ =	swait.ge [sflag:s14], $0x4000  }
0x2cd: {  	[sflag:s14] =	ssyncset.done $0x0  }
0x2ce: {  	s28 =	simm.s32 $0x700;
	[sflag:s14] =	ssyncadd.s32 $0xFFFFC000  }
0x2cf: {  	[tilespmem:s13], [sflag:$0x1] =	stream.indirect.gather [hbm4b:s4+s16], $0x80, s28, s16, $0xb8;
	[tilespmem:$0x1CC00] =	vst v63  }
0x2d0: {  	_ =	swait.ge [sflag:s20], $0x4000  }
0x2d1: {  	[sflag:s20] =	ssyncset.done $0x0  }
0x2d2: {  	s19 =	simm.s32 $0xE80;
	[sflag:s20] =	ssyncadd.s32 $0xFFFFC000  }
0x2d3: {  	[spmem:s2] =	stream.indirect.scatter.add.f32 [tilespmem:s17], [sflag:$0x3], $0x80, s19, s16, $0xb8;
	[tilespmem:$0x1CC00] =	vst v63  }
0x2d4: {  	_ =	swait.ge [sflag:s14], $0x4000  }
0x2d5: {  	[sflag:s14] =	ssyncset.done $0x0  }
0x2d6: {  	s21 =	simm.s32 $0x780;
	[sflag:s14] =	ssyncadd.s32 $0xFFFFC000  }
0x2d7: {  	[tilespmem:s17], [sflag:$0x2] =	stream.indirect.gather [hbm4b:s4+s16], $0x80, s21, s16, $0xb8;
	[tilespmem:$0x1CC00] =	vst v63  }
0x2d8: {  	_ =	swait.ge [sflag:s18], $0x4000  }
0x2d9: {  	[sflag:s18] =	ssyncset.done $0x0  }
0x2da: {  	s22 =	simm.s32 $0xF00;
	[sflag:s18] =	ssyncadd.s32 $0xFFFFC000  }
0x2db: {  	[spmem:s2] =	stream.indirect.scatter.add.f32 [tilespmem:s13], [sflag:$0x3], $0x80, s22, s16, $0xb8;
	[tilespmem:$0x1CC00] =	vst v63  }
0x2dc: {  	_ =	swait.ge [sflag:s14], $0x4000  }
0x2dd: {  	[sflag:s14] =	ssyncset.done $0x0  }
0x2de: {  	[sflag:s14] =	ssyncadd.s32 $0xFFFFC000  }
0x2df: {  	_ =	swait.ge [sflag:s20], $0x4000  }
0x2e0: {  	[sflag:s20] =	ssyncset.done $0x0  }
0x2e1: {  	s23 =	simm.s32 $0xF80;
	[sflag:s20] =	ssyncadd.s32 $0xFFFFC000  }
0x2e2: {  	[spmem:s2] =	stream.indirect.scatter.add.f32 [tilespmem:s17], [sflag:$0x3], $0x80, s23, s16, $0xb8;
	[tilespmem:$0x1CC00] =	vst v63  }
0x2e3: {  	_ =	swait.ge [sflag:s14], $0x4000  }
0x2e4: {  	[sflag:s14] =	ssyncset.done $0x0  }
0x2e5: {  	[sflag:s14] =	ssyncadd.s32 $0xFFFFC000  }
0x2e6: {  	s26 =	stileid.u32;
	[bflag:$0x0] =	sbarrier.arrive $0xFFFF  }
0x2e7: {  	s0 =	sshll.u32 s26, $0x6;
	s28 =	rddreg [dreg:$0x3]  }
0x2e8: {  	s0 =	sor.u32 $0x1C03, s0;
	s30 =	rddreg [dreg:$0x9];
	s29 =	sshrl.u32 s28, $0x3  }
0x2e9: {  	[hbm:s30], [sflag:s0] =	dma.local [spmem:s29], $0x2780  }
0x2ea: {  	_ =	swait.ge [sflag:s14], $0x2780  }
0x2eb: {  	s1 =	sadd.s32 $0x1, s1;
	s31 =	rddreg [dreg:$0x5]  }
0x2ec: {  	p0 =	sne.s32 s1, s31  }
.Ltmp1:
0x2ed: {  	_ = 	snop;
	(pc) =	sbr.rel @p0 .LBB2_1-.Ltmp1, $3  }
0x2ee: {  	_ =	sdelay $0x1  }
0x2ef: {  	[sflag:s14] =	ssyncset.done $0x0  }
0x2f0: {  	[sflag:s14] =	ssyncadd.s32 $0xFFFFD880  }
0x2f1: {  	_ =	sfence.sel $0x180000  }
0x2f2: {  	[bflag:$0x0] =	sbarrier.arrive $0xFFFF  }
0x2f3: {  	_ =	strace $0x90000047  }
0x2f4: {  	s0 =	stileid.u32;
	[bflag:$0x2] =	sbarrier.arrive $0xFFFF  }
0x2f5: {  	p0 =	sne.s32 s0, $0x0;
	s0 =	rddreg [dreg:$0x2]  }
0x2f6: {  	s0 =	sadd.s32 @!p0 $0x100000, s0  }
0x2f7: {  	[sflag:s0] =	ssyncadd.tile.s32 @!p0 $0x1;
	_ =	shalt  }
.Lfunc_end2:
_tile_overlayer_lowered:
.L_overlay_start_2:
0x2f8: {  	(tag) =	ssettag $0x2  }
0x2f9: {  	s0 =	rddreg [dreg:$0x0];
	s2 =	stileid.u32  }
0x2fa: {  	s1 =	rddreg [dreg:$0x1];
	p0 =	sne.s32 s2, $0x0  }
0x2fb: {  	s3 =	rddreg [dreg:$0x2];
	[bflag:$0x3] =	sbarrier.arrive $0xFFFF;
	s2 =	simm.s32 @!p0 $0x1C03  }
0x2fc: {  	[timem:s3], [sflag:s2] =	dma.local @!p0 [hbm:s0], s1  }
0x2fd: {  	s0 =	simm.s32 @!p0 $0x3  }
0x2fe: {  	_ =	swait.ge @!p0 [sflag:s0], s1  }
0x2ff: {  	s1 =	ssub.s32 @!p0 $0x0, s1;
	[sflag:s0] =	ssyncset.done @!p0 $0x0  }
0x300: {  	[sflag:s0] =	ssyncadd.s32 @!p0 s1  }
0x301: {  	[bflag:$0x3] =	sbarrier.arrive $0xFFFF  }
0x302: {  	_ =	shalt  }

// kernel: kernel.15.cloned.1.call-start
scs
__scs_entry_jumppad:
0x0: {  	(pc) =	sbr.rel $0x88, $3  }
0x1: {  	(tag) =	ssettag $0x0;
	lr =	simm.s32 $0x1  }
0x2: {  	[smem:$0x3F97] =	sst lr;
	_ =	strace $0xD0000000  }
0x3: {  	_ = 	snop  }
0x4: {  	_ = 	snop  }
0x5: {  	_ = 	snop  }
0x6: {  	_ = 	snop  }
0x7: {  	_ = 	snop  }
__scs_overlays_trampoline_lowered:
0x8: {  	[smem:$0x3FA6] =	sst s0  }
0x9: {  	[smem:$0x3FA7] =	sst s1  }
0xa: {  	[smem:$0x3FA8] =	sst s2  }
0xb: {  	[smem:$0x3FA9] =	sst s3  }
0xc: {  	[smem:$0x3FAA] =	sst s4  }
0xd: {  	[smem:$0x3FAB] =	sst s5  }
0xe: {  	[smem:$0x3FAC] =	sst s6  }
0xf: {  	[smem:$0x3FAD] =	sst s7  }
0x10: {  	[smem:$0x3FAE] =	sst s8  }
0x11: {  	[smem:$0x3FAF] =	sst s9;
	s0 =	simm.s32 @!p0 $0x0  }
0x12: {  	s1 =	sld [smem:$0x3F95];
	s0 =	simm.s32 @p0 $0x1  }
0x13: {  	[smem:$0x3FB0] =	sst s0;
	s0 =	simm.s32 @!p1 $0x0  }
0x14: {  	s2 =	sld [smem:$0x3F94];
	s0 =	simm.s32 @p1 $0x1  }
0x15: {  	[smem:$0x3FB1] =	sst s0;
	s0 =	simm.s32 @!p2 $0x0  }
0x16: {  	s3 =	sld [smem:$0x3FDB];
	s0 =	simm.s32 @p2 $0x1  }
0x17: {  	s4 =	simm.s32 $0x1BF5;
	[smem:$0x3FB3] =	sst s0  }
0x18: {  	s0 =	sld [smem:$0x3F96];
	_ =	swait.ge [sflag:s4], $0x0  }
0x19: {  	s7 =	sld [smem:$0x3F97]  }
0x1a: {  	s8 =	sadd.s32 $0xFFFFE003, lr  }
0x1b: {  	s9 =	sadd.s32 $0xFFFFFEF7, lr;
	s5 =	simm.s32 $0xFFFFFFFF;
	p2 =	slt.u32 s8, $0xFFFFF086  }
0x1c: {  	p1 =	slt.u32 s9, $0xF7A;
	s5 =	simm.s32 @!p2 $0x0  }
0x1d: {  	s5 =	simm.s32 @p1 $0x1;
	p0 =	seq.s32 s7, s2  }
0x1e: {  	s7 =	smul.u32 @!p0 $0xF7A, s2;
	p2 =	seq.s32 @!p0 s5, $0x0  }
0x1f: {  	s9 =	smul.u32 $0xF7A, s1;
	s8 =	simm.s32 @!p0 $0x1BF5;
	p2 =	por !p2, p0  }
0x20: {  	[sflag:s8] =	ssyncset.s32 @!p0 $0xFFFFF086;
	s6 =	sadd.s32 @!p0 s3, s7;
	s7 =	simm.s32 @!p0 $0x108  }
0x21: {  	s3 =	sadd.s32 s3, s9;
	s6 =	sadd.s32 @!p0 $0x88, s6;
	s7 =	simm.s32 @p2 $0x1082  }
0x22: {  	[simem:s7], [sflag:s8] =	dma.local @!p0 [hbm:s6], $0xF7A  }
0x23: {  	s9 =	sor.u32 $0xD0000000, s2;
	s6 =	simm.s32 $0x108;
	_ =	swait.ge @!p0 [sflag:s8], $0x0  }
0x24: {  	s3 =	sadd.s32 $0x88, s3;
	s6 =	simm.s32 @!p1 $0x1082;
	[sflag:s4] =	ssyncset.s32 $0xFFFFF086  }
0x25: {  	[simem:s6], [sflag:s4] =	dma.local [hbm:s3], $0xF7A  }
0x26: {  	[smem:$0x3F97] =	sst s1;
	(tag) =	ssettag s2;
	_ =	strace s9  }
0x27: {  	s1 =	sld [smem:$0x3FA7]  }
0x28: {  	s2 =	sld [smem:$0x3FA8]  }
0x29: {  	s4 =	sld [smem:$0x3FAA]  }
0x2a: {  	p0 =	seq.s32 s5, $0x0;
	s5 =	sld [smem:$0x3FAB]  }
0x2b: {  	s6 =	sld [smem:$0x3FAC]  }
0x2c: {  	s7 =	sld [smem:$0x3FAD]  }
0x2d: {  	s3 =	simm.s32 $0x108;
	s8 =	sld [smem:$0x3FAE]  }
0x2e: {  	s3 =	simm.s32 @!p0 $0x1082;
	s9 =	sld [smem:$0x3FAF]  }
0x2f: {  	lr =	sadd.s32 s0, s3;
	s0 =	sld [smem:$0x3FA6]  }
0x30: {  	s3 =	sld [smem:$0x3FA9]  }
0x31: {  	[smem:$0x3FB2] =	sst s10  }
0x32: {  	s10 =	sld [smem:$0x3FB0];
	_ =	sdelay $0x3  }
0x33: {  	p0 =	seq.s32 s10, $0x1;
	s10 =	sld [smem:$0x3FB2];
	_ =	sdelay $0x3  }
0x34: {  	[smem:$0x3FB2] =	sst s10  }
0x35: {  	s10 =	sld [smem:$0x3FB1];
	_ =	sdelay $0x3  }
0x36: {  	p1 =	seq.s32 s10, $0x1;
	s10 =	sld [smem:$0x3FB2];
	_ =	sdelay $0x3  }
0x37: {  	[smem:$0x3FB2] =	sst s10  }
0x38: {  	s10 =	sld [smem:$0x3FB3]  }
0x39: {  	_ = 	snop;
	(pc) =	sbr.ind lr, $3  }
0x3a: {  	_ = 	snop  }
0x3b: {  	_ = 	snop  }
0x3c: {  	p2 =	seq.s32 s10, $0x1;
	s10 =	sld [smem:$0x3FB2]  }
0x3d: {  	_ =	shalt  }
0x3e: {  	_ =	shalt  }
0x3f: {  	_ =	shalt  }
0x40: {  	_ =	shalt  }
0x41: {  	_ =	shalt  }
0x42: {  	_ =	shalt  }
0x43: {  	_ =	shalt  }
0x44: {  	_ =	shalt  }
0x45: {  	_ =	shalt  }
0x46: {  	_ =	shalt  }
0x47: {  	_ =	shalt  }
0x48: {  	_ =	shalt  }
0x49: {  	_ =	shalt  }
0x4a: {  	_ =	shalt  }
0x4b: {  	_ =	shalt  }
0x4c: {  	_ =	shalt  }
0x4d: {  	_ =	shalt  }
0x4e: {  	_ =	shalt  }
0x4f: {  	_ =	shalt  }
0x50: {  	_ =	shalt  }
0x51: {  	_ =	shalt  }
0x52: {  	_ =	shalt  }
0x53: {  	_ =	shalt  }
0x54: {  	_ =	shalt  }
0x55: {  	_ =	shalt  }
0x56: {  	_ =	shalt  }
0x57: {  	_ =	shalt  }
0x58: {  	_ =	shalt  }
0x59: {  	_ =	shalt  }
0x5a: {  	_ =	shalt  }
0x5b: {  	_ =	shalt  }
0x5c: {  	_ =	shalt  }
0x5d: {  	_ =	shalt  }
0x5e: {  	_ =	shalt  }
0x5f: {  	_ =	shalt  }
0x60: {  	_ =	shalt  }
0x61: {  	_ =	shalt  }
0x62: {  	_ =	shalt  }
0x63: {  	_ =	shalt  }
0x64: {  	_ =	shalt  }
0x65: {  	_ =	shalt  }
0x66: {  	_ =	shalt  }
0x67: {  	_ =	shalt  }
0x68: {  	_ =	shalt  }
0x69: {  	_ =	shalt  }
0x6a: {  	_ =	shalt  }
0x6b: {  	_ =	shalt  }
0x6c: {  	_ =	shalt  }
0x6d: {  	_ =	shalt  }
0x6e: {  	_ =	shalt  }
0x6f: {  	_ =	shalt  }
0x70: {  	_ =	shalt  }
0x71: {  	_ =	shalt  }
0x72: {  	_ =	shalt  }
0x73: {  	_ =	shalt  }
0x74: {  	_ =	shalt  }
0x75: {  	_ =	shalt  }
0x76: {  	_ =	shalt  }
0x77: {  	_ =	shalt  }
0x78: {  	_ =	shalt  }
0x79: {  	_ =	shalt  }
0x7a: {  	_ =	shalt  }
0x7b: {  	_ =	shalt  }
0x7c: {  	_ =	shalt  }
0x7d: {  	_ =	shalt  }
0x7e: {  	_ =	shalt  }
0x7f: {  	_ =	shalt  }
0x80: {  	_ =	shalt  }
0x81: {  	_ =	shalt  }
0x82: {  	_ =	shalt  }
0x83: {  	_ =	shalt  }
0x84: {  	_ =	shalt  }
0x85: {  	_ =	shalt  }
0x86: {  	_ =	shalt  }
0x87: {  	_ =	shalt  }
.Lfunc_end0:
.L_simem_size_0:
called_computation.2_lowered:
.L_overlay_start_0:
0x88: {  	s2 =	sld [smem:$0x3FD9]  }
0x89: {  	s3 =	sld [smem:$0x3FFE];
	_ =	sdelay $0x1  }
0x8a: {  	s1 =	srdreg.scid  }
0x8b: {  	s0 =	sand.u32 $0x1, s1  }
0x8c: {  	s16 =	sshll.u32 s0, $0xA;
	s2 =	sadd.s32 s3, s2  }
0x8d: {  	s2 =	sadd.s32 s2, s16  }
0x8e: {  	[smem:$0x3FBE] =	sst s2  }
0x8f: {  	_ = 	snop  }
0x90: {  	(tm) =	ssettm $0x1  }
0x91: {  	s17 =	sld [smem:$0x3FFB];
	_ =	sdelay $0x3  }
0x92: {  	_ =	strace s17  }
0x93: {  	s2 =	sld [smem:$0x3FFC];
	_ =	sdelay $0x3  }
0x94: {  	_ =	strace s2  }
0x95: {  	s2 =	sld [smem:$0x3FFD];
	_ =	sdelay $0x3  }
0x96: {  	_ =	strace s2  }
0x97: {  	_ =	strace $0x8FFFFFFF  }
0x98: {  	s18 =	sld [smem:$0x3FDB];
	_ =	sdelay $0x1  }
0x99: {  	s19 =	simm.s32 $_scs_section_size  }
0x9a: {  	s4 =	simm.s32 $_size__tile_overlayer_lowered;
	s5 =	simm.s32 $_tile_overlayer_lowered  }
0x9b: {  	s22 =	simm.s32 $0x1BFF;
	s21 =	sshll.u32 s5, $0x1;
	s2 =	sadd.s32 s19, s18  }
0x9c: {  	s6 =	simm.s32 $0x0;
	s20 =	sshll.u32 s4, $0x1;
	s4 =	sadd.s32 s21, s2  }
0x9d: {  	[timem:s6], [sflag:s22] =	dma.local [hbm:s4], s20  }
0x9e: {  	_ =	swait.ge [sflag:s22], s20  }
0x9f: {  	s3 =	ssub.s32 $0x0, s20;
	[sflag:s22] =	ssyncset.done $0x0  }
0xa0: {  	[sflag:s22] =	ssyncadd.s32 s3;
	_ =	sdelay $0x1  }
0xa1: {  	s23 =	simm.s32 $0x1B8B  }
0xa2: {  	_ =	swait.ge [sflag:s23], $0x1  }
0xa3: {  	[sflag:s23] =	ssyncset.done $0x0  }
0xa4: {  	s25 =	simm.s32 $0x1B8E;
	s24 =	sld [smem:$0x3FFE];
	[sflag:s23] =	ssyncadd.s32 $0xFFFFFFFF  }
0xa5: {  	s26 =	simm.s32 $execute0_lowered;
	[smem:$0x3FD2] =	sst s25  }
0xa6: {  	s4 =	sshll.u32 s26, $0x1;
	_ =	strace $0x8000004C;
	[dreg:$0x1] =	wrdreg $0xFFFFFFFF  }
0xa7: {  	s28 =	simm.s32 $_size_execute0_lowered;
	s2 =	sadd.s32 s2, s4;
	[dreg:$0x0] =	wrdreg $0x0  }
0xa8: {  	s4 =	sshll.u32 s28, $0x1;
	[dreg:$0x2] =	wrdreg s2  }
0xa9: {  	[dreg:$0x3] =	wrdreg s4  }
0xaa: {  	[dreg:$0x4] =	wrdreg $0xC0  }
0xab: {  	_ =	task [dreg:s6], $0x5FFFF  }
0xac: {  	[dreg:$0x1] =	wrdreg $0xFFFFFFFF  }
0xad: {  	[dreg:$0x0] =	wrdreg $0x60  }
0xae: {  	[dreg:$0x2] =	wrdreg s24  }
0xaf: {  	[dreg:$0x3] =	wrdreg $0x90000  }
0xb0: {  	[dreg:$0x4] =	wrdreg $0x9  }
0xb1: {  	_ =	task.clear_ibuf [dreg:s6], $0x5FFFF;
	_ =	strace $0x9000004C  }
0xb2: {  	s29 =	simm.s32 $0x9;
	_ =	strace $0x8000004E  }
0xb3: {  	_ =	swait.ge [sflag:s29], $0x1  }
0xb4: {  	[sflag:s29] =	ssyncadd.s32 $0xFFFFFFFF  }
0xb5: {  	_ =	strace $0x9000004E  }
0xb6: {  	_ =	sfence  }
0xb7: {  	s30 =	sld [smem:$0x0];
	_ =	sdelay $0x2  }
0xb8: {  	s31 =	sshll.u32 s1, $0xD;
	s1 =	sshrl.u32 s1, $0x2  }
0xb9: {  	s3 =	sand.u32 $0x4000, s31;
	s1 =	sadd.s32 s1, s30  }
0xba: {  	s0 =	sor.u32 s3, s0;
	s1 =	sshll.u32 s1, $0x11  }
0xbb: {  	s0 =	sor.u32 s1, s0  }
0xbc: {  	s0 =	sadd.s32 $0x8F2B, s0  }
0xbd: {  	[sflag:s0] =	ssyncadd.remote.s32 $0x1  }
0xbe: {  	_ =	sfence.sel $0xFFFF  }
0xbf: {  	[dreg:$0x0] =	wrdreg $0xFFFFFFFF;
	(pc) =	sbr.abs _section_cstart, $3  }
0xc0: {  	[dreg:$0x1] =	wrdreg $0xFFFFFFFF  }
0xc1: {  	_ =	task.clear_ibuf [dreg:s6], $0x2FFFF;
	_ =	strace $0x9FFFFFFF  }
0xc2: {  	(tm) =	ssettm $0x7FFFFFFF  }
0xc3: {  	_ =	shalt  }
tec
execute0_lowered:
.L_overlay_start_1:
0x0: {  	(tag) =	ssettag $0x1  }
0x1: {  	s0 =	srdreg.scid  }
0x2: {  	s1 =	rddreg [dreg:$0x0];
	s9 =	stileid.u32  }
0x3: {  	s2 =	rddreg [dreg:$0x1];
	s10 =	simm.s32 $0x0;
	s13 =	simm.s32 $0x1000  }
0x4: {  	s14 =	simm.s32 $0x3;
	s16 =	simm.s32 $0x80;
	s17 =	simm.s32 $0x5000  }
0x5: {  	s18 =	simm.s32 $0x1;
	s0 =	sand.u32 $0x1, s0;
	s6 =	smul.u32 $0x4F000, s9  }
0x6: {  	[smem:$0x7FF] =	sst s10;
	s26 =	smul.u32 $0x2780, s9;
	s3 =	sshll.u32 s0, $0x4  }
0x7: {  	s7 =	smul.u32 $0x27800, s0;
	s0 =	ssub.s32 $0x2, s0;
	s6 =	sshrl.u32 s6, $0x2  }
0x8: {  	_ =	strace $0x8000004D;
	s23 =	sshrl.u32 s0, $0x1;
	s6 =	sadd.s32 s6, s2  }
0x9: {  	s0 =	ssub.s32 s0, s23;
	s24 =	sadd.s32 $0x10000, s6;
	[dreg:$0x3] =	wrdreg s6  }
0xa: {  	s4 =	sor.u32 s9, s3;
	s0 =	smax.u32 s0, $0x1;
	[dreg:$0x4] =	wrdreg s24  }
0xb: {  	s5 =	smul.u32 $0x500, s4;
	s28 =	sadd.s32 $0x4000, s6;
	[dreg:$0x5] =	wrdreg s0  }
0xc: {  	s4 =	sadd.s32 $0x1E00, s1;
	s29 =	sadd.s32 $0x8000, s6;
	[dreg:$0x6] =	wrdreg s28  }
0xd: {  	s30 =	sadd.s32 $0xC000, s6;
	s5 =	sadd.s32 s5, s1;
	[dreg:$0x7] =	wrdreg s29  }
0xe: {  	s1 =	sadd.s32 s7, s1;
	[dreg:$0x8] =	wrdreg s30;
	s25 =	sadd.s32 $0x33000, s5  }
0xf: {  	s5 =	sadd.s32 $0x29000, s5;
	s1 =	sadd.s32 $0x3D000, s1;
	[dreg:$0xa] =	wrdreg s25  }
0x10: {  	s20 =	simm.s32 $0x2;
	[dreg:$0xb] =	wrdreg s5;
	s31 =	sadd.s32 s26, s1  }
0x11: {  	v0 =	vimm.f32 $0.0e+00;
	s3 =	simm.s32 $0x800;
	s1 =	simm.s32 $0x0;
	[dreg:$0x9] =	wrdreg s31  }
.LBB2_1:
0x12: {  	s0 =	simm.s32 $0x0;
	s6 =	simm.s32 $0x200  }
.LBB2_2:
0x13: {  	p0 =	sne.s32 s6, $0xFE00;
	[tilespmem:s0+$0x1070] =	vst v0  }
0x14: {  	[tilespmem:s0+$0x1000] =	vst v0  }
0x15: {  	[tilespmem:s0+$0x1010] =	vst v0  }
.Ltmp0:
0x16: {  	[tilespmem:s0+$0x1020] =	vst v0;
	(pc) =	sbr.rel @p0 .LBB2_2-.Ltmp0, $4  }
0x17: {  	[tilespmem:s0+$0x1030] =	vst v0  }
0x18: {  	[tilespmem:s0+$0x1040] =	vst v0  }
0x19: {  	[tilespmem:s0+$0x1050] =	vst v0  }
0x1a: {  	[tilespmem:s0+$0x1060] =	vst v0;
	s0 =	sshra.s32 s6, $0x2;
	s6 =	sadd.s32 $0x200, s6  }
0x1b: {  	[tilespmem:s0+$0x1070] =	vst v0  }
0x1c: {  	[tilespmem:s0+$0x1000] =	vst v0  }
0x1d: {  	[tilespmem:s0+$0x1010] =	vst v0  }
0x1e: {  	[tilespmem:s0+$0x1020] =	vst v0  }
0x1f: {  	[tilespmem:s0+$0x1030] =	vst v0  }
0x20: {  	[tilespmem:s0+$0x1040] =	vst v0  }
0x21: {  	[tilespmem:s0+$0x1050] =	vst v0  }
0x22: {  	[tilespmem:s0+$0x1060] =	vst v0;
	s22 =	rddreg [dreg:$0x3]  }
0x23: {  	[spmem:s22] =	stream.linear.scatter [tilespmem:s13], [sflag:$0x3], $0x4000, $0x38;
	[tilespmem:$0x1CC00] =	vst v63  }
0x24: {  	_ =	swait.ge [sflag:s14], $0x4000  }
0x25: {  	[sflag:s14] =	ssyncset.done $0x0  }
0x26: {  	s23 =	rddreg [dreg:$0x6];
	[sflag:s14] =	ssyncadd.s32 $0xFFFFC000  }
0x27: {  	[spmem:s23] =	stream.linear.scatter [tilespmem:s13], [sflag:$0x3], $0x4000, $0x38;
	[tilespmem:$0x1CC00] =	vst v63  }
0x28: {  	_ =	swait.ge [sflag:s14], $0x4000  }
0x29: {  	[sflag:s14] =	ssyncset.done $0x0  }
0x2a: {  	s24 =	rddreg [dreg:$0x7];
	[sflag:s14] =	ssyncadd.s32 $0xFFFFC000  }
0x2b: {  	[spmem:s24] =	stream.linear.scatter [tilespmem:s13], [sflag:$0x3], $0x4000, $0x38;
	[tilespmem:$0x1CC00] =	vst v63  }
0x2c: {  	_ =	swait.ge [sflag:s14], $0x4000  }
0x2d: {  	[sflag:s14] =	ssyncset.done $0x0  }
0x2e: {  	s25 =	rddreg [dreg:$0x8];
	[sflag:s14] =	ssyncadd.s32 $0xFFFFC000  }
0x2f: {  	[spmem:s25] =	stream.linear.scatter [tilespmem:s13], [sflag:$0x3], $0x4000, $0x38;
	[tilespmem:$0x1CC00] =	vst v63  }
0x30: {  	_ =	swait.ge [sflag:s14], $0x4000  }
0x31: {  	[sflag:s14] =	ssyncset.done $0x0  }
0x32: {  	s26 =	rddreg [dreg:$0x4];
	[sflag:s14] =	ssyncadd.s32 $0xFFFFC000  }
0x33: {  	[spmem:s26] =	stream.linear.scatter [tilespmem:s13], [sflag:$0x3], $0x3C00, $0x38;
	[tilespmem:$0x1CC00] =	vst v63  }
0x34: {  	_ =	swait.ge [sflag:s14], $0x3C00  }
0x35: {  	[sflag:s14] =	ssyncset.done $0x0  }
0x36: {  	[sflag:s14] =	ssyncadd.s32 $0xFFFFC400  }
0x37: {  	[bflag:$0x0] =	sbarrier.arrive $0xFFFF  }
0x38: {  	s8 =	rddreg [dreg:$0xa]  }
0x39: {  	[tilespmem:s10], [sflag:$0x3] =	stream.linear.gather [hbm4b:s8+s10], $0x800, $0x38;
	[tilespmem:$0x1CC00] =	vst v63  }
0x3a: {  	_ =	swait.ge [sflag:s14], $0x800  }
0x3b: {  	[sflag:s14] =	ssyncset.done $0x0  }
0x3c: {  	s15 =	rddreg [dreg:$0xb];
	[sflag:s14] =	ssyncadd.s32 $0xFFFFF800  }
0x3d: {  	[tilespmem:s3], [sflag:$0x3] =	stream.linear.gather [hbm4b:s15+s10], $0x800, $0x38;
	[tilespmem:$0x1CC00] =	vst v63  }
0x3e: {  	_ =	swait.ge [sflag:s14], $0x800  }
0x3f: {  	[sflag:s14] =	ssyncset.done $0x0  }
0x40: {  	[sflag:s14] =	ssyncadd.s32 $0xFFFFF800  }
0x41: {  	[tilespmem:s13], [sflag:$0x1] =	stream.indirect.gather [hbm4b:s4+s16], $0x80, s10, s16, $0xb8;
	[tilespmem:$0x1CC00] =	vst v63  }
0x42: {  	_ = 	snop  }
0x43: {  	[tilespmem:s17], [sflag:$0x2] =	stream.indirect.gather [hbm4b:s4+s16], $0x80, s16, s16, $0xb8;
	[tilespmem:$0x1CC00] =	vst v63  }
0x44: {  	_ =	swait.ge [sflag:s18], $0x4000  }
0x45: {  	[sflag:s18] =	ssyncset.done $0x0  }
0x46: {  	[sflag:s18] =	ssyncadd.s32 $0xFFFFC000  }
0x47: {  	[spmem:s2] =	stream.indirect.scatter.add.f32 [tilespmem:s13], [sflag:$0x3], $0x80, s3, s16, $0xb8;
	[tilespmem:$0x1CC00] =	vst v63  }
0x48: {  	_ =	swait.ge [sflag:s14], $0x4000  }
0x49: {  	[sflag:s14] =	ssyncset.done $0x0  }
0x4a: {  	s28 =	simm.s32 $0x100;
	[sflag:s14] =	ssyncadd.s32 $0xFFFFC000  }
0x4b: {  	[tilespmem:s13], [sflag:$0x1] =	stream.indirect.gather [hbm4b:s4+s16], $0x80, s28, s16, $0xb8;
	[tilespmem:$0x1CC00] =	vst v63  }
0x4c: {  	_ =	swait.ge [sflag:s20], $0x4000  }
0x4d: {  	[sflag:s20] =	ssyncset.done $0x0  }
0x4e: {  	s29 =	simm.s32 $0x880;
	[sflag:s20] =	ssyncadd.s32 $0xFFFFC000  }
0x4f: {  	[spmem:s2] =	stream.indirect.scatter.add.f32 [tilespmem:s17], [sflag:$0x3], $0x80, s29, s16, $0xb8;
	[tilespmem:$0x1CC00] =	vst v63  }
0x50: {  	_ =	swait.ge [sflag:s14], $0x4000  }
0x51: {  	[sflag:s14] =	ssyncset.done $0x0  }
0x52: {  	s30 =	simm.s32 $0x180;
	[sflag:s14] =	ssyncadd.s32 $0xFFFFC000  }
0x53: {  	[tilespmem:s17], [sflag:$0x2] =	stream.indirect.gather [hbm4b:s4+s16], $0x80, s30, s16, $0xb8;
	[tilespmem:$0x1CC00] =	vst v63  }
0x54: {  	_ =	swait.ge [sflag:s18], $0x4000  }
0x55: {  	[sflag:s18] =	ssyncset.done $0x0  }
0x56: {  	s31 =	simm.s32 $0x900;
	[sflag:s18] =	ssyncadd.s32 $0xFFFFC000  }
0x57: {  	[spmem:s2] =	stream.indirect.scatter.add.f32 [tilespmem:s13], [sflag:$0x3], $0x80, s31, s16, $0xb8;
	[tilespmem:$0x1CC00] =	vst v63  }
0x58: {  	_ =	swait.ge [sflag:s14], $0x4000  }
0x59: {  	[sflag:s14] =	ssyncset.done $0x0  }
0x5a: {  	s5 =	simm.s32 $0x200;
	[sflag:s14] =	ssyncadd.s32 $0xFFFFC000  }
0x5b: {  	[tilespmem:s13], [sflag:$0x1] =	stream.indirect.gather [hbm4b:s4+s16], $0x80, s5, s16, $0xb8;
	[tilespmem:$0x1CC00] =	vst v63  }
0x5c: {  	_ =	swait.ge [sflag:s20], $0x4000  }
0x5d: {  	[sflag:s20] =	ssyncset.done $0x0  }
0x5e: {  	s6 =	simm.s32 $0x980;
	[sflag:s20] =	ssyncadd.s32 $0xFFFFC000  }
0x5f: {  	[spmem:s2] =	stream.indirect.scatter.add.f32 [tilespmem:s17], [sflag:$0x3], $0x80, s6, s16, $0xb8;
	[tilespmem:$0x1CC00] =	vst v63  }
0x60: {  	_ =	swait.ge [sflag:s14], $0x4000  }
0x61: {  	[sflag:s14] =	ssyncset.done $0x0  }
0x62: {  	s7 =	simm.s32 $0x280;
	[sflag:s14] =	ssyncadd.s32 $0xFFFFC000  }
0x63: {  	[tilespmem:s17], [sflag:$0x2] =	stream.indirect.gather [hbm4b:s4+s16], $0x80, s7, s16, $0xb8;
	[tilespmem:$0x1CC00] =	vst v63  }
0x64: {  	_ =	swait.ge [sflag:s18], $0x4000  }
0x65: {  	[sflag:s18] =	ssyncset.done $0x0  }
0x66: {  	s9 =	simm.s32 $0xA00;
	[sflag:s18] =	ssyncadd.s32 $0xFFFFC000  }
0x67: {  	[spmem:s2] =	stream.indirect.scatter.add.f32 [tilespmem:s13], [sflag:$0x3], $0x80, s9, s16, $0xb8;
	[tilespmem:$0x1CC00] =	vst v63  }
0x68: {  	_ =	swait.ge [sflag:s14], $0x4000  }
0x69: {  	[sflag:s14] =	ssyncset.done $0x0  }
0x6a: {  	s11 =	simm.s32 $0x300;
	[sflag:s14] =	ssyncadd.s32 $0xFFFFC000  }
0x6b: {  	[tilespmem:s13], [sflag:$0x1] =	stream.indirect.gather [hbm4b:s4+s16], $0x80, s11, s16, $0xb8;
	[tilespmem:$0x1CC00] =	vst v63  }
0x6c: {  	_ =	swait.ge [sflag:s20], $0x4000  }
0x6d: {  	[sflag:s20] =	ssyncset.done $0x0  }
0x6e: {  	s12 =	simm.s32 $0xA80;
	[sflag:s20] =	ssyncadd.s32 $0xFFFFC000  }
0x6f: {  	[spmem:s2] =	stream.indirect.scatter.add.f32 [tilespmem:s17], [sflag:$0x3], $0x80, s12, s16, $0xb8;
	[tilespmem:$0x1CC00] =	vst v63  }
0x70: {  	_ =	swait.ge [sflag:s14], $0x4000  }
0x71: {  	[sflag:s14] =	ssyncset.done $0x0  }
0x72: {  	s19 =	simm.s32 $0x380;
	[sflag:s14] =	ssyncadd.s32 $0xFFFFC000  }
0x73: {  	[tilespmem:s17], [sflag:$0x2] =	stream.indirect.gather [hbm4b:s4+s16], $0x80, s19, s16, $0xb8;
	[tilespmem:$0x1CC00] =	vst v63  }
0x74: {  	_ =	swait.ge [sflag:s18], $0x4000  }
0x75: {  	[sflag:s18] =	ssyncset.done $0x0  }
0x76: {  	s21 =	simm.s32 $0xB00;
	[sflag:s18] =	ssyncadd.s32 $0xFFFFC000  }
0x77: {  	[spmem:s2] =	stream.indirect.scatter.add.f32 [tilespmem:s13], [sflag:$0x3], $0x80, s21, s16, $0xb8;
	[tilespmem:$0x1CC00] =	vst v63  }
0x78: {  	_ =	swait.ge [sflag:s14], $0x4000  }
0x79: {  	[sflag:s14] =	ssyncset.done $0x0  }
0x7a: {  	s22 =	simm.s32 $0x400;
	[sflag:s14] =	ssyncadd.s32 $0xFFFFC000  }
0x7b: {  	[tilespmem:s13], [sflag:$0x1] =	stream.indirect.gather [hbm4b:s4+s16], $0x80, s22, s16, $0xb8;
	[tilespmem:$0x1CC00] =	vst v63  }
0x7c: {  	_ =	swait.ge [sflag:s20], $0x4000  }
0x7d: {  	[sflag:s20] =	ssyncset.done $0x0  }
0x7e: {  	s23 =	simm.s32 $0xB80;
	[sflag:s20] =	ssyncadd.s32 $0xFFFFC000  }
0x7f: {  	[spmem:s2] =	stream.indirect.scatter.add.f32 [tilespmem:s17], [sflag:$0x3], $0x80, s23, s16, $0xb8;
	[tilespmem:$0x1CC00] =	vst v63  }
0x80: {  	_ =	swait.ge [sflag:s14], $0x4000  }
0x81: {  	[sflag:s14] =	ssyncset.done $0x0  }
0x82: {  	s24 =	simm.s32 $0x480;
	[sflag:s14] =	ssyncadd.s32 $0xFFFFC000  }
0x83: {  	[tilespmem:s17], [sflag:$0x2] =	stream.indirect.gather [hbm4b:s4+s16], $0x80, s24, s16, $0xb8;
	[tilespmem:$0x1CC00] =	vst v63  }
0x84: {  	_ =	swait.ge [sflag:s18], $0x4000  }
0x85: {  	[sflag:s18] =	ssyncset.done $0x0  }
0x86: {  	s25 =	simm.s32 $0xC00;
	[sflag:s18] =	ssyncadd.s32 $0xFFFFC000  }
0x87: {  	[spmem:s2] =	stream.indirect.scatter.add.f32 [tilespmem:s13], [sflag:$0x3], $0x80, s25, s16, $0xb8;
	[tilespmem:$0x1CC00] =	vst v63  }
0x88: {  	_ =	swait.ge [sflag:s14], $0x4000  }
0x89: {  	[sflag:s14] =	ssyncset.done $0x0  }
0x8a: {  	s28 =	simm.s32 $0x500;
	[sflag:s14] =	ssyncadd.s32 $0xFFFFC000  }
0x8b: {  	[tilespmem:s13], [sflag:$0x1] =	stream.indirect.gather [hbm4b:s4+s16], $0x80, s28, s16, $0xb8;
	[tilespmem:$0x1CC00] =	vst v63  }
0x8c: {  	_ =	swait.ge [sflag:s20], $0x4000  }
0x8d: {  	[sflag:s20] =	ssyncset.done $0x0  }
0x8e: {  	s5 =	simm.s32 $0xC80;
	[sflag:s20] =	ssyncadd.s32 $0xFFFFC000  }
0x8f: {  	[spmem:s2] =	stream.indirect.scatter.add.f32 [tilespmem:s17], [sflag:$0x3], $0x80, s5, s16, $0xb8;
	[tilespmem:$0x1CC00] =	vst v63  }
0x90: {  	_ =	swait.ge [sflag:s14], $0x4000  }
0x91: {  	[sflag:s14] =	ssyncset.done $0x0  }
0x92: {  	s6 =	simm.s32 $0x580;
	[sflag:s14] =	ssyncadd.s32 $0xFFFFC000  }
0x93: {  	[tilespmem:s17], [sflag:$0x2] =	stream.indirect.gather [hbm4b:s4+s16], $0x80, s6, s16, $0xb8;
	[tilespmem:$0x1CC00] =	vst v63  }
0x94: {  	_ =	swait.ge [sflag:s18], $0x4000  }
0x95: {  	[sflag:s18] =	ssyncset.done $0x0  }
0x96: {  	s7 =	simm.s32 $0xD00;
	[sflag:s18] =	ssyncadd.s32 $0xFFFFC000  }
0x97: {  	[spmem:s2] =	stream.indirect.scatter.add.f32 [tilespmem:s13], [sflag:$0x3], $0x80, s7, s16, $0xb8;
	[tilespmem:$0x1CC00] =	vst v63  }
0x98: {  	_ =	swait.ge [sflag:s14], $0x4000  }
0x99: {  	[sflag:s14] =	ssyncset.done $0x0  }
0x9a: {  	s9 =	simm.s32 $0x600;
	[sflag:s14] =	ssyncadd.s32 $0xFFFFC000  }
0x9b: {  	[tilespmem:s13], [sflag:$0x1] =	stream.indirect.gather [hbm4b:s4+s16], $0x80, s9, s16, $0xb8;
	[tilespmem:$0x1CC00] =	vst v63  }
0x9c: {  	_ =	swait.ge [sflag:s20], $0x4000  }
0x9d: {  	[sflag:s20] =	ssyncset.done $0x0  }
0x9e: {  	s11 =	simm.s32 $0xD80;
	[sflag:s20] =	ssyncadd.s32 $0xFFFFC000  }
0x9f: {  	[spmem:s2] =	stream.indirect.scatter.add.f32 [tilespmem:s17], [sflag:$0x3], $0x80, s11, s16, $0xb8;
	[tilespmem:$0x1CC00] =	vst v63  }
0xa0: {  	_ =	swait.ge [sflag:s14], $0x4000  }
0xa1: {  	[sflag:s14] =	ssyncset.done $0x0  }
0xa2: {  	s12 =	simm.s32 $0x680;
	[sflag:s14] =	ssyncadd.s32 $0xFFFFC000  }
0xa3: {  	[tilespmem:s17], [sflag:$0x2] =	stream.indirect.gather [hbm4b:s4+s16], $0x80, s12, s16, $0xb8;
	[tilespmem:$0x1CC00] =	vst v63  }
0xa4: {  	_ =	swait.ge [sflag:s18], $0x4000  }
0xa5: {  	[sflag:s18] =	ssyncset.done $0x0  }
0xa6: {  	s19 =	simm.s32 $0xE00;
	[sflag:s18] =	ssyncadd.s32 $0xFFFFC000  }
0xa7: {  	[spmem:s2] =	stream.indirect.scatter.add.f32 [tilespmem:s13], [sflag:$0x3], $0x80, s19, s16, $0xb8;
	[tilespmem:$0x1CC00] =	vst v63  }
0xa8: {  	_ =	swait.ge [sflag:s14], $0x4000  }
0xa9: {  	[sflag:s14] =	ssyncset.done $0x0  }
0xaa: {  	s21 =	simm.s32 $0x700;
	[sflag:s14] =	ssyncadd.s32 $0xFFFFC000  }
0xab: {  	[tilespmem:s13], [sflag:$0x1] =	stream.indirect.gather [hbm4b:s4+s16], $0x80, s21, s16, $0xb8;
	[tilespmem:$0x1CC00] =	vst v63  }
0xac: {  	_ =	swait.ge [sflag:s20], $0x4000  }
0xad: {  	[sflag:s20] =	ssyncset.done $0x0  }
0xae: {  	s22 =	simm.s32 $0xE80;
	[sflag:s20] =	ssyncadd.s32 $0xFFFFC000  }
0xaf: {  	[spmem:s2] =	stream.indirect.scatter.add.f32 [tilespmem:s17], [sflag:$0x3], $0x80, s22, s16, $0xb8;
	[tilespmem:$0x1CC00] =	vst v63  }
0xb0: {  	_ =	swait.ge [sflag:s14], $0x4000  }
0xb1: {  	[sflag:s14] =	ssyncset.done $0x0  }
0xb2: {  	s23 =	simm.s32 $0x780;
	[sflag:s14] =	ssyncadd.s32 $0xFFFFC000  }
0xb3: {  	[tilespmem:s17], [sflag:$0x2] =	stream.indirect.gather [hbm4b:s4+s16], $0x80, s23, s16, $0xb8;
	[tilespmem:$0x1CC00] =	vst v63  }
0xb4: {  	_ =	swait.ge [sflag:s18], $0x4000  }
0xb5: {  	[sflag:s18] =	ssyncset.done $0x0  }
0xb6: {  	s24 =	simm.s32 $0xF00;
	[sflag:s18] =	ssyncadd.s32 $0xFFFFC000  }
0xb7: {  	[spmem:s2] =	stream.indirect.scatter.add.f32 [tilespmem:s13], [sflag:$0x3], $0x80, s24, s16, $0xb8;
	[tilespmem:$0x1CC00] =	vst v63  }
0xb8: {  	_ =	swait.ge [sflag:s14], $0x4000  }
0xb9: {  	[sflag:s14] =	ssyncset.done $0x0  }
0xba: {  	[sflag:s14] =	ssyncadd.s32 $0xFFFFC000  }
0xbb: {  	_ =	swait.ge [sflag:s20], $0x4000  }
0xbc: {  	[sflag:s20] =	ssyncset.done $0x0  }
0xbd: {  	s25 =	simm.s32 $0xF80;
	[sflag:s20] =	ssyncadd.s32 $0xFFFFC000  }
0xbe: {  	[spmem:s2] =	stream.indirect.scatter.add.f32 [tilespmem:s17], [sflag:$0x3], $0x80, s25, s16, $0xb8;
	[tilespmem:$0x1CC00] =	vst v63  }
0xbf: {  	_ =	swait.ge [sflag:s14], $0x4000  }
0xc0: {  	[sflag:s14] =	ssyncset.done $0x0  }
0xc1: {  	s0 =	sadd.s32 $0x100, s8;
	[sflag:s14] =	ssyncadd.s32 $0xFFFFC000  }
0xc2: {  	[tilespmem:s10], [sflag:$0x3] =	stream.linear.gather [hbm4b:s0+s10], $0x800, $0x38;
	[tilespmem:$0x1CC00] =	vst v63  }
0xc3: {  	_ =	swait.ge [sflag:s14], $0x800  }
0xc4: {  	[sflag:s14] =	ssyncset.done $0x0  }
0xc5: {  	s0 =	sadd.s32 $0x100, s15;
	[sflag:s14] =	ssyncadd.s32 $0xFFFFF800  }
0xc6: {  	[tilespmem:s3], [sflag:$0x3] =	stream.linear.gather [hbm4b:s0+s10], $0x800, $0x38;
	[tilespmem:$0x1CC00] =	vst v63  }
0xc7: {  	_ =	swait.ge [sflag:s14], $0x800  }
0xc8: {  	[sflag:s14] =	ssyncset.done $0x0  }
0xc9: {  	[sflag:s14] =	ssyncadd.s32 $0xFFFFF800  }
0xca: {  	[tilespmem:s13], [sflag:$0x1] =	stream.indirect.gather [hbm4b:s4+s16], $0x80, s10, s16, $0xb8;
	[tilespmem:$0x1CC00] =	vst v63  }
0xcb: {  	_ = 	snop  }
0xcc: {  	[tilespmem:s17], [sflag:$0x2] =	stream.indirect.gather [hbm4b:s4+s16], $0x80, s16, s16, $0xb8;
	[tilespmem:$0x1CC00] =	vst v63  }
0xcd: {  	_ =	swait.ge [sflag:s18], $0x4000  }
0xce: {  	[sflag:s18] =	ssyncset.done $0x0  }
0xcf: {  	[sflag:s18] =	ssyncadd.s32 $0xFFFFC000  }
0xd0: {  	[spmem:s2] =	stream.indirect.scatter.add.f32 [tilespmem:s13], [sflag:$0x3], $0x80, s3, s16, $0xb8;
	[tilespmem:$0x1CC00] =	vst v63  }
0xd1: {  	_ =	swait.ge [sflag:s14], $0x4000  }
0xd2: {  	[sflag:s14] =	ssyncset.done $0x0  }
0xd3: {  	s0 =	simm.s32 $0x100;
	[sflag:s14] =	ssyncadd.s32 $0xFFFFC000  }
0xd4: {  	[tilespmem:s13], [sflag:$0x1] =	stream.indirect.gather [hbm4b:s4+s16], $0x80, s0, s16, $0xb8;
	[tilespmem:$0x1CC00] =	vst v63  }
0xd5: {  	_ =	swait.ge [sflag:s20], $0x4000  }
0xd6: {  	[sflag:s20] =	ssyncset.done $0x0  }
0xd7: {  	s29 =	simm.s32 $0x880;
	[sflag:s20] =	ssyncadd.s32 $0xFFFFC000  }
0xd8: {  	[spmem:s2] =	stream.indirect.scatter.add.f32 [tilespmem:s17], [sflag:$0x3], $0x80, s29, s16, $0xb8;
	[tilespmem:$0x1CC00] =	vst v63  }
0xd9: {  	_ =	swait.ge [sflag:s14], $0x4000  }
0xda: {  	[sflag:s14] =	ssyncset.done $0x0  }
0xdb: {  	s30 =	simm.s32 $0x180;
	[sflag:s14] =	ssyncadd.s32 $0xFFFFC000  }
0xdc: {  	[tilespmem:s17], [sflag:$0x2] =	stream.indirect.gather [hbm4b:s4+s16], $0x80, s30, s16, $0xb8;
	[tilespmem:$0x1CC00] =	vst v63  }
0xdd: {  	_ =	swait.ge [sflag:s18], $0x4000  }
0xde: {  	[sflag:s18] =	ssyncset.done $0x0  }
0xdf: {  	s31 =	simm.s32 $0x900;
	[sflag:s18] =	ssyncadd.s32 $0xFFFFC000  }
0xe0: {  	[spmem:s2] =	stream.indirect.scatter.add.f32 [tilespmem:s13], [sflag:$0x3], $0x80, s31, s16, $0xb8;
	[tilespmem:$0x1CC00] =	vst v63  }
0xe1: {  	_ =	swait.ge [sflag:s14], $0x4000  }
0xe2: {  	[sflag:s14] =	ssyncset.done $0x0  }
0xe3: {  	s29 =	simm.s32 $0x200;
	[sflag:s14] =	ssyncadd.s32 $0xFFFFC000  }
0xe4: {  	[tilespmem:s13], [sflag:$0x1] =	stream.indirect.gather [hbm4b:s4+s16], $0x80, s29, s16, $0xb8;
	[tilespmem:$0x1CC00] =	vst v63  }
0xe5: {  	_ =	swait.ge [sflag:s20], $0x4000  }
0xe6: {  	[sflag:s20] =	ssyncset.done $0x0  }
0xe7: {  	s26 =	simm.s32 $0x980;
	[sflag:s20] =	ssyncadd.s32 $0xFFFFC000  }
0xe8: {  	[spmem:s2] =	stream.indirect.scatter.add.f32 [tilespmem:s17], [sflag:$0x3], $0x80, s26, s16, $0xb8;
	[tilespmem:$0x1CC00] =	vst v63  }
0xe9: {  	_ =	swait.ge [sflag:s14], $0x4000  }
0xea: {  	[sflag:s14] =	ssyncset.done $0x0  }
0xeb: {  	s29 =	simm.s32 $0x280;
	[sflag:s14] =	ssyncadd.s32 $0xFFFFC000  }
0xec: {  	[tilespmem:s17], [sflag:$0x2] =	stream.indirect.gather [hbm4b:s4+s16], $0x80, s29, s16, $0xb8;
	[tilespmem:$0x1CC00] =	vst v63  }
0xed: {  	_ =	swait.ge [sflag:s18], $0x4000  }
0xee: {  	[sflag:s18] =	ssyncset.done $0x0  }
0xef: {  	s29 =	simm.s32 $0xA00;
	[sflag:s18] =	ssyncadd.s32 $0xFFFFC000  }
0xf0: {  	[spmem:s2] =	stream.indirect.scatter.add.f32 [tilespmem:s13], [sflag:$0x3], $0x80, s29, s16, $0xb8;
	[tilespmem:$0x1CC00] =	vst v63  }
0xf1: {  	_ =	swait.ge [sflag:s14], $0x4000  }
0xf2: {  	[sflag:s14] =	ssyncset.done $0x0  }
0xf3: {  	s29 =	simm.s32 $0x300;
	[sflag:s14] =	ssyncadd.s32 $0xFFFFC000  }
0xf4: {  	[tilespmem:s13], [sflag:$0x1] =	stream.indirect.gather [hbm4b:s4+s16], $0x80, s29, s16, $0xb8;
	[tilespmem:$0x1CC00] =	vst v63  }
0xf5: {  	_ =	swait.ge [sflag:s20], $0x4000  }
0xf6: {  	[sflag:s20] =	ssyncset.done $0x0  }
0xf7: {  	s29 =	simm.s32 $0xA80;
	[sflag:s20] =	ssyncadd.s32 $0xFFFFC000  }
0xf8: {  	[spmem:s2] =	stream.indirect.scatter.add.f32 [tilespmem:s17], [sflag:$0x3], $0x80, s29, s16, $0xb8;
	[tilespmem:$0x1CC00] =	vst v63  }
0xf9: {  	_ =	swait.ge [sflag:s14], $0x4000  }
0xfa: {  	[sflag:s14] =	ssyncset.done $0x0  }
0xfb: {  	s29 =	simm.s32 $0x380;
	[sflag:s14] =	ssyncadd.s32 $0xFFFFC000  }
0xfc: {  	[tilespmem:s17], [sflag:$0x2] =	stream.indirect.gather [hbm4b:s4+s16], $0x80, s29, s16, $0xb8;
	[tilespmem:$0x1CC00] =	vst v63  }
0xfd: {  	_ =	swait.ge [sflag:s18], $0x4000  }
0xfe: {  	[sflag:s18] =	ssyncset.done $0x0  }
0xff: {  	s29 =	simm.s32 $0xB00;
	[sflag:s18] =	ssyncadd.s32 $0xFFFFC000  }
0x100: {  	[spmem:s2] =	stream.indirect.scatter.add.f32 [tilespmem:s13], [sflag:$0x3], $0x80, s29, s16, $0xb8;
	[tilespmem:$0x1CC00] =	vst v63  }
0x101: {  	_ =	swait.ge [sflag:s14], $0x4000  }
0x102: {  	[sflag:s14] =	ssyncset.done $0x0  }
0x103: {  	s29 =	simm.s32 $0x400;
	[sflag:s14] =	ssyncadd.s32 $0xFFFFC000  }
0x104: {  	[tilespmem:s13], [sflag:$0x1] =	stream.indirect.gather [hbm4b:s4+s16], $0x80, s29, s16, $0xb8;
	[tilespmem:$0x1CC00] =	vst v63  }
0x105: {  	_ =	swait.ge [sflag:s20], $0x4000  }
0x106: {  	[sflag:s20] =	ssyncset.done $0x0  }
0x107: {  	s29 =	simm.s32 $0xB80;
	[sflag:s20] =	ssyncadd.s32 $0xFFFFC000  }
0x108: {  	[spmem:s2] =	stream.indirect.scatter.add.f32 [tilespmem:s17], [sflag:$0x3], $0x80, s29, s16, $0xb8;
	[tilespmem:$0x1CC00] =	vst v63  }
0x109: {  	_ =	swait.ge [sflag:s14], $0x4000  }
0x10a: {  	[sflag:s14] =	ssyncset.done $0x0  }
0x10b: {  	s29 =	simm.s32 $0x480;
	[sflag:s14] =	ssyncadd.s32 $0xFFFFC000  }
0x10c: {  	[tilespmem:s17], [sflag:$0x2] =	stream.indirect.gather [hbm4b:s4+s16], $0x80, s29, s16, $0xb8;
	[tilespmem:$0x1CC00] =	vst v63  }
0x10d: {  	_ =	swait.ge [sflag:s18], $0x4000  }
0x10e: {  	[sflag:s18] =	ssyncset.done $0x0  }
0x10f: {  	s29 =	simm.s32 $0xC00;
	[sflag:s18] =	ssyncadd.s32 $0xFFFFC000  }
0x110: {  	[spmem:s2] =	stream.indirect.scatter.add.f32 [tilespmem:s13], [sflag:$0x3], $0x80, s29, s16, $0xb8;
	[tilespmem:$0x1CC00] =	vst v63  }
0x111: {  	_ =	swait.ge [sflag:s14], $0x4000  }
0x112: {  	[sflag:s14] =	ssyncset.done $0x0  }
0x113: {  	s28 =	simm.s32 $0x500;
	[sflag:s14] =	ssyncadd.s32 $0xFFFFC000  }
0x114: {  	[tilespmem:s13], [sflag:$0x1] =	stream.indirect.gather [hbm4b:s4+s16], $0x80, s28, s16, $0xb8;
	[tilespmem:$0x1CC00] =	vst v63  }
0x115: {  	_ =	swait.ge [sflag:s20], $0x4000  }
0x116: {  	[sflag:s20] =	ssyncset.done $0x0  }
0x117: {  	s5 =	simm.s32 $0xC80;
	[sflag:s20] =	ssyncadd.s32 $0xFFFFC000  }
0x118: {  	[spmem:s2] =	stream.indirect.scatter.add.f32 [tilespmem:s17], [sflag:$0x3], $0x80, s5, s16, $0xb8;
	[tilespmem:$0x1CC00] =	vst v63  }
0x119: {  	_ =	swait.ge [sflag:s14], $0x4000  }
0x11a: {  	[sflag:s14] =	ssyncset.done $0x0  }
0x11b: {  	s6 =	simm.s32 $0x580;
	[sflag:s14] =	ssyncadd.s32 $0xFFFFC000  }
0x11c: {  	[tilespmem:s17], [sflag:$0x2] =	stream.indirect.gather [hbm4b:s4+s16], $0x80, s6, s16, $0xb8;
	[tilespmem:$0x1CC00] =	vst v63  }
0x11d: {  	_ =	swait.ge [sflag:s18], $0x4000  }
0x11e: {  	[sflag:s18] =	ssyncset.done $0x0  }
0x11f: {  	s7 =	simm.s32 $0xD00;
	[sflag:s18] =	ssyncadd.s32 $0xFFFFC000  }
0x120: {  	[spmem:s2] =	stream.indirect.scatter.add.f32 [tilespmem:s13], [sflag:$0x3], $0x80, s7, s16, $0xb8;
	[tilespmem:$0x1CC00] =	vst v63  }
0x121: {  	_ =	swait.ge [sflag:s14], $0x4000  }
0x122: {  	[sflag:s14] =	ssyncset.done $0x0  }
0x123: {  	s9 =	simm.s32 $0x600;
	[sflag:s14] =	ssyncadd.s32 $0xFFFFC000  }
0x124: {  	[tilespmem:s13], [sflag:$0x1] =	stream.indirect.gather [hbm4b:s4+s16], $0x80, s9, s16, $0xb8;
	[tilespmem:$0x1CC00] =	vst v63  }
0x125: {  	_ =	swait.ge [sflag:s20], $0x4000  }
0x126: {  	[sflag:s20] =	ssyncset.done $0x0  }
0x127: {  	s11 =	simm.s32 $0xD80;
	[sflag:s20] =	ssyncadd.s32 $0xFFFFC000  }
0x128: {  	[spmem:s2] =	stream.indirect.scatter.add.f32 [tilespmem:s17], [sflag:$0x3], $0x80, s11, s16, $0xb8;
	[tilespmem:$0x1CC00] =	vst v63  }
0x129: {  	_ =	swait.ge [sflag:s14], $0x4000  }
0x12a: {  	[sflag:s14] =	ssyncset.done $0x0  }
0x12b: {  	s12 =	simm.s32 $0x680;
	[sflag:s14] =	ssyncadd.s32 $0xFFFFC000  }
0x12c: {  	[tilespmem:s17], [sflag:$0x2] =	stream.indirect.gather [hbm4b:s4+s16], $0x80, s12, s16, $0xb8;
	[tilespmem:$0x1CC00] =	vst v63  }
0x12d: {  	_ =	swait.ge [sflag:s18], $0x4000  }
0x12e: {  	[sflag:s18] =	ssyncset.done $0x0  }
0x12f: {  	s19 =	simm.s32 $0xE00;
	[sflag:s18] =	ssyncadd.s32 $0xFFFFC000  }
0x130: {  	[spmem:s2] =	stream.indirect.scatter.add.f32 [tilespmem:s13], [sflag:$0x3], $0x80, s19, s16, $0xb8;
	[tilespmem:$0x1CC00] =	vst v63  }
0x131: {  	_ =	swait.ge [sflag:s14], $0x4000  }
0x132: {  	[sflag:s14] =	ssyncset.done $0x0  }
0x133: {  	s21 =	simm.s32 $0x700;
	[sflag:s14] =	ssyncadd.s32 $0xFFFFC000  }
0x134: {  	[tilespmem:s13], [sflag:$0x1] =	stream.indirect.gather [hbm4b:s4+s16], $0x80, s21, s16, $0xb8;
	[tilespmem:$0x1CC00] =	vst v63  }
0x135: {  	_ =	swait.ge [sflag:s20], $0x4000  }
0x136: {  	[sflag:s20] =	ssyncset.done $0x0  }
0x137: {  	s22 =	simm.s32 $0xE80;
	[sflag:s20] =	ssyncadd.s32 $0xFFFFC000  }
0x138: {  	[spmem:s2] =	stream.indirect.scatter.add.f32 [tilespmem:s17], [sflag:$0x3], $0x80, s22, s16, $0xb8;
	[tilespmem:$0x1CC00] =	vst v63  }
0x139: {  	_ =	swait.ge [sflag:s14], $0x4000  }
0x13a: {  	[sflag:s14] =	ssyncset.done $0x0  }
0x13b: {  	s23 =	simm.s32 $0x780;
	[sflag:s14] =	ssyncadd.s32 $0xFFFFC000  }
0x13c: {  	[tilespmem:s17], [sflag:$0x2] =	stream.indirect.gather [hbm4b:s4+s16], $0x80, s23, s16, $0xb8;
	[tilespmem:$0x1CC00] =	vst v63  }
0x13d: {  	_ =	swait.ge [sflag:s18], $0x4000  }
0x13e: {  	[sflag:s18] =	ssyncset.done $0x0  }
0x13f: {  	s24 =	simm.s32 $0xF00;
	[sflag:s18] =	ssyncadd.s32 $0xFFFFC000  }
0x140: {  	[spmem:s2] =	stream.indirect.scatter.add.f32 [tilespmem:s13], [sflag:$0x3], $0x80, s24, s16, $0xb8;
	[tilespmem:$0x1CC00] =	vst v63  }
0x141: {  	_ =	swait.ge [sflag:s14], $0x4000  }
0x142: {  	[sflag:s14] =	ssyncset.done $0x0  }
0x143: {  	[sflag:s14] =	ssyncadd.s32 $0xFFFFC000  }
0x144: {  	_ =	swait.ge [sflag:s20], $0x4000  }
0x145: {  	[sflag:s20] =	ssyncset.done $0x0  }
0x146: {  	s25 =	simm.s32 $0xF80;
	[sflag:s20] =	ssyncadd.s32 $0xFFFFC000  }
0x147: {  	[spmem:s2] =	stream.indirect.scatter.add.f32 [tilespmem:s17], [sflag:$0x3], $0x80, s25, s16, $0xb8;
	[tilespmem:$0x1CC00] =	vst v63  }
0x148: {  	_ =	swait.ge [sflag:s14], $0x4000  }
0x149: {  	[sflag:s14] =	ssyncset.done $0x0  }
0x14a: {  	s25 =	sadd.s32 $0x200, s8;
	[sflag:s14] =	ssyncadd.s32 $0xFFFFC000  }
0x14b: {  	[tilespmem:s10], [sflag:$0x3] =	stream.linear.gather [hbm4b:s25+s10], $0x800, $0x38;
	[tilespmem:$0x1CC00] =	vst v63  }
0x14c: {  	_ =	swait.ge [sflag:s14], $0x800  }
0x14d: {  	[sflag:s14] =	ssyncset.done $0x0  }
0x14e: {  	s25 =	sadd.s32 $0x200, s15;
	[sflag:s14] =	ssyncadd.s32 $0xFFFFF800  }
0x14f: {  	[tilespmem:s3], [sflag:$0x3] =	stream.linear.gather [hbm4b:s25+s10], $0x800, $0x38;
	[tilespmem:$0x1CC00] =	vst v63  }
0x150: {  	_ =	swait.ge [sflag:s14], $0x800  }
0x151: {  	[sflag:s14] =	ssyncset.done $0x0  }
0x152: {  	[sflag:s14] =	ssyncadd.s32 $0xFFFFF800  }
0x153: {  	[tilespmem:s13], [sflag:$0x1] =	stream.indirect.gather [hbm4b:s4+s16], $0x80, s10, s16, $0xb8;
	[tilespmem:$0x1CC00] =	vst v63  }
0x154: {  	_ = 	snop  }
0x155: {  	[tilespmem:s17], [sflag:$0x2] =	stream.indirect.gather [hbm4b:s4+s16], $0x80, s16, s16, $0xb8;
	[tilespmem:$0x1CC00] =	vst v63  }
0x156: {  	_ =	swait.ge [sflag:s18], $0x4000  }
0x157: {  	[sflag:s18] =	ssyncset.done $0x0  }
0x158: {  	[sflag:s18] =	ssyncadd.s32 $0xFFFFC000  }
0x159: {  	[spmem:s2] =	stream.indirect.scatter.add.f32 [tilespmem:s13], [sflag:$0x3], $0x80, s3, s16, $0xb8;
	[tilespmem:$0x1CC00] =	vst v63  }
0x15a: {  	_ =	swait.ge [sflag:s14], $0x4000  }
0x15b: {  	[sflag:s14] =	ssyncset.done $0x0  }
0x15c: {  	s25 =	simm.s32 $0x100;
	[sflag:s14] =	ssyncadd.s32 $0xFFFFC000  }
0x15d: {  	[tilespmem:s13], [sflag:$0x1] =	stream.indirect.gather [hbm4b:s4+s16], $0x80, s25, s16, $0xb8;
	[tilespmem:$0x1CC00] =	vst v63  }
0x15e: {  	_ =	swait.ge [sflag:s20], $0x4000  }
0x15f: {  	[sflag:s20] =	ssyncset.done $0x0  }
0x160: {  	s25 =	simm.s32 $0x880;
	[sflag:s20] =	ssyncadd.s32 $0xFFFFC000  }
0x161: {  	[spmem:s2] =	stream.indirect.scatter.add.f32 [tilespmem:s17], [sflag:$0x3], $0x80, s25, s16, $0xb8;
	[tilespmem:$0x1CC00] =	vst v63  }
0x162: {  	_ =	swait.ge [sflag:s14], $0x4000  }
0x163: {  	[sflag:s14] =	ssyncset.done $0x0  }
0x164: {  	s30 =	simm.s32 $0x180;
	[sflag:s14] =	ssyncadd.s32 $0xFFFFC000  }
0x165: {  	[tilespmem:s17], [sflag:$0x2] =	stream.indirect.gather [hbm4b:s4+s16], $0x80, s30, s16, $0xb8;
	[tilespmem:$0x1CC00] =	vst v63  }
0x166: {  	_ =	swait.ge [sflag:s18], $0x4000  }
0x167: {  	[sflag:s18] =	ssyncset.done $0x0  }
0x168: {  	s31 =	simm.s32 $0x900;
	[sflag:s18] =	ssyncadd.s32 $0xFFFFC000  }
0x169: {  	[spmem:s2] =	stream.indirect.scatter.add.f32 [tilespmem:s13], [sflag:$0x3], $0x80, s31, s16, $0xb8;
	[tilespmem:$0x1CC00] =	vst v63  }
0x16a: {  	_ =	swait.ge [sflag:s14], $0x4000  }
0x16b: {  	[sflag:s14] =	ssyncset.done $0x0  }
0x16c: {  	s31 =	simm.s32 $0x200;
	[sflag:s14] =	ssyncadd.s32 $0xFFFFC000  }
0x16d: {  	[tilespmem:s13], [sflag:$0x1] =	stream.indirect.gather [hbm4b:s4+s16], $0x80, s31, s16, $0xb8;
	[tilespmem:$0x1CC00] =	vst v63  }
0x16e: {  	_ =	swait.ge [sflag:s20], $0x4000  }
0x16f: {  	[sflag:s20] =	ssyncset.done $0x0  }
0x170: {  	s26 =	simm.s32 $0x980;
	[sflag:s20] =	ssyncadd.s32 $0xFFFFC000  }
0x171: {  	[spmem:s2] =	stream.indirect.scatter.add.f32 [tilespmem:s17], [sflag:$0x3], $0x80, s26, s16, $0xb8;
	[tilespmem:$0x1CC00] =	vst v63  }
0x172: {  	_ =	swait.ge [sflag:s14], $0x4000  }
0x173: {  	[sflag:s14] =	ssyncset.done $0x0  }
0x174: {  	s26 =	simm.s32 $0x280;
	[sflag:s14] =	ssyncadd.s32 $0xFFFFC000  }
0x175: {  	[tilespmem:s17], [sflag:$0x2] =	stream.indirect.gather [hbm4b:s4+s16], $0x80, s26, s16, $0xb8;
	[tilespmem:$0x1CC00] =	vst v63  }
0x176: {  	_ =	swait.ge [sflag:s18], $0x4000  }
0x177: {  	[sflag:s18] =	ssyncset.done $0x0  }
0x178: {  	s26 =	simm.s32 $0xA00;
	[sflag:s18] =	ssyncadd.s32 $0xFFFFC000  }
0x179: {  	[spmem:s2] =	stream.indirect.scatter.add.f32 [tilespmem:s13], [sflag:$0x3], $0x80, s26, s16, $0xb8;
	[tilespmem:$0x1CC00] =	vst v63  }
0x17a: {  	_ =	swait.ge [sflag:s14], $0x4000  }
0x17b: {  	[sflag:s14] =	ssyncset.done $0x0  }
0x17c: {  	s26 =	simm.s32 $0x300;
	[sflag:s14] =	ssyncadd.s32 $0xFFFFC000  }
0x17d: {  	[tilespmem:s13], [sflag:$0x1] =	stream.indirect.gather [hbm4b:s4+s16], $0x80, s26, s16, $0xb8;
	[tilespmem:$0x1CC00] =	vst v63  }
0x17e: {  	_ =	swait.ge [sflag:s20], $0x4000  }
0x17f: {  	[sflag:s20] =	ssyncset.done $0x0  }
0x180: {  	s26 =	simm.s32 $0xA80;
	[sflag:s20] =	ssyncadd.s32 $0xFFFFC000  }
0x181: {  	[spmem:s2] =	stream.indirect.scatter.add.f32 [tilespmem:s17], [sflag:$0x3], $0x80, s26, s16, $0xb8;
	[tilespmem:$0x1CC00] =	vst v63  }
0x182: {  	_ =	swait.ge [sflag:s14], $0x4000  }
0x183: {  	[sflag:s14] =	ssyncset.done $0x0  }
0x184: {  	s26 =	simm.s32 $0x380;
	[sflag:s14] =	ssyncadd.s32 $0xFFFFC000  }
0x185: {  	[tilespmem:s17], [sflag:$0x2] =	stream.indirect.gather [hbm4b:s4+s16], $0x80, s26, s16, $0xb8;
	[tilespmem:$0x1CC00] =	vst v63  }
0x186: {  	_ =	swait.ge [sflag:s18], $0x4000  }
0x187: {  	[sflag:s18] =	ssyncset.done $0x0  }
0x188: {  	s26 =	simm.s32 $0xB00;
	[sflag:s18] =	ssyncadd.s32 $0xFFFFC000  }
0x189: {  	[spmem:s2] =	stream.indirect.scatter.add.f32 [tilespmem:s13], [sflag:$0x3], $0x80, s26, s16, $0xb8;
	[tilespmem:$0x1CC00] =	vst v63  }
0x18a: {  	_ =	swait.ge [sflag:s14], $0x4000  }
0x18b: {  	[sflag:s14] =	ssyncset.done $0x0  }
0x18c: {  	s26 =	simm.s32 $0x400;
	[sflag:s14] =	ssyncadd.s32 $0xFFFFC000  }
0x18d: {  	[tilespmem:s13], [sflag:$0x1] =	stream.indirect.gather [hbm4b:s4+s16], $0x80, s26, s16, $0xb8;
	[tilespmem:$0x1CC00] =	vst v63  }
0x18e: {  	_ =	swait.ge [sflag:s20], $0x4000  }
0x18f: {  	[sflag:s20] =	ssyncset.done $0x0  }
0x190: {  	s26 =	simm.s32 $0xB80;
	[sflag:s20] =	ssyncadd.s32 $0xFFFFC000  }
0x191: {  	[spmem:s2] =	stream.indirect.scatter.add.f32 [tilespmem:s17], [sflag:$0x3], $0x80, s26, s16, $0xb8;
	[tilespmem:$0x1CC00] =	vst v63  }
0x192: {  	_ =	swait.ge [sflag:s14], $0x4000  }
0x193: {  	[sflag:s14] =	ssyncset.done $0x0  }
0x194: {  	s26 =	simm.s32 $0x480;
	[sflag:s14] =	ssyncadd.s32 $0xFFFFC000  }
0x195: {  	[tilespmem:s17], [sflag:$0x2] =	stream.indirect.gather [hbm4b:s4+s16], $0x80, s26, s16, $0xb8;
	[tilespmem:$0x1CC00] =	vst v63  }
0x196: {  	_ =	swait.ge [sflag:s18], $0x4000  }
0x197: {  	[sflag:s18] =	ssyncset.done $0x0  }
0x198: {  	s26 =	simm.s32 $0xC00;
	[sflag:s18] =	ssyncadd.s32 $0xFFFFC000  }
0x199: {  	[spmem:s2] =	stream.indirect.scatter.add.f32 [tilespmem:s13], [sflag:$0x3], $0x80, s26, s16, $0xb8;
	[tilespmem:$0x1CC00] =	vst v63  }
0x19a: {  	_ =	swait.ge [sflag:s14], $0x4000  }
0x19b: {  	[sflag:s14] =	ssyncset.done $0x0  }
0x19c: {  	s28 =	simm.s32 $0x500;
	[sflag:s14] =	ssyncadd.s32 $0xFFFFC000  }
0x19d: {  	[tilespmem:s13], [sflag:$0x1] =	stream.indirect.gather [hbm4b:s4+s16], $0x80, s28, s16, $0xb8;
	[tilespmem:$0x1CC00] =	vst v63  }
0x19e: {  	_ =	swait.ge [sflag:s20], $0x4000  }
0x19f: {  	[sflag:s20] =	ssyncset.done $0x0  }
0x1a0: {  	s5 =	simm.s32 $0xC80;
	[sflag:s20] =	ssyncadd.s32 $0xFFFFC000  }
0x1a1: {  	[spmem:s2] =	stream.indirect.scatter.add.f32 [tilespmem:s17], [sflag:$0x3], $0x80, s5, s16, $0xb8;
	[tilespmem:$0x1CC00] =	vst v63  }
0x1a2: {  	_ =	swait.ge [sflag:s14], $0x4000  }
0x1a3: {  	[sflag:s14] =	ssyncset.done $0x0  }
0x1a4: {  	s6 =	simm.s32 $0x580;
	[sflag:s14] =	ssyncadd.s32 $0xFFFFC000  }
0x1a5: {  	[tilespmem:s17], [sflag:$0x2] =	stream.indirect.gather [hbm4b:s4+s16], $0x80, s6, s16, $0xb8;
	[tilespmem:$0x1CC00] =	vst v63  }
0x1a6: {  	_ =	swait.ge [sflag:s18], $0x4000  }
0x1a7: {  	[sflag:s18] =	ssyncset.done $0x0  }
0x1a8: {  	s7 =	simm.s32 $0xD00;
	[sflag:s18] =	ssyncadd.s32 $0xFFFFC000  }
0x1a9: {  	[spmem:s2] =	stream.indirect.scatter.add.f32 [tilespmem:s13], [sflag:$0x3], $0x80, s7, s16, $0xb8;
	[tilespmem:$0x1CC00] =	vst v63  }
0x1aa: {  	_ =	swait.ge [sflag:s14], $0x4000  }
0x1ab: {  	[sflag:s14] =	ssyncset.done $0x0  }
0x1ac: {  	s9 =	simm.s32 $0x600;
	[sflag:s14] =	ssyncadd.s32 $0xFFFFC000  }
0x1ad: {  	[tilespmem:s13], [sflag:$0x1] =	stream.indirect.gather [hbm4b:s4+s16], $0x80, s9, s16, $0xb8;
	[tilespmem:$0x1CC00] =	vst v63  }
0x1ae: {  	_ =	swait.ge [sflag:s20], $0x4000  }
0x1af: {  	[sflag:s20] =	ssyncset.done $0x0  }
0x1b0: {  	s29 =	simm.s32 $0xD80;
	[sflag:s20] =	ssyncadd.s32 $0xFFFFC000  }
0x1b1: {  	[spmem:s2] =	stream.indirect.scatter.add.f32 [tilespmem:s17], [sflag:$0x3], $0x80, s29, s16, $0xb8;
	[tilespmem:$0x1CC00] =	vst v63  }
0x1b2: {  	_ =	swait.ge [sflag:s14], $0x4000  }
0x1b3: {  	[sflag:s14] =	ssyncset.done $0x0  }
0x1b4: {  	s11 =	simm.s32 $0x680;
	[sflag:s14] =	ssyncadd.s32 $0xFFFFC000  }
0x1b5: {  	[tilespmem:s17], [sflag:$0x2] =	stream.indirect.gather [hbm4b:s4+s16], $0x80, s11, s16, $0xb8;
	[tilespmem:$0x1CC00] =	vst v63  }
0x1b6: {  	_ =	swait.ge [sflag:s18], $0x4000  }
0x1b7: {  	[sflag:s18] =	ssyncset.done $0x0  }
0x1b8: {  	s12 =	simm.s32 $0xE00;
	[sflag:s18] =	ssyncadd.s32 $0xFFFFC000  }
0x1b9: {  	[spmem:s2] =	stream.indirect.scatter.add.f32 [tilespmem:s13], [sflag:$0x3], $0x80, s12, s16, $0xb8;
	[tilespmem:$0x1CC00] =	vst v63  }
0x1ba: {  	_ =	swait.ge [sflag:s14], $0x4000  }
0x1bb: {  	[sflag:s14] =	ssyncset.done $0x0  }
0x1bc: {  	s19 =	simm.s32 $0x700;
	[sflag:s14] =	ssyncadd.s32 $0xFFFFC000  }
0x1bd: {  	[tilespmem:s13], [sflag:$0x1] =	stream.indirect.gather [hbm4b:s4+s16], $0x80, s19, s16, $0xb8;
	[tilespmem:$0x1CC00] =	vst v63  }
0x1be: {  	_ =	swait.ge [sflag:s20], $0x4000  }
0x1bf: {  	[sflag:s20] =	ssyncset.done $0x0  }
0x1c0: {  	s21 =	simm.s32 $0xE80;
	[sflag:s20] =	ssyncadd.s32 $0xFFFFC000  }
0x1c1: {  	[spmem:s2] =	stream.indirect.scatter.add.f32 [tilespmem:s17], [sflag:$0x3], $0x80, s21, s16, $0xb8;
	[tilespmem:$0x1CC00] =	vst v63  }
0x1c2: {  	_ =	swait.ge [sflag:s14], $0x4000  }
0x1c3: {  	[sflag:s14] =	ssyncset.done $0x0  }
0x1c4: {  	s22 =	simm.s32 $0x780;
	[sflag:s14] =	ssyncadd.s32 $0xFFFFC000  }
0x1c5: {  	[tilespmem:s17], [sflag:$0x2] =	stream.indirect.gather [hbm4b:s4+s16], $0x80, s22, s16, $0xb8;
	[tilespmem:$0x1CC00] =	vst v63  }
0x1c6: {  	_ =	swait.ge [sflag:s18], $0x4000  }
0x1c7: {  	[sflag:s18] =	ssyncset.done $0x0  }
0x1c8: {  	s23 =	simm.s32 $0xF00;
	[sflag:s18] =	ssyncadd.s32 $0xFFFFC000  }
0x1c9: {  	[spmem:s2] =	stream.indirect.scatter.add.f32 [tilespmem:s13], [sflag:$0x3], $0x80, s23, s16, $0xb8;
	[tilespmem:$0x1CC00] =	vst v63  }
0x1ca: {  	_ =	swait.ge [sflag:s14], $0x4000  }
0x1cb: {  	[sflag:s14] =	ssyncset.done $0x0  }
0x1cc: {  	[sflag:s14] =	ssyncadd.s32 $0xFFFFC000  }
0x1cd: {  	_ =	swait.ge [sflag:s20], $0x4000  }
0x1ce: {  	[sflag:s20] =	ssyncset.done $0x0  }
0x1cf: {  	s24 =	simm.s32 $0xF80;
	[sflag:s20] =	ssyncadd.s32 $0xFFFFC000  }
0x1d0: {  	[spmem:s2] =	stream.indirect.scatter.add.f32 [tilespmem:s17], [sflag:$0x3], $0x80, s24, s16, $0xb8;
	[tilespmem:$0x1CC00] =	vst v63  }
0x1d1: {  	_ =	swait.ge [sflag:s14], $0x4000  }
0x1d2: {  	[sflag:s14] =	ssyncset.done $0x0  }
0x1d3: {  	s11 =	sadd.s32 $0x300, s8;
	[sflag:s14] =	ssyncadd.s32 $0xFFFFC000  }
0x1d4: {  	[tilespmem:s10], [sflag:$0x3] =	stream.linear.gather [hbm4b:s11+s10], $0x800, $0x38;
	[tilespmem:$0x1CC00] =	vst v63  }
0x1d5: {  	_ =	swait.ge [sflag:s14], $0x800  }
0x1d6: {  	[sflag:s14] =	ssyncset.done $0x0  }
0x1d7: {  	s12 =	sadd.s32 $0x300, s15;
	[sflag:s14] =	ssyncadd.s32 $0xFFFFF800  }
0x1d8: {  	[tilespmem:s3], [sflag:$0x3] =	stream.linear.gather [hbm4b:s12+s10], $0x800, $0x38;
	[tilespmem:$0x1CC00] =	vst v63  }
0x1d9: {  	_ =	swait.ge [sflag:s14], $0x800  }
0x1da: {  	[sflag:s14] =	ssyncset.done $0x0  }
0x1db: {  	[sflag:s14] =	ssyncadd.s32 $0xFFFFF800  }
0x1dc: {  	[tilespmem:s13], [sflag:$0x1] =	stream.indirect.gather [hbm4b:s4+s16], $0x80, s10, s16, $0xb8;
	[tilespmem:$0x1CC00] =	vst v63  }
0x1dd: {  	_ = 	snop  }
0x1de: {  	[tilespmem:s17], [sflag:$0x2] =	stream.indirect.gather [hbm4b:s4+s16], $0x80, s16, s16, $0xb8;
	[tilespmem:$0x1CC00] =	vst v63  }
0x1df: {  	_ =	swait.ge [sflag:s18], $0x4000  }
0x1e0: {  	[sflag:s18] =	ssyncset.done $0x0  }
0x1e1: {  	[sflag:s18] =	ssyncadd.s32 $0xFFFFC000  }
0x1e2: {  	[spmem:s2] =	stream.indirect.scatter.add.f32 [tilespmem:s13], [sflag:$0x3], $0x80, s3, s16, $0xb8;
	[tilespmem:$0x1CC00] =	vst v63  }
0x1e3: {  	_ =	swait.ge [sflag:s14], $0x4000  }
0x1e4: {  	[sflag:s14] =	ssyncset.done $0x0  }
0x1e5: {  	s24 =	simm.s32 $0x100;
	[sflag:s14] =	ssyncadd.s32 $0xFFFFC000  }
0x1e6: {  	[tilespmem:s13], [sflag:$0x1] =	stream.indirect.gather [hbm4b:s4+s16], $0x80, s24, s16, $0xb8;
	[tilespmem:$0x1CC00] =	vst v63  }
0x1e7: {  	_ =	swait.ge [sflag:s20], $0x4000  }
0x1e8: {  	[sflag:s20] =	ssyncset.done $0x0  }
0x1e9: {  	s25 =	simm.s32 $0x880;
	[sflag:s20] =	ssyncadd.s32 $0xFFFFC000  }
0x1ea: {  	[spmem:s2] =	stream.indirect.scatter.add.f32 [tilespmem:s17], [sflag:$0x3], $0x80, s25, s16, $0xb8;
	[tilespmem:$0x1CC00] =	vst v63  }
0x1eb: {  	_ =	swait.ge [sflag:s14], $0x4000  }
0x1ec: {  	[sflag:s14] =	ssyncset.done $0x0  }
0x1ed: {  	s30 =	simm.s32 $0x180;
	[sflag:s14] =	ssyncadd.s32 $0xFFFFC000  }
0x1ee: {  	[tilespmem:s17], [sflag:$0x2] =	stream.indirect.gather [hbm4b:s4+s16], $0x80, s30, s16, $0xb8;
	[tilespmem:$0x1CC00] =	vst v63  }
0x1ef: {  	_ =	swait.ge [sflag:s18], $0x4000  }
0x1f0: {  	[sflag:s18] =	ssyncset.done $0x0  }
0x1f1: {  	s30 =	simm.s32 $0x900;
	[sflag:s18] =	ssyncadd.s32 $0xFFFFC000  }
0x1f2: {  	[spmem:s2] =	stream.indirect.scatter.add.f32 [tilespmem:s13], [sflag:$0x3], $0x80, s30, s16, $0xb8;
	[tilespmem:$0x1CC00] =	vst v63  }
0x1f3: {  	_ =	swait.ge [sflag:s14], $0x4000  }
0x1f4: {  	[sflag:s14] =	ssyncset.done $0x0  }
0x1f5: {  	s12 =	simm.s32 $0x200;
	[sflag:s14] =	ssyncadd.s32 $0xFFFFC000  }
0x1f6: {  	[tilespmem:s13], [sflag:$0x1] =	stream.indirect.gather [hbm4b:s4+s16], $0x80, s12, s16, $0xb8;
	[tilespmem:$0x1CC00] =	vst v63  }
0x1f7: {  	_ =	swait.ge [sflag:s20], $0x4000  }
0x1f8: {  	[sflag:s20] =	ssyncset.done $0x0  }
0x1f9: {  	s31 =	simm.s32 $0x980;
	[sflag:s20] =	ssyncadd.s32 $0xFFFFC000  }
0x1fa: {  	[spmem:s2] =	stream.indirect.scatter.add.f32 [tilespmem:s17], [sflag:$0x3], $0x80, s31, s16, $0xb8;
	[tilespmem:$0x1CC00] =	vst v63  }
0x1fb: {  	_ =	swait.ge [sflag:s14], $0x4000  }
0x1fc: {  	[sflag:s14] =	ssyncset.done $0x0  }
0x1fd: {  	s25 =	simm.s32 $0x280;
	[sflag:s14] =	ssyncadd.s32 $0xFFFFC000  }
0x1fe: {  	[tilespmem:s17], [sflag:$0x2] =	stream.indirect.gather [hbm4b:s4+s16], $0x80, s25, s16, $0xb8;
	[tilespmem:$0x1CC00] =	vst v63  }
0x1ff: {  	_ =	swait.ge [sflag:s18], $0x4000  }
0x200: {  	[sflag:s18] =	ssyncset.done $0x0  }
0x201: {  	s30 =	simm.s32 $0xA00;
	[sflag:s18] =	ssyncadd.s32 $0xFFFFC000  }
0x202: {  	[spmem:s2] =	stream.indirect.scatter.add.f32 [tilespmem:s13], [sflag:$0x3], $0x80, s30, s16, $0xb8;
	[tilespmem:$0x1CC00] =	vst v63  }
0x203: {  	_ =	swait.ge [sflag:s14], $0x4000  }
0x204: {  	[sflag:s14] =	ssyncset.done $0x0  }
0x205: {  	s25 =	simm.s32 $0x300;
	[sflag:s14] =	ssyncadd.s32 $0xFFFFC000  }
0x206: {  	[tilespmem:s13], [sflag:$0x1] =	stream.indirect.gather [hbm4b:s4+s16], $0x80, s25, s16, $0xb8;
	[tilespmem:$0x1CC00] =	vst v63  }
0x207: {  	_ =	swait.ge [sflag:s20], $0x4000  }
0x208: {  	[sflag:s20] =	ssyncset.done $0x0  }
0x209: {  	s30 =	simm.s32 $0xA80;
	[sflag:s20] =	ssyncadd.s32 $0xFFFFC000  }
0x20a: {  	[spmem:s2] =	stream.indirect.scatter.add.f32 [tilespmem:s17], [sflag:$0x3], $0x80, s30, s16, $0xb8;
	[tilespmem:$0x1CC00] =	vst v63  }
0x20b: {  	_ =	swait.ge [sflag:s14], $0x4000  }
0x20c: {  	[sflag:s14] =	ssyncset.done $0x0  }
0x20d: {  	s25 =	simm.s32 $0x380;
	[sflag:s14] =	ssyncadd.s32 $0xFFFFC000  }
0x20e: {  	[tilespmem:s17], [sflag:$0x2] =	stream.indirect.gather [hbm4b:s4+s16], $0x80, s25, s16, $0xb8;
	[tilespmem:$0x1CC00] =	vst v63  }
0x20f: {  	_ =	swait.ge [sflag:s18], $0x4000  }
0x210: {  	[sflag:s18] =	ssyncset.done $0x0  }
0x211: {  	s30 =	simm.s32 $0xB00;
	[sflag:s18] =	ssyncadd.s32 $0xFFFFC000  }
0x212: {  	[spmem:s2] =	stream.indirect.scatter.add.f32 [tilespmem:s13], [sflag:$0x3], $0x80, s30, s16, $0xb8;
	[tilespmem:$0x1CC00] =	vst v63  }
0x213: {  	_ =	swait.ge [sflag:s14], $0x4000  }
0x214: {  	[sflag:s14] =	ssyncset.done $0x0  }
0x215: {  	s25 =	simm.s32 $0x400;
	[sflag:s14] =	ssyncadd.s32 $0xFFFFC000  }
0x216: {  	[tilespmem:s13], [sflag:$0x1] =	stream.indirect.gather [hbm4b:s4+s16], $0x80, s25, s16, $0xb8;
	[tilespmem:$0x1CC00] =	vst v63  }
0x217: {  	_ =	swait.ge [sflag:s20], $0x4000  }
0x218: {  	[sflag:s20] =	ssyncset.done $0x0  }
0x219: {  	s30 =	simm.s32 $0xB80;
	[sflag:s20] =	ssyncadd.s32 $0xFFFFC000  }
0x21a: {  	[spmem:s2] =	stream.indirect.scatter.add.f32 [tilespmem:s17], [sflag:$0x3], $0x80, s30, s16, $0xb8;
	[tilespmem:$0x1CC00] =	vst v63  }
0x21b: {  	_ =	swait.ge [sflag:s14], $0x4000  }
0x21c: {  	[sflag:s14] =	ssyncset.done $0x0  }
0x21d: {  	s25 =	simm.s32 $0x480;
	[sflag:s14] =	ssyncadd.s32 $0xFFFFC000  }
0x21e: {  	[tilespmem:s17], [sflag:$0x2] =	stream.indirect.gather [hbm4b:s4+s16], $0x80, s25, s16, $0xb8;
	[tilespmem:$0x1CC00] =	vst v63  }
0x21f: {  	_ =	swait.ge [sflag:s18], $0x4000  }
0x220: {  	[sflag:s18] =	ssyncset.done $0x0  }
0x221: {  	s30 =	simm.s32 $0xC00;
	[sflag:s18] =	ssyncadd.s32 $0xFFFFC000  }
0x222: {  	[spmem:s2] =	stream.indirect.scatter.add.f32 [tilespmem:s13], [sflag:$0x3], $0x80, s30, s16, $0xb8;
	[tilespmem:$0x1CC00] =	vst v63  }
0x223: {  	_ =	swait.ge [sflag:s14], $0x4000  }
0x224: {  	[sflag:s14] =	ssyncset.done $0x0  }
0x225: {  	s26 =	simm.s32 $0x500;
	[sflag:s14] =	ssyncadd.s32 $0xFFFFC000  }
0x226: {  	[tilespmem:s13], [sflag:$0x1] =	stream.indirect.gather [hbm4b:s4+s16], $0x80, s26, s16, $0xb8;
	[tilespmem:$0x1CC00] =	vst v63  }
0x227: {  	_ =	swait.ge [sflag:s20], $0x4000  }
0x228: {  	[sflag:s20] =	ssyncset.done $0x0  }
0x229: {  	s5 =	simm.s32 $0xC80;
	[sflag:s20] =	ssyncadd.s32 $0xFFFFC000  }
0x22a: {  	[spmem:s2] =	stream.indirect.scatter.add.f32 [tilespmem:s17], [sflag:$0x3], $0x80, s5, s16, $0xb8;
	[tilespmem:$0x1CC00] =	vst v63  }
0x22b: {  	_ =	swait.ge [sflag:s14], $0x4000  }
0x22c: {  	[sflag:s14] =	ssyncset.done $0x0  }
0x22d: {  	s6 =	simm.s32 $0x580;
	[sflag:s14] =	ssyncadd.s32 $0xFFFFC000  }
0x22e: {  	[tilespmem:s17], [sflag:$0x2] =	stream.indirect.gather [hbm4b:s4+s16], $0x80, s6, s16, $0xb8;
	[tilespmem:$0x1CC00] =	vst v63  }
0x22f: {  	_ =	swait.ge [sflag:s18], $0x4000  }
0x230: {  	[sflag:s18] =	ssyncset.done $0x0  }
0x231: {  	s7 =	simm.s32 $0xD00;
	[sflag:s18] =	ssyncadd.s32 $0xFFFFC000  }
0x232: {  	[spmem:s2] =	stream.indirect.scatter.add.f32 [tilespmem:s13], [sflag:$0x3], $0x80, s7, s16, $0xb8;
	[tilespmem:$0x1CC00] =	vst v63  }
0x233: {  	_ =	swait.ge [sflag:s14], $0x4000  }
0x234: {  	[sflag:s14] =	ssyncset.done $0x0  }
0x235: {  	s9 =	simm.s32 $0x600;
	[sflag:s14] =	ssyncadd.s32 $0xFFFFC000  }
0x236: {  	[tilespmem:s13], [sflag:$0x1] =	stream.indirect.gather [hbm4b:s4+s16], $0x80, s9, s16, $0xb8;
	[tilespmem:$0x1CC00] =	vst v63  }
0x237: {  	_ =	swait.ge [sflag:s20], $0x4000  }
0x238: {  	[sflag:s20] =	ssyncset.done $0x0  }
0x239: {  	s29 =	simm.s32 $0xD80;
	[sflag:s20] =	ssyncadd.s32 $0xFFFFC000  }
0x23a: {  	[spmem:s2] =	stream.indirect.scatter.add.f32 [tilespmem:s17], [sflag:$0x3], $0x80, s29, s16, $0xb8;
	[tilespmem:$0x1CC00] =	vst v63  }
0x23b: {  	_ =	swait.ge [sflag:s14], $0x4000  }
0x23c: {  	[sflag:s14] =	ssyncset.done $0x0  }
0x23d: {  	s9 =	simm.s32 $0x680;
	[sflag:s14] =	ssyncadd.s32 $0xFFFFC000  }
0x23e: {  	[tilespmem:s17], [sflag:$0x2] =	stream.indirect.gather [hbm4b:s4+s16], $0x80, s9, s16, $0xb8;
	[tilespmem:$0x1CC00] =	vst v63  }
0x23f: {  	_ =	swait.ge [sflag:s18], $0x4000  }
0x240: {  	[sflag:s18] =	ssyncset.done $0x0  }
0x241: {  	s28 =	simm.s32 $0xE00;
	[sflag:s18] =	ssyncadd.s32 $0xFFFFC000  }
0x242: {  	[spmem:s2] =	stream.indirect.scatter.add.f32 [tilespmem:s13], [sflag:$0x3], $0x80, s28, s16, $0xb8;
	[tilespmem:$0x1CC00] =	vst v63  }
0x243: {  	_ =	swait.ge [sflag:s14], $0x4000  }
0x244: {  	[sflag:s14] =	ssyncset.done $0x0  }
0x245: {  	s19 =	simm.s32 $0x700;
	[sflag:s14] =	ssyncadd.s32 $0xFFFFC000  }
0x246: {  	[tilespmem:s13], [sflag:$0x1] =	stream.indirect.gather [hbm4b:s4+s16], $0x80, s19, s16, $0xb8;
	[tilespmem:$0x1CC00] =	vst v63  }
0x247: {  	_ =	swait.ge [sflag:s20], $0x4000  }
0x248: {  	[sflag:s20] =	ssyncset.done $0x0  }
0x249: {  	s21 =	simm.s32 $0xE80;
	[sflag:s20] =	ssyncadd.s32 $0xFFFFC000  }
0x24a: {  	[spmem:s2] =	stream.indirect.scatter.add.f32 [tilespmem:s17], [sflag:$0x3], $0x80, s21, s16, $0xb8;
	[tilespmem:$0x1CC00] =	vst v63  }
0x24b: {  	_ =	swait.ge [sflag:s14], $0x4000  }
0x24c: {  	[sflag:s14] =	ssyncset.done $0x0  }
0x24d: {  	s22 =	simm.s32 $0x780;
	[sflag:s14] =	ssyncadd.s32 $0xFFFFC000  }
0x24e: {  	[tilespmem:s17], [sflag:$0x2] =	stream.indirect.gather [hbm4b:s4+s16], $0x80, s22, s16, $0xb8;
	[tilespmem:$0x1CC00] =	vst v63  }
0x24f: {  	_ =	swait.ge [sflag:s18], $0x4000  }
0x250: {  	[sflag:s18] =	ssyncset.done $0x0  }
0x251: {  	s23 =	simm.s32 $0xF00;
	[sflag:s18] =	ssyncadd.s32 $0xFFFFC000  }
0x252: {  	[spmem:s2] =	stream.indirect.scatter.add.f32 [tilespmem:s13], [sflag:$0x3], $0x80, s23, s16, $0xb8;
	[tilespmem:$0x1CC00] =	vst v63  }
0x253: {  	_ =	swait.ge [sflag:s14], $0x4000  }
0x254: {  	[sflag:s14] =	ssyncset.done $0x0  }
0x255: {  	[sflag:s14] =	ssyncadd.s32 $0xFFFFC000  }
0x256: {  	_ =	swait.ge [sflag:s20], $0x4000  }
0x257: {  	[sflag:s20] =	ssyncset.done $0x0  }
0x258: {  	s23 =	simm.s32 $0xF80;
	[sflag:s20] =	ssyncadd.s32 $0xFFFFC000  }
0x259: {  	[spmem:s2] =	stream.indirect.scatter.add.f32 [tilespmem:s17], [sflag:$0x3], $0x80, s23, s16, $0xb8;
	[tilespmem:$0x1CC00] =	vst v63  }
0x25a: {  	_ =	swait.ge [sflag:s14], $0x4000  }
0x25b: {  	[sflag:s14] =	ssyncset.done $0x0  }
0x25c: {  	s8 =	sadd.s32 $0x400, s8;
	[sflag:s14] =	ssyncadd.s32 $0xFFFFC000  }
0x25d: {  	[tilespmem:s10], [sflag:$0x3] =	stream.linear.gather [hbm4b:s8+s10], $0x800, $0x38;
	[tilespmem:$0x1CC00] =	vst v63  }
0x25e: {  	_ =	swait.ge [sflag:s14], $0x800  }
0x25f: {  	[sflag:s14] =	ssyncset.done $0x0  }
0x260: {  	s8 =	sadd.s32 $0x400, s15;
	[sflag:s14] =	ssyncadd.s32 $0xFFFFF800  }
0x261: {  	[tilespmem:s3], [sflag:$0x3] =	stream.linear.gather [hbm4b:s8+s10], $0x800, $0x38;
	[tilespmem:$0x1CC00] =	vst v63  }
0x262: {  	_ =	swait.ge [sflag:s14], $0x800  }
0x263: {  	[sflag:s14] =	ssyncset.done $0x0  }
0x264: {  	[sflag:s14] =	ssyncadd.s32 $0xFFFFF800  }
0x265: {  	[tilespmem:s13], [sflag:$0x1] =	stream.indirect.gather [hbm4b:s4+s16], $0x80, s10, s16, $0xb8;
	[tilespmem:$0x1CC00] =	vst v63  }
0x266: {  	_ = 	snop  }
0x267: {  	[tilespmem:s17], [sflag:$0x2] =	stream.indirect.gather [hbm4b:s4+s16], $0x80, s16, s16, $0xb8;
	[tilespmem:$0x1CC00] =	vst v63  }
0x268: {  	_ =	swait.ge [sflag:s18], $0x4000  }
0x269: {  	[sflag:s18] =	ssyncset.done $0x0  }
0x26a: {  	[sflag:s18] =	ssyncadd.s32 $0xFFFFC000  }
0x26b: {  	[spmem:s2] =	stream.indirect.scatter.add.f32 [tilespmem:s13], [sflag:$0x3], $0x80, s3, s16, $0xb8;
	[tilespmem:$0x1CC00] =	vst v63  }
0x26c: {  	_ =	swait.ge [sflag:s14], $0x4000  }
0x26d: {  	[sflag:s14] =	ssyncset.done $0x0  }
0x26e: {  	s15 =	simm.s32 $0x100;
	[sflag:s14] =	ssyncadd.s32 $0xFFFFC000  }
0x26f: {  	[tilespmem:s13], [sflag:$0x1] =	stream.indirect.gather [hbm4b:s4+s16], $0x80, s15, s16, $0xb8;
	[tilespmem:$0x1CC00] =	vst v63  }
0x270: {  	_ =	swait.ge [sflag:s20], $0x4000  }
0x271: {  	[sflag:s20] =	ssyncset.done $0x0  }
0x272: {  	s24 =	simm.s32 $0x880;
	[sflag:s20] =	ssyncadd.s32 $0xFFFFC000  }
0x273: {  	[spmem:s2] =	stream.indirect.scatter.add.f32 [tilespmem:s17], [sflag:$0x3], $0x80, s24, s16, $0xb8;
	[tilespmem:$0x1CC00] =	vst v63  }
0x274: {  	_ =	swait.ge [sflag:s14], $0x4000  }
0x275: {  	[sflag:s14] =	ssyncset.done $0x0  }
0x276: {  	s11 =	simm.s32 $0x180;
	[sflag:s14] =	ssyncadd.s32 $0xFFFFC000  }
0x277: {  	[tilespmem:s17], [sflag:$0x2] =	stream.indirect.gather [hbm4b:s4+s16], $0x80, s11, s16, $0xb8;
	[tilespmem:$0x1CC00] =	vst v63  }
0x278: {  	_ =	swait.ge [sflag:s18], $0x4000  }
0x279: {  	[sflag:s18] =	ssyncset.done $0x0  }
0x27a: {  	s8 =	simm.s32 $0x900;
	[sflag:s18] =	ssyncadd.s32 $0xFFFFC000  }
0x27b: {  	[spmem:s2] =	stream.indirect.scatter.add.f32 [tilespmem:s13], [sflag:$0x3], $0x80, s8, s16, $0xb8;
	[tilespmem:$0x1CC00] =	vst v63  }
0x27c: {  	_ =	swait.ge [sflag:s14], $0x4000  }
0x27d: {  	[sflag:s14] =	ssyncset.done $0x0  }
0x27e: {  	s11 =	simm.s32 $0x200;
	[sflag:s14] =	ssyncadd.s32 $0xFFFFC000  }
0x27f: {  	[tilespmem:s13], [sflag:$0x1] =	stream.indirect.gather [hbm4b:s4+s16], $0x80, s11, s16, $0xb8;
	[tilespmem:$0x1CC00] =	vst v63  }
0x280: {  	_ =	swait.ge [sflag:s20], $0x4000  }
0x281: {  	[sflag:s20] =	ssyncset.done $0x0  }
0x282: {  	s12 =	simm.s32 $0x980;
	[sflag:s20] =	ssyncadd.s32 $0xFFFFC000  }
0x283: {  	[spmem:s2] =	stream.indirect.scatter.add.f32 [tilespmem:s17], [sflag:$0x3], $0x80, s12, s16, $0xb8;
	[tilespmem:$0x1CC00] =	vst v63  }
0x284: {  	_ =	swait.ge [sflag:s14], $0x4000  }
0x285: {  	[sflag:s14] =	ssyncset.done $0x0  }
0x286: {  	s31 =	simm.s32 $0x280;
	[sflag:s14] =	ssyncadd.s32 $0xFFFFC000  }
0x287: {  	[tilespmem:s17], [sflag:$0x2] =	stream.indirect.gather [hbm4b:s4+s16], $0x80, s31, s16, $0xb8;
	[tilespmem:$0x1CC00] =	vst v63  }
0x288: {  	_ =	swait.ge [sflag:s18], $0x4000  }
0x289: {  	[sflag:s18] =	ssyncset.done $0x0  }
0x28a: {  	s12 =	simm.s32 $0xA00;
	[sflag:s18] =	ssyncadd.s32 $0xFFFFC000  }
0x28b: {  	[spmem:s2] =	stream.indirect.scatter.add.f32 [tilespmem:s13], [sflag:$0x3], $0x80, s12, s16, $0xb8;
	[tilespmem:$0x1CC00] =	vst v63  }
0x28c: {  	_ =	swait.ge [sflag:s14], $0x4000  }
0x28d: {  	[sflag:s14] =	ssyncset.done $0x0  }
0x28e: {  	s15 =	simm.s32 $0x300;
	[sflag:s14] =	ssyncadd.s32 $0xFFFFC000  }
0x28f: {  	[tilespmem:s13], [sflag:$0x1] =	stream.indirect.gather [hbm4b:s4+s16], $0x80, s15, s16, $0xb8;
	[tilespmem:$0x1CC00] =	vst v63  }
0x290: {  	_ =	swait.ge [sflag:s20], $0x4000  }
0x291: {  	[sflag:s20] =	ssyncset.done $0x0  }
0x292: {  	s24 =	simm.s32 $0xA80;
	[sflag:s20] =	ssyncadd.s32 $0xFFFFC000  }
0x293: {  	[spmem:s2] =	stream.indirect.scatter.add.f32 [tilespmem:s17], [sflag:$0x3], $0x80, s24, s16, $0xb8;
	[tilespmem:$0x1CC00] =	vst v63  }
0x294: {  	_ =	swait.ge [sflag:s14], $0x4000  }
0x295: {  	[sflag:s14] =	ssyncset.done $0x0  }
0x296: {  	s31 =	simm.s32 $0x380;
	[sflag:s14] =	ssyncadd.s32 $0xFFFFC000  }
0x297: {  	[tilespmem:s17], [sflag:$0x2] =	stream.indirect.gather [hbm4b:s4+s16], $0x80, s31, s16, $0xb8;
	[tilespmem:$0x1CC00] =	vst v63  }
0x298: {  	_ =	swait.ge [sflag:s18], $0x4000  }
0x299: {  	[sflag:s18] =	ssyncset.done $0x0  }
0x29a: {  	s8 =	simm.s32 $0xB00;
	[sflag:s18] =	ssyncadd.s32 $0xFFFFC000  }
0x29b: {  	[spmem:s2] =	stream.indirect.scatter.add.f32 [tilespmem:s13], [sflag:$0x3], $0x80, s8, s16, $0xb8;
	[tilespmem:$0x1CC00] =	vst v63  }
0x29c: {  	_ =	swait.ge [sflag:s14], $0x4000  }
0x29d: {  	[sflag:s14] =	ssyncset.done $0x0  }
0x29e: {  	s11 =	simm.s32 $0x400;
	[sflag:s14] =	ssyncadd.s32 $0xFFFFC000  }
0x29f: {  	[tilespmem:s13], [sflag:$0x1] =	stream.indirect.gather [hbm4b:s4+s16], $0x80, s11, s16, $0xb8;
	[tilespmem:$0x1CC00] =	vst v63  }
0x2a0: {  	_ =	swait.ge [sflag:s20], $0x4000  }
0x2a1: {  	[sflag:s20] =	ssyncset.done $0x0  }
0x2a2: {  	s12 =	simm.s32 $0xB80;
	[sflag:s20] =	ssyncadd.s32 $0xFFFFC000  }
0x2a3: {  	[spmem:s2] =	stream.indirect.scatter.add.f32 [tilespmem:s17], [sflag:$0x3], $0x80, s12, s16, $0xb8;
	[tilespmem:$0x1CC00] =	vst v63  }
0x2a4: {  	_ =	swait.ge [sflag:s14], $0x4000  }
0x2a5: {  	[sflag:s14] =	ssyncset.done $0x0  }
0x2a6: {  	s15 =	simm.s32 $0x480;
	[sflag:s14] =	ssyncadd.s32 $0xFFFFC000  }
0x2a7: {  	[tilespmem:s17], [sflag:$0x2] =	stream.indirect.gather [hbm4b:s4+s16], $0x80, s15, s16, $0xb8;
	[tilespmem:$0x1CC00] =	vst v63  }
0x2a8: {  	_ =	swait.ge [sflag:s18], $0x4000  }
0x2a9: {  	[sflag:s18] =	ssyncset.done $0x0  }
0x2aa: {  	s24 =	simm.s32 $0xC00;
	[sflag:s18] =	ssyncadd.s32 $0xFFFFC000  }
0x2ab: {  	[spmem:s2] =	stream.indirect.scatter.add.f32 [tilespmem:s13], [sflag:$0x3], $0x80, s24, s16, $0xb8;
	[tilespmem:$0x1CC00] =	vst v63  }
0x2ac: {  	_ =	swait.ge [sflag:s14], $0x4000  }
0x2ad: {  	[sflag:s14] =	ssyncset.done $0x0  }
0x2ae: {  	s30 =	simm.s32 $0x500;
	[sflag:s14] =	ssyncadd.s32 $0xFFFFC000  }
0x2af: {  	[tilespmem:s13], [sflag:$0x1] =	stream.indirect.gather [hbm4b:s4+s16], $0x80, s30, s16, $0xb8;
	[tilespmem:$0x1CC00] =	vst v63  }
0x2b0: {  	_ =	swait.ge [sflag:s20], $0x4000  }
0x2b1: {  	[sflag:s20] =	ssyncset.done $0x0  }
0x2b2: {  	s25 =	simm.s32 $0xC80;
	[sflag:s20] =	ssyncadd.s32 $0xFFFFC000  }
0x2b3: {  	[spmem:s2] =	stream.indirect.scatter.add.f32 [tilespmem:s17], [sflag:$0x3], $0x80, s25, s16, $0xb8;
	[tilespmem:$0x1CC00] =	vst v63  }
0x2b4: {  	_ =	swait.ge [sflag:s14], $0x4000  }
0x2b5: {  	[sflag:s14] =	ssyncset.done $0x0  }
0x2b6: {  	s5 =	simm.s32 $0x580;
	[sflag:s14] =	ssyncadd.s32 $0xFFFFC000  }
0x2b7: {  	[tilespmem:s17], [sflag:$0x2] =	stream.indirect.gather [hbm4b:s4+s16], $0x80, s5, s16, $0xb8;
	[tilespmem:$0x1CC00] =	vst v63  }
0x2b8: {  	_ =	swait.ge [sflag:s18], $0x4000  }
0x2b9: {  	[sflag:s18] =	ssyncset.done $0x0  }
0x2ba: {  	s6 =	simm.s32 $0xD00;
	[sflag:s18] =	ssyncadd.s32 $0xFFFFC000  }
0x2bb: {  	[spmem:s2] =	stream.indirect.scatter.add.f32 [tilespmem:s13], [sflag:$0x3], $0x80, s6, s16, $0xb8;
	[tilespmem:$0x1CC00] =	vst v63  }
0x2bc: {  	_ =	swait.ge [sflag:s14], $0x4000  }
0x2bd: {  	[sflag:s14] =	ssyncset.done $0x0  }
0x2be: {  	s7 =	simm.s32 $0x600;
	[sflag:s14] =	ssyncadd.s32 $0xFFFFC000  }
0x2bf: {  	[tilespmem:s13], [sflag:$0x1] =	stream.indirect.gather [hbm4b:s4+s16], $0x80, s7, s16, $0xb8;
	[tilespmem:$0x1CC00] =	vst v63  }
0x2c0: {  	_ =	swait.ge [sflag:s20], $0x4000  }
0x2c1: {  	[sflag:s20] =	ssyncset.done $0x0  }
0x2c2: {  	s26 =	simm.s32 $0xD80;
	[sflag:s20] =	ssyncadd.s32 $0xFFFFC000  }
0x2c3: {  	[spmem:s2] =	stream.indirect.scatter.add.f32 [tilespmem:s17], [sflag:$0x3], $0x80, s26, s16, $0xb8;
	[tilespmem:$0x1CC00] =	vst v63  }
0x2c4: {  	_ =	swait.ge [sflag:s14], $0x4000  }
0x2c5: {  	[sflag:s14] =	ssyncset.done $0x0  }
0x2c6: {  	s29 =	simm.s32 $0x680;
	[sflag:s14] =	ssyncadd.s32 $0xFFFFC000  }
0x2c7: {  	[tilespmem:s17], [sflag:$0x2] =	stream.indirect.gather [hbm4b:s4+s16], $0x80, s29, s16, $0xb8;
	[tilespmem:$0x1CC00] =	vst v63  }
0x2c8: {  	_ =	swait.ge [sflag:s18], $0x4000  }
0x2c9: {  	[sflag:s18] =	ssyncset.done $0x0  }
0x2ca: {  	s9 =	simm.s32 $0xE00;
	[sflag:s18] =	ssyncadd.s32 $0xFFFFC000  }
0x2cb: {  	[spmem:s2] =	stream.indirect.scatter.add.f32 [tilespmem:s13], [sflag:$0x3], $0x80, s9, s16, $0xb8;
	[tilespmem:$0x1CC00] =	vst v63  }
0x2cc: {  	_ =	swait.ge [sflag:s14], $0x4000  }
0x2cd: {  	[sflag:s14] =	ssyncset.done $0x0  }
0x2ce: {  	s28 =	simm.s32 $0x700;
	[sflag:s14] =	ssyncadd.s32 $0xFFFFC000  }
0x2cf: {  	[tilespmem:s13], [sflag:$0x1] =	stream.indirect.gather [hbm4b:s4+s16], $0x80, s28, s16, $0xb8;
	[tilespmem:$0x1CC00] =	vst v63  }
0x2d0: {  	_ =	swait.ge [sflag:s20], $0x4000  }
0x2d1: {  	[sflag:s20] =	ssyncset.done $0x0  }
0x2d2: {  	s19 =	simm.s32 $0xE80;
	[sflag:s20] =	ssyncadd.s32 $0xFFFFC000  }
0x2d3: {  	[spmem:s2] =	stream.indirect.scatter.add.f32 [tilespmem:s17], [sflag:$0x3], $0x80, s19, s16, $0xb8;
	[tilespmem:$0x1CC00] =	vst v63  }
0x2d4: {  	_ =	swait.ge [sflag:s14], $0x4000  }
0x2d5: {  	[sflag:s14] =	ssyncset.done $0x0  }
0x2d6: {  	s21 =	simm.s32 $0x780;
	[sflag:s14] =	ssyncadd.s32 $0xFFFFC000  }
0x2d7: {  	[tilespmem:s17], [sflag:$0x2] =	stream.indirect.gather [hbm4b:s4+s16], $0x80, s21, s16, $0xb8;
	[tilespmem:$0x1CC00] =	vst v63  }
0x2d8: {  	_ =	swait.ge [sflag:s18], $0x4000  }
0x2d9: {  	[sflag:s18] =	ssyncset.done $0x0  }
0x2da: {  	s22 =	simm.s32 $0xF00;
	[sflag:s18] =	ssyncadd.s32 $0xFFFFC000  }
0x2db: {  	[spmem:s2] =	stream.indirect.scatter.add.f32 [tilespmem:s13], [sflag:$0x3], $0x80, s22, s16, $0xb8;
	[tilespmem:$0x1CC00] =	vst v63  }
0x2dc: {  	_ =	swait.ge [sflag:s14], $0x4000  }
0x2dd: {  	[sflag:s14] =	ssyncset.done $0x0  }
0x2de: {  	[sflag:s14] =	ssyncadd.s32 $0xFFFFC000  }
0x2df: {  	_ =	swait.ge [sflag:s20], $0x4000  }
0x2e0: {  	[sflag:s20] =	ssyncset.done $0x0  }
0x2e1: {  	s23 =	simm.s32 $0xF80;
	[sflag:s20] =	ssyncadd.s32 $0xFFFFC000  }
0x2e2: {  	[spmem:s2] =	stream.indirect.scatter.add.f32 [tilespmem:s17], [sflag:$0x3], $0x80, s23, s16, $0xb8;
	[tilespmem:$0x1CC00] =	vst v63  }
0x2e3: {  	_ =	swait.ge [sflag:s14], $0x4000  }
0x2e4: {  	[sflag:s14] =	ssyncset.done $0x0  }
0x2e5: {  	[sflag:s14] =	ssyncadd.s32 $0xFFFFC000  }
0x2e6: {  	s26 =	stileid.u32;
	[bflag:$0x0] =	sbarrier.arrive $0xFFFF  }
0x2e7: {  	s0 =	sshll.u32 s26, $0x6;
	s28 =	rddreg [dreg:$0x3]  }
0x2e8: {  	s0 =	sor.u32 $0x1C03, s0;
	s30 =	rddreg [dreg:$0x9];
	s29 =	sshrl.u32 s28, $0x3  }
0x2e9: {  	[hbm:s30], [sflag:s0] =	dma.local [spmem:s29], $0x2780  }
0x2ea: {  	_ =	swait.ge [sflag:s14], $0x2780  }
0x2eb: {  	s1 =	sadd.s32 $0x1, s1;
	s31 =	rddreg [dreg:$0x5]  }
0x2ec: {  	p0 =	sne.s32 s1, s31  }
.Ltmp1:
0x2ed: {  	_ = 	snop;
	(pc) =	sbr.rel @p0 .LBB2_1-.Ltmp1, $3  }
0x2ee: {  	_ =	sdelay $0x1  }
0x2ef: {  	[sflag:s14] =	ssyncset.done $0x0  }
0x2f0: {  	[sflag:s14] =	ssyncadd.s32 $0xFFFFD880  }
0x2f1: {  	_ =	sfence.sel $0x180000  }
0x2f2: {  	[bflag:$0x0] =	sbarrier.arrive $0xFFFF  }
0x2f3: {  	_ =	strace $0x9000004D  }
0x2f4: {  	s0 =	stileid.u32;
	[bflag:$0x2] =	sbarrier.arrive $0xFFFF  }
0x2f5: {  	p0 =	sne.s32 s0, $0x0;
	s0 =	rddreg [dreg:$0x2]  }
0x2f6: {  	s0 =	sadd.s32 @!p0 $0x100000, s0  }
0x2f7: {  	[sflag:s0] =	ssyncadd.tile.s32 @!p0 $0x1;
	_ =	shalt  }
.Lfunc_end2:
_tile_overlayer_lowered:
.L_overlay_start_2:
0x2f8: {  	(tag) =	ssettag $0x2  }
0x2f9: {  	s0 =	rddreg [dreg:$0x0];
	s2 =	stileid.u32  }
0x2fa: {  	s1 =	rddreg [dreg:$0x1];
	p0 =	sne.s32 s2, $0x0  }
0x2fb: {  	s3 =	rddreg [dreg:$0x2];
	[bflag:$0x3] =	sbarrier.arrive $0xFFFF;
	s2 =	simm.s32 @!p0 $0x1C03  }
0x2fc: {  	[timem:s3], [sflag:s2] =	dma.local @!p0 [hbm:s0], s1  }
0x2fd: {  	s0 =	simm.s32 @!p0 $0x3  }
0x2fe: {  	_ =	swait.ge @!p0 [sflag:s0], s1  }
0x2ff: {  	s1 =	ssub.s32 @!p0 $0x0, s1;
	[sflag:s0] =	ssyncset.done @!p0 $0x0  }
0x300: {  	[sflag:s0] =	ssyncadd.s32 @!p0 s1  }
0x301: {  	[bflag:$0x3] =	sbarrier.arrive $0xFFFF  }
0x302: {  	_ =	shalt  }

// kernel: kernel.9.cloned.1.call-start
scs
__scs_entry_jumppad:
0x0: {  	(pc) =	sbr.rel $0x88, $3  }
0x1: {  	(tag) =	ssettag $0x0;
	lr =	simm.s32 $0x1  }
0x2: {  	[smem:$0x3F97] =	sst lr;
	_ =	strace $0xD0000000  }
0x3: {  	_ = 	snop  }
0x4: {  	_ = 	snop  }
0x5: {  	_ = 	snop  }
0x6: {  	_ = 	snop  }
0x7: {  	_ = 	snop  }
__scs_overlays_trampoline_lowered:
0x8: {  	[smem:$0x3FA6] =	sst s0  }
0x9: {  	[smem:$0x3FA7] =	sst s1  }
0xa: {  	[smem:$0x3FA8] =	sst s2  }
0xb: {  	[smem:$0x3FA9] =	sst s3  }
0xc: {  	[smem:$0x3FAA] =	sst s4  }
0xd: {  	[smem:$0x3FAB] =	sst s5  }
0xe: {  	[smem:$0x3FAC] =	sst s6  }
0xf: {  	[smem:$0x3FAD] =	sst s7  }
0x10: {  	[smem:$0x3FAE] =	sst s8  }
0x11: {  	[smem:$0x3FAF] =	sst s9;
	s0 =	simm.s32 @!p0 $0x0  }
0x12: {  	s1 =	sld [smem:$0x3F95];
	s0 =	simm.s32 @p0 $0x1  }
0x13: {  	[smem:$0x3FB0] =	sst s0;
	s0 =	simm.s32 @!p1 $0x0  }
0x14: {  	s2 =	sld [smem:$0x3F94];
	s0 =	simm.s32 @p1 $0x1  }
0x15: {  	[smem:$0x3FB1] =	sst s0;
	s0 =	simm.s32 @!p2 $0x0  }
0x16: {  	s3 =	sld [smem:$0x3FDB];
	s0 =	simm.s32 @p2 $0x1  }
0x17: {  	s4 =	simm.s32 $0x1BF5;
	[smem:$0x3FB3] =	sst s0  }
0x18: {  	s0 =	sld [smem:$0x3F96];
	_ =	swait.ge [sflag:s4], $0x0  }
0x19: {  	s7 =	sld [smem:$0x3F97]  }
0x1a: {  	s8 =	sadd.s32 $0xFFFFE003, lr  }
0x1b: {  	s9 =	sadd.s32 $0xFFFFFEF7, lr;
	s5 =	simm.s32 $0xFFFFFFFF;
	p2 =	slt.u32 s8, $0xFFFFF086  }
0x1c: {  	p1 =	slt.u32 s9, $0xF7A;
	s5 =	simm.s32 @!p2 $0x0  }
0x1d: {  	s5 =	simm.s32 @p1 $0x1;
	p0 =	seq.s32 s7, s2  }
0x1e: {  	s7 =	smul.u32 @!p0 $0xF7A, s2;
	p2 =	seq.s32 @!p0 s5, $0x0  }
0x1f: {  	s9 =	smul.u32 $0xF7A, s1;
	s8 =	simm.s32 @!p0 $0x1BF5;
	p2 =	por !p2, p0  }
0x20: {  	[sflag:s8] =	ssyncset.s32 @!p0 $0xFFFFF086;
	s6 =	sadd.s32 @!p0 s3, s7;
	s7 =	simm.s32 @!p0 $0x108  }
0x21: {  	s3 =	sadd.s32 s3, s9;
	s6 =	sadd.s32 @!p0 $0x88, s6;
	s7 =	simm.s32 @p2 $0x1082  }
0x22: {  	[simem:s7], [sflag:s8] =	dma.local @!p0 [hbm:s6], $0xF7A  }
0x23: {  	s9 =	sor.u32 $0xD0000000, s2;
	s6 =	simm.s32 $0x108;
	_ =	swait.ge @!p0 [sflag:s8], $0x0  }
0x24: {  	s3 =	sadd.s32 $0x88, s3;
	s6 =	simm.s32 @!p1 $0x1082;
	[sflag:s4] =	ssyncset.s32 $0xFFFFF086  }
0x25: {  	[simem:s6], [sflag:s4] =	dma.local [hbm:s3], $0xF7A  }
0x26: {  	[smem:$0x3F97] =	sst s1;
	(tag) =	ssettag s2;
	_ =	strace s9  }
0x27: {  	s1 =	sld [smem:$0x3FA7]  }
0x28: {  	s2 =	sld [smem:$0x3FA8]  }
0x29: {  	s4 =	sld [smem:$0x3FAA]  }
0x2a: {  	p0 =	seq.s32 s5, $0x0;
	s5 =	sld [smem:$0x3FAB]  }
0x2b: {  	s6 =	sld [smem:$0x3FAC]  }
0x2c: {  	s7 =	sld [smem:$0x3FAD]  }
0x2d: {  	s3 =	simm.s32 $0x108;
	s8 =	sld [smem:$0x3FAE]  }
0x2e: {  	s3 =	simm.s32 @!p0 $0x1082;
	s9 =	sld [smem:$0x3FAF]  }
0x2f: {  	lr =	sadd.s32 s0, s3;
	s0 =	sld [smem:$0x3FA6]  }
0x30: {  	s3 =	sld [smem:$0x3FA9]  }
0x31: {  	[smem:$0x3FB2] =	sst s10  }
0x32: {  	s10 =	sld [smem:$0x3FB0];
	_ =	sdelay $0x3  }
0x33: {  	p0 =	seq.s32 s10, $0x1;
	s10 =	sld [smem:$0x3FB2];
	_ =	sdelay $0x3  }
0x34: {  	[smem:$0x3FB2] =	sst s10  }
0x35: {  	s10 =	sld [smem:$0x3FB1];
	_ =	sdelay $0x3  }
0x36: {  	p1 =	seq.s32 s10, $0x1;
	s10 =	sld [smem:$0x3FB2];
	_ =	sdelay $0x3  }
0x37: {  	[smem:$0x3FB2] =	sst s10  }
0x38: {  	s10 =	sld [smem:$0x3FB3]  }
0x39: {  	_ = 	snop;
	(pc) =	sbr.ind lr, $3  }
0x3a: {  	_ = 	snop  }
0x3b: {  	_ = 	snop  }
0x3c: {  	p2 =	seq.s32 s10, $0x1;
	s10 =	sld [smem:$0x3FB2]  }
0x3d: {  	_ =	shalt  }
0x3e: {  	_ =	shalt  }
0x3f: {  	_ =	shalt  }
0x40: {  	_ =	shalt  }
0x41: {  	_ =	shalt  }
0x42: {  	_ =	shalt  }
0x43: {  	_ =	shalt  }
0x44: {  	_ =	shalt  }
0x45: {  	_ =	shalt  }
0x46: {  	_ =	shalt  }
0x47: {  	_ =	shalt  }
0x48: {  	_ =	shalt  }
0x49: {  	_ =	shalt  }
0x4a: {  	_ =	shalt  }
0x4b: {  	_ =	shalt  }
0x4c: {  	_ =	shalt  }
0x4d: {  	_ =	shalt  }
0x4e: {  	_ =	shalt  }
0x4f: {  	_ =	shalt  }
0x50: {  	_ =	shalt  }
0x51: {  	_ =	shalt  }
0x52: {  	_ =	shalt  }
0x53: {  	_ =	shalt  }
0x54: {  	_ =	shalt  }
0x55: {  	_ =	shalt  }
0x56: {  	_ =	shalt  }
0x57: {  	_ =	shalt  }
0x58: {  	_ =	shalt  }
0x59: {  	_ =	shalt  }
0x5a: {  	_ =	shalt  }
0x5b: {  	_ =	shalt  }
0x5c: {  	_ =	shalt  }
0x5d: {  	_ =	shalt  }
0x5e: {  	_ =	shalt  }
0x5f: {  	_ =	shalt  }
0x60: {  	_ =	shalt  }
0x61: {  	_ =	shalt  }
0x62: {  	_ =	shalt  }
0x63: {  	_ =	shalt  }
0x64: {  	_ =	shalt  }
0x65: {  	_ =	shalt  }
0x66: {  	_ =	shalt  }
0x67: {  	_ =	shalt  }
0x68: {  	_ =	shalt  }
0x69: {  	_ =	shalt  }
0x6a: {  	_ =	shalt  }
0x6b: {  	_ =	shalt  }
0x6c: {  	_ =	shalt  }
0x6d: {  	_ =	shalt  }
0x6e: {  	_ =	shalt  }
0x6f: {  	_ =	shalt  }
0x70: {  	_ =	shalt  }
0x71: {  	_ =	shalt  }
0x72: {  	_ =	shalt  }
0x73: {  	_ =	shalt  }
0x74: {  	_ =	shalt  }
0x75: {  	_ =	shalt  }
0x76: {  	_ =	shalt  }
0x77: {  	_ =	shalt  }
0x78: {  	_ =	shalt  }
0x79: {  	_ =	shalt  }
0x7a: {  	_ =	shalt  }
0x7b: {  	_ =	shalt  }
0x7c: {  	_ =	shalt  }
0x7d: {  	_ =	shalt  }
0x7e: {  	_ =	shalt  }
0x7f: {  	_ =	shalt  }
0x80: {  	_ =	shalt  }
0x81: {  	_ =	shalt  }
0x82: {  	_ =	shalt  }
0x83: {  	_ =	shalt  }
0x84: {  	_ =	shalt  }
0x85: {  	_ =	shalt  }
0x86: {  	_ =	shalt  }
0x87: {  	_ =	shalt  }
.Lfunc_end0:
.L_simem_size_0:
called_computation_lowered:
.L_overlay_start_0:
0x88: {  	s2 =	sld [smem:$0x3FD9]  }
0x89: {  	s3 =	sld [smem:$0x3FFE];
	_ =	sdelay $0x1  }
0x8a: {  	s1 =	srdreg.scid  }
0x8b: {  	s0 =	sand.u32 $0x1, s1  }
0x8c: {  	s17 =	sshll.u32 s0, $0xA;
	s2 =	sadd.s32 s3, s2  }
0x8d: {  	s2 =	sadd.s32 s2, s17  }
0x8e: {  	[smem:$0x3FBE] =	sst s2  }
0x8f: {  	_ = 	snop  }
0x90: {  	(tm) =	ssettm $0x1  }
0x91: {  	s18 =	sld [smem:$0x3FFB];
	_ =	sdelay $0x3  }
0x92: {  	_ =	strace s18  }
0x93: {  	s2 =	sld [smem:$0x3FFC];
	_ =	sdelay $0x3  }
0x94: {  	_ =	strace s2  }
0x95: {  	s2 =	sld [smem:$0x3FFD];
	_ =	sdelay $0x3  }
0x96: {  	_ =	strace s2  }
0x97: {  	_ =	strace $0x8FFFFFFF  }
0x98: {  	s19 =	sld [smem:$0x3FDB];
	_ =	sdelay $0x1  }
0x99: {  	s20 =	simm.s32 $_scs_section_size  }
0x9a: {  	s4 =	simm.s32 $_size__tile_overlayer_lowered;
	s5 =	simm.s32 $_tile_overlayer_lowered  }
0x9b: {  	s6 =	simm.s32 $0x1BFF;
	s21 =	sshll.u32 s5, $0x1;
	s3 =	sadd.s32 s20, s19  }
0x9c: {  	s22 =	simm.s32 $0x0;
	s4 =	sshll.u32 s4, $0x1;
	s5 =	sadd.s32 s21, s3  }
0x9d: {  	[timem:s22], [sflag:s6] =	dma.local [hbm:s5], s4  }
0x9e: {  	_ =	swait.ge [sflag:s6], s4  }
0x9f: {  	s4 =	ssub.s32 $0x0, s4;
	[sflag:s6] =	ssyncset.done $0x0  }
0xa0: {  	[sflag:s6] =	ssyncadd.s32 s4;
	_ =	sdelay $0x1  }
0xa1: {  	s23 =	simm.s32 $0x1B8B  }
0xa2: {  	_ =	swait.ge [sflag:s23], $0x1  }
0xa3: {  	[sflag:s23] =	ssyncset.done $0x0  }
0xa4: {  	[sflag:s23] =	ssyncadd.s32 $0xFFFFFFFF  }
0xa5: {  	s4 =	sld [smem:$0x0]  }
0xa6: {  	s5 =	sand.u32 $0xFFFFFFFE, s1  }
0xa7: {  	p0 =	sne.s32 s1, s5  }
0xa8: {  	s5 =	sshll.u32 @p0 s5, $0xE  }
0xa9: {  	s5 =	sadd.s32 @p0 $0x11B8D, s5;
	s6 =	sshll.u32 @p0 s4, $0x11  }
0xaa: {  	s5 =	sor.u32 @p0 s6, s5  }
0xab: {  	[sflag:s5] =	ssyncadd.remote.s32 @p0 $0x1;
	_ =	sdelay $0x1  }
0xac: {  	s5 =	simm.s32 @p0 $0x1B8D  }
0xad: {  	_ =	swait.eq @p0 [sflag:s5], $0x1  }
0xae: {  	[sflag:s5] =	ssyncadd.s32 @p0 $0xFFFFFFFF  }
0xaf: {  	s6 =	sshll.u32 @!p0 s1, $0xE  }
0xb0: {  	s6 =	sor.u32 @!p0 $0x4000, s6;
	s5 =	simm.s32 @!p0 $0x1B8D  }
0xb1: {  	s4 =	sshll.u32 @!p0 s4, $0x11;
	s6 =	sadd.s32 @!p0 $0x11B8D, s6;
	_ =	swait.eq @!p0 [sflag:s5], $0x1  }
0xb2: {  	s4 =	sor.u32 @!p0 s4, s6;
	[sflag:s5] =	ssyncadd.s32 @!p0 $0xFFFFFFFF  }
0xb3: {  	s25 =	simm.s32 $0x1B8E;
	s24 =	sld [smem:$0x3FFE];
	[sflag:s4] =	ssyncadd.remote.s32 @!p0 $0x1  }
0xb4: {  	s26 =	simm.s32 $execute0_lowered;
	[smem:$0x3FD2] =	sst s25  }
0xb5: {  	s5 =	sshll.u32 s26, $0x1;
	_ =	strace $0x80000049;
	[dreg:$0x1] =	wrdreg $0xFFFFFFFF  }
0xb6: {  	s28 =	simm.s32 $_size_execute0_lowered;
	s3 =	sadd.s32 s3, s5;
	[dreg:$0x0] =	wrdreg $0x0  }
0xb7: {  	s5 =	sshll.u32 s28, $0x1;
	[dreg:$0x2] =	wrdreg s3  }
0xb8: {  	[dreg:$0x3] =	wrdreg s5  }
0xb9: {  	[dreg:$0x4] =	wrdreg $0xC0  }
0xba: {  	_ =	task [dreg:s22], $0x5FFFF  }
0xbb: {  	[dreg:$0x1] =	wrdreg $0xFFFFFFFF  }
0xbc: {  	[dreg:$0x0] =	wrdreg $0x60  }
0xbd: {  	[dreg:$0x2] =	wrdreg s24  }
0xbe: {  	[dreg:$0x3] =	wrdreg $0x48000  }
0xbf: {  	[dreg:$0x4] =	wrdreg $0x9  }
0xc0: {  	_ =	task.clear_ibuf [dreg:s22], $0x5FFFF;
	_ =	strace $0x90000049  }
0xc1: {  	s29 =	simm.s32 $0x9;
	_ =	strace $0x8000004B  }
0xc2: {  	_ =	swait.ge [sflag:s29], $0x1  }
0xc3: {  	[sflag:s29] =	ssyncadd.s32 $0xFFFFFFFF  }
0xc4: {  	_ =	strace $0x9000004B  }
0xc5: {  	_ =	sfence  }
0xc6: {  	s30 =	sld [smem:$0x0];
	_ =	sdelay $0x2  }
0xc7: {  	s31 =	sshll.u32 s1, $0xD;
	s1 =	sshrl.u32 s1, $0x2  }
0xc8: {  	s4 =	sand.u32 $0x4000, s31;
	s1 =	sadd.s32 s1, s30  }
0xc9: {  	s0 =	sor.u32 s4, s0;
	s1 =	sshll.u32 s1, $0x11  }
0xca: {  	s0 =	sor.u32 s1, s0  }
0xcb: {  	s0 =	sadd.s32 $0x8F2B, s0  }
0xcc: {  	[sflag:s0] =	ssyncadd.remote.s32 $0x1  }
0xcd: {  	_ =	sfence.sel $0xFFFF  }
0xce: {  	[dreg:$0x0] =	wrdreg $0xFFFFFFFF;
	(pc) =	sbr.abs _section_cstart, $3  }
0xcf: {  	[dreg:$0x1] =	wrdreg $0xFFFFFFFF  }
0xd0: {  	_ =	task.clear_ibuf [dreg:s22], $0x2FFFF;
	_ =	strace $0x9FFFFFFF  }
0xd1: {  	(tm) =	ssettm $0x7FFFFFFF  }
tec
execute0_lowered:
.L_overlay_start_1:
0x0: {  	(tag) =	ssettag $0x1  }
0x1: {  	s0 =	srdreg.scid;
	s4 =	rddreg [dreg:$0x0]  }
0x2: {  	s2 =	rddreg [dreg:$0x1];
	s11 =	simm.s32 $0x800;
	s12 =	simm.s32 $0x1  }
0x3: {  	s13 =	simm.s32 $0x80;
	s14 =	simm.s32 $0x100;
	s15 =	simm.s32 $0x180  }
0x4: {  	s16 =	simm.s32 $0x200;
	s17 =	simm.s32 $0x280;
	s18 =	simm.s32 $0x300  }
0x5: {  	s19 =	simm.s32 $0x380;
	s20 =	simm.s32 $0x400;
	s21 =	simm.s32 $0x480  }
0x6: {  	s22 =	simm.s32 $0x500;
	s23 =	simm.s32 $0x580;
	s26 =	simm.s32 $0x680  }
0x7: {  	s28 =	simm.s32 $0x700;
	s1 =	sand.u32 $0x1, s0;
	s0 =	stileid.u32  }
0x8: {  	s29 =	simm.s32 $0x780;
	s30 =	simm.s32 $0x0;
	s6 =	smul.u32 $0x4F000, s0  }
0x9: {  	s3 =	sshll.u32 s1, $0x4;
	s7 =	smul.u32 $0x27800, s1;
	s1 =	ssub.s32 $0x2, s1  }
0xa: {  	s25 =	smul.u32 $0x2780, s0;
	s5 =	sor.u32 s0, s3;
	s3 =	simm.s32 $0x0  }
0xb: {  	s31 =	sshrl.u32 s1, $0x1;
	s5 =	smul.u32 $0x500, s5;
	[smem:$0x7FF] =	sst s3  }
0xc: {  	s6 =	sshrl.u32 s6, $0x2;
	s7 =	sadd.s32 s7, s4;
	s1 =	ssub.s32 s1, s31  }
0xd: {  	_ =	strace $0x8000004A;
	s24 =	sadd.s32 $0x8C000, s7;
	s7 =	smax.u32 s1, $0x1  }
0xe: {  	s8 =	sadd.s32 s5, s4;
	s4 =	sadd.s32 s6, s2;
	s24 =	sadd.s32 s25, s24  }
0xf: {  	s25 =	simm.s32 $0x600;
	s5 =	sadd.s32 $0x10000, s4;
	s6 =	sadd.s32 $0x29000, s8  }
0x10: {  	v0 =	vimm.f32 $0.0e+00;
	v1 =	vimm.f32 $1.000000000e+00;
	s8 =	sadd.s32 $0x4000, s4;
	s9 =	sadd.s32 $0x8000, s4;
	s10 =	sadd.s32 $0xC000, s4  }
.LBB2_1:
0x11: {  	s31 =	simm.s32 $0x0;
	s1 =	simm.s32 $0x200  }
.LBB2_2:
0x12: {  	p0 =	sne.s32 s1, $0xFE00;
	[tilespmem:s31+$0x870] =	vst v0  }
0x13: {  	[tilespmem:s31+$0x800] =	vst v0  }
0x14: {  	[tilespmem:s31+$0x810] =	vst v0  }
.Ltmp0:
0x15: {  	[tilespmem:s31+$0x820] =	vst v0;
	(pc) =	sbr.rel @p0 .LBB2_2-.Ltmp0, $4  }
0x16: {  	[tilespmem:s31+$0x830] =	vst v0  }
0x17: {  	[tilespmem:s31+$0x840] =	vst v0  }
0x18: {  	[tilespmem:s31+$0x850] =	vst v0  }
0x19: {  	[tilespmem:s31+$0x860] =	vst v0;
	s31 =	sshra.s32 s1, $0x2;
	s1 =	sadd.s32 $0x200, s1  }
0x1a: {  	[tilespmem:s31+$0x870] =	vst v0  }
0x1b: {  	[tilespmem:s31+$0x800] =	vst v0  }
0x1c: {  	[tilespmem:s31+$0x810] =	vst v0  }
0x1d: {  	[tilespmem:s31+$0x820] =	vst v0  }
0x1e: {  	[tilespmem:s31+$0x830] =	vst v0  }
0x1f: {  	[tilespmem:s31+$0x840] =	vst v0  }
0x20: {  	[tilespmem:s31+$0x850] =	vst v0  }
0x21: {  	[tilespmem:s31+$0x860] =	vst v0  }
0x22: {  	[spmem:s4] =	stream.linear.scatter [tilespmem:s11], [sflag:$0x1], $0x4000, $0x38;
	[tilespmem:$0x18400] =	vst v63  }
0x23: {  	_ =	swait.ge [sflag:s12], $0x4000  }
0x24: {  	[sflag:s12] =	ssyncset.done $0x0  }
0x25: {  	[sflag:s12] =	ssyncadd.s32 $0xFFFFC000  }
0x26: {  	[spmem:s8] =	stream.linear.scatter [tilespmem:s11], [sflag:$0x1], $0x4000, $0x38;
	[tilespmem:$0x18400] =	vst v63  }
0x27: {  	_ =	swait.ge [sflag:s12], $0x4000  }
0x28: {  	[sflag:s12] =	ssyncset.done $0x0  }
0x29: {  	[sflag:s12] =	ssyncadd.s32 $0xFFFFC000  }
0x2a: {  	[spmem:s9] =	stream.linear.scatter [tilespmem:s11], [sflag:$0x1], $0x4000, $0x38;
	[tilespmem:$0x18400] =	vst v63  }
0x2b: {  	_ =	swait.ge [sflag:s12], $0x4000  }
0x2c: {  	[sflag:s12] =	ssyncset.done $0x0  }
0x2d: {  	[sflag:s12] =	ssyncadd.s32 $0xFFFFC000  }
0x2e: {  	[spmem:s10] =	stream.linear.scatter [tilespmem:s11], [sflag:$0x1], $0x4000, $0x38;
	[tilespmem:$0x18400] =	vst v63  }
0x2f: {  	_ =	swait.ge [sflag:s12], $0x4000  }
0x30: {  	[sflag:s12] =	ssyncset.done $0x0  }
0x31: {  	[sflag:s12] =	ssyncadd.s32 $0xFFFFC000  }
0x32: {  	[spmem:s5] =	stream.linear.scatter [tilespmem:s11], [sflag:$0x1], $0x3C00, $0x38;
	[tilespmem:$0x18400] =	vst v63  }
0x33: {  	_ =	swait.ge [sflag:s12], $0x3C00  }
0x34: {  	[sflag:s12] =	ssyncset.done $0x0  }
0x35: {  	s31 =	simm.s32 $0x0;
	s1 =	simm.s32 $0x200;
	[sflag:s12] =	ssyncadd.s32 $0xFFFFC400  }
.LBB2_4:
0x36: {  	p0 =	sne.s32 s1, $0xFE00;
	[tilespmem:s31+$0x870] =	vst v1  }
0x37: {  	[tilespmem:s31+$0x800] =	vst v1  }
0x38: {  	[tilespmem:s31+$0x810] =	vst v1  }
.Ltmp1:
0x39: {  	[tilespmem:s31+$0x820] =	vst v1;
	(pc) =	sbr.rel @p0 .LBB2_4-.Ltmp1, $4  }
0x3a: {  	[tilespmem:s31+$0x830] =	vst v1  }
0x3b: {  	[tilespmem:s31+$0x840] =	vst v1  }
0x3c: {  	[tilespmem:s31+$0x850] =	vst v1  }
0x3d: {  	[tilespmem:s31+$0x860] =	vst v1;
	s31 =	sshra.s32 s1, $0x2;
	s1 =	sadd.s32 $0x200, s1  }
0x3e: {  	[tilespmem:s31+$0x870] =	vst v1  }
0x3f: {  	[tilespmem:s31+$0x800] =	vst v1  }
0x40: {  	[tilespmem:s31+$0x810] =	vst v1  }
0x41: {  	[tilespmem:s31+$0x820] =	vst v1  }
0x42: {  	[tilespmem:s31+$0x830] =	vst v1  }
0x43: {  	[tilespmem:s31+$0x840] =	vst v1  }
0x44: {  	[tilespmem:s31+$0x850] =	vst v1  }
0x45: {  	[tilespmem:s31+$0x860] =	vst v1  }
0x46: {  	[bflag:$0x0] =	sbarrier.arrive $0xFFFF  }
0x47: {  	[tilespmem:s3], [sflag:$0x1] =	stream.linear.gather [hbm4b:s6+s3], $0x800, $0x38;
	[tilespmem:$0x18400] =	vst v63  }
0x48: {  	_ =	swait.ge [sflag:s12], $0x800  }
0x49: {  	[sflag:s12] =	ssyncset.done $0x0  }
0x4a: {  	[sflag:s12] =	ssyncadd.s32 $0xFFFFF800  }
0x4b: {  	[spmem:s2] =	stream.indirect.scatter.add.f32 [tilespmem:s11], [sflag:$0x1], $0x80, s3, s13, $0xb8;
	[tilespmem:$0x18400] =	vst v63  }
0x4c: {  	_ =	swait.ge [sflag:s12], $0x4000  }
0x4d: {  	[sflag:s12] =	ssyncset.done $0x0  }
0x4e: {  	[sflag:s12] =	ssyncadd.s32 $0xFFFFC000  }
0x4f: {  	[spmem:s2] =	stream.indirect.scatter.add.f32 [tilespmem:s11], [sflag:$0x1], $0x80, s13, s13, $0xb8;
	[tilespmem:$0x18400] =	vst v63  }
0x50: {  	_ =	swait.ge [sflag:s12], $0x4000  }
0x51: {  	[sflag:s12] =	ssyncset.done $0x0  }
0x52: {  	[sflag:s12] =	ssyncadd.s32 $0xFFFFC000  }
0x53: {  	[spmem:s2] =	stream.indirect.scatter.add.f32 [tilespmem:s11], [sflag:$0x1], $0x80, s14, s13, $0xb8;
	[tilespmem:$0x18400] =	vst v63  }
0x54: {  	_ =	swait.ge [sflag:s12], $0x4000  }
0x55: {  	[sflag:s12] =	ssyncset.done $0x0  }
0x56: {  	[sflag:s12] =	ssyncadd.s32 $0xFFFFC000  }
0x57: {  	[spmem:s2] =	stream.indirect.scatter.add.f32 [tilespmem:s11], [sflag:$0x1], $0x80, s15, s13, $0xb8;
	[tilespmem:$0x18400] =	vst v63  }
0x58: {  	_ =	swait.ge [sflag:s12], $0x4000  }
0x59: {  	[sflag:s12] =	ssyncset.done $0x0  }
0x5a: {  	[sflag:s12] =	ssyncadd.s32 $0xFFFFC000  }
0x5b: {  	[spmem:s2] =	stream.indirect.scatter.add.f32 [tilespmem:s11], [sflag:$0x1], $0x80, s16, s13, $0xb8;
	[tilespmem:$0x18400] =	vst v63  }
0x5c: {  	_ =	swait.ge [sflag:s12], $0x4000  }
0x5d: {  	[sflag:s12] =	ssyncset.done $0x0  }
0x5e: {  	[sflag:s12] =	ssyncadd.s32 $0xFFFFC000  }
0x5f: {  	[spmem:s2] =	stream.indirect.scatter.add.f32 [tilespmem:s11], [sflag:$0x1], $0x80, s17, s13, $0xb8;
	[tilespmem:$0x18400] =	vst v63  }
0x60: {  	_ =	swait.ge [sflag:s12], $0x4000  }
0x61: {  	[sflag:s12] =	ssyncset.done $0x0  }
0x62: {  	[sflag:s12] =	ssyncadd.s32 $0xFFFFC000  }
0x63: {  	[spmem:s2] =	stream.indirect.scatter.add.f32 [tilespmem:s11], [sflag:$0x1], $0x80, s18, s13, $0xb8;
	[tilespmem:$0x18400] =	vst v63  }
0x64: {  	_ =	swait.ge [sflag:s12], $0x4000  }
0x65: {  	[sflag:s12] =	ssyncset.done $0x0  }
0x66: {  	[sflag:s12] =	ssyncadd.s32 $0xFFFFC000  }
0x67: {  	[spmem:s2] =	stream.indirect.scatter.add.f32 [tilespmem:s11], [sflag:$0x1], $0x80, s19, s13, $0xb8;
	[tilespmem:$0x18400] =	vst v63  }
0x68: {  	_ =	swait.ge [sflag:s12], $0x4000  }
0x69: {  	[sflag:s12] =	ssyncset.done $0x0  }
0x6a: {  	[sflag:s12] =	ssyncadd.s32 $0xFFFFC000  }
0x6b: {  	[spmem:s2] =	stream.indirect.scatter.add.f32 [tilespmem:s11], [sflag:$0x1], $0x80, s20, s13, $0xb8;
	[tilespmem:$0x18400] =	vst v63  }
0x6c: {  	_ =	swait.ge [sflag:s12], $0x4000  }
0x6d: {  	[sflag:s12] =	ssyncset.done $0x0  }
0x6e: {  	[sflag:s12] =	ssyncadd.s32 $0xFFFFC000  }
0x6f: {  	[spmem:s2] =	stream.indirect.scatter.add.f32 [tilespmem:s11], [sflag:$0x1], $0x80, s21, s13, $0xb8;
	[tilespmem:$0x18400] =	vst v63  }
0x70: {  	_ =	swait.ge [sflag:s12], $0x4000  }
0x71: {  	[sflag:s12] =	ssyncset.done $0x0  }
0x72: {  	[sflag:s12] =	ssyncadd.s32 $0xFFFFC000  }
0x73: {  	[spmem:s2] =	stream.indirect.scatter.add.f32 [tilespmem:s11], [sflag:$0x1], $0x80, s22, s13, $0xb8;
	[tilespmem:$0x18400] =	vst v63  }
0x74: {  	_ =	swait.ge [sflag:s12], $0x4000  }
0x75: {  	[sflag:s12] =	ssyncset.done $0x0  }
0x76: {  	[sflag:s12] =	ssyncadd.s32 $0xFFFFC000  }
0x77: {  	[spmem:s2] =	stream.indirect.scatter.add.f32 [tilespmem:s11], [sflag:$0x1], $0x80, s23, s13, $0xb8;
	[tilespmem:$0x18400] =	vst v63  }
0x78: {  	_ =	swait.ge [sflag:s12], $0x4000  }
0x79: {  	[sflag:s12] =	ssyncset.done $0x0  }
0x7a: {  	[sflag:s12] =	ssyncadd.s32 $0xFFFFC000  }
0x7b: {  	[spmem:s2] =	stream.indirect.scatter.add.f32 [tilespmem:s11], [sflag:$0x1], $0x80, s25, s13, $0xb8;
	[tilespmem:$0x18400] =	vst v63  }
0x7c: {  	_ =	swait.ge [sflag:s12], $0x4000  }
0x7d: {  	[sflag:s12] =	ssyncset.done $0x0  }
0x7e: {  	[sflag:s12] =	ssyncadd.s32 $0xFFFFC000  }
0x7f: {  	[spmem:s2] =	stream.indirect.scatter.add.f32 [tilespmem:s11], [sflag:$0x1], $0x80, s26, s13, $0xb8;
	[tilespmem:$0x18400] =	vst v63  }
0x80: {  	_ =	swait.ge [sflag:s12], $0x4000  }
0x81: {  	[sflag:s12] =	ssyncset.done $0x0  }
0x82: {  	[sflag:s12] =	ssyncadd.s32 $0xFFFFC000  }
0x83: {  	[spmem:s2] =	stream.indirect.scatter.add.f32 [tilespmem:s11], [sflag:$0x1], $0x80, s28, s13, $0xb8;
	[tilespmem:$0x18400] =	vst v63  }
0x84: {  	_ =	swait.ge [sflag:s12], $0x4000  }
0x85: {  	[sflag:s12] =	ssyncset.done $0x0  }
0x86: {  	[sflag:s12] =	ssyncadd.s32 $0xFFFFC000  }
0x87: {  	[spmem:s2] =	stream.indirect.scatter.add.f32 [tilespmem:s11], [sflag:$0x1], $0x80, s29, s13, $0xb8;
	[tilespmem:$0x18400] =	vst v63  }
0x88: {  	_ =	swait.ge [sflag:s12], $0x4000  }
0x89: {  	[sflag:s12] =	ssyncset.done $0x0  }
0x8a: {  	s1 =	sadd.s32 $0x100, s6;
	[sflag:s12] =	ssyncadd.s32 $0xFFFFC000  }
0x8b: {  	[tilespmem:s3], [sflag:$0x1] =	stream.linear.gather [hbm4b:s1+s3], $0x800, $0x38;
	[tilespmem:$0x18400] =	vst v63  }
0x8c: {  	_ =	swait.ge [sflag:s12], $0x800  }
0x8d: {  	[sflag:s12] =	ssyncset.done $0x0  }
0x8e: {  	[sflag:s12] =	ssyncadd.s32 $0xFFFFF800  }
0x8f: {  	[spmem:s2] =	stream.indirect.scatter.add.f32 [tilespmem:s11], [sflag:$0x1], $0x80, s3, s13, $0xb8;
	[tilespmem:$0x18400] =	vst v63  }
0x90: {  	_ =	swait.ge [sflag:s12], $0x4000  }
0x91: {  	[sflag:s12] =	ssyncset.done $0x0  }
0x92: {  	[sflag:s12] =	ssyncadd.s32 $0xFFFFC000  }
0x93: {  	[spmem:s2] =	stream.indirect.scatter.add.f32 [tilespmem:s11], [sflag:$0x1], $0x80, s13, s13, $0xb8;
	[tilespmem:$0x18400] =	vst v63  }
0x94: {  	_ =	swait.ge [sflag:s12], $0x4000  }
0x95: {  	[sflag:s12] =	ssyncset.done $0x0  }
0x96: {  	[sflag:s12] =	ssyncadd.s32 $0xFFFFC000  }
0x97: {  	[spmem:s2] =	stream.indirect.scatter.add.f32 [tilespmem:s11], [sflag:$0x1], $0x80, s14, s13, $0xb8;
	[tilespmem:$0x18400] =	vst v63  }
0x98: {  	_ =	swait.ge [sflag:s12], $0x4000  }
0x99: {  	[sflag:s12] =	ssyncset.done $0x0  }
0x9a: {  	[sflag:s12] =	ssyncadd.s32 $0xFFFFC000  }
0x9b: {  	[spmem:s2] =	stream.indirect.scatter.add.f32 [tilespmem:s11], [sflag:$0x1], $0x80, s15, s13, $0xb8;
	[tilespmem:$0x18400] =	vst v63  }
0x9c: {  	_ =	swait.ge [sflag:s12], $0x4000  }
0x9d: {  	[sflag:s12] =	ssyncset.done $0x0  }
0x9e: {  	[sflag:s12] =	ssyncadd.s32 $0xFFFFC000  }
0x9f: {  	[spmem:s2] =	stream.indirect.scatter.add.f32 [tilespmem:s11], [sflag:$0x1], $0x80, s16, s13, $0xb8;
	[tilespmem:$0x18400] =	vst v63  }
0xa0: {  	_ =	swait.ge [sflag:s12], $0x4000  }
0xa1: {  	[sflag:s12] =	ssyncset.done $0x0  }
0xa2: {  	[sflag:s12] =	ssyncadd.s32 $0xFFFFC000  }
0xa3: {  	[spmem:s2] =	stream.indirect.scatter.add.f32 [tilespmem:s11], [sflag:$0x1], $0x80, s17, s13, $0xb8;
	[tilespmem:$0x18400] =	vst v63  }
0xa4: {  	_ =	swait.ge [sflag:s12], $0x4000  }
0xa5: {  	[sflag:s12] =	ssyncset.done $0x0  }
0xa6: {  	[sflag:s12] =	ssyncadd.s32 $0xFFFFC000  }
0xa7: {  	[spmem:s2] =	stream.indirect.scatter.add.f32 [tilespmem:s11], [sflag:$0x1], $0x80, s18, s13, $0xb8;
	[tilespmem:$0x18400] =	vst v63  }
0xa8: {  	_ =	swait.ge [sflag:s12], $0x4000  }
0xa9: {  	[sflag:s12] =	ssyncset.done $0x0  }
0xaa: {  	[sflag:s12] =	ssyncadd.s32 $0xFFFFC000  }
0xab: {  	[spmem:s2] =	stream.indirect.scatter.add.f32 [tilespmem:s11], [sflag:$0x1], $0x80, s19, s13, $0xb8;
	[tilespmem:$0x18400] =	vst v63  }
0xac: {  	_ =	swait.ge [sflag:s12], $0x4000  }
0xad: {  	[sflag:s12] =	ssyncset.done $0x0  }
0xae: {  	[sflag:s12] =	ssyncadd.s32 $0xFFFFC000  }
0xaf: {  	[spmem:s2] =	stream.indirect.scatter.add.f32 [tilespmem:s11], [sflag:$0x1], $0x80, s20, s13, $0xb8;
	[tilespmem:$0x18400] =	vst v63  }
0xb0: {  	_ =	swait.ge [sflag:s12], $0x4000  }
0xb1: {  	[sflag:s12] =	ssyncset.done $0x0  }
0xb2: {  	[sflag:s12] =	ssyncadd.s32 $0xFFFFC000  }
0xb3: {  	[spmem:s2] =	stream.indirect.scatter.add.f32 [tilespmem:s11], [sflag:$0x1], $0x80, s21, s13, $0xb8;
	[tilespmem:$0x18400] =	vst v63  }
0xb4: {  	_ =	swait.ge [sflag:s12], $0x4000  }
0xb5: {  	[sflag:s12] =	ssyncset.done $0x0  }
0xb6: {  	[sflag:s12] =	ssyncadd.s32 $0xFFFFC000  }
0xb7: {  	[spmem:s2] =	stream.indirect.scatter.add.f32 [tilespmem:s11], [sflag:$0x1], $0x80, s22, s13, $0xb8;
	[tilespmem:$0x18400] =	vst v63  }
0xb8: {  	_ =	swait.ge [sflag:s12], $0x4000  }
0xb9: {  	[sflag:s12] =	ssyncset.done $0x0  }
0xba: {  	[sflag:s12] =	ssyncadd.s32 $0xFFFFC000  }
0xbb: {  	[spmem:s2] =	stream.indirect.scatter.add.f32 [tilespmem:s11], [sflag:$0x1], $0x80, s23, s13, $0xb8;
	[tilespmem:$0x18400] =	vst v63  }
0xbc: {  	_ =	swait.ge [sflag:s12], $0x4000  }
0xbd: {  	[sflag:s12] =	ssyncset.done $0x0  }
0xbe: {  	[sflag:s12] =	ssyncadd.s32 $0xFFFFC000  }
0xbf: {  	[spmem:s2] =	stream.indirect.scatter.add.f32 [tilespmem:s11], [sflag:$0x1], $0x80, s25, s13, $0xb8;
	[tilespmem:$0x18400] =	vst v63  }
0xc0: {  	_ =	swait.ge [sflag:s12], $0x4000  }
0xc1: {  	[sflag:s12] =	ssyncset.done $0x0  }
0xc2: {  	[sflag:s12] =	ssyncadd.s32 $0xFFFFC000  }
0xc3: {  	[spmem:s2] =	stream.indirect.scatter.add.f32 [tilespmem:s11], [sflag:$0x1], $0x80, s26, s13, $0xb8;
	[tilespmem:$0x18400] =	vst v63  }
0xc4: {  	_ =	swait.ge [sflag:s12], $0x4000  }
0xc5: {  	[sflag:s12] =	ssyncset.done $0x0  }
0xc6: {  	[sflag:s12] =	ssyncadd.s32 $0xFFFFC000  }
0xc7: {  	[spmem:s2] =	stream.indirect.scatter.add.f32 [tilespmem:s11], [sflag:$0x1], $0x80, s28, s13, $0xb8;
	[tilespmem:$0x18400] =	vst v63  }
0xc8: {  	_ =	swait.ge [sflag:s12], $0x4000  }
0xc9: {  	[sflag:s12] =	ssyncset.done $0x0  }
0xca: {  	[sflag:s12] =	ssyncadd.s32 $0xFFFFC000  }
0xcb: {  	[spmem:s2] =	stream.indirect.scatter.add.f32 [tilespmem:s11], [sflag:$0x1], $0x80, s29, s13, $0xb8;
	[tilespmem:$0x18400] =	vst v63  }
0xcc: {  	_ =	swait.ge [sflag:s12], $0x4000  }
0xcd: {  	[sflag:s12] =	ssyncset.done $0x0  }
0xce: {  	s31 =	sadd.s32 $0x200, s6;
	[sflag:s12] =	ssyncadd.s32 $0xFFFFC000  }
0xcf: {  	[tilespmem:s3], [sflag:$0x1] =	stream.linear.gather [hbm4b:s31+s3], $0x800, $0x38;
	[tilespmem:$0x18400] =	vst v63  }
0xd0: {  	_ =	swait.ge [sflag:s12], $0x800  }
0xd1: {  	[sflag:s12] =	ssyncset.done $0x0  }
0xd2: {  	[sflag:s12] =	ssyncadd.s32 $0xFFFFF800  }
0xd3: {  	[spmem:s2] =	stream.indirect.scatter.add.f32 [tilespmem:s11], [sflag:$0x1], $0x80, s3, s13, $0xb8;
	[tilespmem:$0x18400] =	vst v63  }
0xd4: {  	_ =	swait.ge [sflag:s12], $0x4000  }
0xd5: {  	[sflag:s12] =	ssyncset.done $0x0  }
0xd6: {  	[sflag:s12] =	ssyncadd.s32 $0xFFFFC000  }
0xd7: {  	[spmem:s2] =	stream.indirect.scatter.add.f32 [tilespmem:s11], [sflag:$0x1], $0x80, s13, s13, $0xb8;
	[tilespmem:$0x18400] =	vst v63  }
0xd8: {  	_ =	swait.ge [sflag:s12], $0x4000  }
0xd9: {  	[sflag:s12] =	ssyncset.done $0x0  }
0xda: {  	[sflag:s12] =	ssyncadd.s32 $0xFFFFC000  }
0xdb: {  	[spmem:s2] =	stream.indirect.scatter.add.f32 [tilespmem:s11], [sflag:$0x1], $0x80, s14, s13, $0xb8;
	[tilespmem:$0x18400] =	vst v63  }
0xdc: {  	_ =	swait.ge [sflag:s12], $0x4000  }
0xdd: {  	[sflag:s12] =	ssyncset.done $0x0  }
0xde: {  	[sflag:s12] =	ssyncadd.s32 $0xFFFFC000  }
0xdf: {  	[spmem:s2] =	stream.indirect.scatter.add.f32 [tilespmem:s11], [sflag:$0x1], $0x80, s15, s13, $0xb8;
	[tilespmem:$0x18400] =	vst v63  }
0xe0: {  	_ =	swait.ge [sflag:s12], $0x4000  }
0xe1: {  	[sflag:s12] =	ssyncset.done $0x0  }
0xe2: {  	[sflag:s12] =	ssyncadd.s32 $0xFFFFC000  }
0xe3: {  	[spmem:s2] =	stream.indirect.scatter.add.f32 [tilespmem:s11], [sflag:$0x1], $0x80, s16, s13, $0xb8;
	[tilespmem:$0x18400] =	vst v63  }
0xe4: {  	_ =	swait.ge [sflag:s12], $0x4000  }
0xe5: {  	[sflag:s12] =	ssyncset.done $0x0  }
0xe6: {  	[sflag:s12] =	ssyncadd.s32 $0xFFFFC000  }
0xe7: {  	[spmem:s2] =	stream.indirect.scatter.add.f32 [tilespmem:s11], [sflag:$0x1], $0x80, s17, s13, $0xb8;
	[tilespmem:$0x18400] =	vst v63  }
0xe8: {  	_ =	swait.ge [sflag:s12], $0x4000  }
0xe9: {  	[sflag:s12] =	ssyncset.done $0x0  }
0xea: {  	[sflag:s12] =	ssyncadd.s32 $0xFFFFC000  }
0xeb: {  	[spmem:s2] =	stream.indirect.scatter.add.f32 [tilespmem:s11], [sflag:$0x1], $0x80, s18, s13, $0xb8;
	[tilespmem:$0x18400] =	vst v63  }
0xec: {  	_ =	swait.ge [sflag:s12], $0x4000  }
0xed: {  	[sflag:s12] =	ssyncset.done $0x0  }
0xee: {  	[sflag:s12] =	ssyncadd.s32 $0xFFFFC000  }
0xef: {  	[spmem:s2] =	stream.indirect.scatter.add.f32 [tilespmem:s11], [sflag:$0x1], $0x80, s19, s13, $0xb8;
	[tilespmem:$0x18400] =	vst v63  }
0xf0: {  	_ =	swait.ge [sflag:s12], $0x4000  }
0xf1: {  	[sflag:s12] =	ssyncset.done $0x0  }
0xf2: {  	[sflag:s12] =	ssyncadd.s32 $0xFFFFC000  }
0xf3: {  	[spmem:s2] =	stream.indirect.scatter.add.f32 [tilespmem:s11], [sflag:$0x1], $0x80, s20, s13, $0xb8;
	[tilespmem:$0x18400] =	vst v63  }
0xf4: {  	_ =	swait.ge [sflag:s12], $0x4000  }
0xf5: {  	[sflag:s12] =	ssyncset.done $0x0  }
0xf6: {  	[sflag:s12] =	ssyncadd.s32 $0xFFFFC000  }
0xf7: {  	[spmem:s2] =	stream.indirect.scatter.add.f32 [tilespmem:s11], [sflag:$0x1], $0x80, s21, s13, $0xb8;
	[tilespmem:$0x18400] =	vst v63  }
0xf8: {  	_ =	swait.ge [sflag:s12], $0x4000  }
0xf9: {  	[sflag:s12] =	ssyncset.done $0x0  }
0xfa: {  	[sflag:s12] =	ssyncadd.s32 $0xFFFFC000  }
0xfb: {  	[spmem:s2] =	stream.indirect.scatter.add.f32 [tilespmem:s11], [sflag:$0x1], $0x80, s22, s13, $0xb8;
	[tilespmem:$0x18400] =	vst v63  }
0xfc: {  	_ =	swait.ge [sflag:s12], $0x4000  }
0xfd: {  	[sflag:s12] =	ssyncset.done $0x0  }
0xfe: {  	[sflag:s12] =	ssyncadd.s32 $0xFFFFC000  }
0xff: {  	[spmem:s2] =	stream.indirect.scatter.add.f32 [tilespmem:s11], [sflag:$0x1], $0x80, s23, s13, $0xb8;
	[tilespmem:$0x18400] =	vst v63  }
0x100: {  	_ =	swait.ge [sflag:s12], $0x4000  }
0x101: {  	[sflag:s12] =	ssyncset.done $0x0  }
0x102: {  	[sflag:s12] =	ssyncadd.s32 $0xFFFFC000  }
0x103: {  	[spmem:s2] =	stream.indirect.scatter.add.f32 [tilespmem:s11], [sflag:$0x1], $0x80, s25, s13, $0xb8;
	[tilespmem:$0x18400] =	vst v63  }
0x104: {  	_ =	swait.ge [sflag:s12], $0x4000  }
0x105: {  	[sflag:s12] =	ssyncset.done $0x0  }
0x106: {  	[sflag:s12] =	ssyncadd.s32 $0xFFFFC000  }
0x107: {  	[spmem:s2] =	stream.indirect.scatter.add.f32 [tilespmem:s11], [sflag:$0x1], $0x80, s26, s13, $0xb8;
	[tilespmem:$0x18400] =	vst v63  }
0x108: {  	_ =	swait.ge [sflag:s12], $0x4000  }
0x109: {  	[sflag:s12] =	ssyncset.done $0x0  }
0x10a: {  	[sflag:s12] =	ssyncadd.s32 $0xFFFFC000  }
0x10b: {  	[spmem:s2] =	stream.indirect.scatter.add.f32 [tilespmem:s11], [sflag:$0x1], $0x80, s28, s13, $0xb8;
	[tilespmem:$0x18400] =	vst v63  }
0x10c: {  	_ =	swait.ge [sflag:s12], $0x4000  }
0x10d: {  	[sflag:s12] =	ssyncset.done $0x0  }
0x10e: {  	[sflag:s12] =	ssyncadd.s32 $0xFFFFC000  }
0x10f: {  	[spmem:s2] =	stream.indirect.scatter.add.f32 [tilespmem:s11], [sflag:$0x1], $0x80, s29, s13, $0xb8;
	[tilespmem:$0x18400] =	vst v63  }
0x110: {  	_ =	swait.ge [sflag:s12], $0x4000  }
0x111: {  	[sflag:s12] =	ssyncset.done $0x0  }
0x112: {  	s31 =	sadd.s32 $0x300, s6;
	[sflag:s12] =	ssyncadd.s32 $0xFFFFC000  }
0x113: {  	[tilespmem:s3], [sflag:$0x1] =	stream.linear.gather [hbm4b:s31+s3], $0x800, $0x38;
	[tilespmem:$0x18400] =	vst v63  }
0x114: {  	_ =	swait.ge [sflag:s12], $0x800  }
0x115: {  	[sflag:s12] =	ssyncset.done $0x0  }
0x116: {  	[sflag:s12] =	ssyncadd.s32 $0xFFFFF800  }
0x117: {  	[spmem:s2] =	stream.indirect.scatter.add.f32 [tilespmem:s11], [sflag:$0x1], $0x80, s3, s13, $0xb8;
	[tilespmem:$0x18400] =	vst v63  }
0x118: {  	_ =	swait.ge [sflag:s12], $0x4000  }
0x119: {  	[sflag:s12] =	ssyncset.done $0x0  }
0x11a: {  	[sflag:s12] =	ssyncadd.s32 $0xFFFFC000  }
0x11b: {  	[spmem:s2] =	stream.indirect.scatter.add.f32 [tilespmem:s11], [sflag:$0x1], $0x80, s13, s13, $0xb8;
	[tilespmem:$0x18400] =	vst v63  }
0x11c: {  	_ =	swait.ge [sflag:s12], $0x4000  }
0x11d: {  	[sflag:s12] =	ssyncset.done $0x0  }
0x11e: {  	[sflag:s12] =	ssyncadd.s32 $0xFFFFC000  }
0x11f: {  	[spmem:s2] =	stream.indirect.scatter.add.f32 [tilespmem:s11], [sflag:$0x1], $0x80, s14, s13, $0xb8;
	[tilespmem:$0x18400] =	vst v63  }
0x120: {  	_ =	swait.ge [sflag:s12], $0x4000  }
0x121: {  	[sflag:s12] =	ssyncset.done $0x0  }
0x122: {  	[sflag:s12] =	ssyncadd.s32 $0xFFFFC000  }
0x123: {  	[spmem:s2] =	stream.indirect.scatter.add.f32 [tilespmem:s11], [sflag:$0x1], $0x80, s15, s13, $0xb8;
	[tilespmem:$0x18400] =	vst v63  }
0x124: {  	_ =	swait.ge [sflag:s12], $0x4000  }
0x125: {  	[sflag:s12] =	ssyncset.done $0x0  }
0x126: {  	[sflag:s12] =	ssyncadd.s32 $0xFFFFC000  }
0x127: {  	[spmem:s2] =	stream.indirect.scatter.add.f32 [tilespmem:s11], [sflag:$0x1], $0x80, s16, s13, $0xb8;
	[tilespmem:$0x18400] =	vst v63  }
0x128: {  	_ =	swait.ge [sflag:s12], $0x4000  }
0x129: {  	[sflag:s12] =	ssyncset.done $0x0  }
0x12a: {  	[sflag:s12] =	ssyncadd.s32 $0xFFFFC000  }
0x12b: {  	[spmem:s2] =	stream.indirect.scatter.add.f32 [tilespmem:s11], [sflag:$0x1], $0x80, s17, s13, $0xb8;
	[tilespmem:$0x18400] =	vst v63  }
0x12c: {  	_ =	swait.ge [sflag:s12], $0x4000  }
0x12d: {  	[sflag:s12] =	ssyncset.done $0x0  }
0x12e: {  	[sflag:s12] =	ssyncadd.s32 $0xFFFFC000  }
0x12f: {  	[spmem:s2] =	stream.indirect.scatter.add.f32 [tilespmem:s11], [sflag:$0x1], $0x80, s18, s13, $0xb8;
	[tilespmem:$0x18400] =	vst v63  }
0x130: {  	_ =	swait.ge [sflag:s12], $0x4000  }
0x131: {  	[sflag:s12] =	ssyncset.done $0x0  }
0x132: {  	[sflag:s12] =	ssyncadd.s32 $0xFFFFC000  }
0x133: {  	[spmem:s2] =	stream.indirect.scatter.add.f32 [tilespmem:s11], [sflag:$0x1], $0x80, s19, s13, $0xb8;
	[tilespmem:$0x18400] =	vst v63  }
0x134: {  	_ =	swait.ge [sflag:s12], $0x4000  }
0x135: {  	[sflag:s12] =	ssyncset.done $0x0  }
0x136: {  	[sflag:s12] =	ssyncadd.s32 $0xFFFFC000  }
0x137: {  	[spmem:s2] =	stream.indirect.scatter.add.f32 [tilespmem:s11], [sflag:$0x1], $0x80, s20, s13, $0xb8;
	[tilespmem:$0x18400] =	vst v63  }
0x138: {  	_ =	swait.ge [sflag:s12], $0x4000  }
0x139: {  	[sflag:s12] =	ssyncset.done $0x0  }
0x13a: {  	[sflag:s12] =	ssyncadd.s32 $0xFFFFC000  }
0x13b: {  	[spmem:s2] =	stream.indirect.scatter.add.f32 [tilespmem:s11], [sflag:$0x1], $0x80, s21, s13, $0xb8;
	[tilespmem:$0x18400] =	vst v63  }
0x13c: {  	_ =	swait.ge [sflag:s12], $0x4000  }
0x13d: {  	[sflag:s12] =	ssyncset.done $0x0  }
0x13e: {  	[sflag:s12] =	ssyncadd.s32 $0xFFFFC000  }
0x13f: {  	[spmem:s2] =	stream.indirect.scatter.add.f32 [tilespmem:s11], [sflag:$0x1], $0x80, s22, s13, $0xb8;
	[tilespmem:$0x18400] =	vst v63  }
0x140: {  	_ =	swait.ge [sflag:s12], $0x4000  }
0x141: {  	[sflag:s12] =	ssyncset.done $0x0  }
0x142: {  	[sflag:s12] =	ssyncadd.s32 $0xFFFFC000  }
0x143: {  	[spmem:s2] =	stream.indirect.scatter.add.f32 [tilespmem:s11], [sflag:$0x1], $0x80, s23, s13, $0xb8;
	[tilespmem:$0x18400] =	vst v63  }
0x144: {  	_ =	swait.ge [sflag:s12], $0x4000  }
0x145: {  	[sflag:s12] =	ssyncset.done $0x0  }
0x146: {  	[sflag:s12] =	ssyncadd.s32 $0xFFFFC000  }
0x147: {  	[spmem:s2] =	stream.indirect.scatter.add.f32 [tilespmem:s11], [sflag:$0x1], $0x80, s25, s13, $0xb8;
	[tilespmem:$0x18400] =	vst v63  }
0x148: {  	_ =	swait.ge [sflag:s12], $0x4000  }
0x149: {  	[sflag:s12] =	ssyncset.done $0x0  }
0x14a: {  	[sflag:s12] =	ssyncadd.s32 $0xFFFFC000  }
0x14b: {  	[spmem:s2] =	stream.indirect.scatter.add.f32 [tilespmem:s11], [sflag:$0x1], $0x80, s26, s13, $0xb8;
	[tilespmem:$0x18400] =	vst v63  }
0x14c: {  	_ =	swait.ge [sflag:s12], $0x4000  }
0x14d: {  	[sflag:s12] =	ssyncset.done $0x0  }
0x14e: {  	[sflag:s12] =	ssyncadd.s32 $0xFFFFC000  }
0x14f: {  	[spmem:s2] =	stream.indirect.scatter.add.f32 [tilespmem:s11], [sflag:$0x1], $0x80, s28, s13, $0xb8;
	[tilespmem:$0x18400] =	vst v63  }
0x150: {  	_ =	swait.ge [sflag:s12], $0x4000  }
0x151: {  	[sflag:s12] =	ssyncset.done $0x0  }
0x152: {  	[sflag:s12] =	ssyncadd.s32 $0xFFFFC000  }
0x153: {  	[spmem:s2] =	stream.indirect.scatter.add.f32 [tilespmem:s11], [sflag:$0x1], $0x80, s29, s13, $0xb8;
	[tilespmem:$0x18400] =	vst v63  }
0x154: {  	_ =	swait.ge [sflag:s12], $0x4000  }
0x155: {  	[sflag:s12] =	ssyncset.done $0x0  }
0x156: {  	s31 =	sadd.s32 $0x400, s6;
	[sflag:s12] =	ssyncadd.s32 $0xFFFFC000  }
0x157: {  	[tilespmem:s3], [sflag:$0x1] =	stream.linear.gather [hbm4b:s31+s3], $0x800, $0x38;
	[tilespmem:$0x18400] =	vst v63  }
0x158: {  	_ =	swait.ge [sflag:s12], $0x800  }
0x159: {  	[sflag:s12] =	ssyncset.done $0x0  }
0x15a: {  	[sflag:s12] =	ssyncadd.s32 $0xFFFFF800  }
0x15b: {  	[spmem:s2] =	stream.indirect.scatter.add.f32 [tilespmem:s11], [sflag:$0x1], $0x80, s3, s13, $0xb8;
	[tilespmem:$0x18400] =	vst v63  }
0x15c: {  	_ =	swait.ge [sflag:s12], $0x4000  }
0x15d: {  	[sflag:s12] =	ssyncset.done $0x0  }
0x15e: {  	[sflag:s12] =	ssyncadd.s32 $0xFFFFC000  }
0x15f: {  	[spmem:s2] =	stream.indirect.scatter.add.f32 [tilespmem:s11], [sflag:$0x1], $0x80, s13, s13, $0xb8;
	[tilespmem:$0x18400] =	vst v63  }
0x160: {  	_ =	swait.ge [sflag:s12], $0x4000  }
0x161: {  	[sflag:s12] =	ssyncset.done $0x0  }
0x162: {  	[sflag:s12] =	ssyncadd.s32 $0xFFFFC000  }
0x163: {  	[spmem:s2] =	stream.indirect.scatter.add.f32 [tilespmem:s11], [sflag:$0x1], $0x80, s14, s13, $0xb8;
	[tilespmem:$0x18400] =	vst v63  }
0x164: {  	_ =	swait.ge [sflag:s12], $0x4000  }
0x165: {  	[sflag:s12] =	ssyncset.done $0x0  }
0x166: {  	[sflag:s12] =	ssyncadd.s32 $0xFFFFC000  }
0x167: {  	[spmem:s2] =	stream.indirect.scatter.add.f32 [tilespmem:s11], [sflag:$0x1], $0x80, s15, s13, $0xb8;
	[tilespmem:$0x18400] =	vst v63  }
0x168: {  	_ =	swait.ge [sflag:s12], $0x4000  }
0x169: {  	[sflag:s12] =	ssyncset.done $0x0  }
0x16a: {  	[sflag:s12] =	ssyncadd.s32 $0xFFFFC000  }
0x16b: {  	[spmem:s2] =	stream.indirect.scatter.add.f32 [tilespmem:s11], [sflag:$0x1], $0x80, s16, s13, $0xb8;
	[tilespmem:$0x18400] =	vst v63  }
0x16c: {  	_ =	swait.ge [sflag:s12], $0x4000  }
0x16d: {  	[sflag:s12] =	ssyncset.done $0x0  }
0x16e: {  	[sflag:s12] =	ssyncadd.s32 $0xFFFFC000  }
0x16f: {  	[spmem:s2] =	stream.indirect.scatter.add.f32 [tilespmem:s11], [sflag:$0x1], $0x80, s17, s13, $0xb8;
	[tilespmem:$0x18400] =	vst v63  }
0x170: {  	_ =	swait.ge [sflag:s12], $0x4000  }
0x171: {  	[sflag:s12] =	ssyncset.done $0x0  }
0x172: {  	[sflag:s12] =	ssyncadd.s32 $0xFFFFC000  }
0x173: {  	[spmem:s2] =	stream.indirect.scatter.add.f32 [tilespmem:s11], [sflag:$0x1], $0x80, s18, s13, $0xb8;
	[tilespmem:$0x18400] =	vst v63  }
0x174: {  	_ =	swait.ge [sflag:s12], $0x4000  }
0x175: {  	[sflag:s12] =	ssyncset.done $0x0  }
0x176: {  	[sflag:s12] =	ssyncadd.s32 $0xFFFFC000  }
0x177: {  	[spmem:s2] =	stream.indirect.scatter.add.f32 [tilespmem:s11], [sflag:$0x1], $0x80, s19, s13, $0xb8;
	[tilespmem:$0x18400] =	vst v63  }
0x178: {  	_ =	swait.ge [sflag:s12], $0x4000  }
0x179: {  	[sflag:s12] =	ssyncset.done $0x0  }
0x17a: {  	[sflag:s12] =	ssyncadd.s32 $0xFFFFC000  }
0x17b: {  	[spmem:s2] =	stream.indirect.scatter.add.f32 [tilespmem:s11], [sflag:$0x1], $0x80, s20, s13, $0xb8;
	[tilespmem:$0x18400] =	vst v63  }
0x17c: {  	_ =	swait.ge [sflag:s12], $0x4000  }
0x17d: {  	[sflag:s12] =	ssyncset.done $0x0  }
0x17e: {  	[sflag:s12] =	ssyncadd.s32 $0xFFFFC000  }
0x17f: {  	[spmem:s2] =	stream.indirect.scatter.add.f32 [tilespmem:s11], [sflag:$0x1], $0x80, s21, s13, $0xb8;
	[tilespmem:$0x18400] =	vst v63  }
0x180: {  	_ =	swait.ge [sflag:s12], $0x4000  }
0x181: {  	[sflag:s12] =	ssyncset.done $0x0  }
0x182: {  	[sflag:s12] =	ssyncadd.s32 $0xFFFFC000  }
0x183: {  	[spmem:s2] =	stream.indirect.scatter.add.f32 [tilespmem:s11], [sflag:$0x1], $0x80, s22, s13, $0xb8;
	[tilespmem:$0x18400] =	vst v63  }
0x184: {  	_ =	swait.ge [sflag:s12], $0x4000  }
0x185: {  	[sflag:s12] =	ssyncset.done $0x0  }
0x186: {  	[sflag:s12] =	ssyncadd.s32 $0xFFFFC000  }
0x187: {  	[spmem:s2] =	stream.indirect.scatter.add.f32 [tilespmem:s11], [sflag:$0x1], $0x80, s23, s13, $0xb8;
	[tilespmem:$0x18400] =	vst v63  }
0x188: {  	_ =	swait.ge [sflag:s12], $0x4000  }
0x189: {  	[sflag:s12] =	ssyncset.done $0x0  }
0x18a: {  	[sflag:s12] =	ssyncadd.s32 $0xFFFFC000  }
0x18b: {  	[spmem:s2] =	stream.indirect.scatter.add.f32 [tilespmem:s11], [sflag:$0x1], $0x80, s25, s13, $0xb8;
	[tilespmem:$0x18400] =	vst v63  }
0x18c: {  	_ =	swait.ge [sflag:s12], $0x4000  }
0x18d: {  	[sflag:s12] =	ssyncset.done $0x0  }
0x18e: {  	[sflag:s12] =	ssyncadd.s32 $0xFFFFC000  }
0x18f: {  	[spmem:s2] =	stream.indirect.scatter.add.f32 [tilespmem:s11], [sflag:$0x1], $0x80, s26, s13, $0xb8;
	[tilespmem:$0x18400] =	vst v63  }
0x190: {  	_ =	swait.ge [sflag:s12], $0x4000  }
0x191: {  	[sflag:s12] =	ssyncset.done $0x0  }
0x192: {  	[sflag:s12] =	ssyncadd.s32 $0xFFFFC000  }
0x193: {  	[spmem:s2] =	stream.indirect.scatter.add.f32 [tilespmem:s11], [sflag:$0x1], $0x80, s28, s13, $0xb8;
	[tilespmem:$0x18400] =	vst v63  }
0x194: {  	_ =	swait.ge [sflag:s12], $0x4000  }
0x195: {  	[sflag:s12] =	ssyncset.done $0x0  }
0x196: {  	[sflag:s12] =	ssyncadd.s32 $0xFFFFC000  }
0x197: {  	[spmem:s2] =	stream.indirect.scatter.add.f32 [tilespmem:s11], [sflag:$0x1], $0x80, s29, s13, $0xb8;
	[tilespmem:$0x18400] =	vst v63  }
0x198: {  	_ =	swait.ge [sflag:s12], $0x4000  }
0x199: {  	s30 =	sadd.s32 $0x1, s30;
	s31 =	sshll.u32 s0, $0x6;
	[sflag:s12] =	ssyncset.done $0x0  }
0x19a: {  	p0 =	sne.s32 s30, s7;
	s1 =	sor.u32 $0x1C01, s31;
	[sflag:s12] =	ssyncadd.s32 $0xFFFFC000  }
.Ltmp2:
0x19b: {  	s31 =	sshrl.u32 s4, $0x3;
	[bflag:$0x0] =	sbarrier.arrive $0xFFFF;
	(pc) =	sbr.rel @p0 .LBB2_1-.Ltmp2, $4  }
0x19c: {  	[hbm:s24], [sflag:s1] =	dma.local [spmem:s31], $0x2780  }
0x19d: {  	_ =	swait.ge [sflag:s12], $0x2780  }
0x19e: {  	[sflag:s12] =	ssyncset.done $0x0  }
0x19f: {  	[sflag:s12] =	ssyncadd.s32 $0xFFFFD880  }
0x1a0: {  	_ =	sfence.sel $0x180000  }
0x1a1: {  	[bflag:$0x0] =	sbarrier.arrive $0xFFFF  }
0x1a2: {  	_ =	strace $0x9000004A  }
0x1a3: {  	[bflag:$0x2] =	sbarrier.arrive $0xFFFF  }
0x1a4: {  	p0 =	sne.s32 s0, $0x0;
	s0 =	rddreg [dreg:$0x2]  }
0x1a5: {  	s0 =	sadd.s32 @!p0 $0x100000, s0  }
0x1a6: {  	[sflag:s0] =	ssyncadd.tile.s32 @!p0 $0x1;
	_ =	shalt  }
.Lfunc_end2:
_tile_overlayer_lowered:
.L_overlay_start_2:
0x1a7: {  	(tag) =	ssettag $0x2  }
0x1a8: {  	s0 =	rddreg [dreg:$0x0];
	s2 =	stileid.u32  }
0x1a9: {  	s1 =	rddreg [dreg:$0x1];
	p0 =	sne.s32 s2, $0x0  }
0x1aa: {  	s3 =	rddreg [dreg:$0x2];
	[bflag:$0x3] =	sbarrier.arrive $0xFFFF;
	s2 =	simm.s32 @!p0 $0x1C01  }
0x1ab: {  	[timem:s3], [sflag:s2] =	dma.local @!p0 [hbm:s0], s1  }
0x1ac: {  	s0 =	simm.s32 @!p0 $0x1  }
0x1ad: {  	_ =	swait.ge @!p0 [sflag:s0], s1  }
0x1ae: {  	s1 =	ssub.s32 @!p0 $0x0, s1;
	[sflag:s0] =	ssyncset.done @!p0 $0x0  }
0x1af: {  	[sflag:s0] =	ssyncadd.s32 @!p0 s1  }
0x1b0: {  	[bflag:$0x3] =	sbarrier.arrive $0xFFFF  }
0x1b1: {  	_ =	shalt  }

</sc_bundles>
